<compile_context>
chip_gen: v7x
topology: tpu7x:2x2x1
jax: 0.10.2.dev20260603
libtpu: 0.0.44.dev20260713+nightly
codegen_flags: <defaults>
</compile_context>

<pallas_src>
import functools

import jax
import jax.numpy as jnp
from jax import lax
from jax.experimental import pallas as pl
from jax.experimental.pallas import tpu as pltpu
from jax.experimental.pallas import tpu_sc as plsc

N = 10000
D = 128
E = 320000
NC = 2
NS = 16
NW = NC * NS
EPW = E // NW
CH = 80
NCHUNK = EPW // CH
NBUF = 4
NGROUP = NCHUNK // NBUF
NREM = NCHUNK - NGROUP * NBUF
RPT = 632
RLAST0 = 15 * RPT
RLAST = N - RLAST0

_mesh = plsc.VectorSubcoreMesh(
    core_axis_name="c", subcore_axis_name="s", num_cores=NC, num_subcores=NS)


NPAD = 10240
SPT = NPAD // NS
CHD = 512
NCHD = E // CHD
CPW = NCHD // NW
NXTRA = NCHD - CPW * NW


@functools.partial(
    pl.kernel,
    mesh=_mesh,
    out_type=(
        jax.ShapeDtypeStruct((NC, NPAD), jnp.float32),
        jax.ShapeDtypeStruct((E,), jnp.int32),
        jax.ShapeDtypeStruct((E,), jnp.int32),
    ),
    scratch_types=[
        [pltpu.VMEM((2, CHD), jnp.int32)] * NBUF,
        pltpu.VMEM((CHD,), jnp.float32),
        pltpu.VMEM((SPT,), jnp.float32),
        [pltpu.SemaphoreType.DMA] * NBUF,
        [pltpu.SemaphoreType.DMA] * NBUF,
        [pltpu.SemaphoreType.DMA] * NBUF,
        pltpu.VMEM_SHARED((NPAD,), jnp.float32),
    ],
)
def _deg_kernel(ei_hbm, deg_hbm, src_hbm, dst_hbm, pbuf, ones_v, zbuf_v,
                isem, ssem, wsem, cnt_sh):
    c = lax.axis_index("c")
    s = lax.axis_index("s")
    wid = s * NC + c

    def zbody(i, carry):
        zbuf_v[pl.ds(i * 16, 16)] = jnp.zeros((16,), jnp.float32)
        return carry

    lax.fori_loop(0, SPT // 16, zbody, 0)

    def obody(i, carry):
        ones_v[pl.ds(i * 16, 16)] = jnp.ones((16,), jnp.float32)
        return carry

    lax.fori_loop(0, CHD // 16, obody, 0)

    pltpu.sync_copy(zbuf_v, cnt_sh.at[pl.ds(s * SPT, SPT)])
    plsc.subcore_barrier()

    first = wid * CPW + jnp.minimum(wid, NXTRA)

    def fetch_idx(q, b):
        pltpu.async_copy(ei_hbm.at[:, pl.ds(q * CHD, CHD)], pbuf[b], isem[b])

    def wait_idx(b):
        pltpu.make_async_copy(ei_hbm.at[:, pl.ds(0, CHD)], pbuf[b],
                              isem[b]).wait()

    def start_work(q, b):
        for h in range(CHD // 128):
            pltpu.async_copy(ones_v.at[pl.ds(0, 128)],
                             cnt_sh.at[pbuf[b].at[1, pl.ds(h * 128, 128)]],
                             ssem[b], add=True)
        pltpu.async_copy(pbuf[b].at[0], src_hbm.at[pl.ds(q * CHD, CHD)],
                         wsem[b])
        pltpu.async_copy(pbuf[b].at[1], dst_hbm.at[pl.ds(q * CHD, CHD)],
                         wsem[b])

    def wait_work(b):
        for _h in range(CHD // 128):
            pltpu.make_async_copy(ones_v.at[pl.ds(0, 128)],
                                  cnt_sh.at[pbuf[b].at[1, pl.ds(0, 128)]],
                                  ssem[b]).wait()
        pltpu.make_async_copy(pbuf[b].at[0], src_hbm.at[pl.ds(0, CHD)],
                              wsem[b]).wait()
        pltpu.make_async_copy(pbuf[b].at[0], src_hbm.at[pl.ds(0, CHD)],
                              wsem[b]).wait()

    for b in range(NBUF):
        fetch_idx(first + b, b)

    def body(g, carry):
        for b in range(NBUF):
            q = first + g * NBUF + b
            wait_idx(b)
            start_work(q, b)
        for b in range(NBUF):
            nxt = g * NBUF + b + NBUF
            wait_work(b)

            @pl.when(nxt < CPW)
            def _():
                fetch_idx(first + nxt, b)

        return carry

    lax.fori_loop(0, CPW // NBUF, body, 0)
    for b in range(CPW - (CPW // NBUF) * NBUF):
        wait_idx(b)
        start_work(first + (CPW // NBUF) * NBUF + b, b)
        wait_work(b)

    @pl.when(wid < NXTRA)
    def _():
        q = first + CPW
        fetch_idx(q, 0)
        wait_idx(0)
        start_work(q, 0)
        wait_work(0)

    plsc.subcore_barrier()
    pltpu.sync_copy(cnt_sh.at[pl.ds(s * SPT, SPT)],
                    deg_hbm.at[c, pl.ds(s * SPT, SPT)])


@functools.partial(
    pl.kernel,
    mesh=_mesh,
    out_type=jax.ShapeDtypeStruct((NC, N, D), jnp.float32),
    scratch_types=[
        [pltpu.VMEM((CH,), jnp.int32)] * NBUF,
        [pltpu.VMEM((CH,), jnp.int32)] * NBUF,
        [pltpu.VMEM((CH, D), jnp.float32)] * NBUF,
        [pltpu.SemaphoreType.DMA] * NBUF,
        [pltpu.SemaphoreType.DMA] * NBUF,
        [pltpu.SemaphoreType.DMA] * NBUF,
        pltpu.VMEM_SHARED((N, D), jnp.float32),
    ],
)
def _agg_kernel(hs_hbm, src_hbm, dst_hbm, out_hbm, sbuf, dbuf, rows,
                isem, gsem, ssem, agg_sh):
    c = lax.axis_index("c")
    s = lax.axis_index("s")
    wid = s * NC + c
    r0 = s * RPT
    base = wid * EPW

    def fetch_idx(i, b):
        off = base + i * CH
        pltpu.async_copy(src_hbm.at[pl.ds(off, CH)], sbuf[b], isem[b])
        pltpu.async_copy(dst_hbm.at[pl.ds(off, CH)], dbuf[b], isem[b])

    def wait_idx(b):
        pltpu.make_async_copy(src_hbm.at[pl.ds(0, CH)], sbuf[b],
                              isem[b]).wait()
        pltpu.make_async_copy(dst_hbm.at[pl.ds(0, CH)], dbuf[b],
                              isem[b]).wait()

    def start_gather(b):
        pltpu.async_copy(hs_hbm.at[sbuf[b]], rows[b], gsem[b])

    def wait_gather(b):
        pltpu.make_async_copy(hs_hbm.at[pl.ds(0, CH)], rows[b],
                              gsem[b]).wait()

    def start_scatter(b):
        pltpu.async_copy(rows[b], agg_sh.at[dbuf[b]], ssem[b], add=True)

    def wait_scatter(b):
        pltpu.make_async_copy(rows[b], agg_sh.at[dbuf[b]], ssem[b]).wait()

    for b in range(NBUF):
        fetch_idx(b, b)

    @pl.when(s < NS - 1)
    def _():
        pltpu.sync_copy(hs_hbm.at[pl.ds(r0, RPT)], agg_sh.at[pl.ds(r0, RPT)])

    @pl.when(s == NS - 1)
    def _():
        pltpu.sync_copy(hs_hbm.at[pl.ds(RLAST0, RLAST)],
                        agg_sh.at[pl.ds(RLAST0, RLAST)])

    plsc.subcore_barrier()

    def body(g, carry):
        for b in range(NBUF):
            wait_idx(b)
            start_gather(b)
        for b in range(NBUF):
            wait_gather(b)
            start_scatter(b)
        for b in range(NBUF):
            nxt = g * NBUF + b + NBUF
            wait_scatter(b)

            @pl.when(nxt < NCHUNK)
            def _():
                fetch_idx(nxt, b)

        return carry

    lax.fori_loop(0, NGROUP, body, 0)
    for b in range(NREM):
        wait_idx(b)
        start_gather(b)
    for b in range(NREM):
        wait_gather(b)
        start_scatter(b)
    for b in range(NREM):
        wait_scatter(b)
    plsc.subcore_barrier()

    @pl.when(s < NS - 1)
    def _():
        pltpu.sync_copy(agg_sh.at[pl.ds(r0, RPT)],
                        out_hbm.at[c, pl.ds(r0, RPT)])

    @pl.when(s == NS - 1)
    def _():
        pltpu.sync_copy(agg_sh.at[pl.ds(RLAST0, RLAST)],
                        out_hbm.at[c, pl.ds(RLAST0, RLAST)])


def _dinv_from(degs_block):
    deg = jnp.sum(degs_block, axis=0)[:N] + 1.0
    return lax.rsqrt(deg)


def _tc1_body(degs_ref, x_ref, w1_ref, hs_ref):
    dinv = _dinv_from(degs_ref[...])
    hs_ref[...] = jnp.dot(x_ref[...], w1_ref[...],
                          preferred_element_type=jnp.float32) * dinv[:, None]


def _tc2_body(degs_ref, agg_ref, hs1_ref, b1_ref, w2_ref, hs2_ref):
    dinv = _dinv_from(degs_ref[...])
    tot = agg_ref[0] + agg_ref[1] - hs1_ref[...]
    h1 = jnp.maximum(tot * dinv[:, None] + b1_ref[...][None, :], 0.0)
    hs2_ref[...] = jnp.dot(h1, w2_ref[...],
                           preferred_element_type=jnp.float32) * dinv[:, None]


def _tc3_body(degs_ref, agg_ref, hs2_ref, b2_ref, wh1_ref, bh1_ref, wh2_ref,
              bh2_ref, out1_ref, out2_ref, h_ref):
    dinv = _dinv_from(degs_ref[...])
    tot = agg_ref[0] + agg_ref[1] - hs2_ref[...]
    h = tot * dinv[:, None] + b2_ref[...][None, :]
    h_ref[...] = h
    out1_ref[...] = jnp.dot(h, wh1_ref[...],
                            preferred_element_type=jnp.float32) + bh1_ref[...][None, :]
    out2_ref[...] = jnp.dot(h, wh2_ref[...],
                            preferred_element_type=jnp.float32) + bh2_ref[...][None, :]


def kernel(x, edge_index, W1, b1, W2, b2, Wh1, bh1, Wh2, bh2):
    ei32 = edge_index.astype(jnp.int32)

    degs, src, dst = _deg_kernel(ei32)

    hs1 = pl.pallas_call(
        _tc1_body,
        out_shape=jax.ShapeDtypeStruct((N, D), jnp.float32),
    )(degs, x, W1)

    agg1 = _agg_kernel(hs1, src, dst)

    hs2 = pl.pallas_call(
        _tc2_body,
        out_shape=jax.ShapeDtypeStruct((N, D), jnp.float32),
    )(degs, agg1, hs1, b1, W2)

    agg2 = _agg_kernel(hs2, src, dst)

    out1, out2, h = pl.pallas_call(
        _tc3_body,
        out_shape=(
            jax.ShapeDtypeStruct((N, Wh1.shape[1]), jnp.float32),
            jax.ShapeDtypeStruct((N, Wh2.shape[1]), jnp.float32),
            jax.ShapeDtypeStruct((N, D), jnp.float32),
        ),
    )(degs, agg2, hs2, b2, Wh1, bh1, Wh2, bh2)

    return out1, out2, h

# --- scband reference (transcript-rebuilt; emitter-appended) ---
"""Pipeline reference for scband-gcn-12687333392400 (READ-ONLY COPY).

The authoritative reference and input builder live on the scoring server;
editing this copy changes nothing except your own understanding.
"""

import jax, jax.numpy as jnp
import numpy as np

N_NODES = 10000
D_FEAT = 128
HIDDEN = 128
N_LAB = 4
N_UNLAB = 3
N_EDGES = 320000


def gcn_conv(x, edge_index, W, b, num_nodes):
    # PyG GCNConv: add self-loops, sym-normalize, x' = D^-1/2 (A+I) D^-1/2 (x W) + b
    src = edge_index[0]
    dst = edge_index[1]
    loop = jnp.arange(num_nodes, dtype=edge_index.dtype)
    src = jnp.concatenate([src, loop])
    dst = jnp.concatenate([dst, loop])
    ones = jnp.ones(src.shape[0], dtype=x.dtype)
    deg = jnp.zeros((num_nodes,), dtype=x.dtype).at[dst].add(ones)
    dinv = jnp.where(deg > 0, jax.lax.rsqrt(deg), 0.0)
    norm = dinv[src] * dinv[dst]
    h = x @ W
    msg = h[src] * norm[:, None]
    out = jnp.zeros((num_nodes, W.shape[1]), dtype=x.dtype).at[dst].add(msg)
    return out + b


def setup_inputs(seed: int = 0) -> dict:
    key = jax.random.key(seed)
    ks = jax.random.split(key, 10)
    x = jax.random.normal(ks[0], (N_NODES, D_FEAT), dtype=jnp.float32)
    edge_index = jax.random.randint(ks[1], (2, N_EDGES), 0, N_NODES, dtype=jnp.int64) if jax.config.jax_enable_x64 else jax.random.randint(ks[1], (2, N_EDGES), 0, N_NODES, dtype=jnp.int32)
    s1 = 1.0 / np.sqrt(D_FEAT)
    s2 = 1.0 / np.sqrt(HIDDEN)
    W1 = jax.random.uniform(ks[2], (D_FEAT, HIDDEN), jnp.float32, -s1, s1)
    b1 = jnp.zeros((HIDDEN,), jnp.float32)
    W2 = jax.random.uniform(ks[3], (HIDDEN, HIDDEN), jnp.float32, -s2, s2)
    b2 = jnp.zeros((HIDDEN,), jnp.float32)
    Wh1 = jax.random.uniform(ks[4], (HIDDEN, N_LAB), jnp.float32, -s2, s2)
    bh1 = jax.random.uniform(ks[5], (N_LAB,), jnp.float32, -s2, s2)
    Wh2 = jax.random.uniform(ks[6], (HIDDEN, N_UNLAB), jnp.float32, -s2, s2)
    bh2 = jax.random.uniform(ks[7], (N_UNLAB,), jnp.float32, -s2, s2)
    return {"x": x, "edge_index": edge_index, "W1": W1, "b1": b1, "W2": W2, "b2": b2, "Wh1": Wh1, "bh1": bh1, "Wh2": Wh2, "bh2": bh2}


def reference(x, edge_index, W1, b1, W2, b2, Wh1, bh1, Wh2, bh2):
    h = gcn_conv(x, edge_index, W1, b1, N_NODES)
    h = jax.nn.relu(h)
    # dropout p=0.5 is identity in eval mode
    h = gcn_conv(h, edge_index, W2, b2, N_NODES)
    # l2_classifier == False branch
    out1 = h @ Wh1 + bh1
    out2 = h @ Wh2 + bh2
    return (out1, out2, h)

if __name__ == "__main__":
    import jax
    _d = setup_inputs()
    print(jax.jit(kernel)(*tuple(_d.values())))

</pallas_src>

<mosaic_0001>
#map = affine_map<(d0, d1) -> (0, 0)>
#map1 = affine_map<(d0, d1) -> (0)>
#map2 = affine_map<(d0, d1) -> (0, 0, 0)>
module attributes {stable_mosaic.version = 14 : i64} {
  func.func @_agg_kernel(%arg0: i32, %arg1: i32, %arg2: memref<10000x128xf32, #tpu.memory_space<hbm>>, %arg3: memref<320000xi32, #tpu.memory_space<hbm>>, %arg4: memref<320000xi32, #tpu.memory_space<hbm>>, %arg5: memref<2x10000x128xf32, #tpu.memory_space<hbm>>, %arg6: memref<80xi32, #tpu.memory_space<vmem>>, %arg7: memref<80xi32, #tpu.memory_space<vmem>>, %arg8: memref<80xi32, #tpu.memory_space<vmem>>, %arg9: memref<80xi32, #tpu.memory_space<vmem>>, %arg10: memref<80xi32, #tpu.memory_space<vmem>>, %arg11: memref<80xi32, #tpu.memory_space<vmem>>, %arg12: memref<80xi32, #tpu.memory_space<vmem>>, %arg13: memref<80xi32, #tpu.memory_space<vmem>>, %arg14: memref<80x128xf32, #tpu.memory_space<vmem>>, %arg15: memref<80x128xf32, #tpu.memory_space<vmem>>, %arg16: memref<80x128xf32, #tpu.memory_space<vmem>>, %arg17: memref<80x128xf32, #tpu.memory_space<vmem>>, %arg18: memref<!tpu.dma_semaphore, #tpu.memory_space<semaphore_mem>>, %arg19: memref<!tpu.dma_semaphore, #tpu.memory_space<semaphore_mem>>, %arg20: memref<!tpu.dma_semaphore, #tpu.memory_space<semaphore_mem>>, %arg21: memref<!tpu.dma_semaphore, #tpu.memory_space<semaphore_mem>>, %arg22: memref<!tpu.dma_semaphore, #tpu.memory_space<semaphore_mem>>, %arg23: memref<!tpu.dma_semaphore, #tpu.memory_space<semaphore_mem>>, %arg24: memref<!tpu.dma_semaphore, #tpu.memory_space<semaphore_mem>>, %arg25: memref<!tpu.dma_semaphore, #tpu.memory_space<semaphore_mem>>, %arg26: memref<!tpu.dma_semaphore, #tpu.memory_space<semaphore_mem>>, %arg27: memref<!tpu.dma_semaphore, #tpu.memory_space<semaphore_mem>>, %arg28: memref<!tpu.dma_semaphore, #tpu.memory_space<semaphore_mem>>, %arg29: memref<!tpu.dma_semaphore, #tpu.memory_space<semaphore_mem>>, %arg30: memref<10000x128xf32, #tpu.memory_space<vmem_shared>>) attributes {dimension_semantics = [#tpu.dimension_semantics<core_parallel>, #tpu.dimension_semantics<subcore_parallel>], iteration_bounds = array<i64: 2, 16>, scalar_prefetch = 0 : i64, scratch_operands = 25 : i64, tpu.core_type = #tpu.core_type<sc_vector_subcore>, window_params = [{transform_indices = #map}, {transform_indices = #map1}, {transform_indices = #map1}, {transform_indices = #map2}]} {
    %mul3A = arith.constant 2 : i32
    %mul3A_0 = arith.muli %arg1, %mul3A : i32
    %add3A = arith.addi %mul3A_0, %arg0 : i32
    %mul3A_1 = arith.constant 632 : i32
    %mul3A_2 = arith.muli %arg1, %mul3A_1 : i32
    %mul3A_3 = arith.constant 10000 : i32
    %mul3A_4 = arith.muli %add3A, %mul3A_3 : i32
    %add3A_5 = arith.constant 0 : i32
    %add3A_6 = arith.addi %mul3A_4, %add3A_5 : i32
    %dma_start3A = tpu.memref_slice %arg3[%add3A_6] : memref<320000xi32, #tpu.memory_space<hbm>> -> memref<80xi32, #tpu.memory_space<hbm>>
    %dma_start3A_7 = tpu.memref_slice %arg3[%add3A_6] : memref<320000xi32, #tpu.memory_space<hbm>> -> memref<80xi32, #tpu.memory_space<hbm>>
    tpu.enqueue_dma source(%dma_start3A_7 : memref<80xi32, #tpu.memory_space<hbm>>) target(%arg6 : memref<80xi32, #tpu.memory_space<vmem>>) target_semaphore(%arg18 : memref<!tpu.dma_semaphore, #tpu.memory_space<semaphore_mem>>)
    %dma_start3A_8 = tpu.memref_slice %arg4[%add3A_6] : memref<320000xi32, #tpu.memory_space<hbm>> -> memref<80xi32, #tpu.memory_space<hbm>>
    %dma_start3A_9 = tpu.memref_slice %arg4[%add3A_6] : memref<320000xi32, #tpu.memory_space<hbm>> -> memref<80xi32, #tpu.memory_space<hbm>>
    tpu.enqueue_dma source(%dma_start3A_9 : memref<80xi32, #tpu.memory_space<hbm>>) target(%arg10 : memref<80xi32, #tpu.memory_space<vmem>>) target_semaphore(%arg18 : memref<!tpu.dma_semaphore, #tpu.memory_space<semaphore_mem>>)
    %add3A_10 = arith.constant 80 : i32
    %add3A_11 = arith.addi %mul3A_4, %add3A_10 : i32
    %dma_start3A_12 = tpu.memref_slice %arg3[%add3A_11] : memref<320000xi32, #tpu.memory_space<hbm>> -> memref<80xi32, #tpu.memory_space<hbm>>
    %dma_start3A_13 = tpu.memref_slice %arg3[%add3A_11] : memref<320000xi32, #tpu.memory_space<hbm>> -> memref<80xi32, #tpu.memory_space<hbm>>
    tpu.enqueue_dma source(%dma_start3A_13 : memref<80xi32, #tpu.memory_space<hbm>>) target(%arg7 : memref<80xi32, #tpu.memory_space<vmem>>) target_semaphore(%arg19 : memref<!tpu.dma_semaphore, #tpu.memory_space<semaphore_mem>>)
    %dma_start3A_14 = tpu.memref_slice %arg4[%add3A_11] : memref<320000xi32, #tpu.memory_space<hbm>> -> memref<80xi32, #tpu.memory_space<hbm>>
    %dma_start3A_15 = tpu.memref_slice %arg4[%add3A_11] : memref<320000xi32, #tpu.memory_space<hbm>> -> memref<80xi32, #tpu.memory_space<hbm>>
    tpu.enqueue_dma source(%dma_start3A_15 : memref<80xi32, #tpu.memory_space<hbm>>) target(%arg11 : memref<80xi32, #tpu.memory_space<vmem>>) target_semaphore(%arg19 : memref<!tpu.dma_semaphore, #tpu.memory_space<semaphore_mem>>)
    %add3A_16 = arith.constant 160 : i32
    %add3A_17 = arith.addi %mul3A_4, %add3A_16 : i32
    %dma_start3A_18 = tpu.memref_slice %arg3[%add3A_17] : memref<320000xi32, #tpu.memory_space<hbm>> -> memref<80xi32, #tpu.memory_space<hbm>>
    %dma_start3A_19 = tpu.memref_slice %arg3[%add3A_17] : memref<320000xi32, #tpu.memory_space<hbm>> -> memref<80xi32, #tpu.memory_space<hbm>>
    tpu.enqueue_dma source(%dma_start3A_19 : memref<80xi32, #tpu.memory_space<hbm>>) target(%arg8 : memref<80xi32, #tpu.memory_space<vmem>>) target_semaphore(%arg20 : memref<!tpu.dma_semaphore, #tpu.memory_space<semaphore_mem>>)
    %dma_start3A_20 = tpu.memref_slice %arg4[%add3A_17] : memref<320000xi32, #tpu.memory_space<hbm>> -> memref<80xi32, #tpu.memory_space<hbm>>
    %dma_start3A_21 = tpu.memref_slice %arg4[%add3A_17] : memref<320000xi32, #tpu.memory_space<hbm>> -> memref<80xi32, #tpu.memory_space<hbm>>
    tpu.enqueue_dma source(%dma_start3A_21 : memref<80xi32, #tpu.memory_space<hbm>>) target(%arg12 : memref<80xi32, #tpu.memory_space<vmem>>) target_semaphore(%arg20 : memref<!tpu.dma_semaphore, #tpu.memory_space<semaphore_mem>>)
    %add3A_22 = arith.constant 240 : i32
    %add3A_23 = arith.addi %mul3A_4, %add3A_22 : i32
    %dma_start3A_24 = tpu.memref_slice %arg3[%add3A_23] : memref<320000xi32, #tpu.memory_space<hbm>> -> memref<80xi32, #tpu.memory_space<hbm>>
    %dma_start3A_25 = tpu.memref_slice %arg3[%add3A_23] : memref<320000xi32, #tpu.memory_space<hbm>> -> memref<80xi32, #tpu.memory_space<hbm>>
    tpu.enqueue_dma source(%dma_start3A_25 : memref<80xi32, #tpu.memory_space<hbm>>) target(%arg9 : memref<80xi32, #tpu.memory_space<vmem>>) target_semaphore(%arg21 : memref<!tpu.dma_semaphore, #tpu.memory_space<semaphore_mem>>)
    %dma_start3A_26 = tpu.memref_slice %arg4[%add3A_23] : memref<320000xi32, #tpu.memory_space<hbm>> -> memref<80xi32, #tpu.memory_space<hbm>>
    %dma_start3A_27 = tpu.memref_slice %arg4[%add3A_23] : memref<320000xi32, #tpu.memory_space<hbm>> -> memref<80xi32, #tpu.memory_space<hbm>>
    tpu.enqueue_dma source(%dma_start3A_27 : memref<80xi32, #tpu.memory_space<hbm>>) target(%arg13 : memref<80xi32, #tpu.memory_space<vmem>>) target_semaphore(%arg21 : memref<!tpu.dma_semaphore, #tpu.memory_space<semaphore_mem>>)
    %lt3A = arith.constant 15 : i32
    %lt3A_28 = arith.cmpi slt, %arg1, %lt3A : i32
    %convert_element_type3A = arith.extui %lt3A_28 : i1 to i32
    %cond3A = arith.constant 0 : i32
    %cond3A_29 = arith.cmpi ne, %convert_element_type3A, %cond3A : i32
    scf.if %cond3A_29 {
      "tpu.region"() ({
        %run_scoped3A = tpu.sem_alloc : memref<!tpu.dma_semaphore, #tpu.memory_space<semaphore_mem>>
        %dma_start3A_72 = arith.constant 0 : i32
        %dma_start3A_73 = tpu.memref_slice %arg30[%mul3A_2, %dma_start3A_72] : memref<10000x128xf32, #tpu.memory_space<vmem_shared>> -> memref<632x128xf32, #tpu.memory_space<vmem_shared>>
        %dma_start3A_74 = arith.constant 0 : i32
        %dma_start3A_75 = tpu.memref_slice %arg2[%mul3A_2, %dma_start3A_74] : memref<10000x128xf32, #tpu.memory_space<hbm>> -> memref<632x128xf32, #tpu.memory_space<hbm>>
        tpu.enqueue_dma source(%dma_start3A_75 : memref<632x128xf32, #tpu.memory_space<hbm>>) target(%dma_start3A_73 : memref<632x128xf32, #tpu.memory_space<vmem_shared>>) target_semaphore(%run_scoped3A : memref<!tpu.dma_semaphore, #tpu.memory_space<semaphore_mem>>)
        %dma_wait3A_76 = arith.constant 0 : i32
        %dma_wait3A_77 = tpu.memref_slice %arg30[%mul3A_2, %dma_wait3A_76] : memref<10000x128xf32, #tpu.memory_space<vmem_shared>> -> memref<632x128xf32, #tpu.memory_space<vmem_shared>>
        %dma_wait3A_78 = arith.constant 0 : i32
        %dma_wait3A_79 = tpu.memref_slice %arg2[%mul3A_2, %dma_wait3A_78] : memref<10000x128xf32, #tpu.memory_space<hbm>> -> memref<632x128xf32, #tpu.memory_space<hbm>>
        tpu.wait_dma2 semaphore(%run_scoped3A : memref<!tpu.dma_semaphore, #tpu.memory_space<semaphore_mem>>) src(%dma_wait3A_79 : memref<632x128xf32, #tpu.memory_space<hbm>>) dst(%dma_wait3A_77 : memref<632x128xf32, #tpu.memory_space<vmem_shared>>)
        tpu.yield
      }) : () -> ()
    } else {
    }
    %eq3A = arith.constant 15 : i32
    %eq3A_30 = arith.cmpi eq, %arg1, %eq3A : i32
    %convert_element_type3A_31 = arith.extui %eq3A_30 : i1 to i32
    %cond3A_32 = arith.constant 0 : i32
    %cond3A_33 = arith.cmpi ne, %convert_element_type3A_31, %cond3A_32 : i32
    scf.if %cond3A_33 {
      "tpu.region"() ({
        %run_scoped3A = tpu.sem_alloc : memref<!tpu.dma_semaphore, #tpu.memory_space<semaphore_mem>>
        %dma_start3A_72 = arith.constant 9480 : i32
        %dma_start3A_73 = arith.constant 0 : i32
        %dma_start3A_74 = tpu.memref_slice %arg30[%dma_start3A_72, %dma_start3A_73] : memref<10000x128xf32, #tpu.memory_space<vmem_shared>> -> memref<520x128xf32, #tpu.memory_space<vmem_shared>>
        %dma_start3A_75 = arith.constant 9480 : i32
        %dma_start3A_76 = arith.constant 0 : i32
        %dma_start3A_77 = tpu.memref_slice %arg2[%dma_start3A_75, %dma_start3A_76] : memref<10000x128xf32, #tpu.memory_space<hbm>> -> memref<520x128xf32, #tpu.memory_space<hbm>>
        tpu.enqueue_dma source(%dma_start3A_77 : memref<520x128xf32, #tpu.memory_space<hbm>>) target(%dma_start3A_74 : memref<520x128xf32, #tpu.memory_space<vmem_shared>>) target_semaphore(%run_scoped3A : memref<!tpu.dma_semaphore, #tpu.memory_space<semaphore_mem>>)
        %dma_wait3A_78 = arith.constant 9480 : i32
        %dma_wait3A_79 = arith.constant 0 : i32
        %dma_wait3A_80 = tpu.memref_slice %arg30[%dma_wait3A_78, %dma_wait3A_79] : memref<10000x128xf32, #tpu.memory_space<vmem_shared>> -> memref<520x128xf32, #tpu.memory_space<vmem_shared>>
        %dma_wait3A_81 = arith.constant 9480 : i32
        %dma_wait3A_82 = arith.constant 0 : i32
        %dma_wait3A_83 = tpu.memref_slice %arg2[%dma_wait3A_81, %dma_wait3A_82] : memref<10000x128xf32, #tpu.memory_space<hbm>> -> memref<520x128xf32, #tpu.memory_space<hbm>>
        tpu.wait_dma2 semaphore(%run_scoped3A : memref<!tpu.dma_semaphore, #tpu.memory_space<semaphore_mem>>) src(%dma_wait3A_83 : memref<520x128xf32, #tpu.memory_space<hbm>>) dst(%dma_wait3A_80 : memref<520x128xf32, #tpu.memory_space<vmem_shared>>)
        tpu.yield
      }) : () -> ()
    } else {
    }
    %barrier3A = arith.constant 0 : index
    tpu.barrier barrier_id(%barrier3A)
    %scan3A = arith.constant 0 : i32
    %scan3A_34 = arith.constant 0 : i32
    %scan3A_35 = arith.constant 31 : i32
    %scan3A_36 = arith.addi %scan3A_34, %scan3A_35 : i32
    %scan3A_37 = arith.constant 1 : i32
    scf.for %scan3A_72 = %scan3A_34 to %scan3A_36 step %scan3A_37  : i32 {
      %dma_wait3A_73 = arith.constant 0 : i32
      %dma_wait3A_74 = tpu.memref_slice %arg3[%dma_wait3A_73] : memref<320000xi32, #tpu.memory_space<hbm>> -> memref<80xi32, #tpu.memory_space<hbm>>
      %dma_wait3A_75 = arith.constant 0 : i32
      %dma_wait3A_76 = tpu.memref_slice %arg3[%dma_wait3A_75] : memref<320000xi32, #tpu.memory_space<hbm>> -> memref<80xi32, #tpu.memory_space<hbm>>
      tpu.wait_dma2 semaphore(%arg18 : memref<!tpu.dma_semaphore, #tpu.memory_space<semaphore_mem>>) src(%dma_wait3A_76 : memref<80xi32, #tpu.memory_space<hbm>>) dst(%arg6 : memref<80xi32, #tpu.memory_space<vmem>>)
      %dma_wait3A_77 = arith.constant 0 : i32
      %dma_wait3A_78 = tpu.memref_slice %arg4[%dma_wait3A_77] : memref<320000xi32, #tpu.memory_space<hbm>> -> memref<80xi32, #tpu.memory_space<hbm>>
      %dma_wait3A_79 = arith.constant 0 : i32
      %dma_wait3A_80 = tpu.memref_slice %arg4[%dma_wait3A_79] : memref<320000xi32, #tpu.memory_space<hbm>> -> memref<80xi32, #tpu.memory_space<hbm>>
      tpu.wait_dma2 semaphore(%arg18 : memref<!tpu.dma_semaphore, #tpu.memory_space<semaphore_mem>>) src(%dma_wait3A_80 : memref<80xi32, #tpu.memory_space<hbm>>) dst(%arg10 : memref<80xi32, #tpu.memory_space<vmem>>)
      %dma_start3A_81 = arith.constant 0 : i32
      %dma_start3A_82 = arith.constant 0 : i32
      %dma_start3A_83 = tpu.memref_slice %arg2[%dma_start3A_81, %dma_start3A_82] : memref<10000x128xf32, #tpu.memory_space<hbm>> -> memref<10000x128xf32, #tpu.memory_space<hbm>>
      tpu.enqueue_indirect_dma source(%dma_start3A_83 : memref<10000x128xf32, #tpu.memory_space<hbm>>) target(%arg14 : memref<80x128xf32, #tpu.memory_space<vmem>>) offsets(%arg6 : memref<80xi32, #tpu.memory_space<vmem>>) semaphore(%arg22 : memref<!tpu.dma_semaphore, #tpu.memory_space<semaphore_mem>>)
      %dma_wait3A_84 = arith.constant 0 : i32
      %dma_wait3A_85 = tpu.memref_slice %arg3[%dma_wait3A_84] : memref<320000xi32, #tpu.memory_space<hbm>> -> memref<80xi32, #tpu.memory_space<hbm>>
      %dma_wait3A_86 = arith.constant 0 : i32
      %dma_wait3A_87 = tpu.memref_slice %arg3[%dma_wait3A_86] : memref<320000xi32, #tpu.memory_space<hbm>> -> memref<80xi32, #tpu.memory_space<hbm>>
      tpu.wait_dma2 semaphore(%arg19 : memref<!tpu.dma_semaphore, #tpu.memory_space<semaphore_mem>>) src(%dma_wait3A_87 : memref<80xi32, #tpu.memory_space<hbm>>) dst(%arg7 : memref<80xi32, #tpu.memory_space<vmem>>)
      %dma_wait3A_88 = arith.constant 0 : i32
      %dma_wait3A_89 = tpu.memref_slice %arg4[%dma_wait3A_88] : memref<320000xi32, #tpu.memory_space<hbm>> -> memref<80xi32, #tpu.memory_space<hbm>>
      %dma_wait3A_90 = arith.constant 0 : i32
      %dma_wait3A_91 = tpu.memref_slice %arg4[%dma_wait3A_90] : memref<320000xi32, #tpu.memory_space<hbm>> -> memref<80xi32, #tpu.memory_space<hbm>>
      tpu.wait_dma2 semaphore(%arg19 : memref<!tpu.dma_semaphore, #tpu.memory_space<semaphore_mem>>) src(%dma_wait3A_91 : memref<80xi32, #tpu.memory_space<hbm>>) dst(%arg11 : memref<80xi32, #tpu.memory_space<vmem>>)
      %dma_start3A_92 = arith.constant 0 : i32
      %dma_start3A_93 = arith.constant 0 : i32
      %dma_start3A_94 = tpu.memref_slice %arg2[%dma_start3A_92, %dma_start3A_93] : memref<10000x128xf32, #tpu.memory_space<hbm>> -> memref<10000x128xf32, #tpu.memory_space<hbm>>
      tpu.enqueue_indirect_dma source(%dma_start3A_94 : memref<10000x128xf32, #tpu.memory_space<hbm>>) target(%arg15 : memref<80x128xf32, #tpu.memory_space<vmem>>) offsets(%arg7 : memref<80xi32, #tpu.memory_space<vmem>>) semaphore(%arg23 : memref<!tpu.dma_semaphore, #tpu.memory_space<semaphore_mem>>)
      %dma_wait3A_95 = arith.constant 0 : i32
      %dma_wait3A_96 = tpu.memref_slice %arg3[%dma_wait3A_95] : memref<320000xi32, #tpu.memory_space<hbm>> -> memref<80xi32, #tpu.memory_space<hbm>>
      %dma_wait3A_97 = arith.constant 0 : i32
      %dma_wait3A_98 = tpu.memref_slice %arg3[%dma_wait3A_97] : memref<320000xi32, #tpu.memory_space<hbm>> -> memref<80xi32, #tpu.memory_space<hbm>>
      tpu.wait_dma2 semaphore(%arg20 : memref<!tpu.dma_semaphore, #tpu.memory_space<semaphore_mem>>) src(%dma_wait3A_98 : memref<80xi32, #tpu.memory_space<hbm>>) dst(%arg8 : memref<80xi32, #tpu.memory_space<vmem>>)
      %dma_wait3A_99 = arith.constant 0 : i32
      %dma_wait3A_100 = tpu.memref_slice %arg4[%dma_wait3A_99] : memref<320000xi32, #tpu.memory_space<hbm>> -> memref<80xi32, #tpu.memory_space<hbm>>
      %dma_wait3A_101 = arith.constant 0 : i32
      %dma_wait3A_102 = tpu.memref_slice %arg4[%dma_wait3A_101] : memref<320000xi32, #tpu.memory_space<hbm>> -> memref<80xi32, #tpu.memory_space<hbm>>
      tpu.wait_dma2 semaphore(%arg20 : memref<!tpu.dma_semaphore, #tpu.memory_space<semaphore_mem>>) src(%dma_wait3A_102 : memref<80xi32, #tpu.memory_space<hbm>>) dst(%arg12 : memref<80xi32, #tpu.memory_space<vmem>>)
      %dma_start3A_103 = arith.constant 0 : i32
      %dma_start3A_104 = arith.constant 0 : i32
      %dma_start3A_105 = tpu.memref_slice %arg2[%dma_start3A_103, %dma_start3A_104] : memref<10000x128xf32, #tpu.memory_space<hbm>> -> memref<10000x128xf32, #tpu.memory_space<hbm>>
      tpu.enqueue_indirect_dma source(%dma_start3A_105 : memref<10000x128xf32, #tpu.memory_space<hbm>>) target(%arg16 : memref<80x128xf32, #tpu.memory_space<vmem>>) offsets(%arg8 : memref<80xi32, #tpu.memory_space<vmem>>) semaphore(%arg24 : memref<!tpu.dma_semaphore, #tpu.memory_space<semaphore_mem>>)
      %dma_wait3A_106 = arith.constant 0 : i32
      %dma_wait3A_107 = tpu.memref_slice %arg3[%dma_wait3A_106] : memref<320000xi32, #tpu.memory_space<hbm>> -> memref<80xi32, #tpu.memory_space<hbm>>
      %dma_wait3A_108 = arith.constant 0 : i32
      %dma_wait3A_109 = tpu.memref_slice %arg3[%dma_wait3A_108] : memref<320000xi32, #tpu.memory_space<hbm>> -> memref<80xi32, #tpu.memory_space<hbm>>
      tpu.wait_dma2 semaphore(%arg21 : memref<!tpu.dma_semaphore, #tpu.memory_space<semaphore_mem>>) src(%dma_wait3A_109 : memref<80xi32, #tpu.memory_space<hbm>>) dst(%arg9 : memref<80xi32, #tpu.memory_space<vmem>>)
      %dma_wait3A_110 = arith.constant 0 : i32
      %dma_wait3A_111 = tpu.memref_slice %arg4[%dma_wait3A_110] : memref<320000xi32, #tpu.memory_space<hbm>> -> memref<80xi32, #tpu.memory_space<hbm>>
      %dma_wait3A_112 = arith.constant 0 : i32
      %dma_wait3A_113 = tpu.memref_slice %arg4[%dma_wait3A_112] : memref<320000xi32, #tpu.memory_space<hbm>> -> memref<80xi32, #tpu.memory_space<hbm>>
      tpu.wait_dma2 semaphore(%arg21 : memref<!tpu.dma_semaphore, #tpu.memory_space<semaphore_mem>>) src(%dma_wait3A_113 : memref<80xi32, #tpu.memory_space<hbm>>) dst(%arg13 : memref<80xi32, #tpu.memory_space<vmem>>)
      %dma_start3A_114 = arith.constant 0 : i32
      %dma_start3A_115 = arith.constant 0 : i32
      %dma_start3A_116 = tpu.memref_slice %arg2[%dma_start3A_114, %dma_start3A_115] : memref<10000x128xf32, #tpu.memory_space<hbm>> -> memref<10000x128xf32, #tpu.memory_space<hbm>>
      tpu.enqueue_indirect_dma source(%dma_start3A_116 : memref<10000x128xf32, #tpu.memory_space<hbm>>) target(%arg17 : memref<80x128xf32, #tpu.memory_space<vmem>>) offsets(%arg9 : memref<80xi32, #tpu.memory_space<vmem>>) semaphore(%arg25 : memref<!tpu.dma_semaphore, #tpu.memory_space<semaphore_mem>>)
      %dma_wait3A_117 = arith.constant 0 : i32
      %dma_wait3A_118 = arith.constant 0 : i32
      %dma_wait3A_119 = tpu.memref_slice %arg2[%dma_wait3A_117, %dma_wait3A_118] : memref<10000x128xf32, #tpu.memory_space<hbm>> -> memref<80x128xf32, #tpu.memory_space<hbm>>
      %dma_wait3A_120 = arith.constant 0 : i32
      %dma_wait3A_121 = arith.constant 0 : i32
      %dma_wait3A_122 = tpu.memref_slice %arg2[%dma_wait3A_120, %dma_wait3A_121] : memref<10000x128xf32, #tpu.memory_space<hbm>> -> memref<80x128xf32, #tpu.memory_space<hbm>>
      tpu.wait_dma2 semaphore(%arg22 : memref<!tpu.dma_semaphore, #tpu.memory_space<semaphore_mem>>) src(%dma_wait3A_122 : memref<80x128xf32, #tpu.memory_space<hbm>>) dst(%arg14 : memref<80x128xf32, #tpu.memory_space<vmem>>)
      %dma_start3A_123 = arith.constant 0 : i32
      %dma_start3A_124 = arith.constant 0 : i32
      %dma_start3A_125 = tpu.memref_slice %arg30[%dma_start3A_123, %dma_start3A_124] : memref<10000x128xf32, #tpu.memory_space<vmem_shared>> -> memref<10000x128xf32, #tpu.memory_space<vmem_shared>>
      tpu.enqueue_indirect_dma source(%arg14 : memref<80x128xf32, #tpu.memory_space<vmem>>) target(%dma_start3A_125 : memref<10000x128xf32, #tpu.memory_space<vmem_shared>>) offsets(%arg10 : memref<80xi32, #tpu.memory_space<vmem>>) semaphore(%arg26 : memref<!tpu.dma_semaphore, #tpu.memory_space<semaphore_mem>>) {add = true}
      %dma_wait3A_126 = arith.constant 0 : i32
      %dma_wait3A_127 = arith.constant 0 : i32
      %dma_wait3A_128 = tpu.memref_slice %arg2[%dma_wait3A_126, %dma_wait3A_127] : memref<10000x128xf32, #tpu.memory_space<hbm>> -> memref<80x128xf32, #tpu.memory_space<hbm>>
      %dma_wait3A_129 = arith.constant 0 : i32
      %dma_wait3A_130 = arith.constant 0 : i32
      %dma_wait3A_131 = tpu.memref_slice %arg2[%dma_wait3A_129, %dma_wait3A_130] : memref<10000x128xf32, #tpu.memory_space<hbm>> -> memref<80x128xf32, #tpu.memory_space<hbm>>
      tpu.wait_dma2 semaphore(%arg23 : memref<!tpu.dma_semaphore, #tpu.memory_space<semaphore_mem>>) src(%dma_wait3A_131 : memref<80x128xf32, #tpu.memory_space<hbm>>) dst(%arg15 : memref<80x128xf32, #tpu.memory_space<vmem>>)
      %dma_start3A_132 = arith.constant 0 : i32
      %dma_start3A_133 = arith.constant 0 : i32
      %dma_start3A_134 = tpu.memref_slice %arg30[%dma_start3A_132, %dma_start3A_133] : memref<10000x128xf32, #tpu.memory_space<vmem_shared>> -> memref<10000x128xf32, #tpu.memory_space<vmem_shared>>
      tpu.enqueue_indirect_dma source(%arg15 : memref<80x128xf32, #tpu.memory_space<vmem>>) target(%dma_start3A_134 : memref<10000x128xf32, #tpu.memory_space<vmem_shared>>) offsets(%arg11 : memref<80xi32, #tpu.memory_space<vmem>>) semaphore(%arg27 : memref<!tpu.dma_semaphore, #tpu.memory_space<semaphore_mem>>) {add = true}
      %dma_wait3A_135 = arith.constant 0 : i32
      %dma_wait3A_136 = arith.constant 0 : i32
      %dma_wait3A_137 = tpu.memref_slice %arg2[%dma_wait3A_135, %dma_wait3A_136] : memref<10000x128xf32, #tpu.memory_space<hbm>> -> memref<80x128xf32, #tpu.memory_space<hbm>>
      %dma_wait3A_138 = arith.constant 0 : i32
      %dma_wait3A_139 = arith.constant 0 : i32
      %dma_wait3A_140 = tpu.memref_slice %arg2[%dma_wait3A_138, %dma_wait3A_139] : memref<10000x128xf32, #tpu.memory_space<hbm>> -> memref<80x128xf32, #tpu.memory_space<hbm>>
      tpu.wait_dma2 semaphore(%arg24 : memref<!tpu.dma_semaphore, #tpu.memory_space<semaphore_mem>>) src(%dma_wait3A_140 : memref<80x128xf32, #tpu.memory_space<hbm>>) dst(%arg16 : memref<80x128xf32, #tpu.memory_space<vmem>>)
      %dma_start3A_141 = arith.constant 0 : i32
      %dma_start3A_142 = arith.constant 0 : i32
      %dma_start3A_143 = tpu.memref_slice %arg30[%dma_start3A_141, %dma_start3A_142] : memref<10000x128xf32, #tpu.memory_space<vmem_shared>> -> memref<10000x128xf32, #tpu.memory_space<vmem_shared>>
      tpu.enqueue_indirect_dma source(%arg16 : memref<80x128xf32, #tpu.memory_space<vmem>>) target(%dma_start3A_143 : memref<10000x128xf32, #tpu.memory_space<vmem_shared>>) offsets(%arg12 : memref<80xi32, #tpu.memory_space<vmem>>) semaphore(%arg28 : memref<!tpu.dma_semaphore, #tpu.memory_space<semaphore_mem>>) {add = true}
      %dma_wait3A_144 = arith.constant 0 : i32
      %dma_wait3A_145 = arith.constant 0 : i32
      %dma_wait3A_146 = tpu.memref_slice %arg2[%dma_wait3A_144, %dma_wait3A_145] : memref<10000x128xf32, #tpu.memory_space<hbm>> -> memref<80x128xf32, #tpu.memory_space<hbm>>
      %dma_wait3A_147 = arith.constant 0 : i32
      %dma_wait3A_148 = arith.constant 0 : i32
      %dma_wait3A_149 = tpu.memref_slice %arg2[%dma_wait3A_147, %dma_wait3A_148] : memref<10000x128xf32, #tpu.memory_space<hbm>> -> memref<80x128xf32, #tpu.memory_space<hbm>>
      tpu.wait_dma2 semaphore(%arg25 : memref<!tpu.dma_semaphore, #tpu.memory_space<semaphore_mem>>) src(%dma_wait3A_149 : memref<80x128xf32, #tpu.memory_space<hbm>>) dst(%arg17 : memref<80x128xf32, #tpu.memory_space<vmem>>)
      %dma_start3A_150 = arith.constant 0 : i32
      %dma_start3A_151 = arith.constant 0 : i32
      %dma_start3A_152 = tpu.memref_slice %arg30[%dma_start3A_150, %dma_start3A_151] : memref<10000x128xf32, #tpu.memory_space<vmem_shared>> -> memref<10000x128xf32, #tpu.memory_space<vmem_shared>>
      tpu.enqueue_indirect_dma source(%arg17 : memref<80x128xf32, #tpu.memory_space<vmem>>) target(%dma_start3A_152 : memref<10000x128xf32, #tpu.memory_space<vmem_shared>>) offsets(%arg13 : memref<80xi32, #tpu.memory_space<vmem>>) semaphore(%arg29 : memref<!tpu.dma_semaphore, #tpu.memory_space<semaphore_mem>>) {add = true}
      %mul3A_153 = arith.constant 4 : i32
      %mul3A_154 = arith.muli %scan3A_72, %mul3A_153 : i32
      %add3A_155 = arith.constant 0 : i32
      %add3A_156 = arith.addi %mul3A_154, %add3A_155 : i32
      %add3A_157 = arith.constant 4 : i32
      %add3A_158 = arith.addi %add3A_156, %add3A_157 : i32
      %dma_wait3A_159 = arith.constant 0 : i32
      %dma_wait3A_160 = arith.constant 0 : i32
      %dma_wait3A_161 = tpu.memref_slice %arg30[%dma_wait3A_159, %dma_wait3A_160] : memref<10000x128xf32, #tpu.memory_space<vmem_shared>> -> memref<10000x128xf32, #tpu.memory_space<vmem_shared>>
      tpu.wait_indirect_dma semaphore(%arg26 : memref<!tpu.dma_semaphore, #tpu.memory_space<semaphore_mem>>) src(%arg14 : memref<80x128xf32, #tpu.memory_space<vmem>>) dst(%dma_wait3A_161 : memref<10000x128xf32, #tpu.memory_space<vmem_shared>>)
      %lt3A_162 = arith.constant 125 : i32
      %lt3A_163 = arith.cmpi slt, %add3A_158, %lt3A_162 : i32
      %convert_element_type3A_164 = arith.extui %lt3A_163 : i1 to i32
      %cond3A_165 = arith.constant 0 : i32
      %cond3A_166 = arith.cmpi ne, %convert_element_type3A_164, %cond3A_165 : i32
      scf.if %cond3A_166 {
        %mul3A_209 = arith.constant 80 : i32
        %mul3A_210 = arith.muli %add3A_158, %mul3A_209 : i32
        %add3A_211 = arith.addi %mul3A_4, %mul3A_210 : i32
        %dma_start3A_212 = tpu.memref_slice %arg3[%add3A_211] : memref<320000xi32, #tpu.memory_space<hbm>> -> memref<80xi32, #tpu.memory_space<hbm>>
        %dma_start3A_213 = tpu.memref_slice %arg3[%add3A_211] : memref<320000xi32, #tpu.memory_space<hbm>> -> memref<80xi32, #tpu.memory_space<hbm>>
        tpu.enqueue_dma source(%dma_start3A_213 : memref<80xi32, #tpu.memory_space<hbm>>) target(%arg6 : memref<80xi32, #tpu.memory_space<vmem>>) target_semaphore(%arg18 : memref<!tpu.dma_semaphore, #tpu.memory_space<semaphore_mem>>)
        %dma_start3A_214 = tpu.memref_slice %arg4[%add3A_211] : memref<320000xi32, #tpu.memory_space<hbm>> -> memref<80xi32, #tpu.memory_space<hbm>>
        %dma_start3A_215 = tpu.memref_slice %arg4[%add3A_211] : memref<320000xi32, #tpu.memory_space<hbm>> -> memref<80xi32, #tpu.memory_space<hbm>>
        tpu.enqueue_dma source(%dma_start3A_215 : memref<80xi32, #tpu.memory_space<hbm>>) target(%arg10 : memref<80xi32, #tpu.memory_space<vmem>>) target_semaphore(%arg18 : memref<!tpu.dma_semaphore, #tpu.memory_space<semaphore_mem>>)
      } else {
      }
      %mul3A_167 = arith.constant 4 : i32
      %mul3A_168 = arith.muli %scan3A_72, %mul3A_167 : i32
      %add3A_169 = arith.constant 1 : i32
      %add3A_170 = arith.addi %mul3A_168, %add3A_169 : i32
      %add3A_171 = arith.constant 4 : i32
      %add3A_172 = arith.addi %add3A_170, %add3A_171 : i32
      %dma_wait3A_173 = arith.constant 0 : i32
      %dma_wait3A_174 = arith.constant 0 : i32
      %dma_wait3A_175 = tpu.memref_slice %arg30[%dma_wait3A_173, %dma_wait3A_174] : memref<10000x128xf32, #tpu.memory_space<vmem_shared>> -> memref<10000x128xf32, #tpu.memory_space<vmem_shared>>
      tpu.wait_indirect_dma semaphore(%arg27 : memref<!tpu.dma_semaphore, #tpu.memory_space<semaphore_mem>>) src(%arg15 : memref<80x128xf32, #tpu.memory_space<vmem>>) dst(%dma_wait3A_175 : memref<10000x128xf32, #tpu.memory_space<vmem_shared>>)
      %lt3A_176 = arith.constant 125 : i32
      %lt3A_177 = arith.cmpi slt, %add3A_172, %lt3A_176 : i32
      %convert_element_type3A_178 = arith.extui %lt3A_177 : i1 to i32
      %cond3A_179 = arith.constant 0 : i32
      %cond3A_180 = arith.cmpi ne, %convert_element_type3A_178, %cond3A_179 : i32
      scf.if %cond3A_180 {
        %mul3A_209 = arith.constant 80 : i32
        %mul3A_210 = arith.muli %add3A_172, %mul3A_209 : i32
        %add3A_211 = arith.addi %mul3A_4, %mul3A_210 : i32
        %dma_start3A_212 = tpu.memref_slice %arg3[%add3A_211] : memref<320000xi32, #tpu.memory_space<hbm>> -> memref<80xi32, #tpu.memory_space<hbm>>
        %dma_start3A_213 = tpu.memref_slice %arg3[%add3A_211] : memref<320000xi32, #tpu.memory_space<hbm>> -> memref<80xi32, #tpu.memory_space<hbm>>
        tpu.enqueue_dma source(%dma_start3A_213 : memref<80xi32, #tpu.memory_space<hbm>>) target(%arg7 : memref<80xi32, #tpu.memory_space<vmem>>) target_semaphore(%arg19 : memref<!tpu.dma_semaphore, #tpu.memory_space<semaphore_mem>>)
        %dma_start3A_214 = tpu.memref_slice %arg4[%add3A_211] : memref<320000xi32, #tpu.memory_space<hbm>> -> memref<80xi32, #tpu.memory_space<hbm>>
        %dma_start3A_215 = tpu.memref_slice %arg4[%add3A_211] : memref<320000xi32, #tpu.memory_space<hbm>> -> memref<80xi32, #tpu.memory_space<hbm>>
        tpu.enqueue_dma source(%dma_start3A_215 : memref<80xi32, #tpu.memory_space<hbm>>) target(%arg11 : memref<80xi32, #tpu.memory_space<vmem>>) target_semaphore(%arg19 : memref<!tpu.dma_semaphore, #tpu.memory_space<semaphore_mem>>)
      } else {
      }
      %mul3A_181 = arith.constant 4 : i32
      %mul3A_182 = arith.muli %scan3A_72, %mul3A_181 : i32
      %add3A_183 = arith.constant 2 : i32
      %add3A_184 = arith.addi %mul3A_182, %add3A_183 : i32
      %add3A_185 = arith.constant 4 : i32
      %add3A_186 = arith.addi %add3A_184, %add3A_185 : i32
      %dma_wait3A_187 = arith.constant 0 : i32
      %dma_wait3A_188 = arith.constant 0 : i32
      %dma_wait3A_189 = tpu.memref_slice %arg30[%dma_wait3A_187, %dma_wait3A_188] : memref<10000x128xf32, #tpu.memory_space<vmem_shared>> -> memref<10000x128xf32, #tpu.memory_space<vmem_shared>>
      tpu.wait_indirect_dma semaphore(%arg28 : memref<!tpu.dma_semaphore, #tpu.memory_space<semaphore_mem>>) src(%arg16 : memref<80x128xf32, #tpu.memory_space<vmem>>) dst(%dma_wait3A_189 : memref<10000x128xf32, #tpu.memory_space<vmem_shared>>)
      %lt3A_190 = arith.constant 125 : i32
      %lt3A_191 = arith.cmpi slt, %add3A_186, %lt3A_190 : i32
      %convert_element_type3A_192 = arith.extui %lt3A_191 : i1 to i32
      %cond3A_193 = arith.constant 0 : i32
      %cond3A_194 = arith.cmpi ne, %convert_element_type3A_192, %cond3A_193 : i32
      scf.if %cond3A_194 {
        %mul3A_209 = arith.constant 80 : i32
        %mul3A_210 = arith.muli %add3A_186, %mul3A_209 : i32
        %add3A_211 = arith.addi %mul3A_4, %mul3A_210 : i32
        %dma_start3A_212 = tpu.memref_slice %arg3[%add3A_211] : memref<320000xi32, #tpu.memory_space<hbm>> -> memref<80xi32, #tpu.memory_space<hbm>>
        %dma_start3A_213 = tpu.memref_slice %arg3[%add3A_211] : memref<320000xi32, #tpu.memory_space<hbm>> -> memref<80xi32, #tpu.memory_space<hbm>>
        tpu.enqueue_dma source(%dma_start3A_213 : memref<80xi32, #tpu.memory_space<hbm>>) target(%arg8 : memref<80xi32, #tpu.memory_space<vmem>>) target_semaphore(%arg20 : memref<!tpu.dma_semaphore, #tpu.memory_space<semaphore_mem>>)
        %dma_start3A_214 = tpu.memref_slice %arg4[%add3A_211] : memref<320000xi32, #tpu.memory_space<hbm>> -> memref<80xi32, #tpu.memory_space<hbm>>
        %dma_start3A_215 = tpu.memref_slice %arg4[%add3A_211] : memref<320000xi32, #tpu.memory_space<hbm>> -> memref<80xi32, #tpu.memory_space<hbm>>
        tpu.enqueue_dma source(%dma_start3A_215 : memref<80xi32, #tpu.memory_space<hbm>>) target(%arg12 : memref<80xi32, #tpu.memory_space<vmem>>) target_semaphore(%arg20 : memref<!tpu.dma_semaphore, #tpu.memory_space<semaphore_mem>>)
      } else {
      }
      %mul3A_195 = arith.constant 4 : i32
      %mul3A_196 = arith.muli %scan3A_72, %mul3A_195 : i32
      %add3A_197 = arith.constant 3 : i32
      %add3A_198 = arith.addi %mul3A_196, %add3A_197 : i32
      %add3A_199 = arith.constant 4 : i32
      %add3A_200 = arith.addi %add3A_198, %add3A_199 : i32
      %dma_wait3A_201 = arith.constant 0 : i32
      %dma_wait3A_202 = arith.constant 0 : i32
      %dma_wait3A_203 = tpu.memref_slice %arg30[%dma_wait3A_201, %dma_wait3A_202] : memref<10000x128xf32, #tpu.memory_space<vmem_shared>> -> memref<10000x128xf32, #tpu.memory_space<vmem_shared>>
      tpu.wait_indirect_dma semaphore(%arg29 : memref<!tpu.dma_semaphore, #tpu.memory_space<semaphore_mem>>) src(%arg17 : memref<80x128xf32, #tpu.memory_space<vmem>>) dst(%dma_wait3A_203 : memref<10000x128xf32, #tpu.memory_space<vmem_shared>>)
      %lt3A_204 = arith.constant 125 : i32
      %lt3A_205 = arith.cmpi slt, %add3A_200, %lt3A_204 : i32
      %convert_element_type3A_206 = arith.extui %lt3A_205 : i1 to i32
      %cond3A_207 = arith.constant 0 : i32
      %cond3A_208 = arith.cmpi ne, %convert_element_type3A_206, %cond3A_207 : i32
      scf.if %cond3A_208 {
        %mul3A_209 = arith.constant 80 : i32
        %mul3A_210 = arith.muli %add3A_200, %mul3A_209 : i32
        %add3A_211 = arith.addi %mul3A_4, %mul3A_210 : i32
        %dma_start3A_212 = tpu.memref_slice %arg3[%add3A_211] : memref<320000xi32, #tpu.memory_space<hbm>> -> memref<80xi32, #tpu.memory_space<hbm>>
        %dma_start3A_213 = tpu.memref_slice %arg3[%add3A_211] : memref<320000xi32, #tpu.memory_space<hbm>> -> memref<80xi32, #tpu.memory_space<hbm>>
        tpu.enqueue_dma source(%dma_start3A_213 : memref<80xi32, #tpu.memory_space<hbm>>) target(%arg9 : memref<80xi32, #tpu.memory_space<vmem>>) target_semaphore(%arg21 : memref<!tpu.dma_semaphore, #tpu.memory_space<semaphore_mem>>)
        %dma_start3A_214 = tpu.memref_slice %arg4[%add3A_211] : memref<320000xi32, #tpu.memory_space<hbm>> -> memref<80xi32, #tpu.memory_space<hbm>>
        %dma_start3A_215 = tpu.memref_slice %arg4[%add3A_211] : memref<320000xi32, #tpu.memory_space<hbm>> -> memref<80xi32, #tpu.memory_space<hbm>>
        tpu.enqueue_dma source(%dma_start3A_215 : memref<80xi32, #tpu.memory_space<hbm>>) target(%arg13 : memref<80xi32, #tpu.memory_space<vmem>>) target_semaphore(%arg21 : memref<!tpu.dma_semaphore, #tpu.memory_space<semaphore_mem>>)
      } else {
      }
    }
    %scan3A_38 = arith.constant 31 : i32
    %dma_wait3A = arith.constant 0 : i32
    %dma_wait3A_39 = tpu.memref_slice %arg3[%dma_wait3A] : memref<320000xi32, #tpu.memory_space<hbm>> -> memref<80xi32, #tpu.memory_space<hbm>>
    %dma_wait3A_40 = arith.constant 0 : i32
    %dma_wait3A_41 = tpu.memref_slice %arg3[%dma_wait3A_40] : memref<320000xi32, #tpu.memory_space<hbm>> -> memref<80xi32, #tpu.memory_space<hbm>>
    tpu.wait_dma2 semaphore(%arg18 : memref<!tpu.dma_semaphore, #tpu.memory_space<semaphore_mem>>) src(%dma_wait3A_41 : memref<80xi32, #tpu.memory_space<hbm>>) dst(%arg6 : memref<80xi32, #tpu.memory_space<vmem>>)
    %dma_wait3A_42 = arith.constant 0 : i32
    %dma_wait3A_43 = tpu.memref_slice %arg4[%dma_wait3A_42] : memref<320000xi32, #tpu.memory_space<hbm>> -> memref<80xi32, #tpu.memory_space<hbm>>
    %dma_wait3A_44 = arith.constant 0 : i32
    %dma_wait3A_45 = tpu.memref_slice %arg4[%dma_wait3A_44] : memref<320000xi32, #tpu.memory_space<hbm>> -> memref<80xi32, #tpu.memory_space<hbm>>
    tpu.wait_dma2 semaphore(%arg18 : memref<!tpu.dma_semaphore, #tpu.memory_space<semaphore_mem>>) src(%dma_wait3A_45 : memref<80xi32, #tpu.memory_space<hbm>>) dst(%arg10 : memref<80xi32, #tpu.memory_space<vmem>>)
    %dma_start3A_46 = arith.constant 0 : i32
    %dma_start3A_47 = arith.constant 0 : i32
    %dma_start3A_48 = tpu.memref_slice %arg2[%dma_start3A_46, %dma_start3A_47] : memref<10000x128xf32, #tpu.memory_space<hbm>> -> memref<10000x128xf32, #tpu.memory_space<hbm>>
    tpu.enqueue_indirect_dma source(%dma_start3A_48 : memref<10000x128xf32, #tpu.memory_space<hbm>>) target(%arg14 : memref<80x128xf32, #tpu.memory_space<vmem>>) offsets(%arg6 : memref<80xi32, #tpu.memory_space<vmem>>) semaphore(%arg22 : memref<!tpu.dma_semaphore, #tpu.memory_space<semaphore_mem>>)
    %dma_wait3A_49 = arith.constant 0 : i32
    %dma_wait3A_50 = arith.constant 0 : i32
    %dma_wait3A_51 = tpu.memref_slice %arg2[%dma_wait3A_49, %dma_wait3A_50] : memref<10000x128xf32, #tpu.memory_space<hbm>> -> memref<80x128xf32, #tpu.memory_space<hbm>>
    %dma_wait3A_52 = arith.constant 0 : i32
    %dma_wait3A_53 = arith.constant 0 : i32
    %dma_wait3A_54 = tpu.memref_slice %arg2[%dma_wait3A_52, %dma_wait3A_53] : memref<10000x128xf32, #tpu.memory_space<hbm>> -> memref<80x128xf32, #tpu.memory_space<hbm>>
    tpu.wait_dma2 semaphore(%arg22 : memref<!tpu.dma_semaphore, #tpu.memory_space<semaphore_mem>>) src(%dma_wait3A_54 : memref<80x128xf32, #tpu.memory_space<hbm>>) dst(%arg14 : memref<80x128xf32, #tpu.memory_space<vmem>>)
    %dma_start3A_55 = arith.constant 0 : i32
    %dma_start3A_56 = arith.constant 0 : i32
    %dma_start3A_57 = tpu.memref_slice %arg30[%dma_start3A_55, %dma_start3A_56] : memref<10000x128xf32, #tpu.memory_space<vmem_shared>> -> memref<10000x128xf32, #tpu.memory_space<vmem_shared>>
    tpu.enqueue_indirect_dma source(%arg14 : memref<80x128xf32, #tpu.memory_space<vmem>>) target(%dma_start3A_57 : memref<10000x128xf32, #tpu.memory_space<vmem_shared>>) offsets(%arg10 : memref<80xi32, #tpu.memory_space<vmem>>) semaphore(%arg26 : memref<!tpu.dma_semaphore, #tpu.memory_space<semaphore_mem>>) {add = true}
    %dma_wait3A_58 = arith.constant 0 : i32
    %dma_wait3A_59 = arith.constant 0 : i32
    %dma_wait3A_60 = tpu.memref_slice %arg30[%dma_wait3A_58, %dma_wait3A_59] : memref<10000x128xf32, #tpu.memory_space<vmem_shared>> -> memref<10000x128xf32, #tpu.memory_space<vmem_shared>>
    tpu.wait_indirect_dma semaphore(%arg26 : memref<!tpu.dma_semaphore, #tpu.memory_space<semaphore_mem>>) src(%arg14 : memref<80x128xf32, #tpu.memory_space<vmem>>) dst(%dma_wait3A_60 : memref<10000x128xf32, #tpu.memory_space<vmem_shared>>)
    %barrier3A_61 = arith.constant 0 : index
    tpu.barrier barrier_id(%barrier3A_61)
    %lt3A_62 = arith.constant 15 : i32
    %lt3A_63 = arith.cmpi slt, %arg1, %lt3A_62 : i32
    %convert_element_type3A_64 = arith.extui %lt3A_63 : i1 to i32
    %cond3A_65 = arith.constant 0 : i32
    %cond3A_66 = arith.cmpi ne, %convert_element_type3A_64, %cond3A_65 : i32
    scf.if %cond3A_66 {
      "tpu.region"() ({
        %run_scoped3A = tpu.sem_alloc : memref<!tpu.dma_semaphore, #tpu.memory_space<semaphore_mem>>
        %dma_start3A_72 = arith.constant 0 : i32
        %dma_start3A_73 = tpu.memref_slice %arg5[%arg0, %mul3A_2, %dma_start3A_72] : memref<2x10000x128xf32, #tpu.memory_space<hbm>> -> memref<1x632x128xf32, #tpu.memory_space<hbm>>
        %dma_start3A_74 = tpu.memref_squeeze %dma_start3A_73 : memref<1x632x128xf32, #tpu.memory_space<hbm>> -> memref<632x128xf32, #tpu.memory_space<hbm>>
        %dma_start3A_75 = arith.constant 0 : i32
        %dma_start3A_76 = tpu.memref_slice %arg30[%mul3A_2, %dma_start3A_75] : memref<10000x128xf32, #tpu.memory_space<vmem_shared>> -> memref<632x128xf32, #tpu.memory_space<vmem_shared>>
        tpu.enqueue_dma source(%dma_start3A_76 : memref<632x128xf32, #tpu.memory_space<vmem_shared>>) target(%dma_start3A_74 : memref<632x128xf32, #tpu.memory_space<hbm>>) target_semaphore(%run_scoped3A : memref<!tpu.dma_semaphore, #tpu.memory_space<semaphore_mem>>)
        %dma_wait3A_77 = arith.constant 0 : i32
        %dma_wait3A_78 = tpu.memref_slice %arg5[%arg0, %mul3A_2, %dma_wait3A_77] : memref<2x10000x128xf32, #tpu.memory_space<hbm>> -> memref<1x632x128xf32, #tpu.memory_space<hbm>>
        %dma_wait3A_79 = tpu.memref_squeeze %dma_wait3A_78 : memref<1x632x128xf32, #tpu.memory_space<hbm>> -> memref<632x128xf32, #tpu.memory_space<hbm>>
        %dma_wait3A_80 = arith.constant 0 : i32
        %dma_wait3A_81 = tpu.memref_slice %arg30[%mul3A_2, %dma_wait3A_80] : memref<10000x128xf32, #tpu.memory_space<vmem_shared>> -> memref<632x128xf32, #tpu.memory_space<vmem_shared>>
        tpu.wait_dma2 semaphore(%run_scoped3A : memref<!tpu.dma_semaphore, #tpu.memory_space<semaphore_mem>>) src(%dma_wait3A_81 : memref<632x128xf32, #tpu.memory_space<vmem_shared>>) dst(%dma_wait3A_79 : memref<632x128xf32, #tpu.memory_space<hbm>>)
        tpu.yield
      }) : () -> ()
    } else {
    }
    %eq3A_67 = arith.constant 15 : i32
    %eq3A_68 = arith.cmpi eq, %arg1, %eq3A_67 : i32
    %convert_element_type3A_69 = arith.extui %eq3A_68 : i1 to i32
    %cond3A_70 = arith.constant 0 : i32
    %cond3A_71 = arith.cmpi ne, %convert_element_type3A_69, %cond3A_70 : i32
    scf.if %cond3A_71 {
      "tpu.region"() ({
        %run_scoped3A = tpu.sem_alloc : memref<!tpu.dma_semaphore, #tpu.memory_space<semaphore_mem>>
        %dma_start3A_72 = arith.constant 9480 : i32
        %dma_start3A_73 = arith.constant 0 : i32
        %dma_start3A_74 = tpu.memref_slice %arg5[%arg0, %dma_start3A_72, %dma_start3A_73] : memref<2x10000x128xf32, #tpu.memory_space<hbm>> -> memref<1x520x128xf32, #tpu.memory_space<hbm>>
        %dma_start3A_75 = tpu.memref_squeeze %dma_start3A_74 : memref<1x520x128xf32, #tpu.memory_space<hbm>> -> memref<520x128xf32, #tpu.memory_space<hbm>>
        %dma_start3A_76 = arith.constant 9480 : i32
        %dma_start3A_77 = arith.constant 0 : i32
        %dma_start3A_78 = tpu.memref_slice %arg30[%dma_start3A_76, %dma_start3A_77] : memref<10000x128xf32, #tpu.memory_space<vmem_shared>> -> memref<520x128xf32, #tpu.memory_space<vmem_shared>>
        tpu.enqueue_dma source(%dma_start3A_78 : memref<520x128xf32, #tpu.memory_space<vmem_shared>>) target(%dma_start3A_75 : memref<520x128xf32, #tpu.memory_space<hbm>>) target_semaphore(%run_scoped3A : memref<!tpu.dma_semaphore, #tpu.memory_space<semaphore_mem>>)
        %dma_wait3A_79 = arith.constant 9480 : i32
        %dma_wait3A_80 = arith.constant 0 : i32
        %dma_wait3A_81 = tpu.memref_slice %arg5[%arg0, %dma_wait3A_79, %dma_wait3A_80] : memref<2x10000x128xf32, #tpu.memory_space<hbm>> -> memref<1x520x128xf32, #tpu.memory_space<hbm>>
        %dma_wait3A_82 = tpu.memref_squeeze %dma_wait3A_81 : memref<1x520x128xf32, #tpu.memory_space<hbm>> -> memref<520x128xf32, #tpu.memory_space<hbm>>
        %dma_wait3A_83 = arith.constant 9480 : i32
        %dma_wait3A_84 = arith.constant 0 : i32
        %dma_wait3A_85 = tpu.memref_slice %arg30[%dma_wait3A_83, %dma_wait3A_84] : memref<10000x128xf32, #tpu.memory_space<vmem_shared>> -> memref<520x128xf32, #tpu.memory_space<vmem_shared>>
        tpu.wait_dma2 semaphore(%run_scoped3A : memref<!tpu.dma_semaphore, #tpu.memory_space<semaphore_mem>>) src(%dma_wait3A_85 : memref<520x128xf32, #tpu.memory_space<vmem_shared>>) dst(%dma_wait3A_82 : memref<520x128xf32, #tpu.memory_space<hbm>>)
        tpu.yield
      }) : () -> ()
    } else {
    }
    return
  }
}

#map = affine_map<(d0, d1) -> (0, 0)>
#map1 = affine_map<(d0, d1) -> (0)>
module attributes {stable_mosaic.version = 14 : i64} {
  func.func @_deg_kernel(%arg0: i32, %arg1: i32, %arg2: memref<2x320000xi32, #tpu.memory_space<hbm>>, %arg3: memref<2x10240xf32, #tpu.memory_space<hbm>>, %arg4: memref<320000xi32, #tpu.memory_space<hbm>>, %arg5: memref<320000xi32, #tpu.memory_space<hbm>>, %arg6: memref<2x512xi32, #tpu.memory_space<vmem>>, %arg7: memref<2x512xi32, #tpu.memory_space<vmem>>, %arg8: memref<2x512xi32, #tpu.memory_space<vmem>>, %arg9: memref<2x512xi32, #tpu.memory_space<vmem>>, %arg10: memref<512xf32, #tpu.memory_space<vmem>>, %arg11: memref<640xf32, #tpu.memory_space<vmem>>, %arg12: memref<!tpu.dma_semaphore, #tpu.memory_space<semaphore_mem>>, %arg13: memref<!tpu.dma_semaphore, #tpu.memory_space<semaphore_mem>>, %arg14: memref<!tpu.dma_semaphore, #tpu.memory_space<semaphore_mem>>, %arg15: memref<!tpu.dma_semaphore, #tpu.memory_space<semaphore_mem>>, %arg16: memref<!tpu.dma_semaphore, #tpu.memory_space<semaphore_mem>>, %arg17: memref<!tpu.dma_semaphore, #tpu.memory_space<semaphore_mem>>, %arg18: memref<!tpu.dma_semaphore, #tpu.memory_space<semaphore_mem>>, %arg19: memref<!tpu.dma_semaphore, #tpu.memory_space<semaphore_mem>>, %arg20: memref<!tpu.dma_semaphore, #tpu.memory_space<semaphore_mem>>, %arg21: memref<!tpu.dma_semaphore, #tpu.memory_space<semaphore_mem>>, %arg22: memref<!tpu.dma_semaphore, #tpu.memory_space<semaphore_mem>>, %arg23: memref<!tpu.dma_semaphore, #tpu.memory_space<semaphore_mem>>, %arg24: memref<10240xf32, #tpu.memory_space<vmem_shared>>) attributes {dimension_semantics = [#tpu.dimension_semantics<core_parallel>, #tpu.dimension_semantics<subcore_parallel>], iteration_bounds = array<i64: 2, 16>, scalar_prefetch = 0 : i64, scratch_operands = 19 : i64, tpu.core_type = #tpu.core_type<sc_vector_subcore>, window_params = [{transform_indices = #map}, {transform_indices = #map}, {transform_indices = #map1}, {transform_indices = #map1}]} {
    %mul3A = arith.constant 2 : i32
    %mul3A_0 = arith.muli %arg1, %mul3A : i32
    %add3A = arith.addi %mul3A_0, %arg0 : i32
    %scan3A = arith.constant 0 : i32
    %scan3A_1 = arith.constant 0 : i32
    %scan3A_2 = arith.constant 40 : i32
    %scan3A_3 = arith.addi %scan3A_1, %scan3A_2 : i32
    %scan3A_4 = arith.constant 1 : i32
    scf.for %scan3A_415 = %scan3A_1 to %scan3A_3 step %scan3A_4  : i32 {
      %broadcast_in_dim3A = arith.constant 0.000000e+00 : f32
      %broadcast_in_dim3A_416 = vector.broadcast %broadcast_in_dim3A : f32 to vector<16xf32>
      %mul3A_417 = arith.constant 16 : i32
      %mul3A_418 = arith.muli %scan3A_415, %mul3A_417 : i32
      %swap3A = arith.index_cast %mul3A_418 : i32 to index
      %swap3A_419 = tpu.vector_load %arg11[%swap3A] {strides = array<i32>} : memref<640xf32, #tpu.memory_space<vmem>>, vector<16xf32>,
      %swap3A_420 = vector.shape_cast %swap3A_419 : vector<16xf32> to vector<16xf32>
      %swap3A_421 = vector.shape_cast %broadcast_in_dim3A_416 : vector<16xf32> to vector<16xf32>
      tpu.vector_store %arg11[%swap3A], %swap3A_421 {strides = array<i32>} : memref<640xf32, #tpu.memory_space<vmem>>, vector<16xf32>,
    }
    %scan3A_5 = arith.constant 40 : i32
    %scan3A_6 = arith.constant 0 : i32
    %scan3A_7 = arith.constant 0 : i32
    %scan3A_8 = arith.constant 32 : i32
    %scan3A_9 = arith.addi %scan3A_7, %scan3A_8 : i32
    %scan3A_10 = arith.constant 1 : i32
    scf.for %scan3A_415 = %scan3A_7 to %scan3A_9 step %scan3A_10  : i32 {
      %broadcast_in_dim3A = arith.constant 1.000000e+00 : f32
      %broadcast_in_dim3A_416 = vector.broadcast %broadcast_in_dim3A : f32 to vector<16xf32>
      %mul3A_417 = arith.constant 16 : i32
      %mul3A_418 = arith.muli %scan3A_415, %mul3A_417 : i32
      %swap3A = arith.index_cast %mul3A_418 : i32 to index
      %swap3A_419 = tpu.vector_load %arg10[%swap3A] {strides = array<i32>} : memref<512xf32, #tpu.memory_space<vmem>>, vector<16xf32>,
      %swap3A_420 = vector.shape_cast %swap3A_419 : vector<16xf32> to vector<16xf32>
      %swap3A_421 = vector.shape_cast %broadcast_in_dim3A_416 : vector<16xf32> to vector<16xf32>
      tpu.vector_store %arg10[%swap3A], %swap3A_421 {strides = array<i32>} : memref<512xf32, #tpu.memory_space<vmem>>, vector<16xf32>,
    }
    %scan3A_11 = arith.constant 32 : i32
    %mul3A_12 = arith.constant 640 : i32
    %mul3A_13 = arith.muli %arg1, %mul3A_12 : i32
    "tpu.region"() ({
      %run_scoped3A = tpu.sem_alloc : memref<!tpu.dma_semaphore, #tpu.memory_space<semaphore_mem>>
      %dma_start3A_415 = tpu.memref_slice %arg24[%mul3A_13] : memref<10240xf32, #tpu.memory_space<vmem_shared>> -> memref<640xf32, #tpu.memory_space<vmem_shared>>
      %dma_start3A_416 = tpu.memref_slice %arg24[%mul3A_13] : memref<10240xf32, #tpu.memory_space<vmem_shared>> -> memref<640xf32, #tpu.memory_space<vmem_shared>>
      tpu.enqueue_dma source(%arg11 : memref<640xf32, #tpu.memory_space<vmem>>) target(%dma_start3A_416 : memref<640xf32, #tpu.memory_space<vmem_shared>>) target_semaphore(%run_scoped3A : memref<!tpu.dma_semaphore, #tpu.memory_space<semaphore_mem>>)
      %dma_wait3A_417 = tpu.memref_slice %arg24[%mul3A_13] : memref<10240xf32, #tpu.memory_space<vmem_shared>> -> memref<640xf32, #tpu.memory_space<vmem_shared>>
      %dma_wait3A_418 = tpu.memref_slice %arg24[%mul3A_13] : memref<10240xf32, #tpu.memory_space<vmem_shared>> -> memref<640xf32, #tpu.memory_space<vmem_shared>>
      tpu.wait_dma2 semaphore(%run_scoped3A : memref<!tpu.dma_semaphore, #tpu.memory_space<semaphore_mem>>) src(%arg11 : memref<640xf32, #tpu.memory_space<vmem>>) dst(%dma_wait3A_418 : memref<640xf32, #tpu.memory_space<vmem_shared>>)
      tpu.yield
    }) : () -> ()
    %barrier3A = arith.constant 0 : index
    tpu.barrier barrier_id(%barrier3A)
    %mul3A_14 = arith.constant 19 : i32
    %mul3A_15 = arith.muli %add3A, %mul3A_14 : i32
    %min3A = arith.constant 17 : i32
    %min3A_16 = arith.minsi %add3A, %min3A : i32
    %add3A_17 = arith.addi %mul3A_15, %min3A_16 : i32
    %add3A_18 = arith.constant 0 : i32
    %add3A_19 = arith.addi %add3A_17, %add3A_18 : i32
    %mul3A_20 = arith.constant 512 : i32
    %mul3A_21 = arith.muli %add3A_19, %mul3A_20 : i32
    %dma_start3A = arith.constant 0 : i32
    %dma_start3A_22 = tpu.memref_slice %arg2[%dma_start3A, %mul3A_21] : memref<2x320000xi32, #tpu.memory_space<hbm>> -> memref<2x512xi32, #tpu.memory_space<hbm>>
    %dma_start3A_23 = arith.constant 0 : i32
    %dma_start3A_24 = tpu.memref_slice %arg2[%dma_start3A_23, %mul3A_21] : memref<2x320000xi32, #tpu.memory_space<hbm>> -> memref<2x512xi32, #tpu.memory_space<hbm>>
    tpu.enqueue_dma source(%dma_start3A_24 : memref<2x512xi32, #tpu.memory_space<hbm>>) target(%arg6 : memref<2x512xi32, #tpu.memory_space<vmem>>) target_semaphore(%arg12 : memref<!tpu.dma_semaphore, #tpu.memory_space<semaphore_mem>>)
    %add3A_25 = arith.constant 1 : i32
    %add3A_26 = arith.addi %add3A_17, %add3A_25 : i32
    %mul3A_27 = arith.constant 512 : i32
    %mul3A_28 = arith.muli %add3A_26, %mul3A_27 : i32
    %dma_start3A_29 = arith.constant 0 : i32
    %dma_start3A_30 = tpu.memref_slice %arg2[%dma_start3A_29, %mul3A_28] : memref<2x320000xi32, #tpu.memory_space<hbm>> -> memref<2x512xi32, #tpu.memory_space<hbm>>
    %dma_start3A_31 = arith.constant 0 : i32
    %dma_start3A_32 = tpu.memref_slice %arg2[%dma_start3A_31, %mul3A_28] : memref<2x320000xi32, #tpu.memory_space<hbm>> -> memref<2x512xi32, #tpu.memory_space<hbm>>
    tpu.enqueue_dma source(%dma_start3A_32 : memref<2x512xi32, #tpu.memory_space<hbm>>) target(%arg7 : memref<2x512xi32, #tpu.memory_space<vmem>>) target_semaphore(%arg13 : memref<!tpu.dma_semaphore, #tpu.memory_space<semaphore_mem>>)
    %add3A_33 = arith.constant 2 : i32
    %add3A_34 = arith.addi %add3A_17, %add3A_33 : i32
    %mul3A_35 = arith.constant 512 : i32
    %mul3A_36 = arith.muli %add3A_34, %mul3A_35 : i32
    %dma_start3A_37 = arith.constant 0 : i32
    %dma_start3A_38 = tpu.memref_slice %arg2[%dma_start3A_37, %mul3A_36] : memref<2x320000xi32, #tpu.memory_space<hbm>> -> memref<2x512xi32, #tpu.memory_space<hbm>>
    %dma_start3A_39 = arith.constant 0 : i32
    %dma_start3A_40 = tpu.memref_slice %arg2[%dma_start3A_39, %mul3A_36] : memref<2x320000xi32, #tpu.memory_space<hbm>> -> memref<2x512xi32, #tpu.memory_space<hbm>>
    tpu.enqueue_dma source(%dma_start3A_40 : memref<2x512xi32, #tpu.memory_space<hbm>>) target(%arg8 : memref<2x512xi32, #tpu.memory_space<vmem>>) target_semaphore(%arg14 : memref<!tpu.dma_semaphore, #tpu.memory_space<semaphore_mem>>)
    %add3A_41 = arith.constant 3 : i32
    %add3A_42 = arith.addi %add3A_17, %add3A_41 : i32
    %mul3A_43 = arith.constant 512 : i32
    %mul3A_44 = arith.muli %add3A_42, %mul3A_43 : i32
    %dma_start3A_45 = arith.constant 0 : i32
    %dma_start3A_46 = tpu.memref_slice %arg2[%dma_start3A_45, %mul3A_44] : memref<2x320000xi32, #tpu.memory_space<hbm>> -> memref<2x512xi32, #tpu.memory_space<hbm>>
    %dma_start3A_47 = arith.constant 0 : i32
    %dma_start3A_48 = tpu.memref_slice %arg2[%dma_start3A_47, %mul3A_44] : memref<2x320000xi32, #tpu.memory_space<hbm>> -> memref<2x512xi32, #tpu.memory_space<hbm>>
    tpu.enqueue_dma source(%dma_start3A_48 : memref<2x512xi32, #tpu.memory_space<hbm>>) target(%arg9 : memref<2x512xi32, #tpu.memory_space<vmem>>) target_semaphore(%arg15 : memref<!tpu.dma_semaphore, #tpu.memory_space<semaphore_mem>>)
    %scan3A_49 = arith.constant 0 : i32
    %scan3A_50 = arith.constant 0 : i32
    %scan3A_51 = arith.constant 4 : i32
    %scan3A_52 = arith.addi %scan3A_50, %scan3A_51 : i32
    %scan3A_53 = arith.constant 1 : i32
    scf.for %scan3A_415 = %scan3A_50 to %scan3A_52 step %scan3A_53  : i32 {
      %mul3A_416 = arith.constant 4 : i32
      %mul3A_417 = arith.muli %scan3A_415, %mul3A_416 : i32
      %add3A_418 = arith.addi %add3A_17, %mul3A_417 : i32
      %add3A_419 = arith.constant 0 : i32
      %add3A_420 = arith.addi %add3A_418, %add3A_419 : i32
      %dma_wait3A_421 = arith.constant 0 : i32
      %dma_wait3A_422 = arith.constant 0 : i32
      %dma_wait3A_423 = tpu.memref_slice %arg2[%dma_wait3A_421, %dma_wait3A_422] : memref<2x320000xi32, #tpu.memory_space<hbm>> -> memref<2x512xi32, #tpu.memory_space<hbm>>
      %dma_wait3A_424 = arith.constant 0 : i32
      %dma_wait3A_425 = arith.constant 0 : i32
      %dma_wait3A_426 = tpu.memref_slice %arg2[%dma_wait3A_424, %dma_wait3A_425] : memref<2x320000xi32, #tpu.memory_space<hbm>> -> memref<2x512xi32, #tpu.memory_space<hbm>>
      tpu.wait_dma2 semaphore(%arg12 : memref<!tpu.dma_semaphore, #tpu.memory_space<semaphore_mem>>) src(%dma_wait3A_426 : memref<2x512xi32, #tpu.memory_space<hbm>>) dst(%arg6 : memref<2x512xi32, #tpu.memory_space<vmem>>)
      %dma_start3A_427 = arith.constant 1 : i32
      %dma_start3A_428 = arith.constant 0 : i32
      %dma_start3A_429 = tpu.memref_slice %arg10[%dma_start3A_428] : memref<512xf32, #tpu.memory_space<vmem>> -> memref<128xf32, #tpu.memory_space<vmem>>
      %dma_start3A_430 = arith.constant 0 : i32
      %dma_start3A_431 = tpu.memref_slice %arg6[%dma_start3A_427, %dma_start3A_430] : memref<2x512xi32, #tpu.memory_space<vmem>> -> memref<1x128xi32, #tpu.memory_space<vmem>>
      %dma_start3A_432 = tpu.memref_squeeze %dma_start3A_431 : memref<1x128xi32, #tpu.memory_space<vmem>> -> memref<128xi32, #tpu.memory_space<vmem>>
      %dma_start3A_433 = arith.constant 0 : i32
      %dma_start3A_434 = tpu.memref_slice %arg24[%dma_start3A_433] : memref<10240xf32, #tpu.memory_space<vmem_shared>> -> memref<10240xf32, #tpu.memory_space<vmem_shared>>
      tpu.enqueue_indirect_dma source(%dma_start3A_429 : memref<128xf32, #tpu.memory_space<vmem>>) target(%dma_start3A_434 : memref<10240xf32, #tpu.memory_space<vmem_shared>>) offsets(%dma_start3A_432 : memref<128xi32, #tpu.memory_space<vmem>>) semaphore(%arg16 : memref<!tpu.dma_semaphore, #tpu.memory_space<semaphore_mem>>) {add = true}
      %dma_start3A_435 = arith.constant 1 : i32
      %dma_start3A_436 = arith.constant 0 : i32
      %dma_start3A_437 = tpu.memref_slice %arg10[%dma_start3A_436] : memref<512xf32, #tpu.memory_space<vmem>> -> memref<128xf32, #tpu.memory_space<vmem>>
      %dma_start3A_438 = arith.constant 128 : i32
      %dma_start3A_439 = tpu.memref_slice %arg6[%dma_start3A_435, %dma_start3A_438] : memref<2x512xi32, #tpu.memory_space<vmem>> -> memref<1x128xi32, #tpu.memory_space<vmem>>
      %dma_start3A_440 = tpu.memref_squeeze %dma_start3A_439 : memref<1x128xi32, #tpu.memory_space<vmem>> -> memref<128xi32, #tpu.memory_space<vmem>>
      %dma_start3A_441 = arith.constant 0 : i32
      %dma_start3A_442 = tpu.memref_slice %arg24[%dma_start3A_441] : memref<10240xf32, #tpu.memory_space<vmem_shared>> -> memref<10240xf32, #tpu.memory_space<vmem_shared>>
      tpu.enqueue_indirect_dma source(%dma_start3A_437 : memref<128xf32, #tpu.memory_space<vmem>>) target(%dma_start3A_442 : memref<10240xf32, #tpu.memory_space<vmem_shared>>) offsets(%dma_start3A_440 : memref<128xi32, #tpu.memory_space<vmem>>) semaphore(%arg16 : memref<!tpu.dma_semaphore, #tpu.memory_space<semaphore_mem>>) {add = true}
      %dma_start3A_443 = arith.constant 1 : i32
      %dma_start3A_444 = arith.constant 0 : i32
      %dma_start3A_445 = tpu.memref_slice %arg10[%dma_start3A_444] : memref<512xf32, #tpu.memory_space<vmem>> -> memref<128xf32, #tpu.memory_space<vmem>>
      %dma_start3A_446 = arith.constant 256 : i32
      %dma_start3A_447 = tpu.memref_slice %arg6[%dma_start3A_443, %dma_start3A_446] : memref<2x512xi32, #tpu.memory_space<vmem>> -> memref<1x128xi32, #tpu.memory_space<vmem>>
      %dma_start3A_448 = tpu.memref_squeeze %dma_start3A_447 : memref<1x128xi32, #tpu.memory_space<vmem>> -> memref<128xi32, #tpu.memory_space<vmem>>
      %dma_start3A_449 = arith.constant 0 : i32
      %dma_start3A_450 = tpu.memref_slice %arg24[%dma_start3A_449] : memref<10240xf32, #tpu.memory_space<vmem_shared>> -> memref<10240xf32, #tpu.memory_space<vmem_shared>>
      tpu.enqueue_indirect_dma source(%dma_start3A_445 : memref<128xf32, #tpu.memory_space<vmem>>) target(%dma_start3A_450 : memref<10240xf32, #tpu.memory_space<vmem_shared>>) offsets(%dma_start3A_448 : memref<128xi32, #tpu.memory_space<vmem>>) semaphore(%arg16 : memref<!tpu.dma_semaphore, #tpu.memory_space<semaphore_mem>>) {add = true}
      %dma_start3A_451 = arith.constant 1 : i32
      %dma_start3A_452 = arith.constant 0 : i32
      %dma_start3A_453 = tpu.memref_slice %arg10[%dma_start3A_452] : memref<512xf32, #tpu.memory_space<vmem>> -> memref<128xf32, #tpu.memory_space<vmem>>
      %dma_start3A_454 = arith.constant 384 : i32
      %dma_start3A_455 = tpu.memref_slice %arg6[%dma_start3A_451, %dma_start3A_454] : memref<2x512xi32, #tpu.memory_space<vmem>> -> memref<1x128xi32, #tpu.memory_space<vmem>>
      %dma_start3A_456 = tpu.memref_squeeze %dma_start3A_455 : memref<1x128xi32, #tpu.memory_space<vmem>> -> memref<128xi32, #tpu.memory_space<vmem>>
      %dma_start3A_457 = arith.constant 0 : i32
      %dma_start3A_458 = tpu.memref_slice %arg24[%dma_start3A_457] : memref<10240xf32, #tpu.memory_space<vmem_shared>> -> memref<10240xf32, #tpu.memory_space<vmem_shared>>
      tpu.enqueue_indirect_dma source(%dma_start3A_453 : memref<128xf32, #tpu.memory_space<vmem>>) target(%dma_start3A_458 : memref<10240xf32, #tpu.memory_space<vmem_shared>>) offsets(%dma_start3A_456 : memref<128xi32, #tpu.memory_space<vmem>>) semaphore(%arg16 : memref<!tpu.dma_semaphore, #tpu.memory_space<semaphore_mem>>) {add = true}
      %mul3A_459 = arith.constant 512 : i32
      %mul3A_460 = arith.muli %add3A_420, %mul3A_459 : i32
      %dma_start3A_461 = arith.constant 0 : i32
      %dma_start3A_462 = arith.constant 0 : i32
      %dma_start3A_463 = tpu.memref_slice %arg6[%dma_start3A_461, %dma_start3A_462] : memref<2x512xi32, #tpu.memory_space<vmem>> -> memref<1x512xi32, #tpu.memory_space<vmem>>
      %dma_start3A_464 = tpu.memref_squeeze %dma_start3A_463 : memref<1x512xi32, #tpu.memory_space<vmem>> -> memref<512xi32, #tpu.memory_space<vmem>>
      %dma_start3A_465 = tpu.memref_slice %arg4[%mul3A_460] : memref<320000xi32, #tpu.memory_space<hbm>> -> memref<512xi32, #tpu.memory_space<hbm>>
      %dma_start3A_466 = tpu.memref_slice %arg4[%mul3A_460] : memref<320000xi32, #tpu.memory_space<hbm>> -> memref<512xi32, #tpu.memory_space<hbm>>
      %dma_start3A_467 = arith.constant 0 : i32
      %dma_start3A_468 = tpu.memref_slice %arg6[%dma_start3A_461, %dma_start3A_467] : memref<2x512xi32, #tpu.memory_space<vmem>> -> memref<1x512xi32, #tpu.memory_space<vmem>>
      %dma_start3A_469 = tpu.memref_squeeze %dma_start3A_468 : memref<1x512xi32, #tpu.memory_space<vmem>> -> memref<512xi32, #tpu.memory_space<vmem>>
      tpu.enqueue_dma source(%dma_start3A_469 : memref<512xi32, #tpu.memory_space<vmem>>) target(%dma_start3A_466 : memref<512xi32, #tpu.memory_space<hbm>>) target_semaphore(%arg20 : memref<!tpu.dma_semaphore, #tpu.memory_space<semaphore_mem>>)
      %mul3A_470 = arith.constant 512 : i32
      %mul3A_471 = arith.muli %add3A_420, %mul3A_470 : i32
      %dma_start3A_472 = arith.constant 1 : i32
      %dma_start3A_473 = arith.constant 0 : i32
      %dma_start3A_474 = tpu.memref_slice %arg6[%dma_start3A_472, %dma_start3A_473] : memref<2x512xi32, #tpu.memory_space<vmem>> -> memref<1x512xi32, #tpu.memory_space<vmem>>
      %dma_start3A_475 = tpu.memref_squeeze %dma_start3A_474 : memref<1x512xi32, #tpu.memory_space<vmem>> -> memref<512xi32, #tpu.memory_space<vmem>>
      %dma_start3A_476 = tpu.memref_slice %arg5[%mul3A_471] : memref<320000xi32, #tpu.memory_space<hbm>> -> memref<512xi32, #tpu.memory_space<hbm>>
      %dma_start3A_477 = tpu.memref_slice %arg5[%mul3A_471] : memref<320000xi32, #tpu.memory_space<hbm>> -> memref<512xi32, #tpu.memory_space<hbm>>
      %dma_start3A_478 = arith.constant 0 : i32
      %dma_start3A_479 = tpu.memref_slice %arg6[%dma_start3A_472, %dma_start3A_478] : memref<2x512xi32, #tpu.memory_space<vmem>> -> memref<1x512xi32, #tpu.memory_space<vmem>>
      %dma_start3A_480 = tpu.memref_squeeze %dma_start3A_479 : memref<1x512xi32, #tpu.memory_space<vmem>> -> memref<512xi32, #tpu.memory_space<vmem>>
      tpu.enqueue_dma source(%dma_start3A_480 : memref<512xi32, #tpu.memory_space<vmem>>) target(%dma_start3A_477 : memref<512xi32, #tpu.memory_space<hbm>>) target_semaphore(%arg20 : memref<!tpu.dma_semaphore, #tpu.memory_space<semaphore_mem>>)
      %mul3A_481 = arith.constant 4 : i32
      %mul3A_482 = arith.muli %scan3A_415, %mul3A_481 : i32
      %add3A_483 = arith.addi %add3A_17, %mul3A_482 : i32
      %add3A_484 = arith.constant 1 : i32
      %add3A_485 = arith.addi %add3A_483, %add3A_484 : i32
      %dma_wait3A_486 = arith.constant 0 : i32
      %dma_wait3A_487 = arith.constant 0 : i32
      %dma_wait3A_488 = tpu.memref_slice %arg2[%dma_wait3A_486, %dma_wait3A_487] : memref<2x320000xi32, #tpu.memory_space<hbm>> -> memref<2x512xi32, #tpu.memory_space<hbm>>
      %dma_wait3A_489 = arith.constant 0 : i32
      %dma_wait3A_490 = arith.constant 0 : i32
      %dma_wait3A_491 = tpu.memref_slice %arg2[%dma_wait3A_489, %dma_wait3A_490] : memref<2x320000xi32, #tpu.memory_space<hbm>> -> memref<2x512xi32, #tpu.memory_space<hbm>>
      tpu.wait_dma2 semaphore(%arg13 : memref<!tpu.dma_semaphore, #tpu.memory_space<semaphore_mem>>) src(%dma_wait3A_491 : memref<2x512xi32, #tpu.memory_space<hbm>>) dst(%arg7 : memref<2x512xi32, #tpu.memory_space<vmem>>)
      %dma_start3A_492 = arith.constant 1 : i32
      %dma_start3A_493 = arith.constant 0 : i32
      %dma_start3A_494 = tpu.memref_slice %arg10[%dma_start3A_493] : memref<512xf32, #tpu.memory_space<vmem>> -> memref<128xf32, #tpu.memory_space<vmem>>
      %dma_start3A_495 = arith.constant 0 : i32
      %dma_start3A_496 = tpu.memref_slice %arg7[%dma_start3A_492, %dma_start3A_495] : memref<2x512xi32, #tpu.memory_space<vmem>> -> memref<1x128xi32, #tpu.memory_space<vmem>>
      %dma_start3A_497 = tpu.memref_squeeze %dma_start3A_496 : memref<1x128xi32, #tpu.memory_space<vmem>> -> memref<128xi32, #tpu.memory_space<vmem>>
      %dma_start3A_498 = arith.constant 0 : i32
      %dma_start3A_499 = tpu.memref_slice %arg24[%dma_start3A_498] : memref<10240xf32, #tpu.memory_space<vmem_shared>> -> memref<10240xf32, #tpu.memory_space<vmem_shared>>
      tpu.enqueue_indirect_dma source(%dma_start3A_494 : memref<128xf32, #tpu.memory_space<vmem>>) target(%dma_start3A_499 : memref<10240xf32, #tpu.memory_space<vmem_shared>>) offsets(%dma_start3A_497 : memref<128xi32, #tpu.memory_space<vmem>>) semaphore(%arg17 : memref<!tpu.dma_semaphore, #tpu.memory_space<semaphore_mem>>) {add = true}
      %dma_start3A_500 = arith.constant 1 : i32
      %dma_start3A_501 = arith.constant 0 : i32
      %dma_start3A_502 = tpu.memref_slice %arg10[%dma_start3A_501] : memref<512xf32, #tpu.memory_space<vmem>> -> memref<128xf32, #tpu.memory_space<vmem>>
      %dma_start3A_503 = arith.constant 128 : i32
      %dma_start3A_504 = tpu.memref_slice %arg7[%dma_start3A_500, %dma_start3A_503] : memref<2x512xi32, #tpu.memory_space<vmem>> -> memref<1x128xi32, #tpu.memory_space<vmem>>
      %dma_start3A_505 = tpu.memref_squeeze %dma_start3A_504 : memref<1x128xi32, #tpu.memory_space<vmem>> -> memref<128xi32, #tpu.memory_space<vmem>>
      %dma_start3A_506 = arith.constant 0 : i32
      %dma_start3A_507 = tpu.memref_slice %arg24[%dma_start3A_506] : memref<10240xf32, #tpu.memory_space<vmem_shared>> -> memref<10240xf32, #tpu.memory_space<vmem_shared>>
      tpu.enqueue_indirect_dma source(%dma_start3A_502 : memref<128xf32, #tpu.memory_space<vmem>>) target(%dma_start3A_507 : memref<10240xf32, #tpu.memory_space<vmem_shared>>) offsets(%dma_start3A_505 : memref<128xi32, #tpu.memory_space<vmem>>) semaphore(%arg17 : memref<!tpu.dma_semaphore, #tpu.memory_space<semaphore_mem>>) {add = true}
      %dma_start3A_508 = arith.constant 1 : i32
      %dma_start3A_509 = arith.constant 0 : i32
      %dma_start3A_510 = tpu.memref_slice %arg10[%dma_start3A_509] : memref<512xf32, #tpu.memory_space<vmem>> -> memref<128xf32, #tpu.memory_space<vmem>>
      %dma_start3A_511 = arith.constant 256 : i32
      %dma_start3A_512 = tpu.memref_slice %arg7[%dma_start3A_508, %dma_start3A_511] : memref<2x512xi32, #tpu.memory_space<vmem>> -> memref<1x128xi32, #tpu.memory_space<vmem>>
      %dma_start3A_513 = tpu.memref_squeeze %dma_start3A_512 : memref<1x128xi32, #tpu.memory_space<vmem>> -> memref<128xi32, #tpu.memory_space<vmem>>
      %dma_start3A_514 = arith.constant 0 : i32
      %dma_start3A_515 = tpu.memref_slice %arg24[%dma_start3A_514] : memref<10240xf32, #tpu.memory_space<vmem_shared>> -> memref<10240xf32, #tpu.memory_space<vmem_shared>>
      tpu.enqueue_indirect_dma source(%dma_start3A_510 : memref<128xf32, #tpu.memory_space<vmem>>) target(%dma_start3A_515 : memref<10240xf32, #tpu.memory_space<vmem_shared>>) offsets(%dma_start3A_513 : memref<128xi32, #tpu.memory_space<vmem>>) semaphore(%arg17 : memref<!tpu.dma_semaphore, #tpu.memory_space<semaphore_mem>>) {add = true}
      %dma_start3A_516 = arith.constant 1 : i32
      %dma_start3A_517 = arith.constant 0 : i32
      %dma_start3A_518 = tpu.memref_slice %arg10[%dma_start3A_517] : memref<512xf32, #tpu.memory_space<vmem>> -> memref<128xf32, #tpu.memory_space<vmem>>
      %dma_start3A_519 = arith.constant 384 : i32
      %dma_start3A_520 = tpu.memref_slice %arg7[%dma_start3A_516, %dma_start3A_519] : memref<2x512xi32, #tpu.memory_space<vmem>> -> memref<1x128xi32, #tpu.memory_space<vmem>>
      %dma_start3A_521 = tpu.memref_squeeze %dma_start3A_520 : memref<1x128xi32, #tpu.memory_space<vmem>> -> memref<128xi32, #tpu.memory_space<vmem>>
      %dma_start3A_522 = arith.constant 0 : i32
      %dma_start3A_523 = tpu.memref_slice %arg24[%dma_start3A_522] : memref<10240xf32, #tpu.memory_space<vmem_shared>> -> memref<10240xf32, #tpu.memory_space<vmem_shared>>
      tpu.enqueue_indirect_dma source(%dma_start3A_518 : memref<128xf32, #tpu.memory_space<vmem>>) target(%dma_start3A_523 : memref<10240xf32, #tpu.memory_space<vmem_shared>>) offsets(%dma_start3A_521 : memref<128xi32, #tpu.memory_space<vmem>>) semaphore(%arg17 : memref<!tpu.dma_semaphore, #tpu.memory_space<semaphore_mem>>) {add = true}
      %mul3A_524 = arith.constant 512 : i32
      %mul3A_525 = arith.muli %add3A_485, %mul3A_524 : i32
      %dma_start3A_526 = arith.constant 0 : i32
      %dma_start3A_527 = arith.constant 0 : i32
      %dma_start3A_528 = tpu.memref_slice %arg7[%dma_start3A_526, %dma_start3A_527] : memref<2x512xi32, #tpu.memory_space<vmem>> -> memref<1x512xi32, #tpu.memory_space<vmem>>
      %dma_start3A_529 = tpu.memref_squeeze %dma_start3A_528 : memref<1x512xi32, #tpu.memory_space<vmem>> -> memref<512xi32, #tpu.memory_space<vmem>>
      %dma_start3A_530 = tpu.memref_slice %arg4[%mul3A_525] : memref<320000xi32, #tpu.memory_space<hbm>> -> memref<512xi32, #tpu.memory_space<hbm>>
      %dma_start3A_531 = tpu.memref_slice %arg4[%mul3A_525] : memref<320000xi32, #tpu.memory_space<hbm>> -> memref<512xi32, #tpu.memory_space<hbm>>
      %dma_start3A_532 = arith.constant 0 : i32
      %dma_start3A_533 = tpu.memref_slice %arg7[%dma_start3A_526, %dma_start3A_532] : memref<2x512xi32, #tpu.memory_space<vmem>> -> memref<1x512xi32, #tpu.memory_space<vmem>>
      %dma_start3A_534 = tpu.memref_squeeze %dma_start3A_533 : memref<1x512xi32, #tpu.memory_space<vmem>> -> memref<512xi32, #tpu.memory_space<vmem>>
      tpu.enqueue_dma source(%dma_start3A_534 : memref<512xi32, #tpu.memory_space<vmem>>) target(%dma_start3A_531 : memref<512xi32, #tpu.memory_space<hbm>>) target_semaphore(%arg21 : memref<!tpu.dma_semaphore, #tpu.memory_space<semaphore_mem>>)
      %mul3A_535 = arith.constant 512 : i32
      %mul3A_536 = arith.muli %add3A_485, %mul3A_535 : i32
      %dma_start3A_537 = arith.constant 1 : i32
      %dma_start3A_538 = arith.constant 0 : i32
      %dma_start3A_539 = tpu.memref_slice %arg7[%dma_start3A_537, %dma_start3A_538] : memref<2x512xi32, #tpu.memory_space<vmem>> -> memref<1x512xi32, #tpu.memory_space<vmem>>
      %dma_start3A_540 = tpu.memref_squeeze %dma_start3A_539 : memref<1x512xi32, #tpu.memory_space<vmem>> -> memref<512xi32, #tpu.memory_space<vmem>>
      %dma_start3A_541 = tpu.memref_slice %arg5[%mul3A_536] : memref<320000xi32, #tpu.memory_space<hbm>> -> memref<512xi32, #tpu.memory_space<hbm>>
      %dma_start3A_542 = tpu.memref_slice %arg5[%mul3A_536] : memref<320000xi32, #tpu.memory_space<hbm>> -> memref<512xi32, #tpu.memory_space<hbm>>
      %dma_start3A_543 = arith.constant 0 : i32
      %dma_start3A_544 = tpu.memref_slice %arg7[%dma_start3A_537, %dma_start3A_543] : memref<2x512xi32, #tpu.memory_space<vmem>> -> memref<1x512xi32, #tpu.memory_space<vmem>>
      %dma_start3A_545 = tpu.memref_squeeze %dma_start3A_544 : memref<1x512xi32, #tpu.memory_space<vmem>> -> memref<512xi32, #tpu.memory_space<vmem>>
      tpu.enqueue_dma source(%dma_start3A_545 : memref<512xi32, #tpu.memory_space<vmem>>) target(%dma_start3A_542 : memref<512xi32, #tpu.memory_space<hbm>>) target_semaphore(%arg21 : memref<!tpu.dma_semaphore, #tpu.memory_space<semaphore_mem>>)
      %mul3A_546 = arith.constant 4 : i32
      %mul3A_547 = arith.muli %scan3A_415, %mul3A_546 : i32
      %add3A_548 = arith.addi %add3A_17, %mul3A_547 : i32
      %add3A_549 = arith.constant 2 : i32
      %add3A_550 = arith.addi %add3A_548, %add3A_549 : i32
      %dma_wait3A_551 = arith.constant 0 : i32
      %dma_wait3A_552 = arith.constant 0 : i32
      %dma_wait3A_553 = tpu.memref_slice %arg2[%dma_wait3A_551, %dma_wait3A_552] : memref<2x320000xi32, #tpu.memory_space<hbm>> -> memref<2x512xi32, #tpu.memory_space<hbm>>
      %dma_wait3A_554 = arith.constant 0 : i32
      %dma_wait3A_555 = arith.constant 0 : i32
      %dma_wait3A_556 = tpu.memref_slice %arg2[%dma_wait3A_554, %dma_wait3A_555] : memref<2x320000xi32, #tpu.memory_space<hbm>> -> memref<2x512xi32, #tpu.memory_space<hbm>>
      tpu.wait_dma2 semaphore(%arg14 : memref<!tpu.dma_semaphore, #tpu.memory_space<semaphore_mem>>) src(%dma_wait3A_556 : memref<2x512xi32, #tpu.memory_space<hbm>>) dst(%arg8 : memref<2x512xi32, #tpu.memory_space<vmem>>)
      %dma_start3A_557 = arith.constant 1 : i32
      %dma_start3A_558 = arith.constant 0 : i32
      %dma_start3A_559 = tpu.memref_slice %arg10[%dma_start3A_558] : memref<512xf32, #tpu.memory_space<vmem>> -> memref<128xf32, #tpu.memory_space<vmem>>
      %dma_start3A_560 = arith.constant 0 : i32
      %dma_start3A_561 = tpu.memref_slice %arg8[%dma_start3A_557, %dma_start3A_560] : memref<2x512xi32, #tpu.memory_space<vmem>> -> memref<1x128xi32, #tpu.memory_space<vmem>>
      %dma_start3A_562 = tpu.memref_squeeze %dma_start3A_561 : memref<1x128xi32, #tpu.memory_space<vmem>> -> memref<128xi32, #tpu.memory_space<vmem>>
      %dma_start3A_563 = arith.constant 0 : i32
      %dma_start3A_564 = tpu.memref_slice %arg24[%dma_start3A_563] : memref<10240xf32, #tpu.memory_space<vmem_shared>> -> memref<10240xf32, #tpu.memory_space<vmem_shared>>
      tpu.enqueue_indirect_dma source(%dma_start3A_559 : memref<128xf32, #tpu.memory_space<vmem>>) target(%dma_start3A_564 : memref<10240xf32, #tpu.memory_space<vmem_shared>>) offsets(%dma_start3A_562 : memref<128xi32, #tpu.memory_space<vmem>>) semaphore(%arg18 : memref<!tpu.dma_semaphore, #tpu.memory_space<semaphore_mem>>) {add = true}
      %dma_start3A_565 = arith.constant 1 : i32
      %dma_start3A_566 = arith.constant 0 : i32
      %dma_start3A_567 = tpu.memref_slice %arg10[%dma_start3A_566] : memref<512xf32, #tpu.memory_space<vmem>> -> memref<128xf32, #tpu.memory_space<vmem>>
      %dma_start3A_568 = arith.constant 128 : i32
      %dma_start3A_569 = tpu.memref_slice %arg8[%dma_start3A_565, %dma_start3A_568] : memref<2x512xi32, #tpu.memory_space<vmem>> -> memref<1x128xi32, #tpu.memory_space<vmem>>
      %dma_start3A_570 = tpu.memref_squeeze %dma_start3A_569 : memref<1x128xi32, #tpu.memory_space<vmem>> -> memref<128xi32, #tpu.memory_space<vmem>>
      %dma_start3A_571 = arith.constant 0 : i32
      %dma_start3A_572 = tpu.memref_slice %arg24[%dma_start3A_571] : memref<10240xf32, #tpu.memory_space<vmem_shared>> -> memref<10240xf32, #tpu.memory_space<vmem_shared>>
      tpu.enqueue_indirect_dma source(%dma_start3A_567 : memref<128xf32, #tpu.memory_space<vmem>>) target(%dma_start3A_572 : memref<10240xf32, #tpu.memory_space<vmem_shared>>) offsets(%dma_start3A_570 : memref<128xi32, #tpu.memory_space<vmem>>) semaphore(%arg18 : memref<!tpu.dma_semaphore, #tpu.memory_space<semaphore_mem>>) {add = true}
      %dma_start3A_573 = arith.constant 1 : i32
      %dma_start3A_574 = arith.constant 0 : i32
      %dma_start3A_575 = tpu.memref_slice %arg10[%dma_start3A_574] : memref<512xf32, #tpu.memory_space<vmem>> -> memref<128xf32, #tpu.memory_space<vmem>>
      %dma_start3A_576 = arith.constant 256 : i32
      %dma_start3A_577 = tpu.memref_slice %arg8[%dma_start3A_573, %dma_start3A_576] : memref<2x512xi32, #tpu.memory_space<vmem>> -> memref<1x128xi32, #tpu.memory_space<vmem>>
      %dma_start3A_578 = tpu.memref_squeeze %dma_start3A_577 : memref<1x128xi32, #tpu.memory_space<vmem>> -> memref<128xi32, #tpu.memory_space<vmem>>
      %dma_start3A_579 = arith.constant 0 : i32
      %dma_start3A_580 = tpu.memref_slice %arg24[%dma_start3A_579] : memref<10240xf32, #tpu.memory_space<vmem_shared>> -> memref<10240xf32, #tpu.memory_space<vmem_shared>>
      tpu.enqueue_indirect_dma source(%dma_start3A_575 : memref<128xf32, #tpu.memory_space<vmem>>) target(%dma_start3A_580 : memref<10240xf32, #tpu.memory_space<vmem_shared>>) offsets(%dma_start3A_578 : memref<128xi32, #tpu.memory_space<vmem>>) semaphore(%arg18 : memref<!tpu.dma_semaphore, #tpu.memory_space<semaphore_mem>>) {add = true}
      %dma_start3A_581 = arith.constant 1 : i32
      %dma_start3A_582 = arith.constant 0 : i32
      %dma_start3A_583 = tpu.memref_slice %arg10[%dma_start3A_582] : memref<512xf32, #tpu.memory_space<vmem>> -> memref<128xf32, #tpu.memory_space<vmem>>
      %dma_start3A_584 = arith.constant 384 : i32
      %dma_start3A_585 = tpu.memref_slice %arg8[%dma_start3A_581, %dma_start3A_584] : memref<2x512xi32, #tpu.memory_space<vmem>> -> memref<1x128xi32, #tpu.memory_space<vmem>>
      %dma_start3A_586 = tpu.memref_squeeze %dma_start3A_585 : memref<1x128xi32, #tpu.memory_space<vmem>> -> memref<128xi32, #tpu.memory_space<vmem>>
      %dma_start3A_587 = arith.constant 0 : i32
      %dma_start3A_588 = tpu.memref_slice %arg24[%dma_start3A_587] : memref<10240xf32, #tpu.memory_space<vmem_shared>> -> memref<10240xf32, #tpu.memory_space<vmem_shared>>
      tpu.enqueue_indirect_dma source(%dma_start3A_583 : memref<128xf32, #tpu.memory_space<vmem>>) target(%dma_start3A_588 : memref<10240xf32, #tpu.memory_space<vmem_shared>>) offsets(%dma_start3A_586 : memref<128xi32, #tpu.memory_space<vmem>>) semaphore(%arg18 : memref<!tpu.dma_semaphore, #tpu.memory_space<semaphore_mem>>) {add = true}
      %mul3A_589 = arith.constant 512 : i32
      %mul3A_590 = arith.muli %add3A_550, %mul3A_589 : i32
      %dma_start3A_591 = arith.constant 0 : i32
      %dma_start3A_592 = arith.constant 0 : i32
      %dma_start3A_593 = tpu.memref_slice %arg8[%dma_start3A_591, %dma_start3A_592] : memref<2x512xi32, #tpu.memory_space<vmem>> -> memref<1x512xi32, #tpu.memory_space<vmem>>
      %dma_start3A_594 = tpu.memref_squeeze %dma_start3A_593 : memref<1x512xi32, #tpu.memory_space<vmem>> -> memref<512xi32, #tpu.memory_space<vmem>>
      %dma_start3A_595 = tpu.memref_slice %arg4[%mul3A_590] : memref<320000xi32, #tpu.memory_space<hbm>> -> memref<512xi32, #tpu.memory_space<hbm>>
      %dma_start3A_596 = tpu.memref_slice %arg4[%mul3A_590] : memref<320000xi32, #tpu.memory_space<hbm>> -> memref<512xi32, #tpu.memory_space<hbm>>
      %dma_start3A_597 = arith.constant 0 : i32
      %dma_start3A_598 = tpu.memref_slice %arg8[%dma_start3A_591, %dma_start3A_597] : memref<2x512xi32, #tpu.memory_space<vmem>> -> memref<1x512xi32, #tpu.memory_space<vmem>>
      %dma_start3A_599 = tpu.memref_squeeze %dma_start3A_598 : memref<1x512xi32, #tpu.memory_space<vmem>> -> memref<512xi32, #tpu.memory_space<vmem>>
      tpu.enqueue_dma source(%dma_start3A_599 : memref<512xi32, #tpu.memory_space<vmem>>) target(%dma_start3A_596 : memref<512xi32, #tpu.memory_space<hbm>>) target_semaphore(%arg22 : memref<!tpu.dma_semaphore, #tpu.memory_space<semaphore_mem>>)
      %mul3A_600 = arith.constant 512 : i32
      %mul3A_601 = arith.muli %add3A_550, %mul3A_600 : i32
      %dma_start3A_602 = arith.constant 1 : i32
      %dma_start3A_603 = arith.constant 0 : i32
      %dma_start3A_604 = tpu.memref_slice %arg8[%dma_start3A_602, %dma_start3A_603] : memref<2x512xi32, #tpu.memory_space<vmem>> -> memref<1x512xi32, #tpu.memory_space<vmem>>
      %dma_start3A_605 = tpu.memref_squeeze %dma_start3A_604 : memref<1x512xi32, #tpu.memory_space<vmem>> -> memref<512xi32, #tpu.memory_space<vmem>>
      %dma_start3A_606 = tpu.memref_slice %arg5[%mul3A_601] : memref<320000xi32, #tpu.memory_space<hbm>> -> memref<512xi32, #tpu.memory_space<hbm>>
      %dma_start3A_607 = tpu.memref_slice %arg5[%mul3A_601] : memref<320000xi32, #tpu.memory_space<hbm>> -> memref<512xi32, #tpu.memory_space<hbm>>
      %dma_start3A_608 = arith.constant 0 : i32
      %dma_start3A_609 = tpu.memref_slice %arg8[%dma_start3A_602, %dma_start3A_608] : memref<2x512xi32, #tpu.memory_space<vmem>> -> memref<1x512xi32, #tpu.memory_space<vmem>>
      %dma_start3A_610 = tpu.memref_squeeze %dma_start3A_609 : memref<1x512xi32, #tpu.memory_space<vmem>> -> memref<512xi32, #tpu.memory_space<vmem>>
      tpu.enqueue_dma source(%dma_start3A_610 : memref<512xi32, #tpu.memory_space<vmem>>) target(%dma_start3A_607 : memref<512xi32, #tpu.memory_space<hbm>>) target_semaphore(%arg22 : memref<!tpu.dma_semaphore, #tpu.memory_space<semaphore_mem>>)
      %mul3A_611 = arith.constant 4 : i32
      %mul3A_612 = arith.muli %scan3A_415, %mul3A_611 : i32
      %add3A_613 = arith.addi %add3A_17, %mul3A_612 : i32
      %add3A_614 = arith.constant 3 : i32
      %add3A_615 = arith.addi %add3A_613, %add3A_614 : i32
      %dma_wait3A_616 = arith.constant 0 : i32
      %dma_wait3A_617 = arith.constant 0 : i32
      %dma_wait3A_618 = tpu.memref_slice %arg2[%dma_wait3A_616, %dma_wait3A_617] : memref<2x320000xi32, #tpu.memory_space<hbm>> -> memref<2x512xi32, #tpu.memory_space<hbm>>
      %dma_wait3A_619 = arith.constant 0 : i32
      %dma_wait3A_620 = arith.constant 0 : i32
      %dma_wait3A_621 = tpu.memref_slice %arg2[%dma_wait3A_619, %dma_wait3A_620] : memref<2x320000xi32, #tpu.memory_space<hbm>> -> memref<2x512xi32, #tpu.memory_space<hbm>>
      tpu.wait_dma2 semaphore(%arg15 : memref<!tpu.dma_semaphore, #tpu.memory_space<semaphore_mem>>) src(%dma_wait3A_621 : memref<2x512xi32, #tpu.memory_space<hbm>>) dst(%arg9 : memref<2x512xi32, #tpu.memory_space<vmem>>)
      %dma_start3A_622 = arith.constant 1 : i32
      %dma_start3A_623 = arith.constant 0 : i32
      %dma_start3A_624 = tpu.memref_slice %arg10[%dma_start3A_623] : memref<512xf32, #tpu.memory_space<vmem>> -> memref<128xf32, #tpu.memory_space<vmem>>
      %dma_start3A_625 = arith.constant 0 : i32
      %dma_start3A_626 = tpu.memref_slice %arg9[%dma_start3A_622, %dma_start3A_625] : memref<2x512xi32, #tpu.memory_space<vmem>> -> memref<1x128xi32, #tpu.memory_space<vmem>>
      %dma_start3A_627 = tpu.memref_squeeze %dma_start3A_626 : memref<1x128xi32, #tpu.memory_space<vmem>> -> memref<128xi32, #tpu.memory_space<vmem>>
      %dma_start3A_628 = arith.constant 0 : i32
      %dma_start3A_629 = tpu.memref_slice %arg24[%dma_start3A_628] : memref<10240xf32, #tpu.memory_space<vmem_shared>> -> memref<10240xf32, #tpu.memory_space<vmem_shared>>
      tpu.enqueue_indirect_dma source(%dma_start3A_624 : memref<128xf32, #tpu.memory_space<vmem>>) target(%dma_start3A_629 : memref<10240xf32, #tpu.memory_space<vmem_shared>>) offsets(%dma_start3A_627 : memref<128xi32, #tpu.memory_space<vmem>>) semaphore(%arg19 : memref<!tpu.dma_semaphore, #tpu.memory_space<semaphore_mem>>) {add = true}
      %dma_start3A_630 = arith.constant 1 : i32
      %dma_start3A_631 = arith.constant 0 : i32
      %dma_start3A_632 = tpu.memref_slice %arg10[%dma_start3A_631] : memref<512xf32, #tpu.memory_space<vmem>> -> memref<128xf32, #tpu.memory_space<vmem>>
      %dma_start3A_633 = arith.constant 128 : i32
      %dma_start3A_634 = tpu.memref_slice %arg9[%dma_start3A_630, %dma_start3A_633] : memref<2x512xi32, #tpu.memory_space<vmem>> -> memref<1x128xi32, #tpu.memory_space<vmem>>
      %dma_start3A_635 = tpu.memref_squeeze %dma_start3A_634 : memref<1x128xi32, #tpu.memory_space<vmem>> -> memref<128xi32, #tpu.memory_space<vmem>>
      %dma_start3A_636 = arith.constant 0 : i32
      %dma_start3A_637 = tpu.memref_slice %arg24[%dma_start3A_636] : memref<10240xf32, #tpu.memory_space<vmem_shared>> -> memref<10240xf32, #tpu.memory_space<vmem_shared>>
      tpu.enqueue_indirect_dma source(%dma_start3A_632 : memref<128xf32, #tpu.memory_space<vmem>>) target(%dma_start3A_637 : memref<10240xf32, #tpu.memory_space<vmem_shared>>) offsets(%dma_start3A_635 : memref<128xi32, #tpu.memory_space<vmem>>) semaphore(%arg19 : memref<!tpu.dma_semaphore, #tpu.memory_space<semaphore_mem>>) {add = true}
      %dma_start3A_638 = arith.constant 1 : i32
      %dma_start3A_639 = arith.constant 0 : i32
      %dma_start3A_640 = tpu.memref_slice %arg10[%dma_start3A_639] : memref<512xf32, #tpu.memory_space<vmem>> -> memref<128xf32, #tpu.memory_space<vmem>>
      %dma_start3A_641 = arith.constant 256 : i32
      %dma_start3A_642 = tpu.memref_slice %arg9[%dma_start3A_638, %dma_start3A_641] : memref<2x512xi32, #tpu.memory_space<vmem>> -> memref<1x128xi32, #tpu.memory_space<vmem>>
      %dma_start3A_643 = tpu.memref_squeeze %dma_start3A_642 : memref<1x128xi32, #tpu.memory_space<vmem>> -> memref<128xi32, #tpu.memory_space<vmem>>
      %dma_start3A_644 = arith.constant 0 : i32
      %dma_start3A_645 = tpu.memref_slice %arg24[%dma_start3A_644] : memref<10240xf32, #tpu.memory_space<vmem_shared>> -> memref<10240xf32, #tpu.memory_space<vmem_shared>>
      tpu.enqueue_indirect_dma source(%dma_start3A_640 : memref<128xf32, #tpu.memory_space<vmem>>) target(%dma_start3A_645 : memref<10240xf32, #tpu.memory_space<vmem_shared>>) offsets(%dma_start3A_643 : memref<128xi32, #tpu.memory_space<vmem>>) semaphore(%arg19 : memref<!tpu.dma_semaphore, #tpu.memory_space<semaphore_mem>>) {add = true}
      %dma_start3A_646 = arith.constant 1 : i32
      %dma_start3A_647 = arith.constant 0 : i32
      %dma_start3A_648 = tpu.memref_slice %arg10[%dma_start3A_647] : memref<512xf32, #tpu.memory_space<vmem>> -> memref<128xf32, #tpu.memory_space<vmem>>
      %dma_start3A_649 = arith.constant 384 : i32
      %dma_start3A_650 = tpu.memref_slice %arg9[%dma_start3A_646, %dma_start3A_649] : memref<2x512xi32, #tpu.memory_space<vmem>> -> memref<1x128xi32, #tpu.memory_space<vmem>>
      %dma_start3A_651 = tpu.memref_squeeze %dma_start3A_650 : memref<1x128xi32, #tpu.memory_space<vmem>> -> memref<128xi32, #tpu.memory_space<vmem>>
      %dma_start3A_652 = arith.constant 0 : i32
      %dma_start3A_653 = tpu.memref_slice %arg24[%dma_start3A_652] : memref<10240xf32, #tpu.memory_space<vmem_shared>> -> memref<10240xf32, #tpu.memory_space<vmem_shared>>
      tpu.enqueue_indirect_dma source(%dma_start3A_648 : memref<128xf32, #tpu.memory_space<vmem>>) target(%dma_start3A_653 : memref<10240xf32, #tpu.memory_space<vmem_shared>>) offsets(%dma_start3A_651 : memref<128xi32, #tpu.memory_space<vmem>>) semaphore(%arg19 : memref<!tpu.dma_semaphore, #tpu.memory_space<semaphore_mem>>) {add = true}
      %mul3A_654 = arith.constant 512 : i32
      %mul3A_655 = arith.muli %add3A_615, %mul3A_654 : i32
      %dma_start3A_656 = arith.constant 0 : i32
      %dma_start3A_657 = arith.constant 0 : i32
      %dma_start3A_658 = tpu.memref_slice %arg9[%dma_start3A_656, %dma_start3A_657] : memref<2x512xi32, #tpu.memory_space<vmem>> -> memref<1x512xi32, #tpu.memory_space<vmem>>
      %dma_start3A_659 = tpu.memref_squeeze %dma_start3A_658 : memref<1x512xi32, #tpu.memory_space<vmem>> -> memref<512xi32, #tpu.memory_space<vmem>>
      %dma_start3A_660 = tpu.memref_slice %arg4[%mul3A_655] : memref<320000xi32, #tpu.memory_space<hbm>> -> memref<512xi32, #tpu.memory_space<hbm>>
      %dma_start3A_661 = tpu.memref_slice %arg4[%mul3A_655] : memref<320000xi32, #tpu.memory_space<hbm>> -> memref<512xi32, #tpu.memory_space<hbm>>
      %dma_start3A_662 = arith.constant 0 : i32
      %dma_start3A_663 = tpu.memref_slice %arg9[%dma_start3A_656, %dma_start3A_662] : memref<2x512xi32, #tpu.memory_space<vmem>> -> memref<1x512xi32, #tpu.memory_space<vmem>>
      %dma_start3A_664 = tpu.memref_squeeze %dma_start3A_663 : memref<1x512xi32, #tpu.memory_space<vmem>> -> memref<512xi32, #tpu.memory_space<vmem>>
      tpu.enqueue_dma source(%dma_start3A_664 : memref<512xi32, #tpu.memory_space<vmem>>) target(%dma_start3A_661 : memref<512xi32, #tpu.memory_space<hbm>>) target_semaphore(%arg23 : memref<!tpu.dma_semaphore, #tpu.memory_space<semaphore_mem>>)
      %mul3A_665 = arith.constant 512 : i32
      %mul3A_666 = arith.muli %add3A_615, %mul3A_665 : i32
      %dma_start3A_667 = arith.constant 1 : i32
      %dma_start3A_668 = arith.constant 0 : i32
      %dma_start3A_669 = tpu.memref_slice %arg9[%dma_start3A_667, %dma_start3A_668] : memref<2x512xi32, #tpu.memory_space<vmem>> -> memref<1x512xi32, #tpu.memory_space<vmem>>
      %dma_start3A_670 = tpu.memref_squeeze %dma_start3A_669 : memref<1x512xi32, #tpu.memory_space<vmem>> -> memref<512xi32, #tpu.memory_space<vmem>>
      %dma_start3A_671 = tpu.memref_slice %arg5[%mul3A_666] : memref<320000xi32, #tpu.memory_space<hbm>> -> memref<512xi32, #tpu.memory_space<hbm>>
      %dma_start3A_672 = tpu.memref_slice %arg5[%mul3A_666] : memref<320000xi32, #tpu.memory_space<hbm>> -> memref<512xi32, #tpu.memory_space<hbm>>
      %dma_start3A_673 = arith.constant 0 : i32
      %dma_start3A_674 = tpu.memref_slice %arg9[%dma_start3A_667, %dma_start3A_673] : memref<2x512xi32, #tpu.memory_space<vmem>> -> memref<1x512xi32, #tpu.memory_space<vmem>>
      %dma_start3A_675 = tpu.memref_squeeze %dma_start3A_674 : memref<1x512xi32, #tpu.memory_space<vmem>> -> memref<512xi32, #tpu.memory_space<vmem>>
      tpu.enqueue_dma source(%dma_start3A_675 : memref<512xi32, #tpu.memory_space<vmem>>) target(%dma_start3A_672 : memref<512xi32, #tpu.memory_space<hbm>>) target_semaphore(%arg23 : memref<!tpu.dma_semaphore, #tpu.memory_space<semaphore_mem>>)
      %mul3A_676 = arith.constant 4 : i32
      %mul3A_677 = arith.muli %scan3A_415, %mul3A_676 : i32
      %add3A_678 = arith.constant 0 : i32
      %add3A_679 = arith.addi %mul3A_677, %add3A_678 : i32
      %add3A_680 = arith.constant 4 : i32
      %add3A_681 = arith.addi %add3A_679, %add3A_680 : i32
      %dma_wait3A_682 = arith.constant 1 : i32
      %dma_wait3A_683 = arith.constant 0 : i32
      %dma_wait3A_684 = tpu.memref_slice %arg10[%dma_wait3A_683] : memref<512xf32, #tpu.memory_space<vmem>> -> memref<128xf32, #tpu.memory_space<vmem>>
      %dma_wait3A_685 = arith.constant 0 : i32
      %dma_wait3A_686 = tpu.memref_slice %arg6[%dma_wait3A_682, %dma_wait3A_685] : memref<2x512xi32, #tpu.memory_space<vmem>> -> memref<1x128xi32, #tpu.memory_space<vmem>>
      %dma_wait3A_687 = tpu.memref_squeeze %dma_wait3A_686 : memref<1x128xi32, #tpu.memory_space<vmem>> -> memref<128xi32, #tpu.memory_space<vmem>>
      %dma_wait3A_688 = arith.constant 0 : i32
      %dma_wait3A_689 = tpu.memref_slice %arg24[%dma_wait3A_688] : memref<10240xf32, #tpu.memory_space<vmem_shared>> -> memref<10240xf32, #tpu.memory_space<vmem_shared>>
      tpu.wait_indirect_dma semaphore(%arg16 : memref<!tpu.dma_semaphore, #tpu.memory_space<semaphore_mem>>) src(%dma_wait3A_684 : memref<128xf32, #tpu.memory_space<vmem>>) dst(%dma_wait3A_689 : memref<10240xf32, #tpu.memory_space<vmem_shared>>)
      %dma_wait3A_690 = arith.constant 1 : i32
      %dma_wait3A_691 = arith.constant 0 : i32
      %dma_wait3A_692 = tpu.memref_slice %arg10[%dma_wait3A_691] : memref<512xf32, #tpu.memory_space<vmem>> -> memref<128xf32, #tpu.memory_space<vmem>>
      %dma_wait3A_693 = arith.constant 0 : i32
      %dma_wait3A_694 = tpu.memref_slice %arg6[%dma_wait3A_690, %dma_wait3A_693] : memref<2x512xi32, #tpu.memory_space<vmem>> -> memref<1x128xi32, #tpu.memory_space<vmem>>
      %dma_wait3A_695 = tpu.memref_squeeze %dma_wait3A_694 : memref<1x128xi32, #tpu.memory_space<vmem>> -> memref<128xi32, #tpu.memory_space<vmem>>
      %dma_wait3A_696 = arith.constant 0 : i32
      %dma_wait3A_697 = tpu.memref_slice %arg24[%dma_wait3A_696] : memref<10240xf32, #tpu.memory_space<vmem_shared>> -> memref<10240xf32, #tpu.memory_space<vmem_shared>>
      tpu.wait_indirect_dma semaphore(%arg16 : memref<!tpu.dma_semaphore, #tpu.memory_space<semaphore_mem>>) src(%dma_wait3A_692 : memref<128xf32, #tpu.memory_space<vmem>>) dst(%dma_wait3A_697 : memref<10240xf32, #tpu.memory_space<vmem_shared>>)
      %dma_wait3A_698 = arith.constant 1 : i32
      %dma_wait3A_699 = arith.constant 0 : i32
      %dma_wait3A_700 = tpu.memref_slice %arg10[%dma_wait3A_699] : memref<512xf32, #tpu.memory_space<vmem>> -> memref<128xf32, #tpu.memory_space<vmem>>
      %dma_wait3A_701 = arith.constant 0 : i32
      %dma_wait3A_702 = tpu.memref_slice %arg6[%dma_wait3A_698, %dma_wait3A_701] : memref<2x512xi32, #tpu.memory_space<vmem>> -> memref<1x128xi32, #tpu.memory_space<vmem>>
      %dma_wait3A_703 = tpu.memref_squeeze %dma_wait3A_702 : memref<1x128xi32, #tpu.memory_space<vmem>> -> memref<128xi32, #tpu.memory_space<vmem>>
      %dma_wait3A_704 = arith.constant 0 : i32
      %dma_wait3A_705 = tpu.memref_slice %arg24[%dma_wait3A_704] : memref<10240xf32, #tpu.memory_space<vmem_shared>> -> memref<10240xf32, #tpu.memory_space<vmem_shared>>
      tpu.wait_indirect_dma semaphore(%arg16 : memref<!tpu.dma_semaphore, #tpu.memory_space<semaphore_mem>>) src(%dma_wait3A_700 : memref<128xf32, #tpu.memory_space<vmem>>) dst(%dma_wait3A_705 : memref<10240xf32, #tpu.memory_space<vmem_shared>>)
      %dma_wait3A_706 = arith.constant 1 : i32
      %dma_wait3A_707 = arith.constant 0 : i32
      %dma_wait3A_708 = tpu.memref_slice %arg10[%dma_wait3A_707] : memref<512xf32, #tpu.memory_space<vmem>> -> memref<128xf32, #tpu.memory_space<vmem>>
      %dma_wait3A_709 = arith.constant 0 : i32
      %dma_wait3A_710 = tpu.memref_slice %arg6[%dma_wait3A_706, %dma_wait3A_709] : memref<2x512xi32, #tpu.memory_space<vmem>> -> memref<1x128xi32, #tpu.memory_space<vmem>>
      %dma_wait3A_711 = tpu.memref_squeeze %dma_wait3A_710 : memref<1x128xi32, #tpu.memory_space<vmem>> -> memref<128xi32, #tpu.memory_space<vmem>>
      %dma_wait3A_712 = arith.constant 0 : i32
      %dma_wait3A_713 = tpu.memref_slice %arg24[%dma_wait3A_712] : memref<10240xf32, #tpu.memory_space<vmem_shared>> -> memref<10240xf32, #tpu.memory_space<vmem_shared>>
      tpu.wait_indirect_dma semaphore(%arg16 : memref<!tpu.dma_semaphore, #tpu.memory_space<semaphore_mem>>) src(%dma_wait3A_708 : memref<128xf32, #tpu.memory_space<vmem>>) dst(%dma_wait3A_713 : memref<10240xf32, #tpu.memory_space<vmem_shared>>)
      %dma_wait3A_714 = arith.constant 0 : i32
      %dma_wait3A_715 = arith.constant 0 : i32
      %dma_wait3A_716 = tpu.memref_slice %arg6[%dma_wait3A_714, %dma_wait3A_715] : memref<2x512xi32, #tpu.memory_space<vmem>> -> memref<1x512xi32, #tpu.memory_space<vmem>>
      %dma_wait3A_717 = tpu.memref_squeeze %dma_wait3A_716 : memref<1x512xi32, #tpu.memory_space<vmem>> -> memref<512xi32, #tpu.memory_space<vmem>>
      %dma_wait3A_718 = arith.constant 0 : i32
      %dma_wait3A_719 = tpu.memref_slice %arg4[%dma_wait3A_718] : memref<320000xi32, #tpu.memory_space<hbm>> -> memref<512xi32, #tpu.memory_space<hbm>>
      %dma_wait3A_720 = arith.constant 0 : i32
      %dma_wait3A_721 = tpu.memref_slice %arg4[%dma_wait3A_720] : memref<320000xi32, #tpu.memory_space<hbm>> -> memref<512xi32, #tpu.memory_space<hbm>>
      %dma_wait3A_722 = arith.constant 0 : i32
      %dma_wait3A_723 = tpu.memref_slice %arg6[%dma_wait3A_714, %dma_wait3A_722] : memref<2x512xi32, #tpu.memory_space<vmem>> -> memref<1x512xi32, #tpu.memory_space<vmem>>
      %dma_wait3A_724 = tpu.memref_squeeze %dma_wait3A_723 : memref<1x512xi32, #tpu.memory_space<vmem>> -> memref<512xi32, #tpu.memory_space<vmem>>
      tpu.wait_dma2 semaphore(%arg20 : memref<!tpu.dma_semaphore, #tpu.memory_space<semaphore_mem>>) src(%dma_wait3A_724 : memref<512xi32, #tpu.memory_space<vmem>>) dst(%dma_wait3A_721 : memref<512xi32, #tpu.memory_space<hbm>>)
      %dma_wait3A_725 = arith.constant 0 : i32
      %dma_wait3A_726 = arith.constant 0 : i32
      %dma_wait3A_727 = tpu.memref_slice %arg6[%dma_wait3A_725, %dma_wait3A_726] : memref<2x512xi32, #tpu.memory_space<vmem>> -> memref<1x512xi32, #tpu.memory_space<vmem>>
      %dma_wait3A_728 = tpu.memref_squeeze %dma_wait3A_727 : memref<1x512xi32, #tpu.memory_space<vmem>> -> memref<512xi32, #tpu.memory_space<vmem>>
      %dma_wait3A_729 = arith.constant 0 : i32
      %dma_wait3A_730 = tpu.memref_slice %arg4[%dma_wait3A_729] : memref<320000xi32, #tpu.memory_space<hbm>> -> memref<512xi32, #tpu.memory_space<hbm>>
      %dma_wait3A_731 = arith.constant 0 : i32
      %dma_wait3A_732 = tpu.memref_slice %arg4[%dma_wait3A_731] : memref<320000xi32, #tpu.memory_space<hbm>> -> memref<512xi32, #tpu.memory_space<hbm>>
      %dma_wait3A_733 = arith.constant 0 : i32
      %dma_wait3A_734 = tpu.memref_slice %arg6[%dma_wait3A_725, %dma_wait3A_733] : memref<2x512xi32, #tpu.memory_space<vmem>> -> memref<1x512xi32, #tpu.memory_space<vmem>>
      %dma_wait3A_735 = tpu.memref_squeeze %dma_wait3A_734 : memref<1x512xi32, #tpu.memory_space<vmem>> -> memref<512xi32, #tpu.memory_space<vmem>>
      tpu.wait_dma2 semaphore(%arg20 : memref<!tpu.dma_semaphore, #tpu.memory_space<semaphore_mem>>) src(%dma_wait3A_735 : memref<512xi32, #tpu.memory_space<vmem>>) dst(%dma_wait3A_732 : memref<512xi32, #tpu.memory_space<hbm>>)
      %lt3A_736 = arith.constant 19 : i32
      %lt3A_737 = arith.cmpi slt, %add3A_681, %lt3A_736 : i32
      %convert_element_type3A_738 = arith.extui %lt3A_737 : i1 to i32
      %cond3A_739 = arith.constant 0 : i32
      %cond3A_740 = arith.cmpi ne, %convert_element_type3A_738, %cond3A_739 : i32
      scf.if %cond3A_740 {
        %add3A_936 = arith.addi %add3A_17, %add3A_681 : i32
        %mul3A_937 = arith.constant 512 : i32
        %mul3A_938 = arith.muli %add3A_936, %mul3A_937 : i32
        %dma_start3A_939 = arith.constant 0 : i32
        %dma_start3A_940 = tpu.memref_slice %arg2[%dma_start3A_939, %mul3A_938] : memref<2x320000xi32, #tpu.memory_space<hbm>> -> memref<2x512xi32, #tpu.memory_space<hbm>>
        %dma_start3A_941 = arith.constant 0 : i32
        %dma_start3A_942 = tpu.memref_slice %arg2[%dma_start3A_941, %mul3A_938] : memref<2x320000xi32, #tpu.memory_space<hbm>> -> memref<2x512xi32, #tpu.memory_space<hbm>>
        tpu.enqueue_dma source(%dma_start3A_942 : memref<2x512xi32, #tpu.memory_space<hbm>>) target(%arg6 : memref<2x512xi32, #tpu.memory_space<vmem>>) target_semaphore(%arg12 : memref<!tpu.dma_semaphore, #tpu.memory_space<semaphore_mem>>)
      } else {
      }
      %mul3A_741 = arith.constant 4 : i32
      %mul3A_742 = arith.muli %scan3A_415, %mul3A_741 : i32
      %add3A_743 = arith.constant 1 : i32
      %add3A_744 = arith.addi %mul3A_742, %add3A_743 : i32
      %add3A_745 = arith.constant 4 : i32
      %add3A_746 = arith.addi %add3A_744, %add3A_745 : i32
      %dma_wait3A_747 = arith.constant 1 : i32
      %dma_wait3A_748 = arith.constant 0 : i32
      %dma_wait3A_749 = tpu.memref_slice %arg10[%dma_wait3A_748] : memref<512xf32, #tpu.memory_space<vmem>> -> memref<128xf32, #tpu.memory_space<vmem>>
      %dma_wait3A_750 = arith.constant 0 : i32
      %dma_wait3A_751 = tpu.memref_slice %arg7[%dma_wait3A_747, %dma_wait3A_750] : memref<2x512xi32, #tpu.memory_space<vmem>> -> memref<1x128xi32, #tpu.memory_space<vmem>>
      %dma_wait3A_752 = tpu.memref_squeeze %dma_wait3A_751 : memref<1x128xi32, #tpu.memory_space<vmem>> -> memref<128xi32, #tpu.memory_space<vmem>>
      %dma_wait3A_753 = arith.constant 0 : i32
      %dma_wait3A_754 = tpu.memref_slice %arg24[%dma_wait3A_753] : memref<10240xf32, #tpu.memory_space<vmem_shared>> -> memref<10240xf32, #tpu.memory_space<vmem_shared>>
      tpu.wait_indirect_dma semaphore(%arg17 : memref<!tpu.dma_semaphore, #tpu.memory_space<semaphore_mem>>) src(%dma_wait3A_749 : memref<128xf32, #tpu.memory_space<vmem>>) dst(%dma_wait3A_754 : memref<10240xf32, #tpu.memory_space<vmem_shared>>)
      %dma_wait3A_755 = arith.constant 1 : i32
      %dma_wait3A_756 = arith.constant 0 : i32
      %dma_wait3A_757 = tpu.memref_slice %arg10[%dma_wait3A_756] : memref<512xf32, #tpu.memory_space<vmem>> -> memref<128xf32, #tpu.memory_space<vmem>>
      %dma_wait3A_758 = arith.constant 0 : i32
      %dma_wait3A_759 = tpu.memref_slice %arg7[%dma_wait3A_755, %dma_wait3A_758] : memref<2x512xi32, #tpu.memory_space<vmem>> -> memref<1x128xi32, #tpu.memory_space<vmem>>
      %dma_wait3A_760 = tpu.memref_squeeze %dma_wait3A_759 : memref<1x128xi32, #tpu.memory_space<vmem>> -> memref<128xi32, #tpu.memory_space<vmem>>
      %dma_wait3A_761 = arith.constant 0 : i32
      %dma_wait3A_762 = tpu.memref_slice %arg24[%dma_wait3A_761] : memref<10240xf32, #tpu.memory_space<vmem_shared>> -> memref<10240xf32, #tpu.memory_space<vmem_shared>>
      tpu.wait_indirect_dma semaphore(%arg17 : memref<!tpu.dma_semaphore, #tpu.memory_space<semaphore_mem>>) src(%dma_wait3A_757 : memref<128xf32, #tpu.memory_space<vmem>>) dst(%dma_wait3A_762 : memref<10240xf32, #tpu.memory_space<vmem_shared>>)
      %dma_wait3A_763 = arith.constant 1 : i32
      %dma_wait3A_764 = arith.constant 0 : i32
      %dma_wait3A_765 = tpu.memref_slice %arg10[%dma_wait3A_764] : memref<512xf32, #tpu.memory_space<vmem>> -> memref<128xf32, #tpu.memory_space<vmem>>
      %dma_wait3A_766 = arith.constant 0 : i32
      %dma_wait3A_767 = tpu.memref_slice %arg7[%dma_wait3A_763, %dma_wait3A_766] : memref<2x512xi32, #tpu.memory_space<vmem>> -> memref<1x128xi32, #tpu.memory_space<vmem>>
      %dma_wait3A_768 = tpu.memref_squeeze %dma_wait3A_767 : memref<1x128xi32, #tpu.memory_space<vmem>> -> memref<128xi32, #tpu.memory_space<vmem>>
      %dma_wait3A_769 = arith.constant 0 : i32
      %dma_wait3A_770 = tpu.memref_slice %arg24[%dma_wait3A_769] : memref<10240xf32, #tpu.memory_space<vmem_shared>> -> memref<10240xf32, #tpu.memory_space<vmem_shared>>
      tpu.wait_indirect_dma semaphore(%arg17 : memref<!tpu.dma_semaphore, #tpu.memory_space<semaphore_mem>>) src(%dma_wait3A_765 : memref<128xf32, #tpu.memory_space<vmem>>) dst(%dma_wait3A_770 : memref<10240xf32, #tpu.memory_space<vmem_shared>>)
      %dma_wait3A_771 = arith.constant 1 : i32
      %dma_wait3A_772 = arith.constant 0 : i32
      %dma_wait3A_773 = tpu.memref_slice %arg10[%dma_wait3A_772] : memref<512xf32, #tpu.memory_space<vmem>> -> memref<128xf32, #tpu.memory_space<vmem>>
      %dma_wait3A_774 = arith.constant 0 : i32
      %dma_wait3A_775 = tpu.memref_slice %arg7[%dma_wait3A_771, %dma_wait3A_774] : memref<2x512xi32, #tpu.memory_space<vmem>> -> memref<1x128xi32, #tpu.memory_space<vmem>>
      %dma_wait3A_776 = tpu.memref_squeeze %dma_wait3A_775 : memref<1x128xi32, #tpu.memory_space<vmem>> -> memref<128xi32, #tpu.memory_space<vmem>>
      %dma_wait3A_777 = arith.constant 0 : i32
      %dma_wait3A_778 = tpu.memref_slice %arg24[%dma_wait3A_777] : memref<10240xf32, #tpu.memory_space<vmem_shared>> -> memref<10240xf32, #tpu.memory_space<vmem_shared>>
      tpu.wait_indirect_dma semaphore(%arg17 : memref<!tpu.dma_semaphore, #tpu.memory_space<semaphore_mem>>) src(%dma_wait3A_773 : memref<128xf32, #tpu.memory_space<vmem>>) dst(%dma_wait3A_778 : memref<10240xf32, #tpu.memory_space<vmem_shared>>)
      %dma_wait3A_779 = arith.constant 0 : i32
      %dma_wait3A_780 = arith.constant 0 : i32
      %dma_wait3A_781 = tpu.memref_slice %arg7[%dma_wait3A_779, %dma_wait3A_780] : memref<2x512xi32, #tpu.memory_space<vmem>> -> memref<1x512xi32, #tpu.memory_space<vmem>>
      %dma_wait3A_782 = tpu.memref_squeeze %dma_wait3A_781 : memref<1x512xi32, #tpu.memory_space<vmem>> -> memref<512xi32, #tpu.memory_space<vmem>>
      %dma_wait3A_783 = arith.constant 0 : i32
      %dma_wait3A_784 = tpu.memref_slice %arg4[%dma_wait3A_783] : memref<320000xi32, #tpu.memory_space<hbm>> -> memref<512xi32, #tpu.memory_space<hbm>>
      %dma_wait3A_785 = arith.constant 0 : i32
      %dma_wait3A_786 = tpu.memref_slice %arg4[%dma_wait3A_785] : memref<320000xi32, #tpu.memory_space<hbm>> -> memref<512xi32, #tpu.memory_space<hbm>>
      %dma_wait3A_787 = arith.constant 0 : i32
      %dma_wait3A_788 = tpu.memref_slice %arg7[%dma_wait3A_779, %dma_wait3A_787] : memref<2x512xi32, #tpu.memory_space<vmem>> -> memref<1x512xi32, #tpu.memory_space<vmem>>
      %dma_wait3A_789 = tpu.memref_squeeze %dma_wait3A_788 : memref<1x512xi32, #tpu.memory_space<vmem>> -> memref<512xi32, #tpu.memory_space<vmem>>
      tpu.wait_dma2 semaphore(%arg21 : memref<!tpu.dma_semaphore, #tpu.memory_space<semaphore_mem>>) src(%dma_wait3A_789 : memref<512xi32, #tpu.memory_space<vmem>>) dst(%dma_wait3A_786 : memref<512xi32, #tpu.memory_space<hbm>>)
      %dma_wait3A_790 = arith.constant 0 : i32
      %dma_wait3A_791 = arith.constant 0 : i32
      %dma_wait3A_792 = tpu.memref_slice %arg7[%dma_wait3A_790, %dma_wait3A_791] : memref<2x512xi32, #tpu.memory_space<vmem>> -> memref<1x512xi32, #tpu.memory_space<vmem>>
      %dma_wait3A_793 = tpu.memref_squeeze %dma_wait3A_792 : memref<1x512xi32, #tpu.memory_space<vmem>> -> memref<512xi32, #tpu.memory_space<vmem>>
      %dma_wait3A_794 = arith.constant 0 : i32
      %dma_wait3A_795 = tpu.memref_slice %arg4[%dma_wait3A_794] : memref<320000xi32, #tpu.memory_space<hbm>> -> memref<512xi32, #tpu.memory_space<hbm>>
      %dma_wait3A_796 = arith.constant 0 : i32
      %dma_wait3A_797 = tpu.memref_slice %arg4[%dma_wait3A_796] : memref<320000xi32, #tpu.memory_space<hbm>> -> memref<512xi32, #tpu.memory_space<hbm>>
      %dma_wait3A_798 = arith.constant 0 : i32
      %dma_wait3A_799 = tpu.memref_slice %arg7[%dma_wait3A_790, %dma_wait3A_798] : memref<2x512xi32, #tpu.memory_space<vmem>> -> memref<1x512xi32, #tpu.memory_space<vmem>>
      %dma_wait3A_800 = tpu.memref_squeeze %dma_wait3A_799 : memref<1x512xi32, #tpu.memory_space<vmem>> -> memref<512xi32, #tpu.memory_space<vmem>>
      tpu.wait_dma2 semaphore(%arg21 : memref<!tpu.dma_semaphore, #tpu.memory_space<semaphore_mem>>) src(%dma_wait3A_800 : memref<512xi32, #tpu.memory_space<vmem>>) dst(%dma_wait3A_797 : memref<512xi32, #tpu.memory_space<hbm>>)
      %lt3A_801 = arith.constant 19 : i32
      %lt3A_802 = arith.cmpi slt, %add3A_746, %lt3A_801 : i32
      %convert_element_type3A_803 = arith.extui %lt3A_802 : i1 to i32
      %cond3A_804 = arith.constant 0 : i32
      %cond3A_805 = arith.cmpi ne, %convert_element_type3A_803, %cond3A_804 : i32
      scf.if %cond3A_805 {
        %add3A_936 = arith.addi %add3A_17, %add3A_746 : i32
        %mul3A_937 = arith.constant 512 : i32
        %mul3A_938 = arith.muli %add3A_936, %mul3A_937 : i32
        %dma_start3A_939 = arith.constant 0 : i32
        %dma_start3A_940 = tpu.memref_slice %arg2[%dma_start3A_939, %mul3A_938] : memref<2x320000xi32, #tpu.memory_space<hbm>> -> memref<2x512xi32, #tpu.memory_space<hbm>>
        %dma_start3A_941 = arith.constant 0 : i32
        %dma_start3A_942 = tpu.memref_slice %arg2[%dma_start3A_941, %mul3A_938] : memref<2x320000xi32, #tpu.memory_space<hbm>> -> memref<2x512xi32, #tpu.memory_space<hbm>>
        tpu.enqueue_dma source(%dma_start3A_942 : memref<2x512xi32, #tpu.memory_space<hbm>>) target(%arg7 : memref<2x512xi32, #tpu.memory_space<vmem>>) target_semaphore(%arg13 : memref<!tpu.dma_semaphore, #tpu.memory_space<semaphore_mem>>)
      } else {
      }
      %mul3A_806 = arith.constant 4 : i32
      %mul3A_807 = arith.muli %scan3A_415, %mul3A_806 : i32
      %add3A_808 = arith.constant 2 : i32
      %add3A_809 = arith.addi %mul3A_807, %add3A_808 : i32
      %add3A_810 = arith.constant 4 : i32
      %add3A_811 = arith.addi %add3A_809, %add3A_810 : i32
      %dma_wait3A_812 = arith.constant 1 : i32
      %dma_wait3A_813 = arith.constant 0 : i32
      %dma_wait3A_814 = tpu.memref_slice %arg10[%dma_wait3A_813] : memref<512xf32, #tpu.memory_space<vmem>> -> memref<128xf32, #tpu.memory_space<vmem>>
      %dma_wait3A_815 = arith.constant 0 : i32
      %dma_wait3A_816 = tpu.memref_slice %arg8[%dma_wait3A_812, %dma_wait3A_815] : memref<2x512xi32, #tpu.memory_space<vmem>> -> memref<1x128xi32, #tpu.memory_space<vmem>>
      %dma_wait3A_817 = tpu.memref_squeeze %dma_wait3A_816 : memref<1x128xi32, #tpu.memory_space<vmem>> -> memref<128xi32, #tpu.memory_space<vmem>>
      %dma_wait3A_818 = arith.constant 0 : i32
      %dma_wait3A_819 = tpu.memref_slice %arg24[%dma_wait3A_818] : memref<10240xf32, #tpu.memory_space<vmem_shared>> -> memref<10240xf32, #tpu.memory_space<vmem_shared>>
      tpu.wait_indirect_dma semaphore(%arg18 : memref<!tpu.dma_semaphore, #tpu.memory_space<semaphore_mem>>) src(%dma_wait3A_814 : memref<128xf32, #tpu.memory_space<vmem>>) dst(%dma_wait3A_819 : memref<10240xf32, #tpu.memory_space<vmem_shared>>)
      %dma_wait3A_820 = arith.constant 1 : i32
      %dma_wait3A_821 = arith.constant 0 : i32
      %dma_wait3A_822 = tpu.memref_slice %arg10[%dma_wait3A_821] : memref<512xf32, #tpu.memory_space<vmem>> -> memref<128xf32, #tpu.memory_space<vmem>>
      %dma_wait3A_823 = arith.constant 0 : i32
      %dma_wait3A_824 = tpu.memref_slice %arg8[%dma_wait3A_820, %dma_wait3A_823] : memref<2x512xi32, #tpu.memory_space<vmem>> -> memref<1x128xi32, #tpu.memory_space<vmem>>
      %dma_wait3A_825 = tpu.memref_squeeze %dma_wait3A_824 : memref<1x128xi32, #tpu.memory_space<vmem>> -> memref<128xi32, #tpu.memory_space<vmem>>
      %dma_wait3A_826 = arith.constant 0 : i32
      %dma_wait3A_827 = tpu.memref_slice %arg24[%dma_wait3A_826] : memref<10240xf32, #tpu.memory_space<vmem_shared>> -> memref<10240xf32, #tpu.memory_space<vmem_shared>>
      tpu.wait_indirect_dma semaphore(%arg18 : memref<!tpu.dma_semaphore, #tpu.memory_space<semaphore_mem>>) src(%dma_wait3A_822 : memref<128xf32, #tpu.memory_space<vmem>>) dst(%dma_wait3A_827 : memref<10240xf32, #tpu.memory_space<vmem_shared>>)
      %dma_wait3A_828 = arith.constant 1 : i32
      %dma_wait3A_829 = arith.constant 0 : i32
      %dma_wait3A_830 = tpu.memref_slice %arg10[%dma_wait3A_829] : memref<512xf32, #tpu.memory_space<vmem>> -> memref<128xf32, #tpu.memory_space<vmem>>
      %dma_wait3A_831 = arith.constant 0 : i32
      %dma_wait3A_832 = tpu.memref_slice %arg8[%dma_wait3A_828, %dma_wait3A_831] : memref<2x512xi32, #tpu.memory_space<vmem>> -> memref<1x128xi32, #tpu.memory_space<vmem>>
      %dma_wait3A_833 = tpu.memref_squeeze %dma_wait3A_832 : memref<1x128xi32, #tpu.memory_space<vmem>> -> memref<128xi32, #tpu.memory_space<vmem>>
      %dma_wait3A_834 = arith.constant 0 : i32
      %dma_wait3A_835 = tpu.memref_slice %arg24[%dma_wait3A_834] : memref<10240xf32, #tpu.memory_space<vmem_shared>> -> memref<10240xf32, #tpu.memory_space<vmem_shared>>
      tpu.wait_indirect_dma semaphore(%arg18 : memref<!tpu.dma_semaphore, #tpu.memory_space<semaphore_mem>>) src(%dma_wait3A_830 : memref<128xf32, #tpu.memory_space<vmem>>) dst(%dma_wait3A_835 : memref<10240xf32, #tpu.memory_space<vmem_shared>>)
      %dma_wait3A_836 = arith.constant 1 : i32
      %dma_wait3A_837 = arith.constant 0 : i32
      %dma_wait3A_838 = tpu.memref_slice %arg10[%dma_wait3A_837] : memref<512xf32, #tpu.memory_space<vmem>> -> memref<128xf32, #tpu.memory_space<vmem>>
      %dma_wait3A_839 = arith.constant 0 : i32
      %dma_wait3A_840 = tpu.memref_slice %arg8[%dma_wait3A_836, %dma_wait3A_839] : memref<2x512xi32, #tpu.memory_space<vmem>> -> memref<1x128xi32, #tpu.memory_space<vmem>>
      %dma_wait3A_841 = tpu.memref_squeeze %dma_wait3A_840 : memref<1x128xi32, #tpu.memory_space<vmem>> -> memref<128xi32, #tpu.memory_space<vmem>>
      %dma_wait3A_842 = arith.constant 0 : i32
      %dma_wait3A_843 = tpu.memref_slice %arg24[%dma_wait3A_842] : memref<10240xf32, #tpu.memory_space<vmem_shared>> -> memref<10240xf32, #tpu.memory_space<vmem_shared>>
      tpu.wait_indirect_dma semaphore(%arg18 : memref<!tpu.dma_semaphore, #tpu.memory_space<semaphore_mem>>) src(%dma_wait3A_838 : memref<128xf32, #tpu.memory_space<vmem>>) dst(%dma_wait3A_843 : memref<10240xf32, #tpu.memory_space<vmem_shared>>)
      %dma_wait3A_844 = arith.constant 0 : i32
      %dma_wait3A_845 = arith.constant 0 : i32
      %dma_wait3A_846 = tpu.memref_slice %arg8[%dma_wait3A_844, %dma_wait3A_845] : memref<2x512xi32, #tpu.memory_space<vmem>> -> memref<1x512xi32, #tpu.memory_space<vmem>>
      %dma_wait3A_847 = tpu.memref_squeeze %dma_wait3A_846 : memref<1x512xi32, #tpu.memory_space<vmem>> -> memref<512xi32, #tpu.memory_space<vmem>>
      %dma_wait3A_848 = arith.constant 0 : i32
      %dma_wait3A_849 = tpu.memref_slice %arg4[%dma_wait3A_848] : memref<320000xi32, #tpu.memory_space<hbm>> -> memref<512xi32, #tpu.memory_space<hbm>>
      %dma_wait3A_850 = arith.constant 0 : i32
      %dma_wait3A_851 = tpu.memref_slice %arg4[%dma_wait3A_850] : memref<320000xi32, #tpu.memory_space<hbm>> -> memref<512xi32, #tpu.memory_space<hbm>>
      %dma_wait3A_852 = arith.constant 0 : i32
      %dma_wait3A_853 = tpu.memref_slice %arg8[%dma_wait3A_844, %dma_wait3A_852] : memref<2x512xi32, #tpu.memory_space<vmem>> -> memref<1x512xi32, #tpu.memory_space<vmem>>
      %dma_wait3A_854 = tpu.memref_squeeze %dma_wait3A_853 : memref<1x512xi32, #tpu.memory_space<vmem>> -> memref<512xi32, #tpu.memory_space<vmem>>
      tpu.wait_dma2 semaphore(%arg22 : memref<!tpu.dma_semaphore, #tpu.memory_space<semaphore_mem>>) src(%dma_wait3A_854 : memref<512xi32, #tpu.memory_space<vmem>>) dst(%dma_wait3A_851 : memref<512xi32, #tpu.memory_space<hbm>>)
      %dma_wait3A_855 = arith.constant 0 : i32
      %dma_wait3A_856 = arith.constant 0 : i32
      %dma_wait3A_857 = tpu.memref_slice %arg8[%dma_wait3A_855, %dma_wait3A_856] : memref<2x512xi32, #tpu.memory_space<vmem>> -> memref<1x512xi32, #tpu.memory_space<vmem>>
      %dma_wait3A_858 = tpu.memref_squeeze %dma_wait3A_857 : memref<1x512xi32, #tpu.memory_space<vmem>> -> memref<512xi32, #tpu.memory_space<vmem>>
      %dma_wait3A_859 = arith.constant 0 : i32
      %dma_wait3A_860 = tpu.memref_slice %arg4[%dma_wait3A_859] : memref<320000xi32, #tpu.memory_space<hbm>> -> memref<512xi32, #tpu.memory_space<hbm>>
      %dma_wait3A_861 = arith.constant 0 : i32
      %dma_wait3A_862 = tpu.memref_slice %arg4[%dma_wait3A_861] : memref<320000xi32, #tpu.memory_space<hbm>> -> memref<512xi32, #tpu.memory_space<hbm>>
      %dma_wait3A_863 = arith.constant 0 : i32
      %dma_wait3A_864 = tpu.memref_slice %arg8[%dma_wait3A_855, %dma_wait3A_863] : memref<2x512xi32, #tpu.memory_space<vmem>> -> memref<1x512xi32, #tpu.memory_space<vmem>>
      %dma_wait3A_865 = tpu.memref_squeeze %dma_wait3A_864 : memref<1x512xi32, #tpu.memory_space<vmem>> -> memref<512xi32, #tpu.memory_space<vmem>>
      tpu.wait_dma2 semaphore(%arg22 : memref<!tpu.dma_semaphore, #tpu.memory_space<semaphore_mem>>) src(%dma_wait3A_865 : memref<512xi32, #tpu.memory_space<vmem>>) dst(%dma_wait3A_862 : memref<512xi32, #tpu.memory_space<hbm>>)
      %lt3A_866 = arith.constant 19 : i32
      %lt3A_867 = arith.cmpi slt, %add3A_811, %lt3A_866 : i32
      %convert_element_type3A_868 = arith.extui %lt3A_867 : i1 to i32
      %cond3A_869 = arith.constant 0 : i32
      %cond3A_870 = arith.cmpi ne, %convert_element_type3A_868, %cond3A_869 : i32
      scf.if %cond3A_870 {
        %add3A_936 = arith.addi %add3A_17, %add3A_811 : i32
        %mul3A_937 = arith.constant 512 : i32
        %mul3A_938 = arith.muli %add3A_936, %mul3A_937 : i32
        %dma_start3A_939 = arith.constant 0 : i32
        %dma_start3A_940 = tpu.memref_slice %arg2[%dma_start3A_939, %mul3A_938] : memref<2x320000xi32, #tpu.memory_space<hbm>> -> memref<2x512xi32, #tpu.memory_space<hbm>>
        %dma_start3A_941 = arith.constant 0 : i32
        %dma_start3A_942 = tpu.memref_slice %arg2[%dma_start3A_941, %mul3A_938] : memref<2x320000xi32, #tpu.memory_space<hbm>> -> memref<2x512xi32, #tpu.memory_space<hbm>>
        tpu.enqueue_dma source(%dma_start3A_942 : memref<2x512xi32, #tpu.memory_space<hbm>>) target(%arg8 : memref<2x512xi32, #tpu.memory_space<vmem>>) target_semaphore(%arg14 : memref<!tpu.dma_semaphore, #tpu.memory_space<semaphore_mem>>)
      } else {
      }
      %mul3A_871 = arith.constant 4 : i32
      %mul3A_872 = arith.muli %scan3A_415, %mul3A_871 : i32
      %add3A_873 = arith.constant 3 : i32
      %add3A_874 = arith.addi %mul3A_872, %add3A_873 : i32
      %add3A_875 = arith.constant 4 : i32
      %add3A_876 = arith.addi %add3A_874, %add3A_875 : i32
      %dma_wait3A_877 = arith.constant 1 : i32
      %dma_wait3A_878 = arith.constant 0 : i32
      %dma_wait3A_879 = tpu.memref_slice %arg10[%dma_wait3A_878] : memref<512xf32, #tpu.memory_space<vmem>> -> memref<128xf32, #tpu.memory_space<vmem>>
      %dma_wait3A_880 = arith.constant 0 : i32
      %dma_wait3A_881 = tpu.memref_slice %arg9[%dma_wait3A_877, %dma_wait3A_880] : memref<2x512xi32, #tpu.memory_space<vmem>> -> memref<1x128xi32, #tpu.memory_space<vmem>>
      %dma_wait3A_882 = tpu.memref_squeeze %dma_wait3A_881 : memref<1x128xi32, #tpu.memory_space<vmem>> -> memref<128xi32, #tpu.memory_space<vmem>>
      %dma_wait3A_883 = arith.constant 0 : i32
      %dma_wait3A_884 = tpu.memref_slice %arg24[%dma_wait3A_883] : memref<10240xf32, #tpu.memory_space<vmem_shared>> -> memref<10240xf32, #tpu.memory_space<vmem_shared>>
      tpu.wait_indirect_dma semaphore(%arg19 : memref<!tpu.dma_semaphore, #tpu.memory_space<semaphore_mem>>) src(%dma_wait3A_879 : memref<128xf32, #tpu.memory_space<vmem>>) dst(%dma_wait3A_884 : memref<10240xf32, #tpu.memory_space<vmem_shared>>)
      %dma_wait3A_885 = arith.constant 1 : i32
      %dma_wait3A_886 = arith.constant 0 : i32
      %dma_wait3A_887 = tpu.memref_slice %arg10[%dma_wait3A_886] : memref<512xf32, #tpu.memory_space<vmem>> -> memref<128xf32, #tpu.memory_space<vmem>>
      %dma_wait3A_888 = arith.constant 0 : i32
      %dma_wait3A_889 = tpu.memref_slice %arg9[%dma_wait3A_885, %dma_wait3A_888] : memref<2x512xi32, #tpu.memory_space<vmem>> -> memref<1x128xi32, #tpu.memory_space<vmem>>
      %dma_wait3A_890 = tpu.memref_squeeze %dma_wait3A_889 : memref<1x128xi32, #tpu.memory_space<vmem>> -> memref<128xi32, #tpu.memory_space<vmem>>
      %dma_wait3A_891 = arith.constant 0 : i32
      %dma_wait3A_892 = tpu.memref_slice %arg24[%dma_wait3A_891] : memref<10240xf32, #tpu.memory_space<vmem_shared>> -> memref<10240xf32, #tpu.memory_space<vmem_shared>>
      tpu.wait_indirect_dma semaphore(%arg19 : memref<!tpu.dma_semaphore, #tpu.memory_space<semaphore_mem>>) src(%dma_wait3A_887 : memref<128xf32, #tpu.memory_space<vmem>>) dst(%dma_wait3A_892 : memref<10240xf32, #tpu.memory_space<vmem_shared>>)
      %dma_wait3A_893 = arith.constant 1 : i32
      %dma_wait3A_894 = arith.constant 0 : i32
      %dma_wait3A_895 = tpu.memref_slice %arg10[%dma_wait3A_894] : memref<512xf32, #tpu.memory_space<vmem>> -> memref<128xf32, #tpu.memory_space<vmem>>
      %dma_wait3A_896 = arith.constant 0 : i32
      %dma_wait3A_897 = tpu.memref_slice %arg9[%dma_wait3A_893, %dma_wait3A_896] : memref<2x512xi32, #tpu.memory_space<vmem>> -> memref<1x128xi32, #tpu.memory_space<vmem>>
      %dma_wait3A_898 = tpu.memref_squeeze %dma_wait3A_897 : memref<1x128xi32, #tpu.memory_space<vmem>> -> memref<128xi32, #tpu.memory_space<vmem>>
      %dma_wait3A_899 = arith.constant 0 : i32
      %dma_wait3A_900 = tpu.memref_slice %arg24[%dma_wait3A_899] : memref<10240xf32, #tpu.memory_space<vmem_shared>> -> memref<10240xf32, #tpu.memory_space<vmem_shared>>
      tpu.wait_indirect_dma semaphore(%arg19 : memref<!tpu.dma_semaphore, #tpu.memory_space<semaphore_mem>>) src(%dma_wait3A_895 : memref<128xf32, #tpu.memory_space<vmem>>) dst(%dma_wait3A_900 : memref<10240xf32, #tpu.memory_space<vmem_shared>>)
      %dma_wait3A_901 = arith.constant 1 : i32
      %dma_wait3A_902 = arith.constant 0 : i32
      %dma_wait3A_903 = tpu.memref_slice %arg10[%dma_wait3A_902] : memref<512xf32, #tpu.memory_space<vmem>> -> memref<128xf32, #tpu.memory_space<vmem>>
      %dma_wait3A_904 = arith.constant 0 : i32
      %dma_wait3A_905 = tpu.memref_slice %arg9[%dma_wait3A_901, %dma_wait3A_904] : memref<2x512xi32, #tpu.memory_space<vmem>> -> memref<1x128xi32, #tpu.memory_space<vmem>>
      %dma_wait3A_906 = tpu.memref_squeeze %dma_wait3A_905 : memref<1x128xi32, #tpu.memory_space<vmem>> -> memref<128xi32, #tpu.memory_space<vmem>>
      %dma_wait3A_907 = arith.constant 0 : i32
      %dma_wait3A_908 = tpu.memref_slice %arg24[%dma_wait3A_907] : memref<10240xf32, #tpu.memory_space<vmem_shared>> -> memref<10240xf32, #tpu.memory_space<vmem_shared>>
      tpu.wait_indirect_dma semaphore(%arg19 : memref<!tpu.dma_semaphore, #tpu.memory_space<semaphore_mem>>) src(%dma_wait3A_903 : memref<128xf32, #tpu.memory_space<vmem>>) dst(%dma_wait3A_908 : memref<10240xf32, #tpu.memory_space<vmem_shared>>)
      %dma_wait3A_909 = arith.constant 0 : i32
      %dma_wait3A_910 = arith.constant 0 : i32
      %dma_wait3A_911 = tpu.memref_slice %arg9[%dma_wait3A_909, %dma_wait3A_910] : memref<2x512xi32, #tpu.memory_space<vmem>> -> memref<1x512xi32, #tpu.memory_space<vmem>>
      %dma_wait3A_912 = tpu.memref_squeeze %dma_wait3A_911 : memref<1x512xi32, #tpu.memory_space<vmem>> -> memref<512xi32, #tpu.memory_space<vmem>>
      %dma_wait3A_913 = arith.constant 0 : i32
      %dma_wait3A_914 = tpu.memref_slice %arg4[%dma_wait3A_913] : memref<320000xi32, #tpu.memory_space<hbm>> -> memref<512xi32, #tpu.memory_space<hbm>>
      %dma_wait3A_915 = arith.constant 0 : i32
      %dma_wait3A_916 = tpu.memref_slice %arg4[%dma_wait3A_915] : memref<320000xi32, #tpu.memory_space<hbm>> -> memref<512xi32, #tpu.memory_space<hbm>>
      %dma_wait3A_917 = arith.constant 0 : i32
      %dma_wait3A_918 = tpu.memref_slice %arg9[%dma_wait3A_909, %dma_wait3A_917] : memref<2x512xi32, #tpu.memory_space<vmem>> -> memref<1x512xi32, #tpu.memory_space<vmem>>
      %dma_wait3A_919 = tpu.memref_squeeze %dma_wait3A_918 : memref<1x512xi32, #tpu.memory_space<vmem>> -> memref<512xi32, #tpu.memory_space<vmem>>
      tpu.wait_dma2 semaphore(%arg23 : memref<!tpu.dma_semaphore, #tpu.memory_space<semaphore_mem>>) src(%dma_wait3A_919 : memref<512xi32, #tpu.memory_space<vmem>>) dst(%dma_wait3A_916 : memref<512xi32, #tpu.memory_space<hbm>>)
      %dma_wait3A_920 = arith.constant 0 : i32
      %dma_wait3A_921 = arith.constant 0 : i32
      %dma_wait3A_922 = tpu.memref_slice %arg9[%dma_wait3A_920, %dma_wait3A_921] : memref<2x512xi32, #tpu.memory_space<vmem>> -> memref<1x512xi32, #tpu.memory_space<vmem>>
      %dma_wait3A_923 = tpu.memref_squeeze %dma_wait3A_922 : memref<1x512xi32, #tpu.memory_space<vmem>> -> memref<512xi32, #tpu.memory_space<vmem>>
      %dma_wait3A_924 = arith.constant 0 : i32
      %dma_wait3A_925 = tpu.memref_slice %arg4[%dma_wait3A_924] : memref<320000xi32, #tpu.memory_space<hbm>> -> memref<512xi32, #tpu.memory_space<hbm>>
      %dma_wait3A_926 = arith.constant 0 : i32
      %dma_wait3A_927 = tpu.memref_slice %arg4[%dma_wait3A_926] : memref<320000xi32, #tpu.memory_space<hbm>> -> memref<512xi32, #tpu.memory_space<hbm>>
      %dma_wait3A_928 = arith.constant 0 : i32
      %dma_wait3A_929 = tpu.memref_slice %arg9[%dma_wait3A_920, %dma_wait3A_928] : memref<2x512xi32, #tpu.memory_space<vmem>> -> memref<1x512xi32, #tpu.memory_space<vmem>>
      %dma_wait3A_930 = tpu.memref_squeeze %dma_wait3A_929 : memref<1x512xi32, #tpu.memory_space<vmem>> -> memref<512xi32, #tpu.memory_space<vmem>>
      tpu.wait_dma2 semaphore(%arg23 : memref<!tpu.dma_semaphore, #tpu.memory_space<semaphore_mem>>) src(%dma_wait3A_930 : memref<512xi32, #tpu.memory_space<vmem>>) dst(%dma_wait3A_927 : memref<512xi32, #tpu.memory_space<hbm>>)
      %lt3A_931 = arith.constant 19 : i32
      %lt3A_932 = arith.cmpi slt, %add3A_876, %lt3A_931 : i32
      %convert_element_type3A_933 = arith.extui %lt3A_932 : i1 to i32
      %cond3A_934 = arith.constant 0 : i32
      %cond3A_935 = arith.cmpi ne, %convert_element_type3A_933, %cond3A_934 : i32
      scf.if %cond3A_935 {
        %add3A_936 = arith.addi %add3A_17, %add3A_876 : i32
        %mul3A_937 = arith.constant 512 : i32
        %mul3A_938 = arith.muli %add3A_936, %mul3A_937 : i32
        %dma_start3A_939 = arith.constant 0 : i32
        %dma_start3A_940 = tpu.memref_slice %arg2[%dma_start3A_939, %mul3A_938] : memref<2x320000xi32, #tpu.memory_space<hbm>> -> memref<2x512xi32, #tpu.memory_space<hbm>>
        %dma_start3A_941 = arith.constant 0 : i32
        %dma_start3A_942 = tpu.memref_slice %arg2[%dma_start3A_941, %mul3A_938] : memref<2x320000xi32, #tpu.memory_space<hbm>> -> memref<2x512xi32, #tpu.memory_space<hbm>>
        tpu.enqueue_dma source(%dma_start3A_942 : memref<2x512xi32, #tpu.memory_space<hbm>>) target(%arg9 : memref<2x512xi32, #tpu.memory_space<vmem>>) target_semaphore(%arg15 : memref<!tpu.dma_semaphore, #tpu.memory_space<semaphore_mem>>)
      } else {
      }
    }
    %scan3A_54 = arith.constant 4 : i32
    %dma_wait3A = arith.constant 0 : i32
    %dma_wait3A_55 = arith.constant 0 : i32
    %dma_wait3A_56 = tpu.memref_slice %arg2[%dma_wait3A, %dma_wait3A_55] : memref<2x320000xi32, #tpu.memory_space<hbm>> -> memref<2x512xi32, #tpu.memory_space<hbm>>
    %dma_wait3A_57 = arith.constant 0 : i32
    %dma_wait3A_58 = arith.constant 0 : i32
    %dma_wait3A_59 = tpu.memref_slice %arg2[%dma_wait3A_57, %dma_wait3A_58] : memref<2x320000xi32, #tpu.memory_space<hbm>> -> memref<2x512xi32, #tpu.memory_space<hbm>>
    tpu.wait_dma2 semaphore(%arg12 : memref<!tpu.dma_semaphore, #tpu.memory_space<semaphore_mem>>) src(%dma_wait3A_59 : memref<2x512xi32, #tpu.memory_space<hbm>>) dst(%arg6 : memref<2x512xi32, #tpu.memory_space<vmem>>)
    %add3A_60 = arith.constant 16 : i32
    %add3A_61 = arith.addi %add3A_17, %add3A_60 : i32
    %add3A_62 = arith.constant 0 : i32
    %add3A_63 = arith.addi %add3A_61, %add3A_62 : i32
    %dma_start3A_64 = arith.constant 1 : i32
    %dma_start3A_65 = arith.constant 0 : i32
    %dma_start3A_66 = tpu.memref_slice %arg10[%dma_start3A_65] : memref<512xf32, #tpu.memory_space<vmem>> -> memref<128xf32, #tpu.memory_space<vmem>>
    %dma_start3A_67 = arith.constant 0 : i32
    %dma_start3A_68 = tpu.memref_slice %arg6[%dma_start3A_64, %dma_start3A_67] : memref<2x512xi32, #tpu.memory_space<vmem>> -> memref<1x128xi32, #tpu.memory_space<vmem>>
    %dma_start3A_69 = tpu.memref_squeeze %dma_start3A_68 : memref<1x128xi32, #tpu.memory_space<vmem>> -> memref<128xi32, #tpu.memory_space<vmem>>
    %dma_start3A_70 = arith.constant 0 : i32
    %dma_start3A_71 = tpu.memref_slice %arg24[%dma_start3A_70] : memref<10240xf32, #tpu.memory_space<vmem_shared>> -> memref<10240xf32, #tpu.memory_space<vmem_shared>>
    tpu.enqueue_indirect_dma source(%dma_start3A_66 : memref<128xf32, #tpu.memory_space<vmem>>) target(%dma_start3A_71 : memref<10240xf32, #tpu.memory_space<vmem_shared>>) offsets(%dma_start3A_69 : memref<128xi32, #tpu.memory_space<vmem>>) semaphore(%arg16 : memref<!tpu.dma_semaphore, #tpu.memory_space<semaphore_mem>>) {add = true}
    %dma_start3A_72 = arith.constant 1 : i32
    %dma_start3A_73 = arith.constant 0 : i32
    %dma_start3A_74 = tpu.memref_slice %arg10[%dma_start3A_73] : memref<512xf32, #tpu.memory_space<vmem>> -> memref<128xf32, #tpu.memory_space<vmem>>
    %dma_start3A_75 = arith.constant 128 : i32
    %dma_start3A_76 = tpu.memref_slice %arg6[%dma_start3A_72, %dma_start3A_75] : memref<2x512xi32, #tpu.memory_space<vmem>> -> memref<1x128xi32, #tpu.memory_space<vmem>>
    %dma_start3A_77 = tpu.memref_squeeze %dma_start3A_76 : memref<1x128xi32, #tpu.memory_space<vmem>> -> memref<128xi32, #tpu.memory_space<vmem>>
    %dma_start3A_78 = arith.constant 0 : i32
    %dma_start3A_79 = tpu.memref_slice %arg24[%dma_start3A_78] : memref<10240xf32, #tpu.memory_space<vmem_shared>> -> memref<10240xf32, #tpu.memory_space<vmem_shared>>
    tpu.enqueue_indirect_dma source(%dma_start3A_74 : memref<128xf32, #tpu.memory_space<vmem>>) target(%dma_start3A_79 : memref<10240xf32, #tpu.memory_space<vmem_shared>>) offsets(%dma_start3A_77 : memref<128xi32, #tpu.memory_space<vmem>>) semaphore(%arg16 : memref<!tpu.dma_semaphore, #tpu.memory_space<semaphore_mem>>) {add = true}
    %dma_start3A_80 = arith.constant 1 : i32
    %dma_start3A_81 = arith.constant 0 : i32
    %dma_start3A_82 = tpu.memref_slice %arg10[%dma_start3A_81] : memref<512xf32, #tpu.memory_space<vmem>> -> memref<128xf32, #tpu.memory_space<vmem>>
    %dma_start3A_83 = arith.constant 256 : i32
    %dma_start3A_84 = tpu.memref_slice %arg6[%dma_start3A_80, %dma_start3A_83] : memref<2x512xi32, #tpu.memory_space<vmem>> -> memref<1x128xi32, #tpu.memory_space<vmem>>
    %dma_start3A_85 = tpu.memref_squeeze %dma_start3A_84 : memref<1x128xi32, #tpu.memory_space<vmem>> -> memref<128xi32, #tpu.memory_space<vmem>>
    %dma_start3A_86 = arith.constant 0 : i32
    %dma_start3A_87 = tpu.memref_slice %arg24[%dma_start3A_86] : memref<10240xf32, #tpu.memory_space<vmem_shared>> -> memref<10240xf32, #tpu.memory_space<vmem_shared>>
    tpu.enqueue_indirect_dma source(%dma_start3A_82 : memref<128xf32, #tpu.memory_space<vmem>>) target(%dma_start3A_87 : memref<10240xf32, #tpu.memory_space<vmem_shared>>) offsets(%dma_start3A_85 : memref<128xi32, #tpu.memory_space<vmem>>) semaphore(%arg16 : memref<!tpu.dma_semaphore, #tpu.memory_space<semaphore_mem>>) {add = true}
    %dma_start3A_88 = arith.constant 1 : i32
    %dma_start3A_89 = arith.constant 0 : i32
    %dma_start3A_90 = tpu.memref_slice %arg10[%dma_start3A_89] : memref<512xf32, #tpu.memory_space<vmem>> -> memref<128xf32, #tpu.memory_space<vmem>>
    %dma_start3A_91 = arith.constant 384 : i32
    %dma_start3A_92 = tpu.memref_slice %arg6[%dma_start3A_88, %dma_start3A_91] : memref<2x512xi32, #tpu.memory_space<vmem>> -> memref<1x128xi32, #tpu.memory_space<vmem>>
    %dma_start3A_93 = tpu.memref_squeeze %dma_start3A_92 : memref<1x128xi32, #tpu.memory_space<vmem>> -> memref<128xi32, #tpu.memory_space<vmem>>
    %dma_start3A_94 = arith.constant 0 : i32
    %dma_start3A_95 = tpu.memref_slice %arg24[%dma_start3A_94] : memref<10240xf32, #tpu.memory_space<vmem_shared>> -> memref<10240xf32, #tpu.memory_space<vmem_shared>>
    tpu.enqueue_indirect_dma source(%dma_start3A_90 : memref<128xf32, #tpu.memory_space<vmem>>) target(%dma_start3A_95 : memref<10240xf32, #tpu.memory_space<vmem_shared>>) offsets(%dma_start3A_93 : memref<128xi32, #tpu.memory_space<vmem>>) semaphore(%arg16 : memref<!tpu.dma_semaphore, #tpu.memory_space<semaphore_mem>>) {add = true}
    %mul3A_96 = arith.constant 512 : i32
    %mul3A_97 = arith.muli %add3A_63, %mul3A_96 : i32
    %dma_start3A_98 = arith.constant 0 : i32
    %dma_start3A_99 = arith.constant 0 : i32
    %dma_start3A_100 = tpu.memref_slice %arg6[%dma_start3A_98, %dma_start3A_99] : memref<2x512xi32, #tpu.memory_space<vmem>> -> memref<1x512xi32, #tpu.memory_space<vmem>>
    %dma_start3A_101 = tpu.memref_squeeze %dma_start3A_100 : memref<1x512xi32, #tpu.memory_space<vmem>> -> memref<512xi32, #tpu.memory_space<vmem>>
    %dma_start3A_102 = tpu.memref_slice %arg4[%mul3A_97] : memref<320000xi32, #tpu.memory_space<hbm>> -> memref<512xi32, #tpu.memory_space<hbm>>
    %dma_start3A_103 = tpu.memref_slice %arg4[%mul3A_97] : memref<320000xi32, #tpu.memory_space<hbm>> -> memref<512xi32, #tpu.memory_space<hbm>>
    %dma_start3A_104 = arith.constant 0 : i32
    %dma_start3A_105 = tpu.memref_slice %arg6[%dma_start3A_98, %dma_start3A_104] : memref<2x512xi32, #tpu.memory_space<vmem>> -> memref<1x512xi32, #tpu.memory_space<vmem>>
    %dma_start3A_106 = tpu.memref_squeeze %dma_start3A_105 : memref<1x512xi32, #tpu.memory_space<vmem>> -> memref<512xi32, #tpu.memory_space<vmem>>
    tpu.enqueue_dma source(%dma_start3A_106 : memref<512xi32, #tpu.memory_space<vmem>>) target(%dma_start3A_103 : memref<512xi32, #tpu.memory_space<hbm>>) target_semaphore(%arg20 : memref<!tpu.dma_semaphore, #tpu.memory_space<semaphore_mem>>)
    %mul3A_107 = arith.constant 512 : i32
    %mul3A_108 = arith.muli %add3A_63, %mul3A_107 : i32
    %dma_start3A_109 = arith.constant 1 : i32
    %dma_start3A_110 = arith.constant 0 : i32
    %dma_start3A_111 = tpu.memref_slice %arg6[%dma_start3A_109, %dma_start3A_110] : memref<2x512xi32, #tpu.memory_space<vmem>> -> memref<1x512xi32, #tpu.memory_space<vmem>>
    %dma_start3A_112 = tpu.memref_squeeze %dma_start3A_111 : memref<1x512xi32, #tpu.memory_space<vmem>> -> memref<512xi32, #tpu.memory_space<vmem>>
    %dma_start3A_113 = tpu.memref_slice %arg5[%mul3A_108] : memref<320000xi32, #tpu.memory_space<hbm>> -> memref<512xi32, #tpu.memory_space<hbm>>
    %dma_start3A_114 = tpu.memref_slice %arg5[%mul3A_108] : memref<320000xi32, #tpu.memory_space<hbm>> -> memref<512xi32, #tpu.memory_space<hbm>>
    %dma_start3A_115 = arith.constant 0 : i32
    %dma_start3A_116 = tpu.memref_slice %arg6[%dma_start3A_109, %dma_start3A_115] : memref<2x512xi32, #tpu.memory_space<vmem>> -> memref<1x512xi32, #tpu.memory_space<vmem>>
    %dma_start3A_117 = tpu.memref_squeeze %dma_start3A_116 : memref<1x512xi32, #tpu.memory_space<vmem>> -> memref<512xi32, #tpu.memory_space<vmem>>
    tpu.enqueue_dma source(%dma_start3A_117 : memref<512xi32, #tpu.memory_space<vmem>>) target(%dma_start3A_114 : memref<512xi32, #tpu.memory_space<hbm>>) target_semaphore(%arg20 : memref<!tpu.dma_semaphore, #tpu.memory_space<semaphore_mem>>)
    %dma_wait3A_118 = arith.constant 1 : i32
    %dma_wait3A_119 = arith.constant 0 : i32
    %dma_wait3A_120 = tpu.memref_slice %arg10[%dma_wait3A_119] : memref<512xf32, #tpu.memory_space<vmem>> -> memref<128xf32, #tpu.memory_space<vmem>>
    %dma_wait3A_121 = arith.constant 0 : i32
    %dma_wait3A_122 = tpu.memref_slice %arg6[%dma_wait3A_118, %dma_wait3A_121] : memref<2x512xi32, #tpu.memory_space<vmem>> -> memref<1x128xi32, #tpu.memory_space<vmem>>
    %dma_wait3A_123 = tpu.memref_squeeze %dma_wait3A_122 : memref<1x128xi32, #tpu.memory_space<vmem>> -> memref<128xi32, #tpu.memory_space<vmem>>
    %dma_wait3A_124 = arith.constant 0 : i32
    %dma_wait3A_125 = tpu.memref_slice %arg24[%dma_wait3A_124] : memref<10240xf32, #tpu.memory_space<vmem_shared>> -> memref<10240xf32, #tpu.memory_space<vmem_shared>>
    tpu.wait_indirect_dma semaphore(%arg16 : memref<!tpu.dma_semaphore, #tpu.memory_space<semaphore_mem>>) src(%dma_wait3A_120 : memref<128xf32, #tpu.memory_space<vmem>>) dst(%dma_wait3A_125 : memref<10240xf32, #tpu.memory_space<vmem_shared>>)
    %dma_wait3A_126 = arith.constant 1 : i32
    %dma_wait3A_127 = arith.constant 0 : i32
    %dma_wait3A_128 = tpu.memref_slice %arg10[%dma_wait3A_127] : memref<512xf32, #tpu.memory_space<vmem>> -> memref<128xf32, #tpu.memory_space<vmem>>
    %dma_wait3A_129 = arith.constant 0 : i32
    %dma_wait3A_130 = tpu.memref_slice %arg6[%dma_wait3A_126, %dma_wait3A_129] : memref<2x512xi32, #tpu.memory_space<vmem>> -> memref<1x128xi32, #tpu.memory_space<vmem>>
    %dma_wait3A_131 = tpu.memref_squeeze %dma_wait3A_130 : memref<1x128xi32, #tpu.memory_space<vmem>> -> memref<128xi32, #tpu.memory_space<vmem>>
    %dma_wait3A_132 = arith.constant 0 : i32
    %dma_wait3A_133 = tpu.memref_slice %arg24[%dma_wait3A_132] : memref<10240xf32, #tpu.memory_space<vmem_shared>> -> memref<10240xf32, #tpu.memory_space<vmem_shared>>
    tpu.wait_indirect_dma semaphore(%arg16 : memref<!tpu.dma_semaphore, #tpu.memory_space<semaphore_mem>>) src(%dma_wait3A_128 : memref<128xf32, #tpu.memory_space<vmem>>) dst(%dma_wait3A_133 : memref<10240xf32, #tpu.memory_space<vmem_shared>>)
    %dma_wait3A_134 = arith.constant 1 : i32
    %dma_wait3A_135 = arith.constant 0 : i32
    %dma_wait3A_136 = tpu.memref_slice %arg10[%dma_wait3A_135] : memref<512xf32, #tpu.memory_space<vmem>> -> memref<128xf32, #tpu.memory_space<vmem>>
    %dma_wait3A_137 = arith.constant 0 : i32
    %dma_wait3A_138 = tpu.memref_slice %arg6[%dma_wait3A_134, %dma_wait3A_137] : memref<2x512xi32, #tpu.memory_space<vmem>> -> memref<1x128xi32, #tpu.memory_space<vmem>>
    %dma_wait3A_139 = tpu.memref_squeeze %dma_wait3A_138 : memref<1x128xi32, #tpu.memory_space<vmem>> -> memref<128xi32, #tpu.memory_space<vmem>>
    %dma_wait3A_140 = arith.constant 0 : i32
    %dma_wait3A_141 = tpu.memref_slice %arg24[%dma_wait3A_140] : memref<10240xf32, #tpu.memory_space<vmem_shared>> -> memref<10240xf32, #tpu.memory_space<vmem_shared>>
    tpu.wait_indirect_dma semaphore(%arg16 : memref<!tpu.dma_semaphore, #tpu.memory_space<semaphore_mem>>) src(%dma_wait3A_136 : memref<128xf32, #tpu.memory_space<vmem>>) dst(%dma_wait3A_141 : memref<10240xf32, #tpu.memory_space<vmem_shared>>)
    %dma_wait3A_142 = arith.constant 1 : i32
    %dma_wait3A_143 = arith.constant 0 : i32
    %dma_wait3A_144 = tpu.memref_slice %arg10[%dma_wait3A_143] : memref<512xf32, #tpu.memory_space<vmem>> -> memref<128xf32, #tpu.memory_space<vmem>>
    %dma_wait3A_145 = arith.constant 0 : i32
    %dma_wait3A_146 = tpu.memref_slice %arg6[%dma_wait3A_142, %dma_wait3A_145] : memref<2x512xi32, #tpu.memory_space<vmem>> -> memref<1x128xi32, #tpu.memory_space<vmem>>
    %dma_wait3A_147 = tpu.memref_squeeze %dma_wait3A_146 : memref<1x128xi32, #tpu.memory_space<vmem>> -> memref<128xi32, #tpu.memory_space<vmem>>
    %dma_wait3A_148 = arith.constant 0 : i32
    %dma_wait3A_149 = tpu.memref_slice %arg24[%dma_wait3A_148] : memref<10240xf32, #tpu.memory_space<vmem_shared>> -> memref<10240xf32, #tpu.memory_space<vmem_shared>>
    tpu.wait_indirect_dma semaphore(%arg16 : memref<!tpu.dma_semaphore, #tpu.memory_space<semaphore_mem>>) src(%dma_wait3A_144 : memref<128xf32, #tpu.memory_space<vmem>>) dst(%dma_wait3A_149 : memref<10240xf32, #tpu.memory_space<vmem_shared>>)
    %dma_wait3A_150 = arith.constant 0 : i32
    %dma_wait3A_151 = arith.constant 0 : i32
    %dma_wait3A_152 = tpu.memref_slice %arg6[%dma_wait3A_150, %dma_wait3A_151] : memref<2x512xi32, #tpu.memory_space<vmem>> -> memref<1x512xi32, #tpu.memory_space<vmem>>
    %dma_wait3A_153 = tpu.memref_squeeze %dma_wait3A_152 : memref<1x512xi32, #tpu.memory_space<vmem>> -> memref<512xi32, #tpu.memory_space<vmem>>
    %dma_wait3A_154 = arith.constant 0 : i32
    %dma_wait3A_155 = tpu.memref_slice %arg4[%dma_wait3A_154] : memref<320000xi32, #tpu.memory_space<hbm>> -> memref<512xi32, #tpu.memory_space<hbm>>
    %dma_wait3A_156 = arith.constant 0 : i32
    %dma_wait3A_157 = tpu.memref_slice %arg4[%dma_wait3A_156] : memref<320000xi32, #tpu.memory_space<hbm>> -> memref<512xi32, #tpu.memory_space<hbm>>
    %dma_wait3A_158 = arith.constant 0 : i32
    %dma_wait3A_159 = tpu.memref_slice %arg6[%dma_wait3A_150, %dma_wait3A_158] : memref<2x512xi32, #tpu.memory_space<vmem>> -> memref<1x512xi32, #tpu.memory_space<vmem>>
    %dma_wait3A_160 = tpu.memref_squeeze %dma_wait3A_159 : memref<1x512xi32, #tpu.memory_space<vmem>> -> memref<512xi32, #tpu.memory_space<vmem>>
    tpu.wait_dma2 semaphore(%arg20 : memref<!tpu.dma_semaphore, #tpu.memory_space<semaphore_mem>>) src(%dma_wait3A_160 : memref<512xi32, #tpu.memory_space<vmem>>) dst(%dma_wait3A_157 : memref<512xi32, #tpu.memory_space<hbm>>)
    %dma_wait3A_161 = arith.constant 0 : i32
    %dma_wait3A_162 = arith.constant 0 : i32
    %dma_wait3A_163 = tpu.memref_slice %arg6[%dma_wait3A_161, %dma_wait3A_162] : memref<2x512xi32, #tpu.memory_space<vmem>> -> memref<1x512xi32, #tpu.memory_space<vmem>>
    %dma_wait3A_164 = tpu.memref_squeeze %dma_wait3A_163 : memref<1x512xi32, #tpu.memory_space<vmem>> -> memref<512xi32, #tpu.memory_space<vmem>>
    %dma_wait3A_165 = arith.constant 0 : i32
    %dma_wait3A_166 = tpu.memref_slice %arg4[%dma_wait3A_165] : memref<320000xi32, #tpu.memory_space<hbm>> -> memref<512xi32, #tpu.memory_space<hbm>>
    %dma_wait3A_167 = arith.constant 0 : i32
    %dma_wait3A_168 = tpu.memref_slice %arg4[%dma_wait3A_167] : memref<320000xi32, #tpu.memory_space<hbm>> -> memref<512xi32, #tpu.memory_space<hbm>>
    %dma_wait3A_169 = arith.constant 0 : i32
    %dma_wait3A_170 = tpu.memref_slice %arg6[%dma_wait3A_161, %dma_wait3A_169] : memref<2x512xi32, #tpu.memory_space<vmem>> -> memref<1x512xi32, #tpu.memory_space<vmem>>
    %dma_wait3A_171 = tpu.memref_squeeze %dma_wait3A_170 : memref<1x512xi32, #tpu.memory_space<vmem>> -> memref<512xi32, #tpu.memory_space<vmem>>
    tpu.wait_dma2 semaphore(%arg20 : memref<!tpu.dma_semaphore, #tpu.memory_space<semaphore_mem>>) src(%dma_wait3A_171 : memref<512xi32, #tpu.memory_space<vmem>>) dst(%dma_wait3A_168 : memref<512xi32, #tpu.memory_space<hbm>>)
    %dma_wait3A_172 = arith.constant 0 : i32
    %dma_wait3A_173 = arith.constant 0 : i32
    %dma_wait3A_174 = tpu.memref_slice %arg2[%dma_wait3A_172, %dma_wait3A_173] : memref<2x320000xi32, #tpu.memory_space<hbm>> -> memref<2x512xi32, #tpu.memory_space<hbm>>
    %dma_wait3A_175 = arith.constant 0 : i32
    %dma_wait3A_176 = arith.constant 0 : i32
    %dma_wait3A_177 = tpu.memref_slice %arg2[%dma_wait3A_175, %dma_wait3A_176] : memref<2x320000xi32, #tpu.memory_space<hbm>> -> memref<2x512xi32, #tpu.memory_space<hbm>>
    tpu.wait_dma2 semaphore(%arg13 : memref<!tpu.dma_semaphore, #tpu.memory_space<semaphore_mem>>) src(%dma_wait3A_177 : memref<2x512xi32, #tpu.memory_space<hbm>>) dst(%arg7 : memref<2x512xi32, #tpu.memory_space<vmem>>)
    %add3A_178 = arith.constant 16 : i32
    %add3A_179 = arith.addi %add3A_17, %add3A_178 : i32
    %add3A_180 = arith.constant 1 : i32
    %add3A_181 = arith.addi %add3A_179, %add3A_180 : i32
    %dma_start3A_182 = arith.constant 1 : i32
    %dma_start3A_183 = arith.constant 0 : i32
    %dma_start3A_184 = tpu.memref_slice %arg10[%dma_start3A_183] : memref<512xf32, #tpu.memory_space<vmem>> -> memref<128xf32, #tpu.memory_space<vmem>>
    %dma_start3A_185 = arith.constant 0 : i32
    %dma_start3A_186 = tpu.memref_slice %arg7[%dma_start3A_182, %dma_start3A_185] : memref<2x512xi32, #tpu.memory_space<vmem>> -> memref<1x128xi32, #tpu.memory_space<vmem>>
    %dma_start3A_187 = tpu.memref_squeeze %dma_start3A_186 : memref<1x128xi32, #tpu.memory_space<vmem>> -> memref<128xi32, #tpu.memory_space<vmem>>
    %dma_start3A_188 = arith.constant 0 : i32
    %dma_start3A_189 = tpu.memref_slice %arg24[%dma_start3A_188] : memref<10240xf32, #tpu.memory_space<vmem_shared>> -> memref<10240xf32, #tpu.memory_space<vmem_shared>>
    tpu.enqueue_indirect_dma source(%dma_start3A_184 : memref<128xf32, #tpu.memory_space<vmem>>) target(%dma_start3A_189 : memref<10240xf32, #tpu.memory_space<vmem_shared>>) offsets(%dma_start3A_187 : memref<128xi32, #tpu.memory_space<vmem>>) semaphore(%arg17 : memref<!tpu.dma_semaphore, #tpu.memory_space<semaphore_mem>>) {add = true}
    %dma_start3A_190 = arith.constant 1 : i32
    %dma_start3A_191 = arith.constant 0 : i32
    %dma_start3A_192 = tpu.memref_slice %arg10[%dma_start3A_191] : memref<512xf32, #tpu.memory_space<vmem>> -> memref<128xf32, #tpu.memory_space<vmem>>
    %dma_start3A_193 = arith.constant 128 : i32
    %dma_start3A_194 = tpu.memref_slice %arg7[%dma_start3A_190, %dma_start3A_193] : memref<2x512xi32, #tpu.memory_space<vmem>> -> memref<1x128xi32, #tpu.memory_space<vmem>>
    %dma_start3A_195 = tpu.memref_squeeze %dma_start3A_194 : memref<1x128xi32, #tpu.memory_space<vmem>> -> memref<128xi32, #tpu.memory_space<vmem>>
    %dma_start3A_196 = arith.constant 0 : i32
    %dma_start3A_197 = tpu.memref_slice %arg24[%dma_start3A_196] : memref<10240xf32, #tpu.memory_space<vmem_shared>> -> memref<10240xf32, #tpu.memory_space<vmem_shared>>
    tpu.enqueue_indirect_dma source(%dma_start3A_192 : memref<128xf32, #tpu.memory_space<vmem>>) target(%dma_start3A_197 : memref<10240xf32, #tpu.memory_space<vmem_shared>>) offsets(%dma_start3A_195 : memref<128xi32, #tpu.memory_space<vmem>>) semaphore(%arg17 : memref<!tpu.dma_semaphore, #tpu.memory_space<semaphore_mem>>) {add = true}
    %dma_start3A_198 = arith.constant 1 : i32
    %dma_start3A_199 = arith.constant 0 : i32
    %dma_start3A_200 = tpu.memref_slice %arg10[%dma_start3A_199] : memref<512xf32, #tpu.memory_space<vmem>> -> memref<128xf32, #tpu.memory_space<vmem>>
    %dma_start3A_201 = arith.constant 256 : i32
    %dma_start3A_202 = tpu.memref_slice %arg7[%dma_start3A_198, %dma_start3A_201] : memref<2x512xi32, #tpu.memory_space<vmem>> -> memref<1x128xi32, #tpu.memory_space<vmem>>
    %dma_start3A_203 = tpu.memref_squeeze %dma_start3A_202 : memref<1x128xi32, #tpu.memory_space<vmem>> -> memref<128xi32, #tpu.memory_space<vmem>>
    %dma_start3A_204 = arith.constant 0 : i32
    %dma_start3A_205 = tpu.memref_slice %arg24[%dma_start3A_204] : memref<10240xf32, #tpu.memory_space<vmem_shared>> -> memref<10240xf32, #tpu.memory_space<vmem_shared>>
    tpu.enqueue_indirect_dma source(%dma_start3A_200 : memref<128xf32, #tpu.memory_space<vmem>>) target(%dma_start3A_205 : memref<10240xf32, #tpu.memory_space<vmem_shared>>) offsets(%dma_start3A_203 : memref<128xi32, #tpu.memory_space<vmem>>) semaphore(%arg17 : memref<!tpu.dma_semaphore, #tpu.memory_space<semaphore_mem>>) {add = true}
    %dma_start3A_206 = arith.constant 1 : i32
    %dma_start3A_207 = arith.constant 0 : i32
    %dma_start3A_208 = tpu.memref_slice %arg10[%dma_start3A_207] : memref<512xf32, #tpu.memory_space<vmem>> -> memref<128xf32, #tpu.memory_space<vmem>>
    %dma_start3A_209 = arith.constant 384 : i32
    %dma_start3A_210 = tpu.memref_slice %arg7[%dma_start3A_206, %dma_start3A_209] : memref<2x512xi32, #tpu.memory_space<vmem>> -> memref<1x128xi32, #tpu.memory_space<vmem>>
    %dma_start3A_211 = tpu.memref_squeeze %dma_start3A_210 : memref<1x128xi32, #tpu.memory_space<vmem>> -> memref<128xi32, #tpu.memory_space<vmem>>
    %dma_start3A_212 = arith.constant 0 : i32
    %dma_start3A_213 = tpu.memref_slice %arg24[%dma_start3A_212] : memref<10240xf32, #tpu.memory_space<vmem_shared>> -> memref<10240xf32, #tpu.memory_space<vmem_shared>>
    tpu.enqueue_indirect_dma source(%dma_start3A_208 : memref<128xf32, #tpu.memory_space<vmem>>) target(%dma_start3A_213 : memref<10240xf32, #tpu.memory_space<vmem_shared>>) offsets(%dma_start3A_211 : memref<128xi32, #tpu.memory_space<vmem>>) semaphore(%arg17 : memref<!tpu.dma_semaphore, #tpu.memory_space<semaphore_mem>>) {add = true}
    %mul3A_214 = arith.constant 512 : i32
    %mul3A_215 = arith.muli %add3A_181, %mul3A_214 : i32
    %dma_start3A_216 = arith.constant 0 : i32
    %dma_start3A_217 = arith.constant 0 : i32
    %dma_start3A_218 = tpu.memref_slice %arg7[%dma_start3A_216, %dma_start3A_217] : memref<2x512xi32, #tpu.memory_space<vmem>> -> memref<1x512xi32, #tpu.memory_space<vmem>>
    %dma_start3A_219 = tpu.memref_squeeze %dma_start3A_218 : memref<1x512xi32, #tpu.memory_space<vmem>> -> memref<512xi32, #tpu.memory_space<vmem>>
    %dma_start3A_220 = tpu.memref_slice %arg4[%mul3A_215] : memref<320000xi32, #tpu.memory_space<hbm>> -> memref<512xi32, #tpu.memory_space<hbm>>
    %dma_start3A_221 = tpu.memref_slice %arg4[%mul3A_215] : memref<320000xi32, #tpu.memory_space<hbm>> -> memref<512xi32, #tpu.memory_space<hbm>>
    %dma_start3A_222 = arith.constant 0 : i32
    %dma_start3A_223 = tpu.memref_slice %arg7[%dma_start3A_216, %dma_start3A_222] : memref<2x512xi32, #tpu.memory_space<vmem>> -> memref<1x512xi32, #tpu.memory_space<vmem>>
    %dma_start3A_224 = tpu.memref_squeeze %dma_start3A_223 : memref<1x512xi32, #tpu.memory_space<vmem>> -> memref<512xi32, #tpu.memory_space<vmem>>
    tpu.enqueue_dma source(%dma_start3A_224 : memref<512xi32, #tpu.memory_space<vmem>>) target(%dma_start3A_221 : memref<512xi32, #tpu.memory_space<hbm>>) target_semaphore(%arg21 : memref<!tpu.dma_semaphore, #tpu.memory_space<semaphore_mem>>)
    %mul3A_225 = arith.constant 512 : i32
    %mul3A_226 = arith.muli %add3A_181, %mul3A_225 : i32
    %dma_start3A_227 = arith.constant 1 : i32
    %dma_start3A_228 = arith.constant 0 : i32
    %dma_start3A_229 = tpu.memref_slice %arg7[%dma_start3A_227, %dma_start3A_228] : memref<2x512xi32, #tpu.memory_space<vmem>> -> memref<1x512xi32, #tpu.memory_space<vmem>>
    %dma_start3A_230 = tpu.memref_squeeze %dma_start3A_229 : memref<1x512xi32, #tpu.memory_space<vmem>> -> memref<512xi32, #tpu.memory_space<vmem>>
    %dma_start3A_231 = tpu.memref_slice %arg5[%mul3A_226] : memref<320000xi32, #tpu.memory_space<hbm>> -> memref<512xi32, #tpu.memory_space<hbm>>
    %dma_start3A_232 = tpu.memref_slice %arg5[%mul3A_226] : memref<320000xi32, #tpu.memory_space<hbm>> -> memref<512xi32, #tpu.memory_space<hbm>>
    %dma_start3A_233 = arith.constant 0 : i32
    %dma_start3A_234 = tpu.memref_slice %arg7[%dma_start3A_227, %dma_start3A_233] : memref<2x512xi32, #tpu.memory_space<vmem>> -> memref<1x512xi32, #tpu.memory_space<vmem>>
    %dma_start3A_235 = tpu.memref_squeeze %dma_start3A_234 : memref<1x512xi32, #tpu.memory_space<vmem>> -> memref<512xi32, #tpu.memory_space<vmem>>
    tpu.enqueue_dma source(%dma_start3A_235 : memref<512xi32, #tpu.memory_space<vmem>>) target(%dma_start3A_232 : memref<512xi32, #tpu.memory_space<hbm>>) target_semaphore(%arg21 : memref<!tpu.dma_semaphore, #tpu.memory_space<semaphore_mem>>)
    %dma_wait3A_236 = arith.constant 1 : i32
    %dma_wait3A_237 = arith.constant 0 : i32
    %dma_wait3A_238 = tpu.memref_slice %arg10[%dma_wait3A_237] : memref<512xf32, #tpu.memory_space<vmem>> -> memref<128xf32, #tpu.memory_space<vmem>>
    %dma_wait3A_239 = arith.constant 0 : i32
    %dma_wait3A_240 = tpu.memref_slice %arg7[%dma_wait3A_236, %dma_wait3A_239] : memref<2x512xi32, #tpu.memory_space<vmem>> -> memref<1x128xi32, #tpu.memory_space<vmem>>
    %dma_wait3A_241 = tpu.memref_squeeze %dma_wait3A_240 : memref<1x128xi32, #tpu.memory_space<vmem>> -> memref<128xi32, #tpu.memory_space<vmem>>
    %dma_wait3A_242 = arith.constant 0 : i32
    %dma_wait3A_243 = tpu.memref_slice %arg24[%dma_wait3A_242] : memref<10240xf32, #tpu.memory_space<vmem_shared>> -> memref<10240xf32, #tpu.memory_space<vmem_shared>>
    tpu.wait_indirect_dma semaphore(%arg17 : memref<!tpu.dma_semaphore, #tpu.memory_space<semaphore_mem>>) src(%dma_wait3A_238 : memref<128xf32, #tpu.memory_space<vmem>>) dst(%dma_wait3A_243 : memref<10240xf32, #tpu.memory_space<vmem_shared>>)
    %dma_wait3A_244 = arith.constant 1 : i32
    %dma_wait3A_245 = arith.constant 0 : i32
    %dma_wait3A_246 = tpu.memref_slice %arg10[%dma_wait3A_245] : memref<512xf32, #tpu.memory_space<vmem>> -> memref<128xf32, #tpu.memory_space<vmem>>
    %dma_wait3A_247 = arith.constant 0 : i32
    %dma_wait3A_248 = tpu.memref_slice %arg7[%dma_wait3A_244, %dma_wait3A_247] : memref<2x512xi32, #tpu.memory_space<vmem>> -> memref<1x128xi32, #tpu.memory_space<vmem>>
    %dma_wait3A_249 = tpu.memref_squeeze %dma_wait3A_248 : memref<1x128xi32, #tpu.memory_space<vmem>> -> memref<128xi32, #tpu.memory_space<vmem>>
    %dma_wait3A_250 = arith.constant 0 : i32
    %dma_wait3A_251 = tpu.memref_slice %arg24[%dma_wait3A_250] : memref<10240xf32, #tpu.memory_space<vmem_shared>> -> memref<10240xf32, #tpu.memory_space<vmem_shared>>
    tpu.wait_indirect_dma semaphore(%arg17 : memref<!tpu.dma_semaphore, #tpu.memory_space<semaphore_mem>>) src(%dma_wait3A_246 : memref<128xf32, #tpu.memory_space<vmem>>) dst(%dma_wait3A_251 : memref<10240xf32, #tpu.memory_space<vmem_shared>>)
    %dma_wait3A_252 = arith.constant 1 : i32
    %dma_wait3A_253 = arith.constant 0 : i32
    %dma_wait3A_254 = tpu.memref_slice %arg10[%dma_wait3A_253] : memref<512xf32, #tpu.memory_space<vmem>> -> memref<128xf32, #tpu.memory_space<vmem>>
    %dma_wait3A_255 = arith.constant 0 : i32
    %dma_wait3A_256 = tpu.memref_slice %arg7[%dma_wait3A_252, %dma_wait3A_255] : memref<2x512xi32, #tpu.memory_space<vmem>> -> memref<1x128xi32, #tpu.memory_space<vmem>>
    %dma_wait3A_257 = tpu.memref_squeeze %dma_wait3A_256 : memref<1x128xi32, #tpu.memory_space<vmem>> -> memref<128xi32, #tpu.memory_space<vmem>>
    %dma_wait3A_258 = arith.constant 0 : i32
    %dma_wait3A_259 = tpu.memref_slice %arg24[%dma_wait3A_258] : memref<10240xf32, #tpu.memory_space<vmem_shared>> -> memref<10240xf32, #tpu.memory_space<vmem_shared>>
    tpu.wait_indirect_dma semaphore(%arg17 : memref<!tpu.dma_semaphore, #tpu.memory_space<semaphore_mem>>) src(%dma_wait3A_254 : memref<128xf32, #tpu.memory_space<vmem>>) dst(%dma_wait3A_259 : memref<10240xf32, #tpu.memory_space<vmem_shared>>)
    %dma_wait3A_260 = arith.constant 1 : i32
    %dma_wait3A_261 = arith.constant 0 : i32
    %dma_wait3A_262 = tpu.memref_slice %arg10[%dma_wait3A_261] : memref<512xf32, #tpu.memory_space<vmem>> -> memref<128xf32, #tpu.memory_space<vmem>>
    %dma_wait3A_263 = arith.constant 0 : i32
    %dma_wait3A_264 = tpu.memref_slice %arg7[%dma_wait3A_260, %dma_wait3A_263] : memref<2x512xi32, #tpu.memory_space<vmem>> -> memref<1x128xi32, #tpu.memory_space<vmem>>
    %dma_wait3A_265 = tpu.memref_squeeze %dma_wait3A_264 : memref<1x128xi32, #tpu.memory_space<vmem>> -> memref<128xi32, #tpu.memory_space<vmem>>
    %dma_wait3A_266 = arith.constant 0 : i32
    %dma_wait3A_267 = tpu.memref_slice %arg24[%dma_wait3A_266] : memref<10240xf32, #tpu.memory_space<vmem_shared>> -> memref<10240xf32, #tpu.memory_space<vmem_shared>>
    tpu.wait_indirect_dma semaphore(%arg17 : memref<!tpu.dma_semaphore, #tpu.memory_space<semaphore_mem>>) src(%dma_wait3A_262 : memref<128xf32, #tpu.memory_space<vmem>>) dst(%dma_wait3A_267 : memref<10240xf32, #tpu.memory_space<vmem_shared>>)
    %dma_wait3A_268 = arith.constant 0 : i32
    %dma_wait3A_269 = arith.constant 0 : i32
    %dma_wait3A_270 = tpu.memref_slice %arg7[%dma_wait3A_268, %dma_wait3A_269] : memref<2x512xi32, #tpu.memory_space<vmem>> -> memref<1x512xi32, #tpu.memory_space<vmem>>
    %dma_wait3A_271 = tpu.memref_squeeze %dma_wait3A_270 : memref<1x512xi32, #tpu.memory_space<vmem>> -> memref<512xi32, #tpu.memory_space<vmem>>
    %dma_wait3A_272 = arith.constant 0 : i32
    %dma_wait3A_273 = tpu.memref_slice %arg4[%dma_wait3A_272] : memref<320000xi32, #tpu.memory_space<hbm>> -> memref<512xi32, #tpu.memory_space<hbm>>
    %dma_wait3A_274 = arith.constant 0 : i32
    %dma_wait3A_275 = tpu.memref_slice %arg4[%dma_wait3A_274] : memref<320000xi32, #tpu.memory_space<hbm>> -> memref<512xi32, #tpu.memory_space<hbm>>
    %dma_wait3A_276 = arith.constant 0 : i32
    %dma_wait3A_277 = tpu.memref_slice %arg7[%dma_wait3A_268, %dma_wait3A_276] : memref<2x512xi32, #tpu.memory_space<vmem>> -> memref<1x512xi32, #tpu.memory_space<vmem>>
    %dma_wait3A_278 = tpu.memref_squeeze %dma_wait3A_277 : memref<1x512xi32, #tpu.memory_space<vmem>> -> memref<512xi32, #tpu.memory_space<vmem>>
    tpu.wait_dma2 semaphore(%arg21 : memref<!tpu.dma_semaphore, #tpu.memory_space<semaphore_mem>>) src(%dma_wait3A_278 : memref<512xi32, #tpu.memory_space<vmem>>) dst(%dma_wait3A_275 : memref<512xi32, #tpu.memory_space<hbm>>)
    %dma_wait3A_279 = arith.constant 0 : i32
    %dma_wait3A_280 = arith.constant 0 : i32
    %dma_wait3A_281 = tpu.memref_slice %arg7[%dma_wait3A_279, %dma_wait3A_280] : memref<2x512xi32, #tpu.memory_space<vmem>> -> memref<1x512xi32, #tpu.memory_space<vmem>>
    %dma_wait3A_282 = tpu.memref_squeeze %dma_wait3A_281 : memref<1x512xi32, #tpu.memory_space<vmem>> -> memref<512xi32, #tpu.memory_space<vmem>>
    %dma_wait3A_283 = arith.constant 0 : i32
    %dma_wait3A_284 = tpu.memref_slice %arg4[%dma_wait3A_283] : memref<320000xi32, #tpu.memory_space<hbm>> -> memref<512xi32, #tpu.memory_space<hbm>>
    %dma_wait3A_285 = arith.constant 0 : i32
    %dma_wait3A_286 = tpu.memref_slice %arg4[%dma_wait3A_285] : memref<320000xi32, #tpu.memory_space<hbm>> -> memref<512xi32, #tpu.memory_space<hbm>>
    %dma_wait3A_287 = arith.constant 0 : i32
    %dma_wait3A_288 = tpu.memref_slice %arg7[%dma_wait3A_279, %dma_wait3A_287] : memref<2x512xi32, #tpu.memory_space<vmem>> -> memref<1x512xi32, #tpu.memory_space<vmem>>
    %dma_wait3A_289 = tpu.memref_squeeze %dma_wait3A_288 : memref<1x512xi32, #tpu.memory_space<vmem>> -> memref<512xi32, #tpu.memory_space<vmem>>
    tpu.wait_dma2 semaphore(%arg21 : memref<!tpu.dma_semaphore, #tpu.memory_space<semaphore_mem>>) src(%dma_wait3A_289 : memref<512xi32, #tpu.memory_space<vmem>>) dst(%dma_wait3A_286 : memref<512xi32, #tpu.memory_space<hbm>>)
    %dma_wait3A_290 = arith.constant 0 : i32
    %dma_wait3A_291 = arith.constant 0 : i32
    %dma_wait3A_292 = tpu.memref_slice %arg2[%dma_wait3A_290, %dma_wait3A_291] : memref<2x320000xi32, #tpu.memory_space<hbm>> -> memref<2x512xi32, #tpu.memory_space<hbm>>
    %dma_wait3A_293 = arith.constant 0 : i32
    %dma_wait3A_294 = arith.constant 0 : i32
    %dma_wait3A_295 = tpu.memref_slice %arg2[%dma_wait3A_293, %dma_wait3A_294] : memref<2x320000xi32, #tpu.memory_space<hbm>> -> memref<2x512xi32, #tpu.memory_space<hbm>>
    tpu.wait_dma2 semaphore(%arg14 : memref<!tpu.dma_semaphore, #tpu.memory_space<semaphore_mem>>) src(%dma_wait3A_295 : memref<2x512xi32, #tpu.memory_space<hbm>>) dst(%arg8 : memref<2x512xi32, #tpu.memory_space<vmem>>)
    %add3A_296 = arith.constant 16 : i32
    %add3A_297 = arith.addi %add3A_17, %add3A_296 : i32
    %add3A_298 = arith.constant 2 : i32
    %add3A_299 = arith.addi %add3A_297, %add3A_298 : i32
    %dma_start3A_300 = arith.constant 1 : i32
    %dma_start3A_301 = arith.constant 0 : i32
    %dma_start3A_302 = tpu.memref_slice %arg10[%dma_start3A_301] : memref<512xf32, #tpu.memory_space<vmem>> -> memref<128xf32, #tpu.memory_space<vmem>>
    %dma_start3A_303 = arith.constant 0 : i32
    %dma_start3A_304 = tpu.memref_slice %arg8[%dma_start3A_300, %dma_start3A_303] : memref<2x512xi32, #tpu.memory_space<vmem>> -> memref<1x128xi32, #tpu.memory_space<vmem>>
    %dma_start3A_305 = tpu.memref_squeeze %dma_start3A_304 : memref<1x128xi32, #tpu.memory_space<vmem>> -> memref<128xi32, #tpu.memory_space<vmem>>
    %dma_start3A_306 = arith.constant 0 : i32
    %dma_start3A_307 = tpu.memref_slice %arg24[%dma_start3A_306] : memref<10240xf32, #tpu.memory_space<vmem_shared>> -> memref<10240xf32, #tpu.memory_space<vmem_shared>>
    tpu.enqueue_indirect_dma source(%dma_start3A_302 : memref<128xf32, #tpu.memory_space<vmem>>) target(%dma_start3A_307 : memref<10240xf32, #tpu.memory_space<vmem_shared>>) offsets(%dma_start3A_305 : memref<128xi32, #tpu.memory_space<vmem>>) semaphore(%arg18 : memref<!tpu.dma_semaphore, #tpu.memory_space<semaphore_mem>>) {add = true}
    %dma_start3A_308 = arith.constant 1 : i32
    %dma_start3A_309 = arith.constant 0 : i32
    %dma_start3A_310 = tpu.memref_slice %arg10[%dma_start3A_309] : memref<512xf32, #tpu.memory_space<vmem>> -> memref<128xf32, #tpu.memory_space<vmem>>
    %dma_start3A_311 = arith.constant 128 : i32
    %dma_start3A_312 = tpu.memref_slice %arg8[%dma_start3A_308, %dma_start3A_311] : memref<2x512xi32, #tpu.memory_space<vmem>> -> memref<1x128xi32, #tpu.memory_space<vmem>>
    %dma_start3A_313 = tpu.memref_squeeze %dma_start3A_312 : memref<1x128xi32, #tpu.memory_space<vmem>> -> memref<128xi32, #tpu.memory_space<vmem>>
    %dma_start3A_314 = arith.constant 0 : i32
    %dma_start3A_315 = tpu.memref_slice %arg24[%dma_start3A_314] : memref<10240xf32, #tpu.memory_space<vmem_shared>> -> memref<10240xf32, #tpu.memory_space<vmem_shared>>
    tpu.enqueue_indirect_dma source(%dma_start3A_310 : memref<128xf32, #tpu.memory_space<vmem>>) target(%dma_start3A_315 : memref<10240xf32, #tpu.memory_space<vmem_shared>>) offsets(%dma_start3A_313 : memref<128xi32, #tpu.memory_space<vmem>>) semaphore(%arg18 : memref<!tpu.dma_semaphore, #tpu.memory_space<semaphore_mem>>) {add = true}
    %dma_start3A_316 = arith.constant 1 : i32
    %dma_start3A_317 = arith.constant 0 : i32
    %dma_start3A_318 = tpu.memref_slice %arg10[%dma_start3A_317] : memref<512xf32, #tpu.memory_space<vmem>> -> memref<128xf32, #tpu.memory_space<vmem>>
    %dma_start3A_319 = arith.constant 256 : i32
    %dma_start3A_320 = tpu.memref_slice %arg8[%dma_start3A_316, %dma_start3A_319] : memref<2x512xi32, #tpu.memory_space<vmem>> -> memref<1x128xi32, #tpu.memory_space<vmem>>
    %dma_start3A_321 = tpu.memref_squeeze %dma_start3A_320 : memref<1x128xi32, #tpu.memory_space<vmem>> -> memref<128xi32, #tpu.memory_space<vmem>>
    %dma_start3A_322 = arith.constant 0 : i32
    %dma_start3A_323 = tpu.memref_slice %arg24[%dma_start3A_322] : memref<10240xf32, #tpu.memory_space<vmem_shared>> -> memref<10240xf32, #tpu.memory_space<vmem_shared>>
    tpu.enqueue_indirect_dma source(%dma_start3A_318 : memref<128xf32, #tpu.memory_space<vmem>>) target(%dma_start3A_323 : memref<10240xf32, #tpu.memory_space<vmem_shared>>) offsets(%dma_start3A_321 : memref<128xi32, #tpu.memory_space<vmem>>) semaphore(%arg18 : memref<!tpu.dma_semaphore, #tpu.memory_space<semaphore_mem>>) {add = true}
    %dma_start3A_324 = arith.constant 1 : i32
    %dma_start3A_325 = arith.constant 0 : i32
    %dma_start3A_326 = tpu.memref_slice %arg10[%dma_start3A_325] : memref<512xf32, #tpu.memory_space<vmem>> -> memref<128xf32, #tpu.memory_space<vmem>>
    %dma_start3A_327 = arith.constant 384 : i32
    %dma_start3A_328 = tpu.memref_slice %arg8[%dma_start3A_324, %dma_start3A_327] : memref<2x512xi32, #tpu.memory_space<vmem>> -> memref<1x128xi32, #tpu.memory_space<vmem>>
    %dma_start3A_329 = tpu.memref_squeeze %dma_start3A_328 : memref<1x128xi32, #tpu.memory_space<vmem>> -> memref<128xi32, #tpu.memory_space<vmem>>
    %dma_start3A_330 = arith.constant 0 : i32
    %dma_start3A_331 = tpu.memref_slice %arg24[%dma_start3A_330] : memref<10240xf32, #tpu.memory_space<vmem_shared>> -> memref<10240xf32, #tpu.memory_space<vmem_shared>>
    tpu.enqueue_indirect_dma source(%dma_start3A_326 : memref<128xf32, #tpu.memory_space<vmem>>) target(%dma_start3A_331 : memref<10240xf32, #tpu.memory_space<vmem_shared>>) offsets(%dma_start3A_329 : memref<128xi32, #tpu.memory_space<vmem>>) semaphore(%arg18 : memref<!tpu.dma_semaphore, #tpu.memory_space<semaphore_mem>>) {add = true}
    %mul3A_332 = arith.constant 512 : i32
    %mul3A_333 = arith.muli %add3A_299, %mul3A_332 : i32
    %dma_start3A_334 = arith.constant 0 : i32
    %dma_start3A_335 = arith.constant 0 : i32
    %dma_start3A_336 = tpu.memref_slice %arg8[%dma_start3A_334, %dma_start3A_335] : memref<2x512xi32, #tpu.memory_space<vmem>> -> memref<1x512xi32, #tpu.memory_space<vmem>>
    %dma_start3A_337 = tpu.memref_squeeze %dma_start3A_336 : memref<1x512xi32, #tpu.memory_space<vmem>> -> memref<512xi32, #tpu.memory_space<vmem>>
    %dma_start3A_338 = tpu.memref_slice %arg4[%mul3A_333] : memref<320000xi32, #tpu.memory_space<hbm>> -> memref<512xi32, #tpu.memory_space<hbm>>
    %dma_start3A_339 = tpu.memref_slice %arg4[%mul3A_333] : memref<320000xi32, #tpu.memory_space<hbm>> -> memref<512xi32, #tpu.memory_space<hbm>>
    %dma_start3A_340 = arith.constant 0 : i32
    %dma_start3A_341 = tpu.memref_slice %arg8[%dma_start3A_334, %dma_start3A_340] : memref<2x512xi32, #tpu.memory_space<vmem>> -> memref<1x512xi32, #tpu.memory_space<vmem>>
    %dma_start3A_342 = tpu.memref_squeeze %dma_start3A_341 : memref<1x512xi32, #tpu.memory_space<vmem>> -> memref<512xi32, #tpu.memory_space<vmem>>
    tpu.enqueue_dma source(%dma_start3A_342 : memref<512xi32, #tpu.memory_space<vmem>>) target(%dma_start3A_339 : memref<512xi32, #tpu.memory_space<hbm>>) target_semaphore(%arg22 : memref<!tpu.dma_semaphore, #tpu.memory_space<semaphore_mem>>)
    %mul3A_343 = arith.constant 512 : i32
    %mul3A_344 = arith.muli %add3A_299, %mul3A_343 : i32
    %dma_start3A_345 = arith.constant 1 : i32
    %dma_start3A_346 = arith.constant 0 : i32
    %dma_start3A_347 = tpu.memref_slice %arg8[%dma_start3A_345, %dma_start3A_346] : memref<2x512xi32, #tpu.memory_space<vmem>> -> memref<1x512xi32, #tpu.memory_space<vmem>>
    %dma_start3A_348 = tpu.memref_squeeze %dma_start3A_347 : memref<1x512xi32, #tpu.memory_space<vmem>> -> memref<512xi32, #tpu.memory_space<vmem>>
    %dma_start3A_349 = tpu.memref_slice %arg5[%mul3A_344] : memref<320000xi32, #tpu.memory_space<hbm>> -> memref<512xi32, #tpu.memory_space<hbm>>
    %dma_start3A_350 = tpu.memref_slice %arg5[%mul3A_344] : memref<320000xi32, #tpu.memory_space<hbm>> -> memref<512xi32, #tpu.memory_space<hbm>>
    %dma_start3A_351 = arith.constant 0 : i32
    %dma_start3A_352 = tpu.memref_slice %arg8[%dma_start3A_345, %dma_start3A_351] : memref<2x512xi32, #tpu.memory_space<vmem>> -> memref<1x512xi32, #tpu.memory_space<vmem>>
    %dma_start3A_353 = tpu.memref_squeeze %dma_start3A_352 : memref<1x512xi32, #tpu.memory_space<vmem>> -> memref<512xi32, #tpu.memory_space<vmem>>
    tpu.enqueue_dma source(%dma_start3A_353 : memref<512xi32, #tpu.memory_space<vmem>>) target(%dma_start3A_350 : memref<512xi32, #tpu.memory_space<hbm>>) target_semaphore(%arg22 : memref<!tpu.dma_semaphore, #tpu.memory_space<semaphore_mem>>)
    %dma_wait3A_354 = arith.constant 1 : i32
    %dma_wait3A_355 = arith.constant 0 : i32
    %dma_wait3A_356 = tpu.memref_slice %arg10[%dma_wait3A_355] : memref<512xf32, #tpu.memory_space<vmem>> -> memref<128xf32, #tpu.memory_space<vmem>>
    %dma_wait3A_357 = arith.constant 0 : i32
    %dma_wait3A_358 = tpu.memref_slice %arg8[%dma_wait3A_354, %dma_wait3A_357] : memref<2x512xi32, #tpu.memory_space<vmem>> -> memref<1x128xi32, #tpu.memory_space<vmem>>
    %dma_wait3A_359 = tpu.memref_squeeze %dma_wait3A_358 : memref<1x128xi32, #tpu.memory_space<vmem>> -> memref<128xi32, #tpu.memory_space<vmem>>
    %dma_wait3A_360 = arith.constant 0 : i32
    %dma_wait3A_361 = tpu.memref_slice %arg24[%dma_wait3A_360] : memref<10240xf32, #tpu.memory_space<vmem_shared>> -> memref<10240xf32, #tpu.memory_space<vmem_shared>>
    tpu.wait_indirect_dma semaphore(%arg18 : memref<!tpu.dma_semaphore, #tpu.memory_space<semaphore_mem>>) src(%dma_wait3A_356 : memref<128xf32, #tpu.memory_space<vmem>>) dst(%dma_wait3A_361 : memref<10240xf32, #tpu.memory_space<vmem_shared>>)
    %dma_wait3A_362 = arith.constant 1 : i32
    %dma_wait3A_363 = arith.constant 0 : i32
    %dma_wait3A_364 = tpu.memref_slice %arg10[%dma_wait3A_363] : memref<512xf32, #tpu.memory_space<vmem>> -> memref<128xf32, #tpu.memory_space<vmem>>
    %dma_wait3A_365 = arith.constant 0 : i32
    %dma_wait3A_366 = tpu.memref_slice %arg8[%dma_wait3A_362, %dma_wait3A_365] : memref<2x512xi32, #tpu.memory_space<vmem>> -> memref<1x128xi32, #tpu.memory_space<vmem>>
    %dma_wait3A_367 = tpu.memref_squeeze %dma_wait3A_366 : memref<1x128xi32, #tpu.memory_space<vmem>> -> memref<128xi32, #tpu.memory_space<vmem>>
    %dma_wait3A_368 = arith.constant 0 : i32
    %dma_wait3A_369 = tpu.memref_slice %arg24[%dma_wait3A_368] : memref<10240xf32, #tpu.memory_space<vmem_shared>> -> memref<10240xf32, #tpu.memory_space<vmem_shared>>
    tpu.wait_indirect_dma semaphore(%arg18 : memref<!tpu.dma_semaphore, #tpu.memory_space<semaphore_mem>>) src(%dma_wait3A_364 : memref<128xf32, #tpu.memory_space<vmem>>) dst(%dma_wait3A_369 : memref<10240xf32, #tpu.memory_space<vmem_shared>>)
    %dma_wait3A_370 = arith.constant 1 : i32
    %dma_wait3A_371 = arith.constant 0 : i32
    %dma_wait3A_372 = tpu.memref_slice %arg10[%dma_wait3A_371] : memref<512xf32, #tpu.memory_space<vmem>> -> memref<128xf32, #tpu.memory_space<vmem>>
    %dma_wait3A_373 = arith.constant 0 : i32
    %dma_wait3A_374 = tpu.memref_slice %arg8[%dma_wait3A_370, %dma_wait3A_373] : memref<2x512xi32, #tpu.memory_space<vmem>> -> memref<1x128xi32, #tpu.memory_space<vmem>>
    %dma_wait3A_375 = tpu.memref_squeeze %dma_wait3A_374 : memref<1x128xi32, #tpu.memory_space<vmem>> -> memref<128xi32, #tpu.memory_space<vmem>>
    %dma_wait3A_376 = arith.constant 0 : i32
    %dma_wait3A_377 = tpu.memref_slice %arg24[%dma_wait3A_376] : memref<10240xf32, #tpu.memory_space<vmem_shared>> -> memref<10240xf32, #tpu.memory_space<vmem_shared>>
    tpu.wait_indirect_dma semaphore(%arg18 : memref<!tpu.dma_semaphore, #tpu.memory_space<semaphore_mem>>) src(%dma_wait3A_372 : memref<128xf32, #tpu.memory_space<vmem>>) dst(%dma_wait3A_377 : memref<10240xf32, #tpu.memory_space<vmem_shared>>)
    %dma_wait3A_378 = arith.constant 1 : i32
    %dma_wait3A_379 = arith.constant 0 : i32
    %dma_wait3A_380 = tpu.memref_slice %arg10[%dma_wait3A_379] : memref<512xf32, #tpu.memory_space<vmem>> -> memref<128xf32, #tpu.memory_space<vmem>>
    %dma_wait3A_381 = arith.constant 0 : i32
    %dma_wait3A_382 = tpu.memref_slice %arg8[%dma_wait3A_378, %dma_wait3A_381] : memref<2x512xi32, #tpu.memory_space<vmem>> -> memref<1x128xi32, #tpu.memory_space<vmem>>
    %dma_wait3A_383 = tpu.memref_squeeze %dma_wait3A_382 : memref<1x128xi32, #tpu.memory_space<vmem>> -> memref<128xi32, #tpu.memory_space<vmem>>
    %dma_wait3A_384 = arith.constant 0 : i32
    %dma_wait3A_385 = tpu.memref_slice %arg24[%dma_wait3A_384] : memref<10240xf32, #tpu.memory_space<vmem_shared>> -> memref<10240xf32, #tpu.memory_space<vmem_shared>>
    tpu.wait_indirect_dma semaphore(%arg18 : memref<!tpu.dma_semaphore, #tpu.memory_space<semaphore_mem>>) src(%dma_wait3A_380 : memref<128xf32, #tpu.memory_space<vmem>>) dst(%dma_wait3A_385 : memref<10240xf32, #tpu.memory_space<vmem_shared>>)
    %dma_wait3A_386 = arith.constant 0 : i32
    %dma_wait3A_387 = arith.constant 0 : i32
    %dma_wait3A_388 = tpu.memref_slice %arg8[%dma_wait3A_386, %dma_wait3A_387] : memref<2x512xi32, #tpu.memory_space<vmem>> -> memref<1x512xi32, #tpu.memory_space<vmem>>
    %dma_wait3A_389 = tpu.memref_squeeze %dma_wait3A_388 : memref<1x512xi32, #tpu.memory_space<vmem>> -> memref<512xi32, #tpu.memory_space<vmem>>
    %dma_wait3A_390 = arith.constant 0 : i32
    %dma_wait3A_391 = tpu.memref_slice %arg4[%dma_wait3A_390] : memref<320000xi32, #tpu.memory_space<hbm>> -> memref<512xi32, #tpu.memory_space<hbm>>
    %dma_wait3A_392 = arith.constant 0 : i32
    %dma_wait3A_393 = tpu.memref_slice %arg4[%dma_wait3A_392] : memref<320000xi32, #tpu.memory_space<hbm>> -> memref<512xi32, #tpu.memory_space<hbm>>
    %dma_wait3A_394 = arith.constant 0 : i32
    %dma_wait3A_395 = tpu.memref_slice %arg8[%dma_wait3A_386, %dma_wait3A_394] : memref<2x512xi32, #tpu.memory_space<vmem>> -> memref<1x512xi32, #tpu.memory_space<vmem>>
    %dma_wait3A_396 = tpu.memref_squeeze %dma_wait3A_395 : memref<1x512xi32, #tpu.memory_space<vmem>> -> memref<512xi32, #tpu.memory_space<vmem>>
    tpu.wait_dma2 semaphore(%arg22 : memref<!tpu.dma_semaphore, #tpu.memory_space<semaphore_mem>>) src(%dma_wait3A_396 : memref<512xi32, #tpu.memory_space<vmem>>) dst(%dma_wait3A_393 : memref<512xi32, #tpu.memory_space<hbm>>)
    %dma_wait3A_397 = arith.constant 0 : i32
    %dma_wait3A_398 = arith.constant 0 : i32
    %dma_wait3A_399 = tpu.memref_slice %arg8[%dma_wait3A_397, %dma_wait3A_398] : memref<2x512xi32, #tpu.memory_space<vmem>> -> memref<1x512xi32, #tpu.memory_space<vmem>>
    %dma_wait3A_400 = tpu.memref_squeeze %dma_wait3A_399 : memref<1x512xi32, #tpu.memory_space<vmem>> -> memref<512xi32, #tpu.memory_space<vmem>>
    %dma_wait3A_401 = arith.constant 0 : i32
    %dma_wait3A_402 = tpu.memref_slice %arg4[%dma_wait3A_401] : memref<320000xi32, #tpu.memory_space<hbm>> -> memref<512xi32, #tpu.memory_space<hbm>>
    %dma_wait3A_403 = arith.constant 0 : i32
    %dma_wait3A_404 = tpu.memref_slice %arg4[%dma_wait3A_403] : memref<320000xi32, #tpu.memory_space<hbm>> -> memref<512xi32, #tpu.memory_space<hbm>>
    %dma_wait3A_405 = arith.constant 0 : i32
    %dma_wait3A_406 = tpu.memref_slice %arg8[%dma_wait3A_397, %dma_wait3A_405] : memref<2x512xi32, #tpu.memory_space<vmem>> -> memref<1x512xi32, #tpu.memory_space<vmem>>
    %dma_wait3A_407 = tpu.memref_squeeze %dma_wait3A_406 : memref<1x512xi32, #tpu.memory_space<vmem>> -> memref<512xi32, #tpu.memory_space<vmem>>
    tpu.wait_dma2 semaphore(%arg22 : memref<!tpu.dma_semaphore, #tpu.memory_space<semaphore_mem>>) src(%dma_wait3A_407 : memref<512xi32, #tpu.memory_space<vmem>>) dst(%dma_wait3A_404 : memref<512xi32, #tpu.memory_space<hbm>>)
    %lt3A = arith.constant 17 : i32
    %lt3A_408 = arith.cmpi slt, %add3A, %lt3A : i32
    %convert_element_type3A = arith.extui %lt3A_408 : i1 to i32
    %cond3A = arith.constant 0 : i32
    %cond3A_409 = arith.cmpi ne, %convert_element_type3A, %cond3A : i32
    scf.if %cond3A_409 {
      %add3A_415 = arith.constant 19 : i32
      %add3A_416 = arith.addi %add3A_17, %add3A_415 : i32
      %mul3A_417 = arith.constant 512 : i32
      %mul3A_418 = arith.muli %add3A_416, %mul3A_417 : i32
      %dma_start3A_419 = arith.constant 0 : i32
      %dma_start3A_420 = tpu.memref_slice %arg2[%dma_start3A_419, %mul3A_418] : memref<2x320000xi32, #tpu.memory_space<hbm>> -> memref<2x512xi32, #tpu.memory_space<hbm>>
      %dma_start3A_421 = arith.constant 0 : i32
      %dma_start3A_422 = tpu.memref_slice %arg2[%dma_start3A_421, %mul3A_418] : memref<2x320000xi32, #tpu.memory_space<hbm>> -> memref<2x512xi32, #tpu.memory_space<hbm>>
      tpu.enqueue_dma source(%dma_start3A_422 : memref<2x512xi32, #tpu.memory_space<hbm>>) target(%arg6 : memref<2x512xi32, #tpu.memory_space<vmem>>) target_semaphore(%arg12 : memref<!tpu.dma_semaphore, #tpu.memory_space<semaphore_mem>>)
      %dma_wait3A_423 = arith.constant 0 : i32
      %dma_wait3A_424 = arith.constant 0 : i32
      %dma_wait3A_425 = tpu.memref_slice %arg2[%dma_wait3A_423, %dma_wait3A_424] : memref<2x320000xi32, #tpu.memory_space<hbm>> -> memref<2x512xi32, #tpu.memory_space<hbm>>
      %dma_wait3A_426 = arith.constant 0 : i32
      %dma_wait3A_427 = arith.constant 0 : i32
      %dma_wait3A_428 = tpu.memref_slice %arg2[%dma_wait3A_426, %dma_wait3A_427] : memref<2x320000xi32, #tpu.memory_space<hbm>> -> memref<2x512xi32, #tpu.memory_space<hbm>>
      tpu.wait_dma2 semaphore(%arg12 : memref<!tpu.dma_semaphore, #tpu.memory_space<semaphore_mem>>) src(%dma_wait3A_428 : memref<2x512xi32, #tpu.memory_space<hbm>>) dst(%arg6 : memref<2x512xi32, #tpu.memory_space<vmem>>)
      %dma_start3A_429 = arith.constant 1 : i32
      %dma_start3A_430 = arith.constant 0 : i32
      %dma_start3A_431 = tpu.memref_slice %arg10[%dma_start3A_430] : memref<512xf32, #tpu.memory_space<vmem>> -> memref<128xf32, #tpu.memory_space<vmem>>
      %dma_start3A_432 = arith.constant 0 : i32
      %dma_start3A_433 = tpu.memref_slice %arg6[%dma_start3A_429, %dma_start3A_432] : memref<2x512xi32, #tpu.memory_space<vmem>> -> memref<1x128xi32, #tpu.memory_space<vmem>>
      %dma_start3A_434 = tpu.memref_squeeze %dma_start3A_433 : memref<1x128xi32, #tpu.memory_space<vmem>> -> memref<128xi32, #tpu.memory_space<vmem>>
      %dma_start3A_435 = arith.constant 0 : i32
      %dma_start3A_436 = tpu.memref_slice %arg24[%dma_start3A_435] : memref<10240xf32, #tpu.memory_space<vmem_shared>> -> memref<10240xf32, #tpu.memory_space<vmem_shared>>
      tpu.enqueue_indirect_dma source(%dma_start3A_431 : memref<128xf32, #tpu.memory_space<vmem>>) target(%dma_start3A_436 : memref<10240xf32, #tpu.memory_space<vmem_shared>>) offsets(%dma_start3A_434 : memref<128xi32, #tpu.memory_space<vmem>>) semaphore(%arg16 : memref<!tpu.dma_semaphore, #tpu.memory_space<semaphore_mem>>) {add = true}
      %dma_start3A_437 = arith.constant 1 : i32
      %dma_start3A_438 = arith.constant 0 : i32
      %dma_start3A_439 = tpu.memref_slice %arg10[%dma_start3A_438] : memref<512xf32, #tpu.memory_space<vmem>> -> memref<128xf32, #tpu.memory_space<vmem>>
      %dma_start3A_440 = arith.constant 128 : i32
      %dma_start3A_441 = tpu.memref_slice %arg6[%dma_start3A_437, %dma_start3A_440] : memref<2x512xi32, #tpu.memory_space<vmem>> -> memref<1x128xi32, #tpu.memory_space<vmem>>
      %dma_start3A_442 = tpu.memref_squeeze %dma_start3A_441 : memref<1x128xi32, #tpu.memory_space<vmem>> -> memref<128xi32, #tpu.memory_space<vmem>>
      %dma_start3A_443 = arith.constant 0 : i32
      %dma_start3A_444 = tpu.memref_slice %arg24[%dma_start3A_443] : memref<10240xf32, #tpu.memory_space<vmem_shared>> -> memref<10240xf32, #tpu.memory_space<vmem_shared>>
      tpu.enqueue_indirect_dma source(%dma_start3A_439 : memref<128xf32, #tpu.memory_space<vmem>>) target(%dma_start3A_444 : memref<10240xf32, #tpu.memory_space<vmem_shared>>) offsets(%dma_start3A_442 : memref<128xi32, #tpu.memory_space<vmem>>) semaphore(%arg16 : memref<!tpu.dma_semaphore, #tpu.memory_space<semaphore_mem>>) {add = true}
      %dma_start3A_445 = arith.constant 1 : i32
      %dma_start3A_446 = arith.constant 0 : i32
      %dma_start3A_447 = tpu.memref_slice %arg10[%dma_start3A_446] : memref<512xf32, #tpu.memory_space<vmem>> -> memref<128xf32, #tpu.memory_space<vmem>>
      %dma_start3A_448 = arith.constant 256 : i32
      %dma_start3A_449 = tpu.memref_slice %arg6[%dma_start3A_445, %dma_start3A_448] : memref<2x512xi32, #tpu.memory_space<vmem>> -> memref<1x128xi32, #tpu.memory_space<vmem>>
      %dma_start3A_450 = tpu.memref_squeeze %dma_start3A_449 : memref<1x128xi32, #tpu.memory_space<vmem>> -> memref<128xi32, #tpu.memory_space<vmem>>
      %dma_start3A_451 = arith.constant 0 : i32
      %dma_start3A_452 = tpu.memref_slice %arg24[%dma_start3A_451] : memref<10240xf32, #tpu.memory_space<vmem_shared>> -> memref<10240xf32, #tpu.memory_space<vmem_shared>>
      tpu.enqueue_indirect_dma source(%dma_start3A_447 : memref<128xf32, #tpu.memory_space<vmem>>) target(%dma_start3A_452 : memref<10240xf32, #tpu.memory_space<vmem_shared>>) offsets(%dma_start3A_450 : memref<128xi32, #tpu.memory_space<vmem>>) semaphore(%arg16 : memref<!tpu.dma_semaphore, #tpu.memory_space<semaphore_mem>>) {add = true}
      %dma_start3A_453 = arith.constant 1 : i32
      %dma_start3A_454 = arith.constant 0 : i32
      %dma_start3A_455 = tpu.memref_slice %arg10[%dma_start3A_454] : memref<512xf32, #tpu.memory_space<vmem>> -> memref<128xf32, #tpu.memory_space<vmem>>
      %dma_start3A_456 = arith.constant 384 : i32
      %dma_start3A_457 = tpu.memref_slice %arg6[%dma_start3A_453, %dma_start3A_456] : memref<2x512xi32, #tpu.memory_space<vmem>> -> memref<1x128xi32, #tpu.memory_space<vmem>>
      %dma_start3A_458 = tpu.memref_squeeze %dma_start3A_457 : memref<1x128xi32, #tpu.memory_space<vmem>> -> memref<128xi32, #tpu.memory_space<vmem>>
      %dma_start3A_459 = arith.constant 0 : i32
      %dma_start3A_460 = tpu.memref_slice %arg24[%dma_start3A_459] : memref<10240xf32, #tpu.memory_space<vmem_shared>> -> memref<10240xf32, #tpu.memory_space<vmem_shared>>
      tpu.enqueue_indirect_dma source(%dma_start3A_455 : memref<128xf32, #tpu.memory_space<vmem>>) target(%dma_start3A_460 : memref<10240xf32, #tpu.memory_space<vmem_shared>>) offsets(%dma_start3A_458 : memref<128xi32, #tpu.memory_space<vmem>>) semaphore(%arg16 : memref<!tpu.dma_semaphore, #tpu.memory_space<semaphore_mem>>) {add = true}
      %mul3A_461 = arith.constant 512 : i32
      %mul3A_462 = arith.muli %add3A_416, %mul3A_461 : i32
      %dma_start3A_463 = arith.constant 0 : i32
      %dma_start3A_464 = arith.constant 0 : i32
      %dma_start3A_465 = tpu.memref_slice %arg6[%dma_start3A_463, %dma_start3A_464] : memref<2x512xi32, #tpu.memory_space<vmem>> -> memref<1x512xi32, #tpu.memory_space<vmem>>
      %dma_start3A_466 = tpu.memref_squeeze %dma_start3A_465 : memref<1x512xi32, #tpu.memory_space<vmem>> -> memref<512xi32, #tpu.memory_space<vmem>>
      %dma_start3A_467 = tpu.memref_slice %arg4[%mul3A_462] : memref<320000xi32, #tpu.memory_space<hbm>> -> memref<512xi32, #tpu.memory_space<hbm>>
      %dma_start3A_468 = tpu.memref_slice %arg4[%mul3A_462] : memref<320000xi32, #tpu.memory_space<hbm>> -> memref<512xi32, #tpu.memory_space<hbm>>
      %dma_start3A_469 = arith.constant 0 : i32
      %dma_start3A_470 = tpu.memref_slice %arg6[%dma_start3A_463, %dma_start3A_469] : memref<2x512xi32, #tpu.memory_space<vmem>> -> memref<1x512xi32, #tpu.memory_space<vmem>>
      %dma_start3A_471 = tpu.memref_squeeze %dma_start3A_470 : memref<1x512xi32, #tpu.memory_space<vmem>> -> memref<512xi32, #tpu.memory_space<vmem>>
      tpu.enqueue_dma source(%dma_start3A_471 : memref<512xi32, #tpu.memory_space<vmem>>) target(%dma_start3A_468 : memref<512xi32, #tpu.memory_space<hbm>>) target_semaphore(%arg20 : memref<!tpu.dma_semaphore, #tpu.memory_space<semaphore_mem>>)
      %mul3A_472 = arith.constant 512 : i32
      %mul3A_473 = arith.muli %add3A_416, %mul3A_472 : i32
      %dma_start3A_474 = arith.constant 1 : i32
      %dma_start3A_475 = arith.constant 0 : i32
      %dma_start3A_476 = tpu.memref_slice %arg6[%dma_start3A_474, %dma_start3A_475] : memref<2x512xi32, #tpu.memory_space<vmem>> -> memref<1x512xi32, #tpu.memory_space<vmem>>
      %dma_start3A_477 = tpu.memref_squeeze %dma_start3A_476 : memref<1x512xi32, #tpu.memory_space<vmem>> -> memref<512xi32, #tpu.memory_space<vmem>>
      %dma_start3A_478 = tpu.memref_slice %arg5[%mul3A_473] : memref<320000xi32, #tpu.memory_space<hbm>> -> memref<512xi32, #tpu.memory_space<hbm>>
      %dma_start3A_479 = tpu.memref_slice %arg5[%mul3A_473] : memref<320000xi32, #tpu.memory_space<hbm>> -> memref<512xi32, #tpu.memory_space<hbm>>
      %dma_start3A_480 = arith.constant 0 : i32
      %dma_start3A_481 = tpu.memref_slice %arg6[%dma_start3A_474, %dma_start3A_480] : memref<2x512xi32, #tpu.memory_space<vmem>> -> memref<1x512xi32, #tpu.memory_space<vmem>>
      %dma_start3A_482 = tpu.memref_squeeze %dma_start3A_481 : memref<1x512xi32, #tpu.memory_space<vmem>> -> memref<512xi32, #tpu.memory_space<vmem>>
      tpu.enqueue_dma source(%dma_start3A_482 : memref<512xi32, #tpu.memory_space<vmem>>) target(%dma_start3A_479 : memref<512xi32, #tpu.memory_space<hbm>>) target_semaphore(%arg20 : memref<!tpu.dma_semaphore, #tpu.memory_space<semaphore_mem>>)
      %dma_wait3A_483 = arith.constant 1 : i32
      %dma_wait3A_484 = arith.constant 0 : i32
      %dma_wait3A_485 = tpu.memref_slice %arg10[%dma_wait3A_484] : memref<512xf32, #tpu.memory_space<vmem>> -> memref<128xf32, #tpu.memory_space<vmem>>
      %dma_wait3A_486 = arith.constant 0 : i32
      %dma_wait3A_487 = tpu.memref_slice %arg6[%dma_wait3A_483, %dma_wait3A_486] : memref<2x512xi32, #tpu.memory_space<vmem>> -> memref<1x128xi32, #tpu.memory_space<vmem>>
      %dma_wait3A_488 = tpu.memref_squeeze %dma_wait3A_487 : memref<1x128xi32, #tpu.memory_space<vmem>> -> memref<128xi32, #tpu.memory_space<vmem>>
      %dma_wait3A_489 = arith.constant 0 : i32
      %dma_wait3A_490 = tpu.memref_slice %arg24[%dma_wait3A_489] : memref<10240xf32, #tpu.memory_space<vmem_shared>> -> memref<10240xf32, #tpu.memory_space<vmem_shared>>
      tpu.wait_indirect_dma semaphore(%arg16 : memref<!tpu.dma_semaphore, #tpu.memory_space<semaphore_mem>>) src(%dma_wait3A_485 : memref<128xf32, #tpu.memory_space<vmem>>) dst(%dma_wait3A_490 : memref<10240xf32, #tpu.memory_space<vmem_shared>>)
      %dma_wait3A_491 = arith.constant 1 : i32
      %dma_wait3A_492 = arith.constant 0 : i32
      %dma_wait3A_493 = tpu.memref_slice %arg10[%dma_wait3A_492] : memref<512xf32, #tpu.memory_space<vmem>> -> memref<128xf32, #tpu.memory_space<vmem>>
      %dma_wait3A_494 = arith.constant 0 : i32
      %dma_wait3A_495 = tpu.memref_slice %arg6[%dma_wait3A_491, %dma_wait3A_494] : memref<2x512xi32, #tpu.memory_space<vmem>> -> memref<1x128xi32, #tpu.memory_space<vmem>>
      %dma_wait3A_496 = tpu.memref_squeeze %dma_wait3A_495 : memref<1x128xi32, #tpu.memory_space<vmem>> -> memref<128xi32, #tpu.memory_space<vmem>>
      %dma_wait3A_497 = arith.constant 0 : i32
      %dma_wait3A_498 = tpu.memref_slice %arg24[%dma_wait3A_497] : memref<10240xf32, #tpu.memory_space<vmem_shared>> -> memref<10240xf32, #tpu.memory_space<vmem_shared>>
      tpu.wait_indirect_dma semaphore(%arg16 : memref<!tpu.dma_semaphore, #tpu.memory_space<semaphore_mem>>) src(%dma_wait3A_493 : memref<128xf32, #tpu.memory_space<vmem>>) dst(%dma_wait3A_498 : memref<10240xf32, #tpu.memory_space<vmem_shared>>)
      %dma_wait3A_499 = arith.constant 1 : i32
      %dma_wait3A_500 = arith.constant 0 : i32
      %dma_wait3A_501 = tpu.memref_slice %arg10[%dma_wait3A_500] : memref<512xf32, #tpu.memory_space<vmem>> -> memref<128xf32, #tpu.memory_space<vmem>>
      %dma_wait3A_502 = arith.constant 0 : i32
      %dma_wait3A_503 = tpu.memref_slice %arg6[%dma_wait3A_499, %dma_wait3A_502] : memref<2x512xi32, #tpu.memory_space<vmem>> -> memref<1x128xi32, #tpu.memory_space<vmem>>
      %dma_wait3A_504 = tpu.memref_squeeze %dma_wait3A_503 : memref<1x128xi32, #tpu.memory_space<vmem>> -> memref<128xi32, #tpu.memory_space<vmem>>
      %dma_wait3A_505 = arith.constant 0 : i32
      %dma_wait3A_506 = tpu.memref_slice %arg24[%dma_wait3A_505] : memref<10240xf32, #tpu.memory_space<vmem_shared>> -> memref<10240xf32, #tpu.memory_space<vmem_shared>>
      tpu.wait_indirect_dma semaphore(%arg16 : memref<!tpu.dma_semaphore, #tpu.memory_space<semaphore_mem>>) src(%dma_wait3A_501 : memref<128xf32, #tpu.memory_space<vmem>>) dst(%dma_wait3A_506 : memref<10240xf32, #tpu.memory_space<vmem_shared>>)
      %dma_wait3A_507 = arith.constant 1 : i32
      %dma_wait3A_508 = arith.constant 0 : i32
      %dma_wait3A_509 = tpu.memref_slice %arg10[%dma_wait3A_508] : memref<512xf32, #tpu.memory_space<vmem>> -> memref<128xf32, #tpu.memory_space<vmem>>
      %dma_wait3A_510 = arith.constant 0 : i32
      %dma_wait3A_511 = tpu.memref_slice %arg6[%dma_wait3A_507, %dma_wait3A_510] : memref<2x512xi32, #tpu.memory_space<vmem>> -> memref<1x128xi32, #tpu.memory_space<vmem>>
      %dma_wait3A_512 = tpu.memref_squeeze %dma_wait3A_511 : memref<1x128xi32, #tpu.memory_space<vmem>> -> memref<128xi32, #tpu.memory_space<vmem>>
      %dma_wait3A_513 = arith.constant 0 : i32
      %dma_wait3A_514 = tpu.memref_slice %arg24[%dma_wait3A_513] : memref<10240xf32, #tpu.memory_space<vmem_shared>> -> memref<10240xf32, #tpu.memory_space<vmem_shared>>
      tpu.wait_indirect_dma semaphore(%arg16 : memref<!tpu.dma_semaphore, #tpu.memory_space<semaphore_mem>>) src(%dma_wait3A_509 : memref<128xf32, #tpu.memory_space<vmem>>) dst(%dma_wait3A_514 : memref<10240xf32, #tpu.memory_space<vmem_shared>>)
      %dma_wait3A_515 = arith.constant 0 : i32
      %dma_wait3A_516 = arith.constant 0 : i32
      %dma_wait3A_517 = tpu.memref_slice %arg6[%dma_wait3A_515, %dma_wait3A_516] : memref<2x512xi32, #tpu.memory_space<vmem>> -> memref<1x512xi32, #tpu.memory_space<vmem>>
      %dma_wait3A_518 = tpu.memref_squeeze %dma_wait3A_517 : memref<1x512xi32, #tpu.memory_space<vmem>> -> memref<512xi32, #tpu.memory_space<vmem>>
      %dma_wait3A_519 = arith.constant 0 : i32
      %dma_wait3A_520 = tpu.memref_slice %arg4[%dma_wait3A_519] : memref<320000xi32, #tpu.memory_space<hbm>> -> memref<512xi32, #tpu.memory_space<hbm>>
      %dma_wait3A_521 = arith.constant 0 : i32
      %dma_wait3A_522 = tpu.memref_slice %arg4[%dma_wait3A_521] : memref<320000xi32, #tpu.memory_space<hbm>> -> memref<512xi32, #tpu.memory_space<hbm>>
      %dma_wait3A_523 = arith.constant 0 : i32
      %dma_wait3A_524 = tpu.memref_slice %arg6[%dma_wait3A_515, %dma_wait3A_523] : memref<2x512xi32, #tpu.memory_space<vmem>> -> memref<1x512xi32, #tpu.memory_space<vmem>>
      %dma_wait3A_525 = tpu.memref_squeeze %dma_wait3A_524 : memref<1x512xi32, #tpu.memory_space<vmem>> -> memref<512xi32, #tpu.memory_space<vmem>>
      tpu.wait_dma2 semaphore(%arg20 : memref<!tpu.dma_semaphore, #tpu.memory_space<semaphore_mem>>) src(%dma_wait3A_525 : memref<512xi32, #tpu.memory_space<vmem>>) dst(%dma_wait3A_522 : memref<512xi32, #tpu.memory_space<hbm>>)
      %dma_wait3A_526 = arith.constant 0 : i32
      %dma_wait3A_527 = arith.constant 0 : i32
      %dma_wait3A_528 = tpu.memref_slice %arg6[%dma_wait3A_526, %dma_wait3A_527] : memref<2x512xi32, #tpu.memory_space<vmem>> -> memref<1x512xi32, #tpu.memory_space<vmem>>
      %dma_wait3A_529 = tpu.memref_squeeze %dma_wait3A_528 : memref<1x512xi32, #tpu.memory_space<vmem>> -> memref<512xi32, #tpu.memory_space<vmem>>
      %dma_wait3A_530 = arith.constant 0 : i32
      %dma_wait3A_531 = tpu.memref_slice %arg4[%dma_wait3A_530] : memref<320000xi32, #tpu.memory_space<hbm>> -> memref<512xi32, #tpu.memory_space<hbm>>
      %dma_wait3A_532 = arith.constant 0 : i32
      %dma_wait3A_533 = tpu.memref_slice %arg4[%dma_wait3A_532] : memref<320000xi32, #tpu.memory_space<hbm>> -> memref<512xi32, #tpu.memory_space<hbm>>
      %dma_wait3A_534 = arith.constant 0 : i32
      %dma_wait3A_535 = tpu.memref_slice %arg6[%dma_wait3A_526, %dma_wait3A_534] : memref<2x512xi32, #tpu.memory_space<vmem>> -> memref<1x512xi32, #tpu.memory_space<vmem>>
      %dma_wait3A_536 = tpu.memref_squeeze %dma_wait3A_535 : memref<1x512xi32, #tpu.memory_space<vmem>> -> memref<512xi32, #tpu.memory_space<vmem>>
      tpu.wait_dma2 semaphore(%arg20 : memref<!tpu.dma_semaphore, #tpu.memory_space<semaphore_mem>>) src(%dma_wait3A_536 : memref<512xi32, #tpu.memory_space<vmem>>) dst(%dma_wait3A_533 : memref<512xi32, #tpu.memory_space<hbm>>)
    } else {
    }
    %barrier3A_410 = arith.constant 0 : index
    tpu.barrier barrier_id(%barrier3A_410)
    %mul3A_411 = arith.constant 640 : i32
    %mul3A_412 = arith.muli %arg1, %mul3A_411 : i32
    %mul3A_413 = arith.constant 640 : i32
    %mul3A_414 = arith.muli %arg1, %mul3A_413 : i32
    "tpu.region"() ({
      %run_scoped3A = tpu.sem_alloc : memref<!tpu.dma_semaphore, #tpu.memory_space<semaphore_mem>>
      %dma_start3A_415 = tpu.memref_slice %arg3[%arg0, %mul3A_414] : memref<2x10240xf32, #tpu.memory_space<hbm>> -> memref<1x640xf32, #tpu.memory_space<hbm>>
      %dma_start3A_416 = tpu.memref_squeeze %dma_start3A_415 : memref<1x640xf32, #tpu.memory_space<hbm>> -> memref<640xf32, #tpu.memory_space<hbm>>
      %dma_start3A_417 = tpu.memref_slice %arg24[%mul3A_412] : memref<10240xf32, #tpu.memory_space<vmem_shared>> -> memref<640xf32, #tpu.memory_space<vmem_shared>>
      tpu.enqueue_dma source(%dma_start3A_417 : memref<640xf32, #tpu.memory_space<vmem_shared>>) target(%dma_start3A_416 : memref<640xf32, #tpu.memory_space<hbm>>) target_semaphore(%run_scoped3A : memref<!tpu.dma_semaphore, #tpu.memory_space<semaphore_mem>>)
      %dma_wait3A_418 = tpu.memref_slice %arg3[%arg0, %mul3A_414] : memref<2x10240xf32, #tpu.memory_space<hbm>> -> memref<1x640xf32, #tpu.memory_space<hbm>>
      %dma_wait3A_419 = tpu.memref_squeeze %dma_wait3A_418 : memref<1x640xf32, #tpu.memory_space<hbm>> -> memref<640xf32, #tpu.memory_space<hbm>>
      %dma_wait3A_420 = tpu.memref_slice %arg24[%mul3A_412] : memref<10240xf32, #tpu.memory_space<vmem_shared>> -> memref<640xf32, #tpu.memory_space<vmem_shared>>
      tpu.wait_dma2 semaphore(%run_scoped3A : memref<!tpu.dma_semaphore, #tpu.memory_space<semaphore_mem>>) src(%dma_wait3A_420 : memref<640xf32, #tpu.memory_space<vmem_shared>>) dst(%dma_wait3A_419 : memref<640xf32, #tpu.memory_space<hbm>>)
      tpu.yield
    }) : () -> ()
    return
  }
}

#map = affine_map<(d0, d1) -> (0, 0)>
#map1 = affine_map<(d0, d1) -> (0)>
#map2 = affine_map<(d0, d1) -> (0, 0, 0)>
module attributes {stable_mosaic.version = 14 : i64} {
  func.func @_agg_kernel(%arg0: i32, %arg1: i32, %arg2: memref<10000x128xf32, #tpu.memory_space<hbm>>, %arg3: memref<320000xi32, #tpu.memory_space<hbm>>, %arg4: memref<320000xi32, #tpu.memory_space<hbm>>, %arg5: memref<2x10000x128xf32, #tpu.memory_space<hbm>>, %arg6: memref<80xi32, #tpu.memory_space<vmem>>, %arg7: memref<80xi32, #tpu.memory_space<vmem>>, %arg8: memref<80xi32, #tpu.memory_space<vmem>>, %arg9: memref<80xi32, #tpu.memory_space<vmem>>, %arg10: memref<80xi32, #tpu.memory_space<vmem>>, %arg11: memref<80xi32, #tpu.memory_space<vmem>>, %arg12: memref<80xi32, #tpu.memory_space<vmem>>, %arg13: memref<80xi32, #tpu.memory_space<vmem>>, %arg14: memref<80x128xf32, #tpu.memory_space<vmem>>, %arg15: memref<80x128xf32, #tpu.memory_space<vmem>>, %arg16: memref<80x128xf32, #tpu.memory_space<vmem>>, %arg17: memref<80x128xf32, #tpu.memory_space<vmem>>, %arg18: memref<!tpu.dma_semaphore, #tpu.memory_space<semaphore_mem>>, %arg19: memref<!tpu.dma_semaphore, #tpu.memory_space<semaphore_mem>>, %arg20: memref<!tpu.dma_semaphore, #tpu.memory_space<semaphore_mem>>, %arg21: memref<!tpu.dma_semaphore, #tpu.memory_space<semaphore_mem>>, %arg22: memref<!tpu.dma_semaphore, #tpu.memory_space<semaphore_mem>>, %arg23: memref<!tpu.dma_semaphore, #tpu.memory_space<semaphore_mem>>, %arg24: memref<!tpu.dma_semaphore, #tpu.memory_space<semaphore_mem>>, %arg25: memref<!tpu.dma_semaphore, #tpu.memory_space<semaphore_mem>>, %arg26: memref<!tpu.dma_semaphore, #tpu.memory_space<semaphore_mem>>, %arg27: memref<!tpu.dma_semaphore, #tpu.memory_space<semaphore_mem>>, %arg28: memref<!tpu.dma_semaphore, #tpu.memory_space<semaphore_mem>>, %arg29: memref<!tpu.dma_semaphore, #tpu.memory_space<semaphore_mem>>, %arg30: memref<10000x128xf32, #tpu.memory_space<vmem_shared>>) attributes {dimension_semantics = [#tpu.dimension_semantics<core_parallel>, #tpu.dimension_semantics<subcore_parallel>], iteration_bounds = array<i64: 2, 16>, scalar_prefetch = 0 : i64, scratch_operands = 25 : i64, tpu.core_type = #tpu.core_type<sc_vector_subcore>, window_params = [{transform_indices = #map}, {transform_indices = #map1}, {transform_indices = #map1}, {transform_indices = #map2}]} {
    %mul3A = arith.constant 2 : i32
    %mul3A_0 = arith.muli %arg1, %mul3A : i32
    %add3A = arith.addi %mul3A_0, %arg0 : i32
    %mul3A_1 = arith.constant 632 : i32
    %mul3A_2 = arith.muli %arg1, %mul3A_1 : i32
    %mul3A_3 = arith.constant 10000 : i32
    %mul3A_4 = arith.muli %add3A, %mul3A_3 : i32
    %add3A_5 = arith.constant 0 : i32
    %add3A_6 = arith.addi %mul3A_4, %add3A_5 : i32
    %dma_start3A = tpu.memref_slice %arg3[%add3A_6] : memref<320000xi32, #tpu.memory_space<hbm>> -> memref<80xi32, #tpu.memory_space<hbm>>
    %dma_start3A_7 = tpu.memref_slice %arg3[%add3A_6] : memref<320000xi32, #tpu.memory_space<hbm>> -> memref<80xi32, #tpu.memory_space<hbm>>
    tpu.enqueue_dma source(%dma_start3A_7 : memref<80xi32, #tpu.memory_space<hbm>>) target(%arg6 : memref<80xi32, #tpu.memory_space<vmem>>) target_semaphore(%arg18 : memref<!tpu.dma_semaphore, #tpu.memory_space<semaphore_mem>>)
    %dma_start3A_8 = tpu.memref_slice %arg4[%add3A_6] : memref<320000xi32, #tpu.memory_space<hbm>> -> memref<80xi32, #tpu.memory_space<hbm>>
    %dma_start3A_9 = tpu.memref_slice %arg4[%add3A_6] : memref<320000xi32, #tpu.memory_space<hbm>> -> memref<80xi32, #tpu.memory_space<hbm>>
    tpu.enqueue_dma source(%dma_start3A_9 : memref<80xi32, #tpu.memory_space<hbm>>) target(%arg10 : memref<80xi32, #tpu.memory_space<vmem>>) target_semaphore(%arg18 : memref<!tpu.dma_semaphore, #tpu.memory_space<semaphore_mem>>)
    %add3A_10 = arith.constant 80 : i32
    %add3A_11 = arith.addi %mul3A_4, %add3A_10 : i32
    %dma_start3A_12 = tpu.memref_slice %arg3[%add3A_11] : memref<320000xi32, #tpu.memory_space<hbm>> -> memref<80xi32, #tpu.memory_space<hbm>>
    %dma_start3A_13 = tpu.memref_slice %arg3[%add3A_11] : memref<320000xi32, #tpu.memory_space<hbm>> -> memref<80xi32, #tpu.memory_space<hbm>>
    tpu.enqueue_dma source(%dma_start3A_13 : memref<80xi32, #tpu.memory_space<hbm>>) target(%arg7 : memref<80xi32, #tpu.memory_space<vmem>>) target_semaphore(%arg19 : memref<!tpu.dma_semaphore, #tpu.memory_space<semaphore_mem>>)
    %dma_start3A_14 = tpu.memref_slice %arg4[%add3A_11] : memref<320000xi32, #tpu.memory_space<hbm>> -> memref<80xi32, #tpu.memory_space<hbm>>
    %dma_start3A_15 = tpu.memref_slice %arg4[%add3A_11] : memref<320000xi32, #tpu.memory_space<hbm>> -> memref<80xi32, #tpu.memory_space<hbm>>
    tpu.enqueue_dma source(%dma_start3A_15 : memref<80xi32, #tpu.memory_space<hbm>>) target(%arg11 : memref<80xi32, #tpu.memory_space<vmem>>) target_semaphore(%arg19 : memref<!tpu.dma_semaphore, #tpu.memory_space<semaphore_mem>>)
    %add3A_16 = arith.constant 160 : i32
    %add3A_17 = arith.addi %mul3A_4, %add3A_16 : i32
    %dma_start3A_18 = tpu.memref_slice %arg3[%add3A_17] : memref<320000xi32, #tpu.memory_space<hbm>> -> memref<80xi32, #tpu.memory_space<hbm>>
    %dma_start3A_19 = tpu.memref_slice %arg3[%add3A_17] : memref<320000xi32, #tpu.memory_space<hbm>> -> memref<80xi32, #tpu.memory_space<hbm>>
    tpu.enqueue_dma source(%dma_start3A_19 : memref<80xi32, #tpu.memory_space<hbm>>) target(%arg8 : memref<80xi32, #tpu.memory_space<vmem>>) target_semaphore(%arg20 : memref<!tpu.dma_semaphore, #tpu.memory_space<semaphore_mem>>)
    %dma_start3A_20 = tpu.memref_slice %arg4[%add3A_17] : memref<320000xi32, #tpu.memory_space<hbm>> -> memref<80xi32, #tpu.memory_space<hbm>>
    %dma_start3A_21 = tpu.memref_slice %arg4[%add3A_17] : memref<320000xi32, #tpu.memory_space<hbm>> -> memref<80xi32, #tpu.memory_space<hbm>>
    tpu.enqueue_dma source(%dma_start3A_21 : memref<80xi32, #tpu.memory_space<hbm>>) target(%arg12 : memref<80xi32, #tpu.memory_space<vmem>>) target_semaphore(%arg20 : memref<!tpu.dma_semaphore, #tpu.memory_space<semaphore_mem>>)
    %add3A_22 = arith.constant 240 : i32
    %add3A_23 = arith.addi %mul3A_4, %add3A_22 : i32
    %dma_start3A_24 = tpu.memref_slice %arg3[%add3A_23] : memref<320000xi32, #tpu.memory_space<hbm>> -> memref<80xi32, #tpu.memory_space<hbm>>
    %dma_start3A_25 = tpu.memref_slice %arg3[%add3A_23] : memref<320000xi32, #tpu.memory_space<hbm>> -> memref<80xi32, #tpu.memory_space<hbm>>
    tpu.enqueue_dma source(%dma_start3A_25 : memref<80xi32, #tpu.memory_space<hbm>>) target(%arg9 : memref<80xi32, #tpu.memory_space<vmem>>) target_semaphore(%arg21 : memref<!tpu.dma_semaphore, #tpu.memory_space<semaphore_mem>>)
    %dma_start3A_26 = tpu.memref_slice %arg4[%add3A_23] : memref<320000xi32, #tpu.memory_space<hbm>> -> memref<80xi32, #tpu.memory_space<hbm>>
    %dma_start3A_27 = tpu.memref_slice %arg4[%add3A_23] : memref<320000xi32, #tpu.memory_space<hbm>> -> memref<80xi32, #tpu.memory_space<hbm>>
    tpu.enqueue_dma source(%dma_start3A_27 : memref<80xi32, #tpu.memory_space<hbm>>) target(%arg13 : memref<80xi32, #tpu.memory_space<vmem>>) target_semaphore(%arg21 : memref<!tpu.dma_semaphore, #tpu.memory_space<semaphore_mem>>)
    %lt3A = arith.constant 15 : i32
    %lt3A_28 = arith.cmpi slt, %arg1, %lt3A : i32
    %convert_element_type3A = arith.extui %lt3A_28 : i1 to i32
    %cond3A = arith.constant 0 : i32
    %cond3A_29 = arith.cmpi ne, %convert_element_type3A, %cond3A : i32
    scf.if %cond3A_29 {
      "tpu.region"() ({
        %run_scoped3A = tpu.sem_alloc : memref<!tpu.dma_semaphore, #tpu.memory_space<semaphore_mem>>
        %dma_start3A_72 = arith.constant 0 : i32
        %dma_start3A_73 = tpu.memref_slice %arg30[%mul3A_2, %dma_start3A_72] : memref<10000x128xf32, #tpu.memory_space<vmem_shared>> -> memref<632x128xf32, #tpu.memory_space<vmem_shared>>
        %dma_start3A_74 = arith.constant 0 : i32
        %dma_start3A_75 = tpu.memref_slice %arg2[%mul3A_2, %dma_start3A_74] : memref<10000x128xf32, #tpu.memory_space<hbm>> -> memref<632x128xf32, #tpu.memory_space<hbm>>
        tpu.enqueue_dma source(%dma_start3A_75 : memref<632x128xf32, #tpu.memory_space<hbm>>) target(%dma_start3A_73 : memref<632x128xf32, #tpu.memory_space<vmem_shared>>) target_semaphore(%run_scoped3A : memref<!tpu.dma_semaphore, #tpu.memory_space<semaphore_mem>>)
        %dma_wait3A_76 = arith.constant 0 : i32
        %dma_wait3A_77 = tpu.memref_slice %arg30[%mul3A_2, %dma_wait3A_76] : memref<10000x128xf32, #tpu.memory_space<vmem_shared>> -> memref<632x128xf32, #tpu.memory_space<vmem_shared>>
        %dma_wait3A_78 = arith.constant 0 : i32
        %dma_wait3A_79 = tpu.memref_slice %arg2[%mul3A_2, %dma_wait3A_78] : memref<10000x128xf32, #tpu.memory_space<hbm>> -> memref<632x128xf32, #tpu.memory_space<hbm>>
        tpu.wait_dma2 semaphore(%run_scoped3A : memref<!tpu.dma_semaphore, #tpu.memory_space<semaphore_mem>>) src(%dma_wait3A_79 : memref<632x128xf32, #tpu.memory_space<hbm>>) dst(%dma_wait3A_77 : memref<632x128xf32, #tpu.memory_space<vmem_shared>>)
        tpu.yield
      }) : () -> ()
    } else {
    }
    %eq3A = arith.constant 15 : i32
    %eq3A_30 = arith.cmpi eq, %arg1, %eq3A : i32
    %convert_element_type3A_31 = arith.extui %eq3A_30 : i1 to i32
    %cond3A_32 = arith.constant 0 : i32
    %cond3A_33 = arith.cmpi ne, %convert_element_type3A_31, %cond3A_32 : i32
    scf.if %cond3A_33 {
      "tpu.region"() ({
        %run_scoped3A = tpu.sem_alloc : memref<!tpu.dma_semaphore, #tpu.memory_space<semaphore_mem>>
        %dma_start3A_72 = arith.constant 9480 : i32
        %dma_start3A_73 = arith.constant 0 : i32
        %dma_start3A_74 = tpu.memref_slice %arg30[%dma_start3A_72, %dma_start3A_73] : memref<10000x128xf32, #tpu.memory_space<vmem_shared>> -> memref<520x128xf32, #tpu.memory_space<vmem_shared>>
        %dma_start3A_75 = arith.constant 9480 : i32
        %dma_start3A_76 = arith.constant 0 : i32
        %dma_start3A_77 = tpu.memref_slice %arg2[%dma_start3A_75, %dma_start3A_76] : memref<10000x128xf32, #tpu.memory_space<hbm>> -> memref<520x128xf32, #tpu.memory_space<hbm>>
        tpu.enqueue_dma source(%dma_start3A_77 : memref<520x128xf32, #tpu.memory_space<hbm>>) target(%dma_start3A_74 : memref<520x128xf32, #tpu.memory_space<vmem_shared>>) target_semaphore(%run_scoped3A : memref<!tpu.dma_semaphore, #tpu.memory_space<semaphore_mem>>)
        %dma_wait3A_78 = arith.constant 9480 : i32
        %dma_wait3A_79 = arith.constant 0 : i32
        %dma_wait3A_80 = tpu.memref_slice %arg30[%dma_wait3A_78, %dma_wait3A_79] : memref<10000x128xf32, #tpu.memory_space<vmem_shared>> -> memref<520x128xf32, #tpu.memory_space<vmem_shared>>
        %dma_wait3A_81 = arith.constant 9480 : i32
        %dma_wait3A_82 = arith.constant 0 : i32
        %dma_wait3A_83 = tpu.memref_slice %arg2[%dma_wait3A_81, %dma_wait3A_82] : memref<10000x128xf32, #tpu.memory_space<hbm>> -> memref<520x128xf32, #tpu.memory_space<hbm>>
        tpu.wait_dma2 semaphore(%run_scoped3A : memref<!tpu.dma_semaphore, #tpu.memory_space<semaphore_mem>>) src(%dma_wait3A_83 : memref<520x128xf32, #tpu.memory_space<hbm>>) dst(%dma_wait3A_80 : memref<520x128xf32, #tpu.memory_space<vmem_shared>>)
        tpu.yield
      }) : () -> ()
    } else {
    }
    %barrier3A = arith.constant 0 : index
    tpu.barrier barrier_id(%barrier3A)
    %scan3A = arith.constant 0 : i32
    %scan3A_34 = arith.constant 0 : i32
    %scan3A_35 = arith.constant 31 : i32
    %scan3A_36 = arith.addi %scan3A_34, %scan3A_35 : i32
    %scan3A_37 = arith.constant 1 : i32
    scf.for %scan3A_72 = %scan3A_34 to %scan3A_36 step %scan3A_37  : i32 {
      %dma_wait3A_73 = arith.constant 0 : i32
      %dma_wait3A_74 = tpu.memref_slice %arg3[%dma_wait3A_73] : memref<320000xi32, #tpu.memory_space<hbm>> -> memref<80xi32, #tpu.memory_space<hbm>>
      %dma_wait3A_75 = arith.constant 0 : i32
      %dma_wait3A_76 = tpu.memref_slice %arg3[%dma_wait3A_75] : memref<320000xi32, #tpu.memory_space<hbm>> -> memref<80xi32, #tpu.memory_space<hbm>>
      tpu.wait_dma2 semaphore(%arg18 : memref<!tpu.dma_semaphore, #tpu.memory_space<semaphore_mem>>) src(%dma_wait3A_76 : memref<80xi32, #tpu.memory_space<hbm>>) dst(%arg6 : memref<80xi32, #tpu.memory_space<vmem>>)
      %dma_wait3A_77 = arith.constant 0 : i32
      %dma_wait3A_78 = tpu.memref_slice %arg4[%dma_wait3A_77] : memref<320000xi32, #tpu.memory_space<hbm>> -> memref<80xi32, #tpu.memory_space<hbm>>
      %dma_wait3A_79 = arith.constant 0 : i32
      %dma_wait3A_80 = tpu.memref_slice %arg4[%dma_wait3A_79] : memref<320000xi32, #tpu.memory_space<hbm>> -> memref<80xi32, #tpu.memory_space<hbm>>
      tpu.wait_dma2 semaphore(%arg18 : memref<!tpu.dma_semaphore, #tpu.memory_space<semaphore_mem>>) src(%dma_wait3A_80 : memref<80xi32, #tpu.memory_space<hbm>>) dst(%arg10 : memref<80xi32, #tpu.memory_space<vmem>>)
      %dma_start3A_81 = arith.constant 0 : i32
      %dma_start3A_82 = arith.constant 0 : i32
      %dma_start3A_83 = tpu.memref_slice %arg2[%dma_start3A_81, %dma_start3A_82] : memref<10000x128xf32, #tpu.memory_space<hbm>> -> memref<10000x128xf32, #tpu.memory_space<hbm>>
      tpu.enqueue_indirect_dma source(%dma_start3A_83 : memref<10000x128xf32, #tpu.memory_space<hbm>>) target(%arg14 : memref<80x128xf32, #tpu.memory_space<vmem>>) offsets(%arg6 : memref<80xi32, #tpu.memory_space<vmem>>) semaphore(%arg22 : memref<!tpu.dma_semaphore, #tpu.memory_space<semaphore_mem>>)
      %dma_wait3A_84 = arith.constant 0 : i32
      %dma_wait3A_85 = tpu.memref_slice %arg3[%dma_wait3A_84] : memref<320000xi32, #tpu.memory_space<hbm>> -> memref<80xi32, #tpu.memory_space<hbm>>
      %dma_wait3A_86 = arith.constant 0 : i32
      %dma_wait3A_87 = tpu.memref_slice %arg3[%dma_wait3A_86] : memref<320000xi32, #tpu.memory_space<hbm>> -> memref<80xi32, #tpu.memory_space<hbm>>
      tpu.wait_dma2 semaphore(%arg19 : memref<!tpu.dma_semaphore, #tpu.memory_space<semaphore_mem>>) src(%dma_wait3A_87 : memref<80xi32, #tpu.memory_space<hbm>>) dst(%arg7 : memref<80xi32, #tpu.memory_space<vmem>>)
      %dma_wait3A_88 = arith.constant 0 : i32
      %dma_wait3A_89 = tpu.memref_slice %arg4[%dma_wait3A_88] : memref<320000xi32, #tpu.memory_space<hbm>> -> memref<80xi32, #tpu.memory_space<hbm>>
      %dma_wait3A_90 = arith.constant 0 : i32
      %dma_wait3A_91 = tpu.memref_slice %arg4[%dma_wait3A_90] : memref<320000xi32, #tpu.memory_space<hbm>> -> memref<80xi32, #tpu.memory_space<hbm>>
      tpu.wait_dma2 semaphore(%arg19 : memref<!tpu.dma_semaphore, #tpu.memory_space<semaphore_mem>>) src(%dma_wait3A_91 : memref<80xi32, #tpu.memory_space<hbm>>) dst(%arg11 : memref<80xi32, #tpu.memory_space<vmem>>)
      %dma_start3A_92 = arith.constant 0 : i32
      %dma_start3A_93 = arith.constant 0 : i32
      %dma_start3A_94 = tpu.memref_slice %arg2[%dma_start3A_92, %dma_start3A_93] : memref<10000x128xf32, #tpu.memory_space<hbm>> -> memref<10000x128xf32, #tpu.memory_space<hbm>>
      tpu.enqueue_indirect_dma source(%dma_start3A_94 : memref<10000x128xf32, #tpu.memory_space<hbm>>) target(%arg15 : memref<80x128xf32, #tpu.memory_space<vmem>>) offsets(%arg7 : memref<80xi32, #tpu.memory_space<vmem>>) semaphore(%arg23 : memref<!tpu.dma_semaphore, #tpu.memory_space<semaphore_mem>>)
      %dma_wait3A_95 = arith.constant 0 : i32
      %dma_wait3A_96 = tpu.memref_slice %arg3[%dma_wait3A_95] : memref<320000xi32, #tpu.memory_space<hbm>> -> memref<80xi32, #tpu.memory_space<hbm>>
      %dma_wait3A_97 = arith.constant 0 : i32
      %dma_wait3A_98 = tpu.memref_slice %arg3[%dma_wait3A_97] : memref<320000xi32, #tpu.memory_space<hbm>> -> memref<80xi32, #tpu.memory_space<hbm>>
      tpu.wait_dma2 semaphore(%arg20 : memref<!tpu.dma_semaphore, #tpu.memory_space<semaphore_mem>>) src(%dma_wait3A_98 : memref<80xi32, #tpu.memory_space<hbm>>) dst(%arg8 : memref<80xi32, #tpu.memory_space<vmem>>)
      %dma_wait3A_99 = arith.constant 0 : i32
      %dma_wait3A_100 = tpu.memref_slice %arg4[%dma_wait3A_99] : memref<320000xi32, #tpu.memory_space<hbm>> -> memref<80xi32, #tpu.memory_space<hbm>>
      %dma_wait3A_101 = arith.constant 0 : i32
      %dma_wait3A_102 = tpu.memref_slice %arg4[%dma_wait3A_101] : memref<320000xi32, #tpu.memory_space<hbm>> -> memref<80xi32, #tpu.memory_space<hbm>>
      tpu.wait_dma2 semaphore(%arg20 : memref<!tpu.dma_semaphore, #tpu.memory_space<semaphore_mem>>) src(%dma_wait3A_102 : memref<80xi32, #tpu.memory_space<hbm>>) dst(%arg12 : memref<80xi32, #tpu.memory_space<vmem>>)
      %dma_start3A_103 = arith.constant 0 : i32
      %dma_start3A_104 = arith.constant 0 : i32
      %dma_start3A_105 = tpu.memref_slice %arg2[%dma_start3A_103, %dma_start3A_104] : memref<10000x128xf32, #tpu.memory_space<hbm>> -> memref<10000x128xf32, #tpu.memory_space<hbm>>
      tpu.enqueue_indirect_dma source(%dma_start3A_105 : memref<10000x128xf32, #tpu.memory_space<hbm>>) target(%arg16 : memref<80x128xf32, #tpu.memory_space<vmem>>) offsets(%arg8 : memref<80xi32, #tpu.memory_space<vmem>>) semaphore(%arg24 : memref<!tpu.dma_semaphore, #tpu.memory_space<semaphore_mem>>)
      %dma_wait3A_106 = arith.constant 0 : i32
      %dma_wait3A_107 = tpu.memref_slice %arg3[%dma_wait3A_106] : memref<320000xi32, #tpu.memory_space<hbm>> -> memref<80xi32, #tpu.memory_space<hbm>>
      %dma_wait3A_108 = arith.constant 0 : i32
      %dma_wait3A_109 = tpu.memref_slice %arg3[%dma_wait3A_108] : memref<320000xi32, #tpu.memory_space<hbm>> -> memref<80xi32, #tpu.memory_space<hbm>>
      tpu.wait_dma2 semaphore(%arg21 : memref<!tpu.dma_semaphore, #tpu.memory_space<semaphore_mem>>) src(%dma_wait3A_109 : memref<80xi32, #tpu.memory_space<hbm>>) dst(%arg9 : memref<80xi32, #tpu.memory_space<vmem>>)
      %dma_wait3A_110 = arith.constant 0 : i32
      %dma_wait3A_111 = tpu.memref_slice %arg4[%dma_wait3A_110] : memref<320000xi32, #tpu.memory_space<hbm>> -> memref<80xi32, #tpu.memory_space<hbm>>
      %dma_wait3A_112 = arith.constant 0 : i32
      %dma_wait3A_113 = tpu.memref_slice %arg4[%dma_wait3A_112] : memref<320000xi32, #tpu.memory_space<hbm>> -> memref<80xi32, #tpu.memory_space<hbm>>
      tpu.wait_dma2 semaphore(%arg21 : memref<!tpu.dma_semaphore, #tpu.memory_space<semaphore_mem>>) src(%dma_wait3A_113 : memref<80xi32, #tpu.memory_space<hbm>>) dst(%arg13 : memref<80xi32, #tpu.memory_space<vmem>>)
      %dma_start3A_114 = arith.constant 0 : i32
      %dma_start3A_115 = arith.constant 0 : i32
      %dma_start3A_116 = tpu.memref_slice %arg2[%dma_start3A_114, %dma_start3A_115] : memref<10000x128xf32, #tpu.memory_space<hbm>> -> memref<10000x128xf32, #tpu.memory_space<hbm>>
      tpu.enqueue_indirect_dma source(%dma_start3A_116 : memref<10000x128xf32, #tpu.memory_space<hbm>>) target(%arg17 : memref<80x128xf32, #tpu.memory_space<vmem>>) offsets(%arg9 : memref<80xi32, #tpu.memory_space<vmem>>) semaphore(%arg25 : memref<!tpu.dma_semaphore, #tpu.memory_space<semaphore_mem>>)
      %dma_wait3A_117 = arith.constant 0 : i32
      %dma_wait3A_118 = arith.constant 0 : i32
      %dma_wait3A_119 = tpu.memref_slice %arg2[%dma_wait3A_117, %dma_wait3A_118] : memref<10000x128xf32, #tpu.memory_space<hbm>> -> memref<80x128xf32, #tpu.memory_space<hbm>>
      %dma_wait3A_120 = arith.constant 0 : i32
      %dma_wait3A_121 = arith.constant 0 : i32
      %dma_wait3A_122 = tpu.memref_slice %arg2[%dma_wait3A_120, %dma_wait3A_121] : memref<10000x128xf32, #tpu.memory_space<hbm>> -> memref<80x128xf32, #tpu.memory_space<hbm>>
      tpu.wait_dma2 semaphore(%arg22 : memref<!tpu.dma_semaphore, #tpu.memory_space<semaphore_mem>>) src(%dma_wait3A_122 : memref<80x128xf32, #tpu.memory_space<hbm>>) dst(%arg14 : memref<80x128xf32, #tpu.memory_space<vmem>>)
      %dma_start3A_123 = arith.constant 0 : i32
      %dma_start3A_124 = arith.constant 0 : i32
      %dma_start3A_125 = tpu.memref_slice %arg30[%dma_start3A_123, %dma_start3A_124] : memref<10000x128xf32, #tpu.memory_space<vmem_shared>> -> memref<10000x128xf32, #tpu.memory_space<vmem_shared>>
      tpu.enqueue_indirect_dma source(%arg14 : memref<80x128xf32, #tpu.memory_space<vmem>>) target(%dma_start3A_125 : memref<10000x128xf32, #tpu.memory_space<vmem_shared>>) offsets(%arg10 : memref<80xi32, #tpu.memory_space<vmem>>) semaphore(%arg26 : memref<!tpu.dma_semaphore, #tpu.memory_space<semaphore_mem>>) {add = true}
      %dma_wait3A_126 = arith.constant 0 : i32
      %dma_wait3A_127 = arith.constant 0 : i32
      %dma_wait3A_128 = tpu.memref_slice %arg2[%dma_wait3A_126, %dma_wait3A_127] : memref<10000x128xf32, #tpu.memory_space<hbm>> -> memref<80x128xf32, #tpu.memory_space<hbm>>
      %dma_wait3A_129 = arith.constant 0 : i32
      %dma_wait3A_130 = arith.constant 0 : i32
      %dma_wait3A_131 = tpu.memref_slice %arg2[%dma_wait3A_129, %dma_wait3A_130] : memref<10000x128xf32, #tpu.memory_space<hbm>> -> memref<80x128xf32, #tpu.memory_space<hbm>>
      tpu.wait_dma2 semaphore(%arg23 : memref<!tpu.dma_semaphore, #tpu.memory_space<semaphore_mem>>) src(%dma_wait3A_131 : memref<80x128xf32, #tpu.memory_space<hbm>>) dst(%arg15 : memref<80x128xf32, #tpu.memory_space<vmem>>)
      %dma_start3A_132 = arith.constant 0 : i32
      %dma_start3A_133 = arith.constant 0 : i32
      %dma_start3A_134 = tpu.memref_slice %arg30[%dma_start3A_132, %dma_start3A_133] : memref<10000x128xf32, #tpu.memory_space<vmem_shared>> -> memref<10000x128xf32, #tpu.memory_space<vmem_shared>>
      tpu.enqueue_indirect_dma source(%arg15 : memref<80x128xf32, #tpu.memory_space<vmem>>) target(%dma_start3A_134 : memref<10000x128xf32, #tpu.memory_space<vmem_shared>>) offsets(%arg11 : memref<80xi32, #tpu.memory_space<vmem>>) semaphore(%arg27 : memref<!tpu.dma_semaphore, #tpu.memory_space<semaphore_mem>>) {add = true}
      %dma_wait3A_135 = arith.constant 0 : i32
      %dma_wait3A_136 = arith.constant 0 : i32
      %dma_wait3A_137 = tpu.memref_slice %arg2[%dma_wait3A_135, %dma_wait3A_136] : memref<10000x128xf32, #tpu.memory_space<hbm>> -> memref<80x128xf32, #tpu.memory_space<hbm>>
      %dma_wait3A_138 = arith.constant 0 : i32
      %dma_wait3A_139 = arith.constant 0 : i32
      %dma_wait3A_140 = tpu.memref_slice %arg2[%dma_wait3A_138, %dma_wait3A_139] : memref<10000x128xf32, #tpu.memory_space<hbm>> -> memref<80x128xf32, #tpu.memory_space<hbm>>
      tpu.wait_dma2 semaphore(%arg24 : memref<!tpu.dma_semaphore, #tpu.memory_space<semaphore_mem>>) src(%dma_wait3A_140 : memref<80x128xf32, #tpu.memory_space<hbm>>) dst(%arg16 : memref<80x128xf32, #tpu.memory_space<vmem>>)
      %dma_start3A_141 = arith.constant 0 : i32
      %dma_start3A_142 = arith.constant 0 : i32
      %dma_start3A_143 = tpu.memref_slice %arg30[%dma_start3A_141, %dma_start3A_142] : memref<10000x128xf32, #tpu.memory_space<vmem_shared>> -> memref<10000x128xf32, #tpu.memory_space<vmem_shared>>
      tpu.enqueue_indirect_dma source(%arg16 : memref<80x128xf32, #tpu.memory_space<vmem>>) target(%dma_start3A_143 : memref<10000x128xf32, #tpu.memory_space<vmem_shared>>) offsets(%arg12 : memref<80xi32, #tpu.memory_space<vmem>>) semaphore(%arg28 : memref<!tpu.dma_semaphore, #tpu.memory_space<semaphore_mem>>) {add = true}
      %dma_wait3A_144 = arith.constant 0 : i32
      %dma_wait3A_145 = arith.constant 0 : i32
      %dma_wait3A_146 = tpu.memref_slice %arg2[%dma_wait3A_144, %dma_wait3A_145] : memref<10000x128xf32, #tpu.memory_space<hbm>> -> memref<80x128xf32, #tpu.memory_space<hbm>>
      %dma_wait3A_147 = arith.constant 0 : i32
      %dma_wait3A_148 = arith.constant 0 : i32
      %dma_wait3A_149 = tpu.memref_slice %arg2[%dma_wait3A_147, %dma_wait3A_148] : memref<10000x128xf32, #tpu.memory_space<hbm>> -> memref<80x128xf32, #tpu.memory_space<hbm>>
      tpu.wait_dma2 semaphore(%arg25 : memref<!tpu.dma_semaphore, #tpu.memory_space<semaphore_mem>>) src(%dma_wait3A_149 : memref<80x128xf32, #tpu.memory_space<hbm>>) dst(%arg17 : memref<80x128xf32, #tpu.memory_space<vmem>>)
      %dma_start3A_150 = arith.constant 0 : i32
      %dma_start3A_151 = arith.constant 0 : i32
      %dma_start3A_152 = tpu.memref_slice %arg30[%dma_start3A_150, %dma_start3A_151] : memref<10000x128xf32, #tpu.memory_space<vmem_shared>> -> memref<10000x128xf32, #tpu.memory_space<vmem_shared>>
      tpu.enqueue_indirect_dma source(%arg17 : memref<80x128xf32, #tpu.memory_space<vmem>>) target(%dma_start3A_152 : memref<10000x128xf32, #tpu.memory_space<vmem_shared>>) offsets(%arg13 : memref<80xi32, #tpu.memory_space<vmem>>) semaphore(%arg29 : memref<!tpu.dma_semaphore, #tpu.memory_space<semaphore_mem>>) {add = true}
      %mul3A_153 = arith.constant 4 : i32
      %mul3A_154 = arith.muli %scan3A_72, %mul3A_153 : i32
      %add3A_155 = arith.constant 0 : i32
      %add3A_156 = arith.addi %mul3A_154, %add3A_155 : i32
      %add3A_157 = arith.constant 4 : i32
      %add3A_158 = arith.addi %add3A_156, %add3A_157 : i32
      %dma_wait3A_159 = arith.constant 0 : i32
      %dma_wait3A_160 = arith.constant 0 : i32
      %dma_wait3A_161 = tpu.memref_slice %arg30[%dma_wait3A_159, %dma_wait3A_160] : memref<10000x128xf32, #tpu.memory_space<vmem_shared>> -> memref<10000x128xf32, #tpu.memory_space<vmem_shared>>
      tpu.wait_indirect_dma semaphore(%arg26 : memref<!tpu.dma_semaphore, #tpu.memory_space<semaphore_mem>>) src(%arg14 : memref<80x128xf32, #tpu.memory_space<vmem>>) dst(%dma_wait3A_161 : memref<10000x128xf32, #tpu.memory_space<vmem_shared>>)
      %lt3A_162 = arith.constant 125 : i32
      %lt3A_163 = arith.cmpi slt, %add3A_158, %lt3A_162 : i32
      %convert_element_type3A_164 = arith.extui %lt3A_163 : i1 to i32
      %cond3A_165 = arith.constant 0 : i32
      %cond3A_166 = arith.cmpi ne, %convert_element_type3A_164, %cond3A_165 : i32
      scf.if %cond3A_166 {
        %mul3A_209 = arith.constant 80 : i32
        %mul3A_210 = arith.muli %add3A_158, %mul3A_209 : i32
        %add3A_211 = arith.addi %mul3A_4, %mul3A_210 : i32
        %dma_start3A_212 = tpu.memref_slice %arg3[%add3A_211] : memref<320000xi32, #tpu.memory_space<hbm>> -> memref<80xi32, #tpu.memory_space<hbm>>
        %dma_start3A_213 = tpu.memref_slice %arg3[%add3A_211] : memref<320000xi32, #tpu.memory_space<hbm>> -> memref<80xi32, #tpu.memory_space<hbm>>
        tpu.enqueue_dma source(%dma_start3A_213 : memref<80xi32, #tpu.memory_space<hbm>>) target(%arg6 : memref<80xi32, #tpu.memory_space<vmem>>) target_semaphore(%arg18 : memref<!tpu.dma_semaphore, #tpu.memory_space<semaphore_mem>>)
        %dma_start3A_214 = tpu.memref_slice %arg4[%add3A_211] : memref<320000xi32, #tpu.memory_space<hbm>> -> memref<80xi32, #tpu.memory_space<hbm>>
        %dma_start3A_215 = tpu.memref_slice %arg4[%add3A_211] : memref<320000xi32, #tpu.memory_space<hbm>> -> memref<80xi32, #tpu.memory_space<hbm>>
        tpu.enqueue_dma source(%dma_start3A_215 : memref<80xi32, #tpu.memory_space<hbm>>) target(%arg10 : memref<80xi32, #tpu.memory_space<vmem>>) target_semaphore(%arg18 : memref<!tpu.dma_semaphore, #tpu.memory_space<semaphore_mem>>)
      } else {
      }
      %mul3A_167 = arith.constant 4 : i32
      %mul3A_168 = arith.muli %scan3A_72, %mul3A_167 : i32
      %add3A_169 = arith.constant 1 : i32
      %add3A_170 = arith.addi %mul3A_168, %add3A_169 : i32
      %add3A_171 = arith.constant 4 : i32
      %add3A_172 = arith.addi %add3A_170, %add3A_171 : i32
      %dma_wait3A_173 = arith.constant 0 : i32
      %dma_wait3A_174 = arith.constant 0 : i32
      %dma_wait3A_175 = tpu.memref_slice %arg30[%dma_wait3A_173, %dma_wait3A_174] : memref<10000x128xf32, #tpu.memory_space<vmem_shared>> -> memref<10000x128xf32, #tpu.memory_space<vmem_shared>>
      tpu.wait_indirect_dma semaphore(%arg27 : memref<!tpu.dma_semaphore, #tpu.memory_space<semaphore_mem>>) src(%arg15 : memref<80x128xf32, #tpu.memory_space<vmem>>) dst(%dma_wait3A_175 : memref<10000x128xf32, #tpu.memory_space<vmem_shared>>)
      %lt3A_176 = arith.constant 125 : i32
      %lt3A_177 = arith.cmpi slt, %add3A_172, %lt3A_176 : i32
      %convert_element_type3A_178 = arith.extui %lt3A_177 : i1 to i32
      %cond3A_179 = arith.constant 0 : i32
      %cond3A_180 = arith.cmpi ne, %convert_element_type3A_178, %cond3A_179 : i32
      scf.if %cond3A_180 {
        %mul3A_209 = arith.constant 80 : i32
        %mul3A_210 = arith.muli %add3A_172, %mul3A_209 : i32
        %add3A_211 = arith.addi %mul3A_4, %mul3A_210 : i32
        %dma_start3A_212 = tpu.memref_slice %arg3[%add3A_211] : memref<320000xi32, #tpu.memory_space<hbm>> -> memref<80xi32, #tpu.memory_space<hbm>>
        %dma_start3A_213 = tpu.memref_slice %arg3[%add3A_211] : memref<320000xi32, #tpu.memory_space<hbm>> -> memref<80xi32, #tpu.memory_space<hbm>>
        tpu.enqueue_dma source(%dma_start3A_213 : memref<80xi32, #tpu.memory_space<hbm>>) target(%arg7 : memref<80xi32, #tpu.memory_space<vmem>>) target_semaphore(%arg19 : memref<!tpu.dma_semaphore, #tpu.memory_space<semaphore_mem>>)
        %dma_start3A_214 = tpu.memref_slice %arg4[%add3A_211] : memref<320000xi32, #tpu.memory_space<hbm>> -> memref<80xi32, #tpu.memory_space<hbm>>
        %dma_start3A_215 = tpu.memref_slice %arg4[%add3A_211] : memref<320000xi32, #tpu.memory_space<hbm>> -> memref<80xi32, #tpu.memory_space<hbm>>
        tpu.enqueue_dma source(%dma_start3A_215 : memref<80xi32, #tpu.memory_space<hbm>>) target(%arg11 : memref<80xi32, #tpu.memory_space<vmem>>) target_semaphore(%arg19 : memref<!tpu.dma_semaphore, #tpu.memory_space<semaphore_mem>>)
      } else {
      }
      %mul3A_181 = arith.constant 4 : i32
      %mul3A_182 = arith.muli %scan3A_72, %mul3A_181 : i32
      %add3A_183 = arith.constant 2 : i32
      %add3A_184 = arith.addi %mul3A_182, %add3A_183 : i32
      %add3A_185 = arith.constant 4 : i32
      %add3A_186 = arith.addi %add3A_184, %add3A_185 : i32
      %dma_wait3A_187 = arith.constant 0 : i32
      %dma_wait3A_188 = arith.constant 0 : i32
      %dma_wait3A_189 = tpu.memref_slice %arg30[%dma_wait3A_187, %dma_wait3A_188] : memref<10000x128xf32, #tpu.memory_space<vmem_shared>> -> memref<10000x128xf32, #tpu.memory_space<vmem_shared>>
      tpu.wait_indirect_dma semaphore(%arg28 : memref<!tpu.dma_semaphore, #tpu.memory_space<semaphore_mem>>) src(%arg16 : memref<80x128xf32, #tpu.memory_space<vmem>>) dst(%dma_wait3A_189 : memref<10000x128xf32, #tpu.memory_space<vmem_shared>>)
      %lt3A_190 = arith.constant 125 : i32
      %lt3A_191 = arith.cmpi slt, %add3A_186, %lt3A_190 : i32
      %convert_element_type3A_192 = arith.extui %lt3A_191 : i1 to i32
      %cond3A_193 = arith.constant 0 : i32
      %cond3A_194 = arith.cmpi ne, %convert_element_type3A_192, %cond3A_193 : i32
      scf.if %cond3A_194 {
        %mul3A_209 = arith.constant 80 : i32
        %mul3A_210 = arith.muli %add3A_186, %mul3A_209 : i32
        %add3A_211 = arith.addi %mul3A_4, %mul3A_210 : i32
        %dma_start3A_212 = tpu.memref_slice %arg3[%add3A_211] : memref<320000xi32, #tpu.memory_space<hbm>> -> memref<80xi32, #tpu.memory_space<hbm>>
        %dma_start3A_213 = tpu.memref_slice %arg3[%add3A_211] : memref<320000xi32, #tpu.memory_space<hbm>> -> memref<80xi32, #tpu.memory_space<hbm>>
        tpu.enqueue_dma source(%dma_start3A_213 : memref<80xi32, #tpu.memory_space<hbm>>) target(%arg8 : memref<80xi32, #tpu.memory_space<vmem>>) target_semaphore(%arg20 : memref<!tpu.dma_semaphore, #tpu.memory_space<semaphore_mem>>)
        %dma_start3A_214 = tpu.memref_slice %arg4[%add3A_211] : memref<320000xi32, #tpu.memory_space<hbm>> -> memref<80xi32, #tpu.memory_space<hbm>>
        %dma_start3A_215 = tpu.memref_slice %arg4[%add3A_211] : memref<320000xi32, #tpu.memory_space<hbm>> -> memref<80xi32, #tpu.memory_space<hbm>>
        tpu.enqueue_dma source(%dma_start3A_215 : memref<80xi32, #tpu.memory_space<hbm>>) target(%arg12 : memref<80xi32, #tpu.memory_space<vmem>>) target_semaphore(%arg20 : memref<!tpu.dma_semaphore, #tpu.memory_space<semaphore_mem>>)
      } else {
      }
      %mul3A_195 = arith.constant 4 : i32
      %mul3A_196 = arith.muli %scan3A_72, %mul3A_195 : i32
      %add3A_197 = arith.constant 3 : i32
      %add3A_198 = arith.addi %mul3A_196, %add3A_197 : i32
      %add3A_199 = arith.constant 4 : i32
      %add3A_200 = arith.addi %add3A_198, %add3A_199 : i32
      %dma_wait3A_201 = arith.constant 0 : i32
      %dma_wait3A_202 = arith.constant 0 : i32
      %dma_wait3A_203 = tpu.memref_slice %arg30[%dma_wait3A_201, %dma_wait3A_202] : memref<10000x128xf32, #tpu.memory_space<vmem_shared>> -> memref<10000x128xf32, #tpu.memory_space<vmem_shared>>
      tpu.wait_indirect_dma semaphore(%arg29 : memref<!tpu.dma_semaphore, #tpu.memory_space<semaphore_mem>>) src(%arg17 : memref<80x128xf32, #tpu.memory_space<vmem>>) dst(%dma_wait3A_203 : memref<10000x128xf32, #tpu.memory_space<vmem_shared>>)
      %lt3A_204 = arith.constant 125 : i32
      %lt3A_205 = arith.cmpi slt, %add3A_200, %lt3A_204 : i32
      %convert_element_type3A_206 = arith.extui %lt3A_205 : i1 to i32
      %cond3A_207 = arith.constant 0 : i32
      %cond3A_208 = arith.cmpi ne, %convert_element_type3A_206, %cond3A_207 : i32
      scf.if %cond3A_208 {
        %mul3A_209 = arith.constant 80 : i32
        %mul3A_210 = arith.muli %add3A_200, %mul3A_209 : i32
        %add3A_211 = arith.addi %mul3A_4, %mul3A_210 : i32
        %dma_start3A_212 = tpu.memref_slice %arg3[%add3A_211] : memref<320000xi32, #tpu.memory_space<hbm>> -> memref<80xi32, #tpu.memory_space<hbm>>
        %dma_start3A_213 = tpu.memref_slice %arg3[%add3A_211] : memref<320000xi32, #tpu.memory_space<hbm>> -> memref<80xi32, #tpu.memory_space<hbm>>
        tpu.enqueue_dma source(%dma_start3A_213 : memref<80xi32, #tpu.memory_space<hbm>>) target(%arg9 : memref<80xi32, #tpu.memory_space<vmem>>) target_semaphore(%arg21 : memref<!tpu.dma_semaphore, #tpu.memory_space<semaphore_mem>>)
        %dma_start3A_214 = tpu.memref_slice %arg4[%add3A_211] : memref<320000xi32, #tpu.memory_space<hbm>> -> memref<80xi32, #tpu.memory_space<hbm>>
        %dma_start3A_215 = tpu.memref_slice %arg4[%add3A_211] : memref<320000xi32, #tpu.memory_space<hbm>> -> memref<80xi32, #tpu.memory_space<hbm>>
        tpu.enqueue_dma source(%dma_start3A_215 : memref<80xi32, #tpu.memory_space<hbm>>) target(%arg13 : memref<80xi32, #tpu.memory_space<vmem>>) target_semaphore(%arg21 : memref<!tpu.dma_semaphore, #tpu.memory_space<semaphore_mem>>)
      } else {
      }
    }
    %scan3A_38 = arith.constant 31 : i32
    %dma_wait3A = arith.constant 0 : i32
    %dma_wait3A_39 = tpu.memref_slice %arg3[%dma_wait3A] : memref<320000xi32, #tpu.memory_space<hbm>> -> memref<80xi32, #tpu.memory_space<hbm>>
    %dma_wait3A_40 = arith.constant 0 : i32
    %dma_wait3A_41 = tpu.memref_slice %arg3[%dma_wait3A_40] : memref<320000xi32, #tpu.memory_space<hbm>> -> memref<80xi32, #tpu.memory_space<hbm>>
    tpu.wait_dma2 semaphore(%arg18 : memref<!tpu.dma_semaphore, #tpu.memory_space<semaphore_mem>>) src(%dma_wait3A_41 : memref<80xi32, #tpu.memory_space<hbm>>) dst(%arg6 : memref<80xi32, #tpu.memory_space<vmem>>)
    %dma_wait3A_42 = arith.constant 0 : i32
    %dma_wait3A_43 = tpu.memref_slice %arg4[%dma_wait3A_42] : memref<320000xi32, #tpu.memory_space<hbm>> -> memref<80xi32, #tpu.memory_space<hbm>>
    %dma_wait3A_44 = arith.constant 0 : i32
    %dma_wait3A_45 = tpu.memref_slice %arg4[%dma_wait3A_44] : memref<320000xi32, #tpu.memory_space<hbm>> -> memref<80xi32, #tpu.memory_space<hbm>>
    tpu.wait_dma2 semaphore(%arg18 : memref<!tpu.dma_semaphore, #tpu.memory_space<semaphore_mem>>) src(%dma_wait3A_45 : memref<80xi32, #tpu.memory_space<hbm>>) dst(%arg10 : memref<80xi32, #tpu.memory_space<vmem>>)
    %dma_start3A_46 = arith.constant 0 : i32
    %dma_start3A_47 = arith.constant 0 : i32
    %dma_start3A_48 = tpu.memref_slice %arg2[%dma_start3A_46, %dma_start3A_47] : memref<10000x128xf32, #tpu.memory_space<hbm>> -> memref<10000x128xf32, #tpu.memory_space<hbm>>
    tpu.enqueue_indirect_dma source(%dma_start3A_48 : memref<10000x128xf32, #tpu.memory_space<hbm>>) target(%arg14 : memref<80x128xf32, #tpu.memory_space<vmem>>) offsets(%arg6 : memref<80xi32, #tpu.memory_space<vmem>>) semaphore(%arg22 : memref<!tpu.dma_semaphore, #tpu.memory_space<semaphore_mem>>)
    %dma_wait3A_49 = arith.constant 0 : i32
    %dma_wait3A_50 = arith.constant 0 : i32
    %dma_wait3A_51 = tpu.memref_slice %arg2[%dma_wait3A_49, %dma_wait3A_50] : memref<10000x128xf32, #tpu.memory_space<hbm>> -> memref<80x128xf32, #tpu.memory_space<hbm>>
    %dma_wait3A_52 = arith.constant 0 : i32
    %dma_wait3A_53 = arith.constant 0 : i32
    %dma_wait3A_54 = tpu.memref_slice %arg2[%dma_wait3A_52, %dma_wait3A_53] : memref<10000x128xf32, #tpu.memory_space<hbm>> -> memref<80x128xf32, #tpu.memory_space<hbm>>
    tpu.wait_dma2 semaphore(%arg22 : memref<!tpu.dma_semaphore, #tpu.memory_space<semaphore_mem>>) src(%dma_wait3A_54 : memref<80x128xf32, #tpu.memory_space<hbm>>) dst(%arg14 : memref<80x128xf32, #tpu.memory_space<vmem>>)
    %dma_start3A_55 = arith.constant 0 : i32
    %dma_start3A_56 = arith.constant 0 : i32
    %dma_start3A_57 = tpu.memref_slice %arg30[%dma_start3A_55, %dma_start3A_56] : memref<10000x128xf32, #tpu.memory_space<vmem_shared>> -> memref<10000x128xf32, #tpu.memory_space<vmem_shared>>
    tpu.enqueue_indirect_dma source(%arg14 : memref<80x128xf32, #tpu.memory_space<vmem>>) target(%dma_start3A_57 : memref<10000x128xf32, #tpu.memory_space<vmem_shared>>) offsets(%arg10 : memref<80xi32, #tpu.memory_space<vmem>>) semaphore(%arg26 : memref<!tpu.dma_semaphore, #tpu.memory_space<semaphore_mem>>) {add = true}
    %dma_wait3A_58 = arith.constant 0 : i32
    %dma_wait3A_59 = arith.constant 0 : i32
    %dma_wait3A_60 = tpu.memref_slice %arg30[%dma_wait3A_58, %dma_wait3A_59] : memref<10000x128xf32, #tpu.memory_space<vmem_shared>> -> memref<10000x128xf32, #tpu.memory_space<vmem_shared>>
    tpu.wait_indirect_dma semaphore(%arg26 : memref<!tpu.dma_semaphore, #tpu.memory_space<semaphore_mem>>) src(%arg14 : memref<80x128xf32, #tpu.memory_space<vmem>>) dst(%dma_wait3A_60 : memref<10000x128xf32, #tpu.memory_space<vmem_shared>>)
    %barrier3A_61 = arith.constant 0 : index
    tpu.barrier barrier_id(%barrier3A_61)
    %lt3A_62 = arith.constant 15 : i32
    %lt3A_63 = arith.cmpi slt, %arg1, %lt3A_62 : i32
    %convert_element_type3A_64 = arith.extui %lt3A_63 : i1 to i32
    %cond3A_65 = arith.constant 0 : i32
    %cond3A_66 = arith.cmpi ne, %convert_element_type3A_64, %cond3A_65 : i32
    scf.if %cond3A_66 {
      "tpu.region"() ({
        %run_scoped3A = tpu.sem_alloc : memref<!tpu.dma_semaphore, #tpu.memory_space<semaphore_mem>>
        %dma_start3A_72 = arith.constant 0 : i32
        %dma_start3A_73 = tpu.memref_slice %arg5[%arg0, %mul3A_2, %dma_start3A_72] : memref<2x10000x128xf32, #tpu.memory_space<hbm>> -> memref<1x632x128xf32, #tpu.memory_space<hbm>>
        %dma_start3A_74 = tpu.memref_squeeze %dma_start3A_73 : memref<1x632x128xf32, #tpu.memory_space<hbm>> -> memref<632x128xf32, #tpu.memory_space<hbm>>
        %dma_start3A_75 = arith.constant 0 : i32
        %dma_start3A_76 = tpu.memref_slice %arg30[%mul3A_2, %dma_start3A_75] : memref<10000x128xf32, #tpu.memory_space<vmem_shared>> -> memref<632x128xf32, #tpu.memory_space<vmem_shared>>
        tpu.enqueue_dma source(%dma_start3A_76 : memref<632x128xf32, #tpu.memory_space<vmem_shared>>) target(%dma_start3A_74 : memref<632x128xf32, #tpu.memory_space<hbm>>) target_semaphore(%run_scoped3A : memref<!tpu.dma_semaphore, #tpu.memory_space<semaphore_mem>>)
        %dma_wait3A_77 = arith.constant 0 : i32
        %dma_wait3A_78 = tpu.memref_slice %arg5[%arg0, %mul3A_2, %dma_wait3A_77] : memref<2x10000x128xf32, #tpu.memory_space<hbm>> -> memref<1x632x128xf32, #tpu.memory_space<hbm>>
        %dma_wait3A_79 = tpu.memref_squeeze %dma_wait3A_78 : memref<1x632x128xf32, #tpu.memory_space<hbm>> -> memref<632x128xf32, #tpu.memory_space<hbm>>
        %dma_wait3A_80 = arith.constant 0 : i32
        %dma_wait3A_81 = tpu.memref_slice %arg30[%mul3A_2, %dma_wait3A_80] : memref<10000x128xf32, #tpu.memory_space<vmem_shared>> -> memref<632x128xf32, #tpu.memory_space<vmem_shared>>
        tpu.wait_dma2 semaphore(%run_scoped3A : memref<!tpu.dma_semaphore, #tpu.memory_space<semaphore_mem>>) src(%dma_wait3A_81 : memref<632x128xf32, #tpu.memory_space<vmem_shared>>) dst(%dma_wait3A_79 : memref<632x128xf32, #tpu.memory_space<hbm>>)
        tpu.yield
      }) : () -> ()
    } else {
    }
    %eq3A_67 = arith.constant 15 : i32
    %eq3A_68 = arith.cmpi eq, %arg1, %eq3A_67 : i32
    %convert_element_type3A_69 = arith.extui %eq3A_68 : i1 to i32
    %cond3A_70 = arith.constant 0 : i32
    %cond3A_71 = arith.cmpi ne, %convert_element_type3A_69, %cond3A_70 : i32
    scf.if %cond3A_71 {
      "tpu.region"() ({
        %run_scoped3A = tpu.sem_alloc : memref<!tpu.dma_semaphore, #tpu.memory_space<semaphore_mem>>
        %dma_start3A_72 = arith.constant 9480 : i32
        %dma_start3A_73 = arith.constant 0 : i32
        %dma_start3A_74 = tpu.memref_slice %arg5[%arg0, %dma_start3A_72, %dma_start3A_73] : memref<2x10000x128xf32, #tpu.memory_space<hbm>> -> memref<1x520x128xf32, #tpu.memory_space<hbm>>
        %dma_start3A_75 = tpu.memref_squeeze %dma_start3A_74 : memref<1x520x128xf32, #tpu.memory_space<hbm>> -> memref<520x128xf32, #tpu.memory_space<hbm>>
        %dma_start3A_76 = arith.constant 9480 : i32
        %dma_start3A_77 = arith.constant 0 : i32
        %dma_start3A_78 = tpu.memref_slice %arg30[%dma_start3A_76, %dma_start3A_77] : memref<10000x128xf32, #tpu.memory_space<vmem_shared>> -> memref<520x128xf32, #tpu.memory_space<vmem_shared>>
        tpu.enqueue_dma source(%dma_start3A_78 : memref<520x128xf32, #tpu.memory_space<vmem_shared>>) target(%dma_start3A_75 : memref<520x128xf32, #tpu.memory_space<hbm>>) target_semaphore(%run_scoped3A : memref<!tpu.dma_semaphore, #tpu.memory_space<semaphore_mem>>)
        %dma_wait3A_79 = arith.constant 9480 : i32
        %dma_wait3A_80 = arith.constant 0 : i32
        %dma_wait3A_81 = tpu.memref_slice %arg5[%arg0, %dma_wait3A_79, %dma_wait3A_80] : memref<2x10000x128xf32, #tpu.memory_space<hbm>> -> memref<1x520x128xf32, #tpu.memory_space<hbm>>
        %dma_wait3A_82 = tpu.memref_squeeze %dma_wait3A_81 : memref<1x520x128xf32, #tpu.memory_space<hbm>> -> memref<520x128xf32, #tpu.memory_space<hbm>>
        %dma_wait3A_83 = arith.constant 9480 : i32
        %dma_wait3A_84 = arith.constant 0 : i32
        %dma_wait3A_85 = tpu.memref_slice %arg30[%dma_wait3A_83, %dma_wait3A_84] : memref<10000x128xf32, #tpu.memory_space<vmem_shared>> -> memref<520x128xf32, #tpu.memory_space<vmem_shared>>
        tpu.wait_dma2 semaphore(%run_scoped3A : memref<!tpu.dma_semaphore, #tpu.memory_space<semaphore_mem>>) src(%dma_wait3A_85 : memref<520x128xf32, #tpu.memory_space<vmem_shared>>) dst(%dma_wait3A_82 : memref<520x128xf32, #tpu.memory_space<hbm>>)
        tpu.yield
      }) : () -> ()
    } else {
    }
    return
  }
}

module attributes {stable_mosaic.version = 14 : i64} {
  func.func @_tc1_body(%arg0: memref<2x10240xf32, #tpu.memory_space<vmem>>, %arg1: memref<10000x128xf32, #tpu.memory_space<vmem>>, %arg2: memref<128x128xf32, #tpu.memory_space<vmem>>, %arg3: memref<10000x128xf32, #tpu.memory_space<vmem>>) attributes {dimension_semantics = [], scalar_prefetch = 0 : i64, scratch_operands = 0 : i64, tpu.core_type = #tpu.core_type<tc>} {
    %get3A = arith.constant 0 : index
    %get3A_0 = arith.constant 0 : index
    %get3A_1 = vector.load %arg0[%get3A, %get3A_0] : memref<2x10240xf32, #tpu.memory_space<vmem>>, vector<2x10240xf32>
    %reduce_sum3A = arith.constant dense<0.000000e+00> : vector<10240xf32>
    %reduce_sum3A_2 = vector.multi_reduction <add>, %get3A_1, %reduce_sum3A [0] : vector<2x10240xf32> to vector<10240xf32>
    %slice3A = vector.extract_strided_slice %reduce_sum3A_2 {offsets = [0], sizes = [10000], strides = [1]} : vector<10240xf32> to vector<10000xf32>
    %add3A = arith.constant 1.000000e+00 : f32
    %add3A_3 = vector.broadcast %add3A : f32 to vector<10000xf32>
    %add3A_4 = arith.addf %slice3A, %add3A_3 : vector<10000xf32>
    %rsqrt3A = math.rsqrt %add3A_4 : vector<10000xf32>
    %get3A_5 = arith.constant 0 : index
    %get3A_6 = arith.constant 0 : index
    %get3A_7 = vector.load %arg1[%get3A_5, %get3A_6] : memref<10000x128xf32, #tpu.memory_space<vmem>>, vector<10000x128xf32>
    %get3A_8 = arith.constant 0 : index
    %get3A_9 = arith.constant 0 : index
    %get3A_10 = vector.load %arg2[%get3A_8, %get3A_9] : memref<128x128xf32, #tpu.memory_space<vmem>>, vector<128x128xf32>
    %dot_general3A = arith.constant dense<0.000000e+00> : vector<10000x128xf32>
    %dot_general3A_11 = tpu.matmul %get3A_7, %get3A_10, %dot_general3A {dimension_numbers = #tpu.dot_dimension_numbers<[1], [0], [0], [1], [0, 0, 1, 1], [], []>, transpose_lhs_hint = false} : vector<10000x128xf32>, vector<128x128xf32>, vector<10000x128xf32> -> vector<10000x128xf32>
    %broadcast_in_dim3A = vector.shape_cast %rsqrt3A : vector<10000xf32> to vector<10000x1xf32>
    %mul3A = vector.broadcast %broadcast_in_dim3A : vector<10000x1xf32> to vector<10000x128xf32>
    %mul3A_12 = arith.mulf %dot_general3A_11, %mul3A : vector<10000x128xf32>
    %swap3A = arith.constant 0 : index
    %swap3A_13 = arith.constant 0 : index
    %swap3A_14 = vector.load %arg3[%swap3A, %swap3A_13] : memref<10000x128xf32, #tpu.memory_space<vmem>>, vector<10000x128xf32>
    tpu.vector_store %arg3[%swap3A, %swap3A_13], %mul3A_12 {strides = array<i32>} : memref<10000x128xf32, #tpu.memory_space<vmem>>, vector<10000x128xf32>,
    return
  }
}

module attributes {stable_mosaic.version = 14 : i64} {
  func.func @_tc3_body(%arg0: memref<2x10240xf32, #tpu.memory_space<vmem>>, %arg1: memref<2x10000x128xf32, #tpu.memory_space<vmem>>, %arg2: memref<10000x128xf32, #tpu.memory_space<vmem>>, %arg3: memref<128xf32, #tpu.memory_space<vmem>>, %arg4: memref<128x4xf32, #tpu.memory_space<vmem>>, %arg5: memref<4xf32, #tpu.memory_space<vmem>>, %arg6: memref<128x3xf32, #tpu.memory_space<vmem>>, %arg7: memref<3xf32, #tpu.memory_space<vmem>>, %arg8: memref<10000x4xf32, #tpu.memory_space<vmem>>, %arg9: memref<10000x3xf32, #tpu.memory_space<vmem>>, %arg10: memref<10000x128xf32, #tpu.memory_space<vmem>>) attributes {dimension_semantics = [], scalar_prefetch = 0 : i64, scratch_operands = 0 : i64, tpu.core_type = #tpu.core_type<tc>} {
    %get3A = arith.constant 0 : index
    %get3A_0 = arith.constant 0 : index
    %get3A_1 = vector.load %arg0[%get3A, %get3A_0] : memref<2x10240xf32, #tpu.memory_space<vmem>>, vector<2x10240xf32>
    %reduce_sum3A = arith.constant dense<0.000000e+00> : vector<10240xf32>
    %reduce_sum3A_2 = vector.multi_reduction <add>, %get3A_1, %reduce_sum3A [0] : vector<2x10240xf32> to vector<10240xf32>
    %slice3A = vector.extract_strided_slice %reduce_sum3A_2 {offsets = [0], sizes = [10000], strides = [1]} : vector<10240xf32> to vector<10000xf32>
    %add3A = arith.constant 1.000000e+00 : f32
    %add3A_3 = vector.broadcast %add3A : f32 to vector<10000xf32>
    %add3A_4 = arith.addf %slice3A, %add3A_3 : vector<10000xf32>
    %rsqrt3A = math.rsqrt %add3A_4 : vector<10000xf32>
    %get3A_5 = arith.constant 0 : index
    %get3A_6 = arith.constant 0 : index
    %get3A_7 = arith.constant 0 : index
    %get3A_8 = vector.load %arg1[%get3A_5, %get3A_6, %get3A_7] : memref<2x10000x128xf32, #tpu.memory_space<vmem>>, vector<1x10000x128xf32>
    %get3A_9 = vector.shape_cast %get3A_8 : vector<1x10000x128xf32> to vector<10000x128xf32>
    %get3A_10 = arith.constant 1 : index
    %get3A_11 = arith.constant 0 : index
    %get3A_12 = arith.constant 0 : index
    %get3A_13 = vector.load %arg1[%get3A_10, %get3A_11, %get3A_12] : memref<2x10000x128xf32, #tpu.memory_space<vmem>>, vector<1x10000x128xf32>
    %get3A_14 = vector.shape_cast %get3A_13 : vector<1x10000x128xf32> to vector<10000x128xf32>
    %add3A_15 = arith.addf %get3A_9, %get3A_14 : vector<10000x128xf32>
    %get3A_16 = arith.constant 0 : index
    %get3A_17 = arith.constant 0 : index
    %get3A_18 = vector.load %arg2[%get3A_16, %get3A_17] : memref<10000x128xf32, #tpu.memory_space<vmem>>, vector<10000x128xf32>
    %sub3A = arith.subf %add3A_15, %get3A_18 : vector<10000x128xf32>
    %broadcast_in_dim3A = vector.shape_cast %rsqrt3A : vector<10000xf32> to vector<10000x1xf32>
    %mul3A = vector.broadcast %broadcast_in_dim3A : vector<10000x1xf32> to vector<10000x128xf32>
    %mul3A_19 = arith.mulf %sub3A, %mul3A : vector<10000x128xf32>
    %get3A_20 = arith.constant 0 : index
    %get3A_21 = vector.load %arg3[%get3A_20] : memref<128xf32, #tpu.memory_space<vmem>>, vector<128xf32>
    %broadcast_in_dim3A_22 = vector.shape_cast %get3A_21 : vector<128xf32> to vector<1x128xf32>
    %add3A_23 = vector.broadcast %broadcast_in_dim3A_22 : vector<1x128xf32> to vector<10000x128xf32>
    %add3A_24 = arith.addf %mul3A_19, %add3A_23 : vector<10000x128xf32>
    %swap3A = arith.constant 0 : index
    %swap3A_25 = arith.constant 0 : index
    %swap3A_26 = vector.load %arg10[%swap3A, %swap3A_25] : memref<10000x128xf32, #tpu.memory_space<vmem>>, vector<10000x128xf32>
    tpu.vector_store %arg10[%swap3A, %swap3A_25], %add3A_24 {strides = array<i32>} : memref<10000x128xf32, #tpu.memory_space<vmem>>, vector<10000x128xf32>,
    %get3A_27 = arith.constant 0 : index
    %get3A_28 = arith.constant 0 : index
    %get3A_29 = vector.load %arg4[%get3A_27, %get3A_28] : memref<128x4xf32, #tpu.memory_space<vmem>>, vector<128x4xf32>
    %dot_general3A = arith.constant dense<0.000000e+00> : vector<10000x4xf32>
    %dot_general3A_30 = tpu.matmul %add3A_24, %get3A_29, %dot_general3A {dimension_numbers = #tpu.dot_dimension_numbers<[1], [0], [0], [1], [0, 0, 1, 1], [], []>, transpose_lhs_hint = false} : vector<10000x128xf32>, vector<128x4xf32>, vector<10000x4xf32> -> vector<10000x4xf32>
    %get3A_31 = arith.constant 0 : index
    %get3A_32 = vector.load %arg5[%get3A_31] : memref<4xf32, #tpu.memory_space<vmem>>, vector<4xf32>
    %broadcast_in_dim3A_33 = vector.shape_cast %get3A_32 : vector<4xf32> to vector<1x4xf32>
    %add3A_34 = vector.broadcast %broadcast_in_dim3A_33 : vector<1x4xf32> to vector<10000x4xf32>
    %add3A_35 = arith.addf %dot_general3A_30, %add3A_34 : vector<10000x4xf32>
    %swap3A_36 = arith.constant 0 : index
    %swap3A_37 = arith.constant 0 : index
    %swap3A_38 = vector.load %arg8[%swap3A_36, %swap3A_37] : memref<10000x4xf32, #tpu.memory_space<vmem>>, vector<10000x4xf32>
    tpu.vector_store %arg8[%swap3A_36, %swap3A_37], %add3A_35 {strides = array<i32>} : memref<10000x4xf32, #tpu.memory_space<vmem>>, vector<10000x4xf32>,
    %get3A_39 = arith.constant 0 : index
    %get3A_40 = arith.constant 0 : index
    %get3A_41 = vector.load %arg6[%get3A_39, %get3A_40] : memref<128x3xf32, #tpu.memory_space<vmem>>, vector<128x3xf32>
    %dot_general3A_42 = arith.constant dense<0.000000e+00> : vector<10000x3xf32>
    %dot_general3A_43 = tpu.matmul %add3A_24, %get3A_41, %dot_general3A_42 {dimension_numbers = #tpu.dot_dimension_numbers<[1], [0], [0], [1], [0, 0, 1, 1], [], []>, transpose_lhs_hint = false} : vector<10000x128xf32>, vector<128x3xf32>, vector<10000x3xf32> -> vector<10000x3xf32>
    %get3A_44 = arith.constant 0 : index
    %get3A_45 = vector.load %arg7[%get3A_44] : memref<3xf32, #tpu.memory_space<vmem>>, vector<3xf32>
    %broadcast_in_dim3A_46 = vector.shape_cast %get3A_45 : vector<3xf32> to vector<1x3xf32>
    %add3A_47 = vector.broadcast %broadcast_in_dim3A_46 : vector<1x3xf32> to vector<10000x3xf32>
    %add3A_48 = arith.addf %dot_general3A_43, %add3A_47 : vector<10000x3xf32>
    %swap3A_49 = arith.constant 0 : index
    %swap3A_50 = arith.constant 0 : index
    %swap3A_51 = vector.load %arg9[%swap3A_49, %swap3A_50] : memref<10000x3xf32, #tpu.memory_space<vmem>>, vector<10000x3xf32>
    tpu.vector_store %arg9[%swap3A_49, %swap3A_50], %add3A_48 {strides = array<i32>} : memref<10000x3xf32, #tpu.memory_space<vmem>>, vector<10000x3xf32>,
    return
  }
}

module attributes {stable_mosaic.version = 14 : i64} {
  func.func @_tc2_body(%arg0: memref<2x10240xf32, #tpu.memory_space<vmem>>, %arg1: memref<2x10000x128xf32, #tpu.memory_space<vmem>>, %arg2: memref<10000x128xf32, #tpu.memory_space<vmem>>, %arg3: memref<128xf32, #tpu.memory_space<vmem>>, %arg4: memref<128x128xf32, #tpu.memory_space<vmem>>, %arg5: memref<10000x128xf32, #tpu.memory_space<vmem>>) attributes {dimension_semantics = [], scalar_prefetch = 0 : i64, scratch_operands = 0 : i64, tpu.core_type = #tpu.core_type<tc>} {
    %get3A = arith.constant 0 : index
    %get3A_0 = arith.constant 0 : index
    %get3A_1 = vector.load %arg0[%get3A, %get3A_0] : memref<2x10240xf32, #tpu.memory_space<vmem>>, vector<2x10240xf32>
    %reduce_sum3A = arith.constant dense<0.000000e+00> : vector<10240xf32>
    %reduce_sum3A_2 = vector.multi_reduction <add>, %get3A_1, %reduce_sum3A [0] : vector<2x10240xf32> to vector<10240xf32>
    %slice3A = vector.extract_strided_slice %reduce_sum3A_2 {offsets = [0], sizes = [10000], strides = [1]} : vector<10240xf32> to vector<10000xf32>
    %add3A = arith.constant 1.000000e+00 : f32
    %add3A_3 = vector.broadcast %add3A : f32 to vector<10000xf32>
    %add3A_4 = arith.addf %slice3A, %add3A_3 : vector<10000xf32>
    %rsqrt3A = math.rsqrt %add3A_4 : vector<10000xf32>
    %get3A_5 = arith.constant 0 : index
    %get3A_6 = arith.constant 0 : index
    %get3A_7 = arith.constant 0 : index
    %get3A_8 = vector.load %arg1[%get3A_5, %get3A_6, %get3A_7] : memref<2x10000x128xf32, #tpu.memory_space<vmem>>, vector<1x10000x128xf32>
    %get3A_9 = vector.shape_cast %get3A_8 : vector<1x10000x128xf32> to vector<10000x128xf32>
    %get3A_10 = arith.constant 1 : index
    %get3A_11 = arith.constant 0 : index
    %get3A_12 = arith.constant 0 : index
    %get3A_13 = vector.load %arg1[%get3A_10, %get3A_11, %get3A_12] : memref<2x10000x128xf32, #tpu.memory_space<vmem>>, vector<1x10000x128xf32>
    %get3A_14 = vector.shape_cast %get3A_13 : vector<1x10000x128xf32> to vector<10000x128xf32>
    %add3A_15 = arith.addf %get3A_9, %get3A_14 : vector<10000x128xf32>
    %get3A_16 = arith.constant 0 : index
    %get3A_17 = arith.constant 0 : index
    %get3A_18 = vector.load %arg2[%get3A_16, %get3A_17] : memref<10000x128xf32, #tpu.memory_space<vmem>>, vector<10000x128xf32>
    %sub3A = arith.subf %add3A_15, %get3A_18 : vector<10000x128xf32>
    %broadcast_in_dim3A = vector.shape_cast %rsqrt3A : vector<10000xf32> to vector<10000x1xf32>
    %mul3A = vector.broadcast %broadcast_in_dim3A : vector<10000x1xf32> to vector<10000x128xf32>
    %mul3A_19 = arith.mulf %sub3A, %mul3A : vector<10000x128xf32>
    %get3A_20 = arith.constant 0 : index
    %get3A_21 = vector.load %arg3[%get3A_20] : memref<128xf32, #tpu.memory_space<vmem>>, vector<128xf32>
    %broadcast_in_dim3A_22 = vector.shape_cast %get3A_21 : vector<128xf32> to vector<1x128xf32>
    %add3A_23 = vector.broadcast %broadcast_in_dim3A_22 : vector<1x128xf32> to vector<10000x128xf32>
    %add3A_24 = arith.addf %mul3A_19, %add3A_23 : vector<10000x128xf32>
    %max3A = arith.constant 0.000000e+00 : f32
    %max3A_25 = vector.broadcast %max3A : f32 to vector<10000x128xf32>
    %max3A_26 = arith.maximumf %add3A_24, %max3A_25 : vector<10000x128xf32>
    %get3A_27 = arith.constant 0 : index
    %get3A_28 = arith.constant 0 : index
    %get3A_29 = vector.load %arg4[%get3A_27, %get3A_28] : memref<128x128xf32, #tpu.memory_space<vmem>>, vector<128x128xf32>
    %dot_general3A = arith.constant dense<0.000000e+00> : vector<10000x128xf32>
    %dot_general3A_30 = tpu.matmul %max3A_26, %get3A_29, %dot_general3A {dimension_numbers = #tpu.dot_dimension_numbers<[1], [0], [0], [1], [0, 0, 1, 1], [], []>, transpose_lhs_hint = false} : vector<10000x128xf32>, vector<128x128xf32>, vector<10000x128xf32> -> vector<10000x128xf32>
    %broadcast_in_dim3A_31 = vector.shape_cast %rsqrt3A : vector<10000xf32> to vector<10000x1xf32>
    %mul3A_32 = vector.broadcast %broadcast_in_dim3A_31 : vector<10000x1xf32> to vector<10000x128xf32>
    %mul3A_33 = arith.mulf %dot_general3A_30, %mul3A_32 : vector<10000x128xf32>
    %swap3A = arith.constant 0 : index
    %swap3A_34 = arith.constant 0 : index
    %swap3A_35 = vector.load %arg5[%swap3A, %swap3A_34] : memref<10000x128xf32, #tpu.memory_space<vmem>>, vector<10000x128xf32>
    tpu.vector_store %arg5[%swap3A, %swap3A_34], %mul3A_33 {strides = array<i32>} : memref<10000x128xf32, #tpu.memory_space<vmem>>, vector<10000x128xf32>,
    return
  }
}

</mosaic_0001>

<sc_bundles>
// kernel: kernel.11.cloned.1.call-start
scs
__scs_entry_jumppad:
0x0: {  	(pc) =	sbr.rel $0x88, $3  }
0x1: {  	(tag) =	ssettag $0x0;
	lr =	simm.s32 $0x1  }
0x2: {  	[smem:$0x3F97] =	sst lr;
	_ =	strace $0xD0000000  }
0x3: {  	_ = 	snop  }
0x4: {  	_ = 	snop  }
0x5: {  	_ = 	snop  }
0x6: {  	_ = 	snop  }
0x7: {  	_ = 	snop  }
__scs_overlays_trampoline_lowered:
0x8: {  	[smem:$0x3FA6] =	sst s0  }
0x9: {  	[smem:$0x3FA7] =	sst s1  }
0xa: {  	[smem:$0x3FA8] =	sst s2  }
0xb: {  	[smem:$0x3FA9] =	sst s3  }
0xc: {  	[smem:$0x3FAA] =	sst s4  }
0xd: {  	[smem:$0x3FAB] =	sst s5  }
0xe: {  	[smem:$0x3FAC] =	sst s6  }
0xf: {  	[smem:$0x3FAD] =	sst s7  }
0x10: {  	[smem:$0x3FAE] =	sst s8  }
0x11: {  	[smem:$0x3FAF] =	sst s9;
	s0 =	simm.s32 @!p0 $0x0  }
0x12: {  	s1 =	sld [smem:$0x3F95];
	s0 =	simm.s32 @p0 $0x1  }
0x13: {  	[smem:$0x3FB0] =	sst s0;
	s0 =	simm.s32 @!p1 $0x0  }
0x14: {  	s2 =	sld [smem:$0x3F94];
	s0 =	simm.s32 @p1 $0x1  }
0x15: {  	[smem:$0x3FB1] =	sst s0;
	s0 =	simm.s32 @!p2 $0x0  }
0x16: {  	s3 =	sld [smem:$0x3FDB];
	s0 =	simm.s32 @p2 $0x1  }
0x17: {  	s4 =	simm.s32 $0x1BF5;
	[smem:$0x3FB3] =	sst s0  }
0x18: {  	s0 =	sld [smem:$0x3F96];
	_ =	swait.ge [sflag:s4], $0x0  }
0x19: {  	s7 =	sld [smem:$0x3F97]  }
0x1a: {  	s8 =	sadd.s32 $0xFFFFE003, lr  }
0x1b: {  	s9 =	sadd.s32 $0xFFFFFEF7, lr;
	s5 =	simm.s32 $0xFFFFFFFF;
	p2 =	slt.u32 s8, $0xFFFFF086  }
0x1c: {  	p1 =	slt.u32 s9, $0xF7A;
	s5 =	simm.s32 @!p2 $0x0  }
0x1d: {  	s5 =	simm.s32 @p1 $0x1;
	p0 =	seq.s32 s7, s2  }
0x1e: {  	s7 =	smul.u32 @!p0 $0xF7A, s2;
	p2 =	seq.s32 @!p0 s5, $0x0  }
0x1f: {  	s9 =	smul.u32 $0xF7A, s1;
	s8 =	simm.s32 @!p0 $0x1BF5;
	p2 =	por !p2, p0  }
0x20: {  	[sflag:s8] =	ssyncset.s32 @!p0 $0xFFFFF086;
	s6 =	sadd.s32 @!p0 s3, s7;
	s7 =	simm.s32 @!p0 $0x108  }
0x21: {  	s3 =	sadd.s32 s3, s9;
	s6 =	sadd.s32 @!p0 $0x88, s6;
	s7 =	simm.s32 @p2 $0x1082  }
0x22: {  	[simem:s7], [sflag:s8] =	dma.local @!p0 [hbm:s6], $0xF7A  }
0x23: {  	s9 =	sor.u32 $0xD0000000, s2;
	s6 =	simm.s32 $0x108;
	_ =	swait.ge @!p0 [sflag:s8], $0x0  }
0x24: {  	s3 =	sadd.s32 $0x88, s3;
	s6 =	simm.s32 @!p1 $0x1082;
	[sflag:s4] =	ssyncset.s32 $0xFFFFF086  }
0x25: {  	[simem:s6], [sflag:s4] =	dma.local [hbm:s3], $0xF7A  }
0x26: {  	[smem:$0x3F97] =	sst s1;
	(tag) =	ssettag s2;
	_ =	strace s9  }
0x27: {  	s1 =	sld [smem:$0x3FA7]  }
0x28: {  	s2 =	sld [smem:$0x3FA8]  }
0x29: {  	s4 =	sld [smem:$0x3FAA]  }
0x2a: {  	p0 =	seq.s32 s5, $0x0;
	s5 =	sld [smem:$0x3FAB]  }
0x2b: {  	s6 =	sld [smem:$0x3FAC]  }
0x2c: {  	s7 =	sld [smem:$0x3FAD]  }
0x2d: {  	s3 =	simm.s32 $0x108;
	s8 =	sld [smem:$0x3FAE]  }
0x2e: {  	s3 =	simm.s32 @!p0 $0x1082;
	s9 =	sld [smem:$0x3FAF]  }
0x2f: {  	lr =	sadd.s32 s0, s3;
	s0 =	sld [smem:$0x3FA6]  }
0x30: {  	s3 =	sld [smem:$0x3FA9]  }
0x31: {  	[smem:$0x3FB2] =	sst s10  }
0x32: {  	s10 =	sld [smem:$0x3FB0];
	_ =	sdelay $0x3  }
0x33: {  	p0 =	seq.s32 s10, $0x1;
	s10 =	sld [smem:$0x3FB2];
	_ =	sdelay $0x3  }
0x34: {  	[smem:$0x3FB2] =	sst s10  }
0x35: {  	s10 =	sld [smem:$0x3FB1];
	_ =	sdelay $0x3  }
0x36: {  	p1 =	seq.s32 s10, $0x1;
	s10 =	sld [smem:$0x3FB2];
	_ =	sdelay $0x3  }
0x37: {  	[smem:$0x3FB2] =	sst s10  }
0x38: {  	s10 =	sld [smem:$0x3FB3]  }
0x39: {  	_ = 	snop;
	(pc) =	sbr.ind lr, $3  }
0x3a: {  	_ = 	snop  }
0x3b: {  	_ = 	snop  }
0x3c: {  	p2 =	seq.s32 s10, $0x1;
	s10 =	sld [smem:$0x3FB2]  }
0x3d: {  	_ =	shalt  }
0x3e: {  	_ =	shalt  }
0x3f: {  	_ =	shalt  }
0x40: {  	_ =	shalt  }
0x41: {  	_ =	shalt  }
0x42: {  	_ =	shalt  }
0x43: {  	_ =	shalt  }
0x44: {  	_ =	shalt  }
0x45: {  	_ =	shalt  }
0x46: {  	_ =	shalt  }
0x47: {  	_ =	shalt  }
0x48: {  	_ =	shalt  }
0x49: {  	_ =	shalt  }
0x4a: {  	_ =	shalt  }
0x4b: {  	_ =	shalt  }
0x4c: {  	_ =	shalt  }
0x4d: {  	_ =	shalt  }
0x4e: {  	_ =	shalt  }
0x4f: {  	_ =	shalt  }
0x50: {  	_ =	shalt  }
0x51: {  	_ =	shalt  }
0x52: {  	_ =	shalt  }
0x53: {  	_ =	shalt  }
0x54: {  	_ =	shalt  }
0x55: {  	_ =	shalt  }
0x56: {  	_ =	shalt  }
0x57: {  	_ =	shalt  }
0x58: {  	_ =	shalt  }
0x59: {  	_ =	shalt  }
0x5a: {  	_ =	shalt  }
0x5b: {  	_ =	shalt  }
0x5c: {  	_ =	shalt  }
0x5d: {  	_ =	shalt  }
0x5e: {  	_ =	shalt  }
0x5f: {  	_ =	shalt  }
0x60: {  	_ =	shalt  }
0x61: {  	_ =	shalt  }
0x62: {  	_ =	shalt  }
0x63: {  	_ =	shalt  }
0x64: {  	_ =	shalt  }
0x65: {  	_ =	shalt  }
0x66: {  	_ =	shalt  }
0x67: {  	_ =	shalt  }
0x68: {  	_ =	shalt  }
0x69: {  	_ =	shalt  }
0x6a: {  	_ =	shalt  }
0x6b: {  	_ =	shalt  }
0x6c: {  	_ =	shalt  }
0x6d: {  	_ =	shalt  }
0x6e: {  	_ =	shalt  }
0x6f: {  	_ =	shalt  }
0x70: {  	_ =	shalt  }
0x71: {  	_ =	shalt  }
0x72: {  	_ =	shalt  }
0x73: {  	_ =	shalt  }
0x74: {  	_ =	shalt  }
0x75: {  	_ =	shalt  }
0x76: {  	_ =	shalt  }
0x77: {  	_ =	shalt  }
0x78: {  	_ =	shalt  }
0x79: {  	_ =	shalt  }
0x7a: {  	_ =	shalt  }
0x7b: {  	_ =	shalt  }
0x7c: {  	_ =	shalt  }
0x7d: {  	_ =	shalt  }
0x7e: {  	_ =	shalt  }
0x7f: {  	_ =	shalt  }
0x80: {  	_ =	shalt  }
0x81: {  	_ =	shalt  }
0x82: {  	_ =	shalt  }
0x83: {  	_ =	shalt  }
0x84: {  	_ =	shalt  }
0x85: {  	_ =	shalt  }
0x86: {  	_ =	shalt  }
0x87: {  	_ =	shalt  }
.Lfunc_end0:
.L_simem_size_0:
called_computation.1_lowered:
.L_overlay_start_0:
0x88: {  	s2 =	sld [smem:$0x3FD9]  }
0x89: {  	s3 =	sld [smem:$0x3FFE];
	_ =	sdelay $0x1  }
0x8a: {  	s1 =	srdreg.scid  }
0x8b: {  	s0 =	sand.u32 $0x1, s1  }
0x8c: {  	s14 =	sshll.u32 s0, $0xA;
	s2 =	sadd.s32 s3, s2  }
0x8d: {  	s2 =	sadd.s32 s2, s14  }
0x8e: {  	[smem:$0x3FBE] =	sst s2  }
0x8f: {  	_ = 	snop  }
0x90: {  	s2 =	sld [smem:$0x3FD0];
	_ =	sdelay $0x2  }
0x91: {  	s15 =	simm.s32 $0xA;
	s4 =	simm.s32 $0x10  }
0x92: {  	[smem:s4], [sflag:s15] =	dma.local [hbm:s2], $0x1  }
0x93: {  	_ =	swait.eq [sflag:s15], $0x1  }
0x94: {  	[sflag:s15] =	ssyncset.done $0x0  }
0x95: {  	[sflag:s15] =	ssyncadd.s32 $0xFFFFFFFF  }
0x96: {  	s16 =	sld [smem:$0x12];
	(tm) =	ssettm $0x1  }
0x97: {  	s17 =	sld [smem:$0x3FFB];
	_ =	sdelay $0x3  }
0x98: {  	_ =	strace s17  }
0x99: {  	s3 =	sld [smem:$0x3FFC];
	_ =	sdelay $0x3  }
0x9a: {  	_ =	strace s3  }
0x9b: {  	s3 =	sld [smem:$0x3FFD];
	_ =	sdelay $0x3  }
0x9c: {  	_ =	strace s3  }
0x9d: {  	_ =	strace $0x8FFFFFFF  }
0x9e: {  	s18 =	sld [smem:$0x3FDB];
	_ =	sdelay $0x1  }
0x9f: {  	s19 =	simm.s32 $_scs_section_size  }
0xa0: {  	s5 =	simm.s32 $_size__tile_overlayer_lowered;
	s6 =	simm.s32 $_tile_overlayer_lowered  }
0xa1: {  	s22 =	simm.s32 $0x1BFF;
	s21 =	sshll.u32 s6, $0x1;
	s3 =	sadd.s32 s19, s18  }
0xa2: {  	s7 =	simm.s32 $0x0;
	s20 =	sshll.u32 s5, $0x1;
	s5 =	sadd.s32 s21, s3  }
0xa3: {  	[timem:s7], [sflag:s22] =	dma.local [hbm:s5], s20  }
0xa4: {  	_ =	swait.ge [sflag:s22], s20  }
0xa5: {  	s4 =	ssub.s32 $0x0, s20;
	[sflag:s22] =	ssyncset.done $0x0  }
0xa6: {  	[sflag:s22] =	ssyncadd.s32 s4;
	_ =	sdelay $0x1  }
0xa7: {  	s23 =	simm.s32 $0x1B8B  }
0xa8: {  	_ =	swait.ge [sflag:s23], $0x1  }
0xa9: {  	[sflag:s23] =	ssyncset.done $0x0  }
0xaa: {  	s25 =	simm.s32 $0x1B8E;
	s24 =	sld [smem:$0x3FFE];
	[sflag:s23] =	ssyncadd.s32 $0xFFFFFFFF  }
0xab: {  	s26 =	simm.s32 $execute0_lowered;
	[smem:$0x3FD2] =	sst s25  }
0xac: {  	s5 =	sshll.u32 s26, $0x1;
	_ =	strace $0x80000049;
	[dreg:$0x1] =	wrdreg $0xFFFFFFFF  }
0xad: {  	s28 =	simm.s32 $_size_execute0_lowered;
	s3 =	sadd.s32 s3, s5;
	[dreg:$0x0] =	wrdreg $0x0  }
0xae: {  	s5 =	sshll.u32 s28, $0x1;
	[dreg:$0x2] =	wrdreg s3  }
0xaf: {  	[dreg:$0x3] =	wrdreg s5  }
0xb0: {  	[dreg:$0x4] =	wrdreg $0xC0  }
0xb1: {  	_ =	task [dreg:s7], $0x5FFFF  }
0xb2: {  	[dreg:$0x1] =	wrdreg $0xFFFFFFFF  }
0xb3: {  	[dreg:$0x0] =	wrdreg $0x60  }
0xb4: {  	[dreg:$0x2] =	wrdreg s16  }
0xb5: {  	[dreg:$0x3] =	wrdreg s24  }
0xb6: {  	[dreg:$0x4] =	wrdreg $0xA4000  }
0xb7: {  	[dreg:$0x5] =	wrdreg $0x9  }
0xb8: {  	_ =	task.clear_ibuf [dreg:s7], $0x6FFFF;
	_ =	strace $0x90000049  }
0xb9: {  	s29 =	simm.s32 $0x9;
	_ =	strace $0x8000004B  }
0xba: {  	_ =	swait.ge [sflag:s29], $0x1  }
0xbb: {  	[sflag:s29] =	ssyncadd.s32 $0xFFFFFFFF  }
0xbc: {  	_ =	strace $0x9000004B  }
0xbd: {  	_ =	sfence  }
0xbe: {  	s30 =	sld [smem:$0x0];
	_ =	sdelay $0x2  }
0xbf: {  	s31 =	sshll.u32 s1, $0xD;
	s1 =	sshrl.u32 s1, $0x2  }
0xc0: {  	s3 =	sand.u32 $0x4000, s31;
	s1 =	sadd.s32 s1, s30  }
0xc1: {  	s0 =	sor.u32 s3, s0;
	s1 =	sshll.u32 s1, $0x11  }
0xc2: {  	s0 =	sor.u32 s1, s0  }
0xc3: {  	s0 =	sadd.s32 $0x8F2B, s0  }
0xc4: {  	[sflag:s0] =	ssyncadd.remote.s32 $0x1  }
0xc5: {  	_ =	sfence.sel $0xFFFF  }
0xc6: {  	[dreg:$0x0] =	wrdreg $0xFFFFFFFF;
	(pc) =	sbr.abs _section_cstart, $3  }
0xc7: {  	[dreg:$0x1] =	wrdreg $0xFFFFFFFF  }
0xc8: {  	_ =	task.clear_ibuf [dreg:s7], $0x2FFFF;
	_ =	strace $0x9FFFFFFF  }
0xc9: {  	(tm) =	ssettm $0x7FFFFFFF  }
tec
execute0_lowered:
.L_overlay_start_1:
0x0: {  	(tag) =	ssettag $0x1  }
0x1: {  	s1 =	rddreg [dreg:$0x0]  }
0x2: {  	s0 =	rddreg [dreg:$0x1]  }
0x3: {  	s3 =	rddreg [dreg:$0x2]  }
0x4: {  	s2 =	srdreg.scid;
	s12 =	stileid.u32  }
0x5: {  	s4 =	simm.s32 $0x0;
	s30 =	simm.s32 $0x200;
	s31 =	simm.s32 $0x80  }
0x6: {  	s28 =	simm.s32 $0x7;
	s29 =	simm.s32 $0x8;
	s8 =	smul.u32 $0x4F000, s12  }
0x7: {  	s2 =	sand.u32 $0x1, s2;
	s5 =	sshll.u32 s12, $0x1;
	s21 =	smul.u32 $0x2780, s12  }
0x8: {  	[smem:$0x7FF] =	sst s4;
	s13 =	sadd.s32 $0x3000, s0;
	s23 =	smul.u32 $0x13C00, s12  }
0x9: {  	s14 =	sadd.s32 $0xCE00, s0;
	s0 =	sadd.s32 $0x16C00, s0;
	s25 =	smul.u32 $0x4E20, s12  }
0xa: {  	p0 =	seq.s32 s12, $0xF;
	s12 =	simm.s32 $0x400;
	s5 =	sor.u32 s2, s5  }
0xb: {  	_ =	strace $0x8000004A;
	s10 =	smul.u32 $0x138800, s2;
	[dreg:$0x5] =	wrdreg s14  }
0xc: {  	s6 =	ssub.s32 $0x2, s2;
	s2 =	smul.u32 $0x2710, s2;
	[dreg:$0x4] =	wrdreg s13  }
0xd: {  	s7 =	sshrl.u32 s6, $0x1;
	s26 =	sshrl.u32 s8, $0x2;
	s8 =	sadd.s32 s1, s21  }
0xe: {  	s5 =	smul.u32 $0x2710, s5;
	s6 =	ssub.s32 s6, s7;
	[dreg:$0xf] =	wrdreg s8  }
0xf: {  	s2 =	sadd.s32 s2, s25;
	s25 =	sadd.s32 $0x128400, s3;
	s8 =	simm.s32 $0x180  }
0x10: {  	s5 =	sshrl.u32 s5, $0x3;
	s15 =	smax.u32 s6, $0x1;
	s17 =	sadd.s32 $0x1E0, s2  }
0x11: {  	[dreg:$0x1a] =	wrdreg s25;
	s6 =	simm.s32 $0xA;
	s18 =	sadd.s32 s13, s5  }
0x12: {  	s19 =	sadd.s32 $0xA, s5;
	s9 =	sadd.s32 s14, s5;
	[dreg:$0x12] =	wrdreg s15  }
0x13: {  	s22 =	sadd.s32 $0x14, s5;
	s5 =	sadd.s32 $0x1E, s5;
	[dreg:$0x6] =	wrdreg s18  }
0x14: {  	s15 =	simm.s32 $0x3;
	[dreg:$0x7] =	wrdreg s9;
	s20 =	sadd.s32 s13, s19  }
0x15: {  	s7 =	sadd.s32 s14, s19;
	s11 =	sadd.s32 s13, s22;
	[dreg:$0x8] =	wrdreg s20  }
0x16: {  	s24 =	sadd.s32 s13, s5;
	s5 =	sadd.s32 s14, s5;
	[dreg:$0x9] =	wrdreg s7  }
0x17: {  	s9 =	sadd.s32 s23, s10;
	s10 =	sshrl.u32 s10, $0x3;
	[dreg:$0xa] =	wrdreg s11  }
0x18: {  	s18 =	sadd.s32 $0x190, s2;
	s19 =	sshrl.u32 s17, $0x3;
	[dreg:$0xc] =	wrdreg s24  }
0x19: {  	s17 =	simm.s32 $0x4;
	s7 =	sadd.s32 s14, s22;
	[dreg:$0xd] =	wrdreg s5  }
0x1a: {  	s5 =	sadd.s32 s26, s3;
	s11 =	sadd.s32 $0x230, s2;
	s20 =	sshrl.u32 s18, $0x3  }
0x1b: {  	s21 =	sadd.s32 s19, s14;
	s24 =	sadd.s32 $0x140, s2;
	[dreg:$0xb] =	wrdreg s7  }
0x1c: {  	s26 =	sadd.s32 $0x25080, s1;
	s2 =	simm.s32 $0x100;
	[dreg:$0xe] =	wrdreg s5  }
0x1d: {  	s18 =	simm.s32 $0x7C00;
	s5 =	sshrl.u32 s9, $0x3;
	[dreg:$0x15] =	wrdreg s21  }
0x1e: {  	s16 =	sshrl.u32 s11, $0x3;
	s22 =	sadd.s32 s20, s14;
	[dreg:$0x19] =	wrdreg s24  }
0x1f: {  	s23 =	sadd.s32 s20, s13;
	[dreg:$0x1b] =	wrdreg s26;
	s7 =	simm.s32 $0x300  }
0x20: {  	s9 =	simm.s32 $0x380;
	s11 =	simm.s32 $0x50;
	s26 =	simm.s32 $0x6  }
0x21: {  	s20 =	simm.s32 $0xB;
	s21 =	simm.s32 $0xC;
	[dreg:$0x17] =	wrdreg s22  }
0x22: {  	s5 =	sadd.s32 s0, s5;
	s0 =	sadd.s32 s0, s10;
	[dreg:$0x18] =	wrdreg s23  }
0x23: {  	s24 =	simm.s32 $0x0;
	[dreg:$0x10] =	wrdreg s5;
	s0 =	sadd.s32 $0x25080, s0  }
.Ltmp0:
0x24: {  	s5 =	sadd.s32 s16, s14;
	[dreg:$0x11] =	wrdreg s0;
	(pc) =	sbr.rel .LBB2_1-.Ltmp0, $4  }
0x25: {  	s10 =	simm.s32 $0x1;
	s14 =	simm.s32 $0x2C00;
	[dreg:$0x13] =	wrdreg s5  }
0x26: {  	s0 =	sadd.s32 s16, s13;
	s16 =	simm.s32 $0x5400;
	s5 =	simm.s32 $0x9  }
0x27: {  	[dreg:$0x14] =	wrdreg s0;
	s0 =	sadd.s32 s19, s13;
	s13 =	simm.s32 $0x2  }
0x28: {  	s19 =	simm.s32 $0x5;
	[dreg:$0x16] =	wrdreg s0;
	s0 =	simm.s32 $0x280  }
.LBB2_4:
0x29: {  	_ =	swait.ge [sflag:s20], $0x2800  }
0x2a: {  	[sflag:s20] =	ssyncset.done $0x0  }
0x2b: {  	[sflag:s20] =	ssyncadd.s32 $0xFFFFD800  }
0x2c: {  	_ =	swait.ge [sflag:s21], $0x2800  }
0x2d: {  	[sflag:s21] =	ssyncset.done $0x0  }
0x2e: {  	[sflag:s21] =	ssyncadd.s32 $0xFFFFD800  }
0x2f: {  	_ =	swait.ge [sflag:s10], $0x50  }
0x30: {  	[sflag:s10] =	ssyncset.done $0x0  }
0x31: {  	[sflag:s10] =	ssyncadd.s32 $0xFFFFFFB0  }
0x32: {  	_ =	swait.ge [sflag:s10], $0x50  }
0x33: {  	[sflag:s10] =	ssyncset.done $0x0  }
0x34: {  	[sflag:s10] =	ssyncadd.s32 $0xFFFFFFB0  }
0x35: {  	[tilespmem:s12], [sflag:$0x5] =	stream.indirect.gather [hbm4b:s1+s11], $0x80, s4, s11, $0xb8;
	[tilespmem:$0x1DC80] =	vst v63  }
0x36: {  	_ =	swait.ge [sflag:s19], $0x2800  }
0x37: {  	[sflag:s19] =	ssyncset.done $0x0  }
0x38: {  	[sflag:s19] =	ssyncadd.s32 $0xFFFFD800  }
0x39: {  	[spmem:s3] =	stream.indirect.scatter.add.f32 [tilespmem:s12], [sflag:$0x9], $0x80, s30, s11, $0xb8;
	[tilespmem:$0x1DC80] =	vst v63  }
0x3a: {  	_ =	swait.ge [sflag:s5], $0x2800  }
0x3b: {  	[sflag:s5] =	ssyncset.done $0x0  }
0x3c: {  	[sflag:s5] =	ssyncadd.s32 $0xFFFFD800  }
0x3d: {  	[bflag:$0x0] =	sbarrier.arrive $0xFFFF  }
0x3e: {  	s23 =	rddreg [dreg:$0x11]  }
0x3f: {  	s22 =	simm.s32 @p0 $0x1FCD;
	s24 =	rddreg [dreg:$0x1d]  }
0x40: {  	[hbm:s23], [sflag:s22] =	dma.local @p0 [spmem:s24], $0x2080  }
0x41: {  	s22 =	simm.s32 @p0 $0xD  }
0x42: {  	_ =	swait.ge @p0 [sflag:s22], $0x2080  }
0x43: {  	s23 =	rddreg [dreg:$0x1e]  }
0x44: {  	[sflag:s22] =	ssyncset.done @p0 $0x0;
	s24 =	rddreg [dreg:$0x1f]  }
0x45: {  	[sflag:s22] =	ssyncadd.s32 @p0 $0xFFFFDF80;
	s22 =	rddreg [dreg:$0x10]  }
0x46: {  	[hbm:s22], [sflag:s23] =	dma.local @!p0 [spmem:s24], $0x2780  }
0x47: {  	s22 =	simm.s32 @!p0 $0xD  }
0x48: {  	_ =	swait.ge @!p0 [sflag:s22], $0x2780  }
0x49: {  	s23 =	rddreg [dreg:$0x1c]  }
0x4a: {  	s25 =	rddreg [dreg:$0x12];
	s24 =	sadd.s32 $0x1, s23  }
0x4b: {  	p1 =	sne.s32 s24, s25  }
.Ltmp1:
0x4c: {  	_ = 	snop;
	(pc) =	sbr.rel @!p1 .LBB2_5-.Ltmp1, $3  }
0x4d: {  	_ =	sdelay $0x1  }
0x4e: {  	[sflag:s22] =	ssyncset.done @!p0 $0x0  }
0x4f: {  	[sflag:s22] =	ssyncadd.s32 @!p0 $0xFFFFD880  }
.LBB2_1:
0x50: {  	[dreg:$0x1c] =	wrdreg s24  }
0x51: {  	s22 =	rddreg [dreg:$0x6]  }
0x52: {  	s25 =	rddreg [dreg:$0x7]  }
0x53: {  	s23 =	rddreg [dreg:$0x8]  }
0x54: {  	[tilespmem:s4], [sflag:$0x1] =	stream.linear.gather [hbm4b:s22+s4], $0x50, $0x38;
	[tilespmem:$0x1DC80] =	vst v63  }
0x55: {  	s24 =	rddreg [dreg:$0x9]  }
0x56: {  	[tilespmem:s30], [sflag:$0x1] =	stream.linear.gather [hbm4b:s25+s4], $0x50, $0x38;
	[tilespmem:$0x1DC80] =	vst v63  }
0x57: {  	s22 =	rddreg [dreg:$0x1a]  }
0x58: {  	[tilespmem:s31], [sflag:$0x2] =	stream.linear.gather [hbm4b:s23+s4], $0x50, $0x38;
	[tilespmem:$0x1DC80] =	vst v63  }
0x59: {  	s25 =	rddreg [dreg:$0xa]  }
0x5a: {  	[tilespmem:s0], [sflag:$0x2] =	stream.linear.gather [hbm4b:s24+s4], $0x50, $0x38;
	[tilespmem:$0x1DC80] =	vst v63  }
0x5b: {  	s23 =	rddreg [dreg:$0xb]  }
0x5c: {  	[tilespmem:s2], [sflag:$0x3] =	stream.linear.gather [hbm4b:s25+s4], $0x50, $0x38;
	[tilespmem:$0x1DC80] =	vst v63  }
0x5d: {  	s24 =	rddreg [dreg:$0xc]  }
0x5e: {  	[tilespmem:s7], [sflag:$0x3] =	stream.linear.gather [hbm4b:s23+s4], $0x50, $0x38;
	[tilespmem:$0x1DC80] =	vst v63  }
0x5f: {  	s25 =	rddreg [dreg:$0xd]  }
0x60: {  	[tilespmem:s8], [sflag:$0x4] =	stream.linear.gather [hbm4b:s24+s4], $0x50, $0x38;
	[tilespmem:$0x1DC80] =	vst v63  }
0x61: {  	s23 =	rddreg [dreg:$0x1b];
	s24 =	sshrl.u32 @p0 s22, $0x3  }
0x62: {  	s22 =	simm.s32 @p0 $0x1FCD;
	[dreg:$0x1d] =	wrdreg s24  }
0x63: {  	[tilespmem:s9], [sflag:$0x4] =	stream.linear.gather [hbm4b:s25+s4], $0x50, $0x38;
	[tilespmem:$0x1DC80] =	vst v63  }
0x64: {  	[spmem:s24], [sflag:s22] =	dma.local @p0 [hbm:s23], $0x2080  }
0x65: {  	s22 =	simm.s32 @p0 $0xD  }
0x66: {  	s23 =	stileid.u32;
	_ =	swait.ge @p0 [sflag:s22], $0x2080  }
0x67: {  	s23 =	sshll.u32 @!p0 s23, $0x6;
	[sflag:s22] =	ssyncset.done @p0 $0x0  }
0x68: {  	s23 =	sor.u32 @!p0 $0x1C0D, s23;
	[sflag:s22] =	ssyncadd.s32 @p0 $0xFFFFDF80;
	s22 =	rddreg [dreg:$0xe]  }
0x69: {  	[dreg:$0x1e] =	wrdreg s23  }
0x6a: {  	s24 =	sshrl.u32 @!p0 s22, $0x3;
	s22 =	rddreg [dreg:$0xf]  }
0x6b: {  	[dreg:$0x1f] =	wrdreg s24  }
0x6c: {  	[spmem:s24], [sflag:s23] =	dma.local @!p0 [hbm:s22], $0x2780  }
0x6d: {  	s22 =	simm.s32 @!p0 $0xD  }
0x6e: {  	_ =	swait.ge @!p0 [sflag:s22], $0x2780  }
0x6f: {  	[sflag:s22] =	ssyncset.done @!p0 $0x0  }
0x70: {  	[sflag:s22] =	ssyncadd.s32 @!p0 $0xFFFFD880  }
0x71: {  	[bflag:$0x0] =	sbarrier.arrive $0xFFFF  }
0x72: {  	s23 =	simm.s32 $0x0;
	s22 =	rddreg [dreg:$0x19]  }
.LBB2_2:
0x73: {  	_ =	swait.ge [sflag:s10], $0x50  }
0x74: {  	[sflag:s10] =	ssyncset.done $0x0  }
0x75: {  	[sflag:s10] =	ssyncadd.s32 $0xFFFFFFB0  }
0x76: {  	_ =	swait.ge [sflag:s10], $0x50  }
0x77: {  	[sflag:s10] =	ssyncset.done $0x0  }
0x78: {  	[sflag:s10] =	ssyncadd.s32 $0xFFFFFFB0  }
0x79: {  	[tilespmem:s12], [sflag:$0x5] =	stream.indirect.gather [hbm4b:s1+s11], $0x80, s4, s11, $0xb8;
	[tilespmem:$0x1DC80] =	vst v63  }
0x7a: {  	_ =	swait.ge [sflag:s13], $0x50  }
0x7b: {  	[sflag:s13] =	ssyncset.done $0x0  }
0x7c: {  	[sflag:s13] =	ssyncadd.s32 $0xFFFFFFB0  }
0x7d: {  	_ =	swait.ge [sflag:s13], $0x50  }
0x7e: {  	[sflag:s13] =	ssyncset.done $0x0  }
0x7f: {  	[sflag:s13] =	ssyncadd.s32 $0xFFFFFFB0  }
0x80: {  	[tilespmem:s14], [sflag:$0x6] =	stream.indirect.gather [hbm4b:s1+s11], $0x80, s31, s11, $0xb8;
	[tilespmem:$0x1DC80] =	vst v63  }
0x81: {  	_ =	swait.ge [sflag:s15], $0x50  }
0x82: {  	[sflag:s15] =	ssyncset.done $0x0  }
0x83: {  	[sflag:s15] =	ssyncadd.s32 $0xFFFFFFB0  }
0x84: {  	_ =	swait.ge [sflag:s15], $0x50  }
0x85: {  	[sflag:s15] =	ssyncset.done $0x0  }
0x86: {  	[sflag:s15] =	ssyncadd.s32 $0xFFFFFFB0  }
0x87: {  	[tilespmem:s16], [sflag:$0x7] =	stream.indirect.gather [hbm4b:s1+s11], $0x80, s2, s11, $0xb8;
	[tilespmem:$0x1DC80] =	vst v63  }
0x88: {  	_ =	swait.ge [sflag:s17], $0x50  }
0x89: {  	[sflag:s17] =	ssyncset.done $0x0  }
0x8a: {  	[sflag:s17] =	ssyncadd.s32 $0xFFFFFFB0  }
0x8b: {  	_ =	swait.ge [sflag:s17], $0x50  }
0x8c: {  	[sflag:s17] =	ssyncset.done $0x0  }
0x8d: {  	[sflag:s17] =	ssyncadd.s32 $0xFFFFFFB0  }
0x8e: {  	[tilespmem:s18], [sflag:$0x8] =	stream.indirect.gather [hbm4b:s1+s11], $0x80, s8, s11, $0xb8;
	[tilespmem:$0x1DC80] =	vst v63  }
0x8f: {  	_ =	swait.ge [sflag:s19], $0x2800  }
0x90: {  	[sflag:s19] =	ssyncset.done $0x0  }
0x91: {  	[sflag:s19] =	ssyncadd.s32 $0xFFFFD800  }
0x92: {  	[spmem:s3] =	stream.indirect.scatter.add.f32 [tilespmem:s12], [sflag:$0x9], $0x80, s30, s11, $0xb8;
	[tilespmem:$0x1DC80] =	vst v63  }
0x93: {  	_ =	swait.ge [sflag:s26], $0x2800  }
0x94: {  	[sflag:s26] =	ssyncset.done $0x0  }
0x95: {  	[sflag:s26] =	ssyncadd.s32 $0xFFFFD800  }
0x96: {  	[spmem:s3] =	stream.indirect.scatter.add.f32 [tilespmem:s14], [sflag:$0xA], $0x80, s0, s11, $0xb8;
	[tilespmem:$0x1DC80] =	vst v63  }
0x97: {  	_ =	swait.ge [sflag:s28], $0x2800  }
0x98: {  	[sflag:s28] =	ssyncset.done $0x0  }
0x99: {  	[sflag:s28] =	ssyncadd.s32 $0xFFFFD800  }
0x9a: {  	[spmem:s3] =	stream.indirect.scatter.add.f32 [tilespmem:s16], [sflag:$0xB], $0x80, s7, s11, $0xb8;
	[tilespmem:$0x1DC80] =	vst v63  }
0x9b: {  	_ =	swait.ge [sflag:s29], $0x2800  }
0x9c: {  	[sflag:s29] =	ssyncset.done $0x0  }
0x9d: {  	[sflag:s29] =	ssyncadd.s32 $0xFFFFD800  }
0x9e: {  	[spmem:s3] =	stream.indirect.scatter.add.f32 [tilespmem:s18], [sflag:$0xC], $0x80, s9, s11, $0xb8;
	[tilespmem:$0x1DC80] =	vst v63  }
0x9f: {  	_ =	swait.ge [sflag:s5], $0x2800  }
0xa0: {  	s24 =	sshrl.u32 s22, $0x3;
	[sflag:s5] =	ssyncset.done $0x0;
	s25 =	rddreg [dreg:$0x4]  }
0xa1: {  	[sflag:s5] =	ssyncadd.s32 $0xFFFFD800;
	s25 =	sadd.s32 s25, s24  }
0xa2: {  	[tilespmem:s4], [sflag:$0x1] =	stream.linear.gather [hbm4b:s25+s4], $0x50, $0x38;
	[tilespmem:$0x1DC80] =	vst v63  }
0xa3: {  	p1 =	seq.s32 s23, $0x4B0;
	s25 =	rddreg [dreg:$0x5]  }
.Ltmp2:
0xa4: {  	s24 =	sadd.s32 s25, s24;
	(pc) =	sbr.rel @p1 .LBB2_4-.Ltmp2, $4  }
0xa5: {  	[tilespmem:s30], [sflag:$0x1] =	stream.linear.gather [hbm4b:s24+s4], $0x50, $0x38;
	[tilespmem:$0x1DC80] =	vst v63  }
0xa6: {  	_ =	swait.ge [sflag:s6], $0x2800  }
0xa7: {  	[sflag:s6] =	ssyncset.done $0x0  }
0xa8: {  	[sflag:s6] =	ssyncadd.s32 $0xFFFFD800  }
0xa9: {  	s24 =	rddreg [dreg:$0x18]  }
0xaa: {  	s25 =	rddreg [dreg:$0x17];
	s24 =	sadd.s32 s23, s24  }
0xab: {  	[tilespmem:s31], [sflag:$0x2] =	stream.linear.gather [hbm4b:s24+s4], $0x50, $0x38;
	[tilespmem:$0x1DC80] =	vst v63  }
0xac: {  	s24 =	sadd.s32 s23, s25  }
0xad: {  	[tilespmem:s0], [sflag:$0x2] =	stream.linear.gather [hbm4b:s24+s4], $0x50, $0x38;
	[tilespmem:$0x1DC80] =	vst v63  }
0xae: {  	_ =	swait.ge [sflag:s20], $0x2800  }
0xaf: {  	[sflag:s20] =	ssyncset.done $0x0;
	s25 =	rddreg [dreg:$0x16]  }
0xb0: {  	[sflag:s20] =	ssyncadd.s32 $0xFFFFD800;
	s24 =	sadd.s32 s23, s25;
	s25 =	rddreg [dreg:$0x15]  }
0xb1: {  	[tilespmem:s2], [sflag:$0x3] =	stream.linear.gather [hbm4b:s24+s4], $0x50, $0x38;
	[tilespmem:$0x1DC80] =	vst v63  }
0xb2: {  	s24 =	sadd.s32 s23, s25  }
0xb3: {  	[tilespmem:s7], [sflag:$0x3] =	stream.linear.gather [hbm4b:s24+s4], $0x50, $0x38;
	[tilespmem:$0x1DC80] =	vst v63  }
0xb4: {  	_ =	swait.ge [sflag:s21], $0x2800  }
.Ltmp3:
0xb5: {  	[sflag:s21] =	ssyncset.done $0x0;
	s25 =	rddreg [dreg:$0x14];
	(pc) =	sbr.rel .LBB2_2-.Ltmp3, $4  }
0xb6: {  	[sflag:s21] =	ssyncadd.s32 $0xFFFFD800;
	s24 =	sadd.s32 s23, s25;
	s25 =	rddreg [dreg:$0x13]  }
0xb7: {  	[tilespmem:s8], [sflag:$0x4] =	stream.linear.gather [hbm4b:s24+s4], $0x50, $0x38;
	[tilespmem:$0x1DC80] =	vst v63  }
0xb8: {  	s22 =	sadd.s32 $0x140, s22;
	s24 =	sadd.s32 s23, s25;
	s23 =	sadd.s32 $0x28, s23  }
0xb9: {  	[tilespmem:s9], [sflag:$0x4] =	stream.linear.gather [hbm4b:s24+s4], $0x50, $0x38;
	[tilespmem:$0x1DC80] =	vst v63  }
.LBB2_5:
0xba: {  	_ =	sfence.sel $0x180000  }
0xbb: {  	[bflag:$0x0] =	sbarrier.arrive $0xFFFF  }
0xbc: {  	_ =	strace $0x9000004A  }
0xbd: {  	s0 =	stileid.u32;
	[bflag:$0x2] =	sbarrier.arrive $0xFFFF  }
0xbe: {  	p0 =	sne.s32 s0, $0x0;
	s0 =	rddreg [dreg:$0x3]  }
0xbf: {  	s0 =	sadd.s32 @!p0 $0x100000, s0  }
0xc0: {  	[sflag:s0] =	ssyncadd.tile.s32 @!p0 $0x1;
	_ =	shalt  }
.Lfunc_end2:
_tile_overlayer_lowered:
.L_overlay_start_2:
0xc1: {  	(tag) =	ssettag $0x2  }
0xc2: {  	s0 =	rddreg [dreg:$0x0];
	s2 =	stileid.u32  }
0xc3: {  	s1 =	rddreg [dreg:$0x1];
	p0 =	sne.s32 s2, $0x0  }
0xc4: {  	s3 =	rddreg [dreg:$0x2];
	[bflag:$0x3] =	sbarrier.arrive $0xFFFF;
	s2 =	simm.s32 @!p0 $0x1C0D  }
0xc5: {  	[timem:s3], [sflag:s2] =	dma.local @!p0 [hbm:s0], s1  }
0xc6: {  	s0 =	simm.s32 @!p0 $0xD  }
0xc7: {  	_ =	swait.ge @!p0 [sflag:s0], s1  }
0xc8: {  	s1 =	ssub.s32 @!p0 $0x0, s1;
	[sflag:s0] =	ssyncset.done @!p0 $0x0  }
0xc9: {  	[sflag:s0] =	ssyncadd.s32 @!p0 s1  }
0xca: {  	[bflag:$0x3] =	sbarrier.arrive $0xFFFF  }
0xcb: {  	_ =	shalt  }

// kernel: kernel.14.cloned.1.call-start
scs
__scs_entry_jumppad:
0x0: {  	(pc) =	sbr.rel $0x88, $3  }
0x1: {  	(tag) =	ssettag $0x0;
	lr =	simm.s32 $0x1  }
0x2: {  	[smem:$0x3F97] =	sst lr;
	_ =	strace $0xD0000000  }
0x3: {  	_ = 	snop  }
0x4: {  	_ = 	snop  }
0x5: {  	_ = 	snop  }
0x6: {  	_ = 	snop  }
0x7: {  	_ = 	snop  }
__scs_overlays_trampoline_lowered:
0x8: {  	[smem:$0x3FA6] =	sst s0  }
0x9: {  	[smem:$0x3FA7] =	sst s1  }
0xa: {  	[smem:$0x3FA8] =	sst s2  }
0xb: {  	[smem:$0x3FA9] =	sst s3  }
0xc: {  	[smem:$0x3FAA] =	sst s4  }
0xd: {  	[smem:$0x3FAB] =	sst s5  }
0xe: {  	[smem:$0x3FAC] =	sst s6  }
0xf: {  	[smem:$0x3FAD] =	sst s7  }
0x10: {  	[smem:$0x3FAE] =	sst s8  }
0x11: {  	[smem:$0x3FAF] =	sst s9;
	s0 =	simm.s32 @!p0 $0x0  }
0x12: {  	s1 =	sld [smem:$0x3F95];
	s0 =	simm.s32 @p0 $0x1  }
0x13: {  	[smem:$0x3FB0] =	sst s0;
	s0 =	simm.s32 @!p1 $0x0  }
0x14: {  	s2 =	sld [smem:$0x3F94];
	s0 =	simm.s32 @p1 $0x1  }
0x15: {  	[smem:$0x3FB1] =	sst s0;
	s0 =	simm.s32 @!p2 $0x0  }
0x16: {  	s3 =	sld [smem:$0x3FDB];
	s0 =	simm.s32 @p2 $0x1  }
0x17: {  	s4 =	simm.s32 $0x1BF5;
	[smem:$0x3FB3] =	sst s0  }
0x18: {  	s0 =	sld [smem:$0x3F96];
	_ =	swait.ge [sflag:s4], $0x0  }
0x19: {  	s7 =	sld [smem:$0x3F97]  }
0x1a: {  	s8 =	sadd.s32 $0xFFFFE003, lr  }
0x1b: {  	s9 =	sadd.s32 $0xFFFFFEF7, lr;
	s5 =	simm.s32 $0xFFFFFFFF;
	p2 =	slt.u32 s8, $0xFFFFF086  }
0x1c: {  	p1 =	slt.u32 s9, $0xF7A;
	s5 =	simm.s32 @!p2 $0x0  }
0x1d: {  	s5 =	simm.s32 @p1 $0x1;
	p0 =	seq.s32 s7, s2  }
0x1e: {  	s7 =	smul.u32 @!p0 $0xF7A, s2;
	p2 =	seq.s32 @!p0 s5, $0x0  }
0x1f: {  	s9 =	smul.u32 $0xF7A, s1;
	s8 =	simm.s32 @!p0 $0x1BF5;
	p2 =	por !p2, p0  }
0x20: {  	[sflag:s8] =	ssyncset.s32 @!p0 $0xFFFFF086;
	s6 =	sadd.s32 @!p0 s3, s7;
	s7 =	simm.s32 @!p0 $0x108  }
0x21: {  	s3 =	sadd.s32 s3, s9;
	s6 =	sadd.s32 @!p0 $0x88, s6;
	s7 =	simm.s32 @p2 $0x1082  }
0x22: {  	[simem:s7], [sflag:s8] =	dma.local @!p0 [hbm:s6], $0xF7A  }
0x23: {  	s9 =	sor.u32 $0xD0000000, s2;
	s6 =	simm.s32 $0x108;
	_ =	swait.ge @!p0 [sflag:s8], $0x0  }
0x24: {  	s3 =	sadd.s32 $0x88, s3;
	s6 =	simm.s32 @!p1 $0x1082;
	[sflag:s4] =	ssyncset.s32 $0xFFFFF086  }
0x25: {  	[simem:s6], [sflag:s4] =	dma.local [hbm:s3], $0xF7A  }
0x26: {  	[smem:$0x3F97] =	sst s1;
	(tag) =	ssettag s2;
	_ =	strace s9  }
0x27: {  	s1 =	sld [smem:$0x3FA7]  }
0x28: {  	s2 =	sld [smem:$0x3FA8]  }
0x29: {  	s4 =	sld [smem:$0x3FAA]  }
0x2a: {  	p0 =	seq.s32 s5, $0x0;
	s5 =	sld [smem:$0x3FAB]  }
0x2b: {  	s6 =	sld [smem:$0x3FAC]  }
0x2c: {  	s7 =	sld [smem:$0x3FAD]  }
0x2d: {  	s3 =	simm.s32 $0x108;
	s8 =	sld [smem:$0x3FAE]  }
0x2e: {  	s3 =	simm.s32 @!p0 $0x1082;
	s9 =	sld [smem:$0x3FAF]  }
0x2f: {  	lr =	sadd.s32 s0, s3;
	s0 =	sld [smem:$0x3FA6]  }
0x30: {  	s3 =	sld [smem:$0x3FA9]  }
0x31: {  	[smem:$0x3FB2] =	sst s10  }
0x32: {  	s10 =	sld [smem:$0x3FB0];
	_ =	sdelay $0x3  }
0x33: {  	p0 =	seq.s32 s10, $0x1;
	s10 =	sld [smem:$0x3FB2];
	_ =	sdelay $0x3  }
0x34: {  	[smem:$0x3FB2] =	sst s10  }
0x35: {  	s10 =	sld [smem:$0x3FB1];
	_ =	sdelay $0x3  }
0x36: {  	p1 =	seq.s32 s10, $0x1;
	s10 =	sld [smem:$0x3FB2];
	_ =	sdelay $0x3  }
0x37: {  	[smem:$0x3FB2] =	sst s10  }
0x38: {  	s10 =	sld [smem:$0x3FB3]  }
0x39: {  	_ = 	snop;
	(pc) =	sbr.ind lr, $3  }
0x3a: {  	_ = 	snop  }
0x3b: {  	_ = 	snop  }
0x3c: {  	p2 =	seq.s32 s10, $0x1;
	s10 =	sld [smem:$0x3FB2]  }
0x3d: {  	_ =	shalt  }
0x3e: {  	_ =	shalt  }
0x3f: {  	_ =	shalt  }
0x40: {  	_ =	shalt  }
0x41: {  	_ =	shalt  }
0x42: {  	_ =	shalt  }
0x43: {  	_ =	shalt  }
0x44: {  	_ =	shalt  }
0x45: {  	_ =	shalt  }
0x46: {  	_ =	shalt  }
0x47: {  	_ =	shalt  }
0x48: {  	_ =	shalt  }
0x49: {  	_ =	shalt  }
0x4a: {  	_ =	shalt  }
0x4b: {  	_ =	shalt  }
0x4c: {  	_ =	shalt  }
0x4d: {  	_ =	shalt  }
0x4e: {  	_ =	shalt  }
0x4f: {  	_ =	shalt  }
0x50: {  	_ =	shalt  }
0x51: {  	_ =	shalt  }
0x52: {  	_ =	shalt  }
0x53: {  	_ =	shalt  }
0x54: {  	_ =	shalt  }
0x55: {  	_ =	shalt  }
0x56: {  	_ =	shalt  }
0x57: {  	_ =	shalt  }
0x58: {  	_ =	shalt  }
0x59: {  	_ =	shalt  }
0x5a: {  	_ =	shalt  }
0x5b: {  	_ =	shalt  }
0x5c: {  	_ =	shalt  }
0x5d: {  	_ =	shalt  }
0x5e: {  	_ =	shalt  }
0x5f: {  	_ =	shalt  }
0x60: {  	_ =	shalt  }
0x61: {  	_ =	shalt  }
0x62: {  	_ =	shalt  }
0x63: {  	_ =	shalt  }
0x64: {  	_ =	shalt  }
0x65: {  	_ =	shalt  }
0x66: {  	_ =	shalt  }
0x67: {  	_ =	shalt  }
0x68: {  	_ =	shalt  }
0x69: {  	_ =	shalt  }
0x6a: {  	_ =	shalt  }
0x6b: {  	_ =	shalt  }
0x6c: {  	_ =	shalt  }
0x6d: {  	_ =	shalt  }
0x6e: {  	_ =	shalt  }
0x6f: {  	_ =	shalt  }
0x70: {  	_ =	shalt  }
0x71: {  	_ =	shalt  }
0x72: {  	_ =	shalt  }
0x73: {  	_ =	shalt  }
0x74: {  	_ =	shalt  }
0x75: {  	_ =	shalt  }
0x76: {  	_ =	shalt  }
0x77: {  	_ =	shalt  }
0x78: {  	_ =	shalt  }
0x79: {  	_ =	shalt  }
0x7a: {  	_ =	shalt  }
0x7b: {  	_ =	shalt  }
0x7c: {  	_ =	shalt  }
0x7d: {  	_ =	shalt  }
0x7e: {  	_ =	shalt  }
0x7f: {  	_ =	shalt  }
0x80: {  	_ =	shalt  }
0x81: {  	_ =	shalt  }
0x82: {  	_ =	shalt  }
0x83: {  	_ =	shalt  }
0x84: {  	_ =	shalt  }
0x85: {  	_ =	shalt  }
0x86: {  	_ =	shalt  }
0x87: {  	_ =	shalt  }
.Lfunc_end0:
.L_simem_size_0:
called_computation.2_lowered:
.L_overlay_start_0:
0x88: {  	s2 =	sld [smem:$0x3FD9]  }
0x89: {  	s3 =	sld [smem:$0x3FFE];
	_ =	sdelay $0x1  }
0x8a: {  	s1 =	srdreg.scid  }
0x8b: {  	s0 =	sand.u32 $0x1, s1  }
0x8c: {  	s14 =	sshll.u32 s0, $0xA;
	s2 =	sadd.s32 s3, s2  }
0x8d: {  	s2 =	sadd.s32 s2, s14  }
0x8e: {  	[smem:$0x3FBE] =	sst s2  }
0x8f: {  	_ = 	snop  }
0x90: {  	s2 =	sld [smem:$0x3FD0];
	_ =	sdelay $0x2  }
0x91: {  	s15 =	simm.s32 $0xA;
	s4 =	simm.s32 $0x10  }
0x92: {  	[smem:s4], [sflag:s15] =	dma.local [hbm:s2], $0x1  }
0x93: {  	_ =	swait.eq [sflag:s15], $0x1  }
0x94: {  	[sflag:s15] =	ssyncset.done $0x0  }
0x95: {  	[sflag:s15] =	ssyncadd.s32 $0xFFFFFFFF  }
0x96: {  	s16 =	sld [smem:$0x12];
	(tm) =	ssettm $0x1  }
0x97: {  	s17 =	sld [smem:$0x3FFB];
	_ =	sdelay $0x3  }
0x98: {  	_ =	strace s17  }
0x99: {  	s3 =	sld [smem:$0x3FFC];
	_ =	sdelay $0x3  }
0x9a: {  	_ =	strace s3  }
0x9b: {  	s3 =	sld [smem:$0x3FFD];
	_ =	sdelay $0x3  }
0x9c: {  	_ =	strace s3  }
0x9d: {  	_ =	strace $0x8FFFFFFF  }
0x9e: {  	s18 =	sld [smem:$0x3FDB];
	_ =	sdelay $0x1  }
0x9f: {  	s19 =	simm.s32 $_scs_section_size  }
0xa0: {  	s5 =	simm.s32 $_size__tile_overlayer_lowered;
	s6 =	simm.s32 $_tile_overlayer_lowered  }
0xa1: {  	s22 =	simm.s32 $0x1BFF;
	s21 =	sshll.u32 s6, $0x1;
	s3 =	sadd.s32 s19, s18  }
0xa2: {  	s7 =	simm.s32 $0x0;
	s20 =	sshll.u32 s5, $0x1;
	s5 =	sadd.s32 s21, s3  }
0xa3: {  	[timem:s7], [sflag:s22] =	dma.local [hbm:s5], s20  }
0xa4: {  	_ =	swait.ge [sflag:s22], s20  }
0xa5: {  	s4 =	ssub.s32 $0x0, s20;
	[sflag:s22] =	ssyncset.done $0x0  }
0xa6: {  	[sflag:s22] =	ssyncadd.s32 s4;
	_ =	sdelay $0x1  }
0xa7: {  	s23 =	simm.s32 $0x1B8B  }
0xa8: {  	_ =	swait.ge [sflag:s23], $0x1  }
0xa9: {  	[sflag:s23] =	ssyncset.done $0x0  }
0xaa: {  	s25 =	simm.s32 $0x1B8E;
	s24 =	sld [smem:$0x3FFE];
	[sflag:s23] =	ssyncadd.s32 $0xFFFFFFFF  }
0xab: {  	s26 =	simm.s32 $execute0_lowered;
	[smem:$0x3FD2] =	sst s25  }
0xac: {  	s5 =	sshll.u32 s26, $0x1;
	_ =	strace $0x8000004C;
	[dreg:$0x1] =	wrdreg $0xFFFFFFFF  }
0xad: {  	s28 =	simm.s32 $_size_execute0_lowered;
	s3 =	sadd.s32 s3, s5;
	[dreg:$0x0] =	wrdreg $0x0  }
0xae: {  	s5 =	sshll.u32 s28, $0x1;
	[dreg:$0x2] =	wrdreg s3  }
0xaf: {  	[dreg:$0x3] =	wrdreg s5  }
0xb0: {  	[dreg:$0x4] =	wrdreg $0xC0  }
0xb1: {  	_ =	task [dreg:s7], $0x5FFFF  }
0xb2: {  	[dreg:$0x1] =	wrdreg $0xFFFFFFFF  }
0xb3: {  	[dreg:$0x0] =	wrdreg $0x60  }
0xb4: {  	[dreg:$0x2] =	wrdreg s16  }
0xb5: {  	[dreg:$0x3] =	wrdreg s24  }
0xb6: {  	[dreg:$0x4] =	wrdreg $0xA4000  }
0xb7: {  	[dreg:$0x5] =	wrdreg $0x9  }
0xb8: {  	_ =	task.clear_ibuf [dreg:s7], $0x6FFFF;
	_ =	strace $0x9000004C  }
0xb9: {  	s29 =	simm.s32 $0x9;
	_ =	strace $0x8000004E  }
0xba: {  	_ =	swait.ge [sflag:s29], $0x1  }
0xbb: {  	[sflag:s29] =	ssyncadd.s32 $0xFFFFFFFF  }
0xbc: {  	_ =	strace $0x9000004E  }
0xbd: {  	_ =	sfence  }
0xbe: {  	s30 =	sld [smem:$0x0];
	_ =	sdelay $0x2  }
0xbf: {  	s31 =	sshll.u32 s1, $0xD;
	s1 =	sshrl.u32 s1, $0x2  }
0xc0: {  	s3 =	sand.u32 $0x4000, s31;
	s1 =	sadd.s32 s1, s30  }
0xc1: {  	s0 =	sor.u32 s3, s0;
	s1 =	sshll.u32 s1, $0x11  }
0xc2: {  	s0 =	sor.u32 s1, s0  }
0xc3: {  	s0 =	sadd.s32 $0x8F2B, s0  }
0xc4: {  	[sflag:s0] =	ssyncadd.remote.s32 $0x1  }
0xc5: {  	_ =	sfence.sel $0xFFFF  }
0xc6: {  	[dreg:$0x0] =	wrdreg $0xFFFFFFFF;
	(pc) =	sbr.abs _section_cstart, $3  }
0xc7: {  	[dreg:$0x1] =	wrdreg $0xFFFFFFFF  }
0xc8: {  	_ =	task.clear_ibuf [dreg:s7], $0x2FFFF;
	_ =	strace $0x9FFFFFFF  }
0xc9: {  	(tm) =	ssettm $0x7FFFFFFF  }
tec
execute0_lowered:
.L_overlay_start_1:
0x0: {  	(tag) =	ssettag $0x1  }
0x1: {  	s1 =	rddreg [dreg:$0x0]  }
0x2: {  	s0 =	rddreg [dreg:$0x1]  }
0x3: {  	s3 =	rddreg [dreg:$0x2]  }
0x4: {  	s2 =	srdreg.scid;
	s12 =	stileid.u32  }
0x5: {  	s4 =	simm.s32 $0x0;
	s30 =	simm.s32 $0x200;
	s31 =	simm.s32 $0x80  }
0x6: {  	s28 =	simm.s32 $0x7;
	s29 =	simm.s32 $0x8;
	s8 =	smul.u32 $0x4F000, s12  }
0x7: {  	s2 =	sand.u32 $0x1, s2;
	s5 =	sshll.u32 s12, $0x1;
	s21 =	smul.u32 $0x2780, s12  }
0x8: {  	[smem:$0x7FF] =	sst s4;
	s13 =	sadd.s32 $0x3000, s0;
	s23 =	smul.u32 $0x13C00, s12  }
0x9: {  	s14 =	sadd.s32 $0xCE00, s0;
	s0 =	sadd.s32 $0x16C00, s0;
	s25 =	smul.u32 $0x4E20, s12  }
0xa: {  	p0 =	seq.s32 s12, $0xF;
	s12 =	simm.s32 $0x400;
	s5 =	sor.u32 s2, s5  }
0xb: {  	_ =	strace $0x8000004D;
	s10 =	smul.u32 $0x138800, s2;
	[dreg:$0x5] =	wrdreg s14  }
0xc: {  	s6 =	ssub.s32 $0x2, s2;
	s2 =	smul.u32 $0x2710, s2;
	[dreg:$0x4] =	wrdreg s13  }
0xd: {  	s7 =	sshrl.u32 s6, $0x1;
	s26 =	sshrl.u32 s8, $0x2;
	s8 =	sadd.s32 s1, s21  }
0xe: {  	s5 =	smul.u32 $0x2710, s5;
	s6 =	ssub.s32 s6, s7;
	[dreg:$0xf] =	wrdreg s8  }
0xf: {  	s2 =	sadd.s32 s2, s25;
	s25 =	sadd.s32 $0x128400, s3;
	s8 =	simm.s32 $0x180  }
0x10: {  	s5 =	sshrl.u32 s5, $0x3;
	s15 =	smax.u32 s6, $0x1;
	s17 =	sadd.s32 $0x1E0, s2  }
0x11: {  	[dreg:$0x1a] =	wrdreg s25;
	s6 =	simm.s32 $0xA;
	s18 =	sadd.s32 s13, s5  }
0x12: {  	s19 =	sadd.s32 $0xA, s5;
	s9 =	sadd.s32 s14, s5;
	[dreg:$0x12] =	wrdreg s15  }
0x13: {  	s22 =	sadd.s32 $0x14, s5;
	s5 =	sadd.s32 $0x1E, s5;
	[dreg:$0x6] =	wrdreg s18  }
0x14: {  	s15 =	simm.s32 $0x3;
	[dreg:$0x7] =	wrdreg s9;
	s20 =	sadd.s32 s13, s19  }
0x15: {  	s7 =	sadd.s32 s14, s19;
	s11 =	sadd.s32 s13, s22;
	[dreg:$0x8] =	wrdreg s20  }
0x16: {  	s24 =	sadd.s32 s13, s5;
	s5 =	sadd.s32 s14, s5;
	[dreg:$0x9] =	wrdreg s7  }
0x17: {  	s9 =	sadd.s32 s23, s10;
	s10 =	sshrl.u32 s10, $0x3;
	[dreg:$0xa] =	wrdreg s11  }
0x18: {  	s18 =	sadd.s32 $0x190, s2;
	s19 =	sshrl.u32 s17, $0x3;
	[dreg:$0xc] =	wrdreg s24  }
0x19: {  	s17 =	simm.s32 $0x4;
	s7 =	sadd.s32 s14, s22;
	[dreg:$0xd] =	wrdreg s5  }
0x1a: {  	s5 =	sadd.s32 s26, s3;
	s11 =	sadd.s32 $0x230, s2;
	s20 =	sshrl.u32 s18, $0x3  }
0x1b: {  	s21 =	sadd.s32 s19, s14;
	s24 =	sadd.s32 $0x140, s2;
	[dreg:$0xb] =	wrdreg s7  }
0x1c: {  	s26 =	sadd.s32 $0x25080, s1;
	s2 =	simm.s32 $0x100;
	[dreg:$0xe] =	wrdreg s5  }
0x1d: {  	s18 =	simm.s32 $0x7C00;
	s5 =	sshrl.u32 s9, $0x3;
	[dreg:$0x15] =	wrdreg s21  }
0x1e: {  	s16 =	sshrl.u32 s11, $0x3;
	s22 =	sadd.s32 s20, s14;
	[dreg:$0x19] =	wrdreg s24  }
0x1f: {  	s23 =	sadd.s32 s20, s13;
	[dreg:$0x1b] =	wrdreg s26;
	s7 =	simm.s32 $0x300  }
0x20: {  	s9 =	simm.s32 $0x380;
	s11 =	simm.s32 $0x50;
	s26 =	simm.s32 $0x6  }
0x21: {  	s20 =	simm.s32 $0xB;
	s21 =	simm.s32 $0xC;
	[dreg:$0x17] =	wrdreg s22  }
0x22: {  	s5 =	sadd.s32 s0, s5;
	s0 =	sadd.s32 s0, s10;
	[dreg:$0x18] =	wrdreg s23  }
0x23: {  	s24 =	simm.s32 $0x0;
	[dreg:$0x10] =	wrdreg s5;
	s0 =	sadd.s32 $0x25080, s0  }
.Ltmp0:
0x24: {  	s5 =	sadd.s32 s16, s14;
	[dreg:$0x11] =	wrdreg s0;
	(pc) =	sbr.rel .LBB2_1-.Ltmp0, $4  }
0x25: {  	s10 =	simm.s32 $0x1;
	s14 =	simm.s32 $0x2C00;
	[dreg:$0x13] =	wrdreg s5  }
0x26: {  	s0 =	sadd.s32 s16, s13;
	s16 =	simm.s32 $0x5400;
	s5 =	simm.s32 $0x9  }
0x27: {  	[dreg:$0x14] =	wrdreg s0;
	s0 =	sadd.s32 s19, s13;
	s13 =	simm.s32 $0x2  }
0x28: {  	s19 =	simm.s32 $0x5;
	[dreg:$0x16] =	wrdreg s0;
	s0 =	simm.s32 $0x280  }
.LBB2_4:
0x29: {  	_ =	swait.ge [sflag:s20], $0x2800  }
0x2a: {  	[sflag:s20] =	ssyncset.done $0x0  }
0x2b: {  	[sflag:s20] =	ssyncadd.s32 $0xFFFFD800  }
0x2c: {  	_ =	swait.ge [sflag:s21], $0x2800  }
0x2d: {  	[sflag:s21] =	ssyncset.done $0x0  }
0x2e: {  	[sflag:s21] =	ssyncadd.s32 $0xFFFFD800  }
0x2f: {  	_ =	swait.ge [sflag:s10], $0x50  }
0x30: {  	[sflag:s10] =	ssyncset.done $0x0  }
0x31: {  	[sflag:s10] =	ssyncadd.s32 $0xFFFFFFB0  }
0x32: {  	_ =	swait.ge [sflag:s10], $0x50  }
0x33: {  	[sflag:s10] =	ssyncset.done $0x0  }
0x34: {  	[sflag:s10] =	ssyncadd.s32 $0xFFFFFFB0  }
0x35: {  	[tilespmem:s12], [sflag:$0x5] =	stream.indirect.gather [hbm4b:s1+s11], $0x80, s4, s11, $0xb8;
	[tilespmem:$0x1DC80] =	vst v63  }
0x36: {  	_ =	swait.ge [sflag:s19], $0x2800  }
0x37: {  	[sflag:s19] =	ssyncset.done $0x0  }
0x38: {  	[sflag:s19] =	ssyncadd.s32 $0xFFFFD800  }
0x39: {  	[spmem:s3] =	stream.indirect.scatter.add.f32 [tilespmem:s12], [sflag:$0x9], $0x80, s30, s11, $0xb8;
	[tilespmem:$0x1DC80] =	vst v63  }
0x3a: {  	_ =	swait.ge [sflag:s5], $0x2800  }
0x3b: {  	[sflag:s5] =	ssyncset.done $0x0  }
0x3c: {  	[sflag:s5] =	ssyncadd.s32 $0xFFFFD800  }
0x3d: {  	[bflag:$0x0] =	sbarrier.arrive $0xFFFF  }
0x3e: {  	s23 =	rddreg [dreg:$0x11]  }
0x3f: {  	s22 =	simm.s32 @p0 $0x1FCD;
	s24 =	rddreg [dreg:$0x1d]  }
0x40: {  	[hbm:s23], [sflag:s22] =	dma.local @p0 [spmem:s24], $0x2080  }
0x41: {  	s22 =	simm.s32 @p0 $0xD  }
0x42: {  	_ =	swait.ge @p0 [sflag:s22], $0x2080  }
0x43: {  	s23 =	rddreg [dreg:$0x1e]  }
0x44: {  	[sflag:s22] =	ssyncset.done @p0 $0x0;
	s24 =	rddreg [dreg:$0x1f]  }
0x45: {  	[sflag:s22] =	ssyncadd.s32 @p0 $0xFFFFDF80;
	s22 =	rddreg [dreg:$0x10]  }
0x46: {  	[hbm:s22], [sflag:s23] =	dma.local @!p0 [spmem:s24], $0x2780  }
0x47: {  	s22 =	simm.s32 @!p0 $0xD  }
0x48: {  	_ =	swait.ge @!p0 [sflag:s22], $0x2780  }
0x49: {  	s23 =	rddreg [dreg:$0x1c]  }
0x4a: {  	s25 =	rddreg [dreg:$0x12];
	s24 =	sadd.s32 $0x1, s23  }
0x4b: {  	p1 =	sne.s32 s24, s25  }
.Ltmp1:
0x4c: {  	_ = 	snop;
	(pc) =	sbr.rel @!p1 .LBB2_5-.Ltmp1, $3  }
0x4d: {  	_ =	sdelay $0x1  }
0x4e: {  	[sflag:s22] =	ssyncset.done @!p0 $0x0  }
0x4f: {  	[sflag:s22] =	ssyncadd.s32 @!p0 $0xFFFFD880  }
.LBB2_1:
0x50: {  	[dreg:$0x1c] =	wrdreg s24  }
0x51: {  	s22 =	rddreg [dreg:$0x6]  }
0x52: {  	s25 =	rddreg [dreg:$0x7]  }
0x53: {  	s23 =	rddreg [dreg:$0x8]  }
0x54: {  	[tilespmem:s4], [sflag:$0x1] =	stream.linear.gather [hbm4b:s22+s4], $0x50, $0x38;
	[tilespmem:$0x1DC80] =	vst v63  }
0x55: {  	s24 =	rddreg [dreg:$0x9]  }
0x56: {  	[tilespmem:s30], [sflag:$0x1] =	stream.linear.gather [hbm4b:s25+s4], $0x50, $0x38;
	[tilespmem:$0x1DC80] =	vst v63  }
0x57: {  	s22 =	rddreg [dreg:$0x1a]  }
0x58: {  	[tilespmem:s31], [sflag:$0x2] =	stream.linear.gather [hbm4b:s23+s4], $0x50, $0x38;
	[tilespmem:$0x1DC80] =	vst v63  }
0x59: {  	s25 =	rddreg [dreg:$0xa]  }
0x5a: {  	[tilespmem:s0], [sflag:$0x2] =	stream.linear.gather [hbm4b:s24+s4], $0x50, $0x38;
	[tilespmem:$0x1DC80] =	vst v63  }
0x5b: {  	s23 =	rddreg [dreg:$0xb]  }
0x5c: {  	[tilespmem:s2], [sflag:$0x3] =	stream.linear.gather [hbm4b:s25+s4], $0x50, $0x38;
	[tilespmem:$0x1DC80] =	vst v63  }
0x5d: {  	s24 =	rddreg [dreg:$0xc]  }
0x5e: {  	[tilespmem:s7], [sflag:$0x3] =	stream.linear.gather [hbm4b:s23+s4], $0x50, $0x38;
	[tilespmem:$0x1DC80] =	vst v63  }
0x5f: {  	s25 =	rddreg [dreg:$0xd]  }
0x60: {  	[tilespmem:s8], [sflag:$0x4] =	stream.linear.gather [hbm4b:s24+s4], $0x50, $0x38;
	[tilespmem:$0x1DC80] =	vst v63  }
0x61: {  	s23 =	rddreg [dreg:$0x1b];
	s24 =	sshrl.u32 @p0 s22, $0x3  }
0x62: {  	s22 =	simm.s32 @p0 $0x1FCD;
	[dreg:$0x1d] =	wrdreg s24  }
0x63: {  	[tilespmem:s9], [sflag:$0x4] =	stream.linear.gather [hbm4b:s25+s4], $0x50, $0x38;
	[tilespmem:$0x1DC80] =	vst v63  }
0x64: {  	[spmem:s24], [sflag:s22] =	dma.local @p0 [hbm:s23], $0x2080  }
0x65: {  	s22 =	simm.s32 @p0 $0xD  }
0x66: {  	s23 =	stileid.u32;
	_ =	swait.ge @p0 [sflag:s22], $0x2080  }
0x67: {  	s23 =	sshll.u32 @!p0 s23, $0x6;
	[sflag:s22] =	ssyncset.done @p0 $0x0  }
0x68: {  	s23 =	sor.u32 @!p0 $0x1C0D, s23;
	[sflag:s22] =	ssyncadd.s32 @p0 $0xFFFFDF80;
	s22 =	rddreg [dreg:$0xe]  }
0x69: {  	[dreg:$0x1e] =	wrdreg s23  }
0x6a: {  	s24 =	sshrl.u32 @!p0 s22, $0x3;
	s22 =	rddreg [dreg:$0xf]  }
0x6b: {  	[dreg:$0x1f] =	wrdreg s24  }
0x6c: {  	[spmem:s24], [sflag:s23] =	dma.local @!p0 [hbm:s22], $0x2780  }
0x6d: {  	s22 =	simm.s32 @!p0 $0xD  }
0x6e: {  	_ =	swait.ge @!p0 [sflag:s22], $0x2780  }
0x6f: {  	[sflag:s22] =	ssyncset.done @!p0 $0x0  }
0x70: {  	[sflag:s22] =	ssyncadd.s32 @!p0 $0xFFFFD880  }
0x71: {  	[bflag:$0x0] =	sbarrier.arrive $0xFFFF  }
0x72: {  	s23 =	simm.s32 $0x0;
	s22 =	rddreg [dreg:$0x19]  }
.LBB2_2:
0x73: {  	_ =	swait.ge [sflag:s10], $0x50  }
0x74: {  	[sflag:s10] =	ssyncset.done $0x0  }
0x75: {  	[sflag:s10] =	ssyncadd.s32 $0xFFFFFFB0  }
0x76: {  	_ =	swait.ge [sflag:s10], $0x50  }
0x77: {  	[sflag:s10] =	ssyncset.done $0x0  }
0x78: {  	[sflag:s10] =	ssyncadd.s32 $0xFFFFFFB0  }
0x79: {  	[tilespmem:s12], [sflag:$0x5] =	stream.indirect.gather [hbm4b:s1+s11], $0x80, s4, s11, $0xb8;
	[tilespmem:$0x1DC80] =	vst v63  }
0x7a: {  	_ =	swait.ge [sflag:s13], $0x50  }
0x7b: {  	[sflag:s13] =	ssyncset.done $0x0  }
0x7c: {  	[sflag:s13] =	ssyncadd.s32 $0xFFFFFFB0  }
0x7d: {  	_ =	swait.ge [sflag:s13], $0x50  }
0x7e: {  	[sflag:s13] =	ssyncset.done $0x0  }
0x7f: {  	[sflag:s13] =	ssyncadd.s32 $0xFFFFFFB0  }
0x80: {  	[tilespmem:s14], [sflag:$0x6] =	stream.indirect.gather [hbm4b:s1+s11], $0x80, s31, s11, $0xb8;
	[tilespmem:$0x1DC80] =	vst v63  }
0x81: {  	_ =	swait.ge [sflag:s15], $0x50  }
0x82: {  	[sflag:s15] =	ssyncset.done $0x0  }
0x83: {  	[sflag:s15] =	ssyncadd.s32 $0xFFFFFFB0  }
0x84: {  	_ =	swait.ge [sflag:s15], $0x50  }
0x85: {  	[sflag:s15] =	ssyncset.done $0x0  }
0x86: {  	[sflag:s15] =	ssyncadd.s32 $0xFFFFFFB0  }
0x87: {  	[tilespmem:s16], [sflag:$0x7] =	stream.indirect.gather [hbm4b:s1+s11], $0x80, s2, s11, $0xb8;
	[tilespmem:$0x1DC80] =	vst v63  }
0x88: {  	_ =	swait.ge [sflag:s17], $0x50  }
0x89: {  	[sflag:s17] =	ssyncset.done $0x0  }
0x8a: {  	[sflag:s17] =	ssyncadd.s32 $0xFFFFFFB0  }
0x8b: {  	_ =	swait.ge [sflag:s17], $0x50  }
0x8c: {  	[sflag:s17] =	ssyncset.done $0x0  }
0x8d: {  	[sflag:s17] =	ssyncadd.s32 $0xFFFFFFB0  }
0x8e: {  	[tilespmem:s18], [sflag:$0x8] =	stream.indirect.gather [hbm4b:s1+s11], $0x80, s8, s11, $0xb8;
	[tilespmem:$0x1DC80] =	vst v63  }
0x8f: {  	_ =	swait.ge [sflag:s19], $0x2800  }
0x90: {  	[sflag:s19] =	ssyncset.done $0x0  }
0x91: {  	[sflag:s19] =	ssyncadd.s32 $0xFFFFD800  }
0x92: {  	[spmem:s3] =	stream.indirect.scatter.add.f32 [tilespmem:s12], [sflag:$0x9], $0x80, s30, s11, $0xb8;
	[tilespmem:$0x1DC80] =	vst v63  }
0x93: {  	_ =	swait.ge [sflag:s26], $0x2800  }
0x94: {  	[sflag:s26] =	ssyncset.done $0x0  }
0x95: {  	[sflag:s26] =	ssyncadd.s32 $0xFFFFD800  }
0x96: {  	[spmem:s3] =	stream.indirect.scatter.add.f32 [tilespmem:s14], [sflag:$0xA], $0x80, s0, s11, $0xb8;
	[tilespmem:$0x1DC80] =	vst v63  }
0x97: {  	_ =	swait.ge [sflag:s28], $0x2800  }
0x98: {  	[sflag:s28] =	ssyncset.done $0x0  }
0x99: {  	[sflag:s28] =	ssyncadd.s32 $0xFFFFD800  }
0x9a: {  	[spmem:s3] =	stream.indirect.scatter.add.f32 [tilespmem:s16], [sflag:$0xB], $0x80, s7, s11, $0xb8;
	[tilespmem:$0x1DC80] =	vst v63  }
0x9b: {  	_ =	swait.ge [sflag:s29], $0x2800  }
0x9c: {  	[sflag:s29] =	ssyncset.done $0x0  }
0x9d: {  	[sflag:s29] =	ssyncadd.s32 $0xFFFFD800  }
0x9e: {  	[spmem:s3] =	stream.indirect.scatter.add.f32 [tilespmem:s18], [sflag:$0xC], $0x80, s9, s11, $0xb8;
	[tilespmem:$0x1DC80] =	vst v63  }
0x9f: {  	_ =	swait.ge [sflag:s5], $0x2800  }
0xa0: {  	s24 =	sshrl.u32 s22, $0x3;
	[sflag:s5] =	ssyncset.done $0x0;
	s25 =	rddreg [dreg:$0x4]  }
0xa1: {  	[sflag:s5] =	ssyncadd.s32 $0xFFFFD800;
	s25 =	sadd.s32 s25, s24  }
0xa2: {  	[tilespmem:s4], [sflag:$0x1] =	stream.linear.gather [hbm4b:s25+s4], $0x50, $0x38;
	[tilespmem:$0x1DC80] =	vst v63  }
0xa3: {  	p1 =	seq.s32 s23, $0x4B0;
	s25 =	rddreg [dreg:$0x5]  }
.Ltmp2:
0xa4: {  	s24 =	sadd.s32 s25, s24;
	(pc) =	sbr.rel @p1 .LBB2_4-.Ltmp2, $4  }
0xa5: {  	[tilespmem:s30], [sflag:$0x1] =	stream.linear.gather [hbm4b:s24+s4], $0x50, $0x38;
	[tilespmem:$0x1DC80] =	vst v63  }
0xa6: {  	_ =	swait.ge [sflag:s6], $0x2800  }
0xa7: {  	[sflag:s6] =	ssyncset.done $0x0  }
0xa8: {  	[sflag:s6] =	ssyncadd.s32 $0xFFFFD800  }
0xa9: {  	s24 =	rddreg [dreg:$0x18]  }
0xaa: {  	s25 =	rddreg [dreg:$0x17];
	s24 =	sadd.s32 s23, s24  }
0xab: {  	[tilespmem:s31], [sflag:$0x2] =	stream.linear.gather [hbm4b:s24+s4], $0x50, $0x38;
	[tilespmem:$0x1DC80] =	vst v63  }
0xac: {  	s24 =	sadd.s32 s23, s25  }
0xad: {  	[tilespmem:s0], [sflag:$0x2] =	stream.linear.gather [hbm4b:s24+s4], $0x50, $0x38;
	[tilespmem:$0x1DC80] =	vst v63  }
0xae: {  	_ =	swait.ge [sflag:s20], $0x2800  }
0xaf: {  	[sflag:s20] =	ssyncset.done $0x0;
	s25 =	rddreg [dreg:$0x16]  }
0xb0: {  	[sflag:s20] =	ssyncadd.s32 $0xFFFFD800;
	s24 =	sadd.s32 s23, s25;
	s25 =	rddreg [dreg:$0x15]  }
0xb1: {  	[tilespmem:s2], [sflag:$0x3] =	stream.linear.gather [hbm4b:s24+s4], $0x50, $0x38;
	[tilespmem:$0x1DC80] =	vst v63  }
0xb2: {  	s24 =	sadd.s32 s23, s25  }
0xb3: {  	[tilespmem:s7], [sflag:$0x3] =	stream.linear.gather [hbm4b:s24+s4], $0x50, $0x38;
	[tilespmem:$0x1DC80] =	vst v63  }
0xb4: {  	_ =	swait.ge [sflag:s21], $0x2800  }
.Ltmp3:
0xb5: {  	[sflag:s21] =	ssyncset.done $0x0;
	s25 =	rddreg [dreg:$0x14];
	(pc) =	sbr.rel .LBB2_2-.Ltmp3, $4  }
0xb6: {  	[sflag:s21] =	ssyncadd.s32 $0xFFFFD800;
	s24 =	sadd.s32 s23, s25;
	s25 =	rddreg [dreg:$0x13]  }
0xb7: {  	[tilespmem:s8], [sflag:$0x4] =	stream.linear.gather [hbm4b:s24+s4], $0x50, $0x38;
	[tilespmem:$0x1DC80] =	vst v63  }
0xb8: {  	s22 =	sadd.s32 $0x140, s22;
	s24 =	sadd.s32 s23, s25;
	s23 =	sadd.s32 $0x28, s23  }
0xb9: {  	[tilespmem:s9], [sflag:$0x4] =	stream.linear.gather [hbm4b:s24+s4], $0x50, $0x38;
	[tilespmem:$0x1DC80] =	vst v63  }
.LBB2_5:
0xba: {  	_ =	sfence.sel $0x180000  }
0xbb: {  	[bflag:$0x0] =	sbarrier.arrive $0xFFFF  }
0xbc: {  	_ =	strace $0x9000004D  }
0xbd: {  	s0 =	stileid.u32;
	[bflag:$0x2] =	sbarrier.arrive $0xFFFF  }
0xbe: {  	p0 =	sne.s32 s0, $0x0;
	s0 =	rddreg [dreg:$0x3]  }
0xbf: {  	s0 =	sadd.s32 @!p0 $0x100000, s0  }
0xc0: {  	[sflag:s0] =	ssyncadd.tile.s32 @!p0 $0x1;
	_ =	shalt  }
.Lfunc_end2:
_tile_overlayer_lowered:
.L_overlay_start_2:
0xc1: {  	(tag) =	ssettag $0x2  }
0xc2: {  	s0 =	rddreg [dreg:$0x0];
	s2 =	stileid.u32  }
0xc3: {  	s1 =	rddreg [dreg:$0x1];
	p0 =	sne.s32 s2, $0x0  }
0xc4: {  	s3 =	rddreg [dreg:$0x2];
	[bflag:$0x3] =	sbarrier.arrive $0xFFFF;
	s2 =	simm.s32 @!p0 $0x1C0D  }
0xc5: {  	[timem:s3], [sflag:s2] =	dma.local @!p0 [hbm:s0], s1  }
0xc6: {  	s0 =	simm.s32 @!p0 $0xD  }
0xc7: {  	_ =	swait.ge @!p0 [sflag:s0], s1  }
0xc8: {  	s1 =	ssub.s32 @!p0 $0x0, s1;
	[sflag:s0] =	ssyncset.done @!p0 $0x0  }
0xc9: {  	[sflag:s0] =	ssyncadd.s32 @!p0 s1  }
0xca: {  	[bflag:$0x3] =	sbarrier.arrive $0xFFFF  }
0xcb: {  	_ =	shalt  }

// kernel: kernel.8.cloned.1.call-start
scs
__scs_entry_jumppad:
0x0: {  	(pc) =	sbr.rel $0x88, $3  }
0x1: {  	(tag) =	ssettag $0x0;
	lr =	simm.s32 $0x1  }
0x2: {  	[smem:$0x3F97] =	sst lr;
	_ =	strace $0xD0000000  }
0x3: {  	_ = 	snop  }
0x4: {  	_ = 	snop  }
0x5: {  	_ = 	snop  }
0x6: {  	_ = 	snop  }
0x7: {  	_ = 	snop  }
__scs_overlays_trampoline_lowered:
0x8: {  	[smem:$0x3FA6] =	sst s0  }
0x9: {  	[smem:$0x3FA7] =	sst s1  }
0xa: {  	[smem:$0x3FA8] =	sst s2  }
0xb: {  	[smem:$0x3FA9] =	sst s3  }
0xc: {  	[smem:$0x3FAA] =	sst s4  }
0xd: {  	[smem:$0x3FAB] =	sst s5  }
0xe: {  	[smem:$0x3FAC] =	sst s6  }
0xf: {  	[smem:$0x3FAD] =	sst s7  }
0x10: {  	[smem:$0x3FAE] =	sst s8  }
0x11: {  	[smem:$0x3FAF] =	sst s9;
	s0 =	simm.s32 @!p0 $0x0  }
0x12: {  	s1 =	sld [smem:$0x3F95];
	s0 =	simm.s32 @p0 $0x1  }
0x13: {  	[smem:$0x3FB0] =	sst s0;
	s0 =	simm.s32 @!p1 $0x0  }
0x14: {  	s2 =	sld [smem:$0x3F94];
	s0 =	simm.s32 @p1 $0x1  }
0x15: {  	[smem:$0x3FB1] =	sst s0;
	s0 =	simm.s32 @!p2 $0x0  }
0x16: {  	s3 =	sld [smem:$0x3FDB];
	s0 =	simm.s32 @p2 $0x1  }
0x17: {  	s4 =	simm.s32 $0x1BF5;
	[smem:$0x3FB3] =	sst s0  }
0x18: {  	s0 =	sld [smem:$0x3F96];
	_ =	swait.ge [sflag:s4], $0x0  }
0x19: {  	s7 =	sld [smem:$0x3F97]  }
0x1a: {  	s8 =	sadd.s32 $0xFFFFE003, lr  }
0x1b: {  	s9 =	sadd.s32 $0xFFFFFEF7, lr;
	s5 =	simm.s32 $0xFFFFFFFF;
	p2 =	slt.u32 s8, $0xFFFFF086  }
0x1c: {  	p1 =	slt.u32 s9, $0xF7A;
	s5 =	simm.s32 @!p2 $0x0  }
0x1d: {  	s5 =	simm.s32 @p1 $0x1;
	p0 =	seq.s32 s7, s2  }
0x1e: {  	s7 =	smul.u32 @!p0 $0xF7A, s2;
	p2 =	seq.s32 @!p0 s5, $0x0  }
0x1f: {  	s9 =	smul.u32 $0xF7A, s1;
	s8 =	simm.s32 @!p0 $0x1BF5;
	p2 =	por !p2, p0  }
0x20: {  	[sflag:s8] =	ssyncset.s32 @!p0 $0xFFFFF086;
	s6 =	sadd.s32 @!p0 s3, s7;
	s7 =	simm.s32 @!p0 $0x108  }
0x21: {  	s3 =	sadd.s32 s3, s9;
	s6 =	sadd.s32 @!p0 $0x88, s6;
	s7 =	simm.s32 @p2 $0x1082  }
0x22: {  	[simem:s7], [sflag:s8] =	dma.local @!p0 [hbm:s6], $0xF7A  }
0x23: {  	s9 =	sor.u32 $0xD0000000, s2;
	s6 =	simm.s32 $0x108;
	_ =	swait.ge @!p0 [sflag:s8], $0x0  }
0x24: {  	s3 =	sadd.s32 $0x88, s3;
	s6 =	simm.s32 @!p1 $0x1082;
	[sflag:s4] =	ssyncset.s32 $0xFFFFF086  }
0x25: {  	[simem:s6], [sflag:s4] =	dma.local [hbm:s3], $0xF7A  }
0x26: {  	[smem:$0x3F97] =	sst s1;
	(tag) =	ssettag s2;
	_ =	strace s9  }
0x27: {  	s1 =	sld [smem:$0x3FA7]  }
0x28: {  	s2 =	sld [smem:$0x3FA8]  }
0x29: {  	s4 =	sld [smem:$0x3FAA]  }
0x2a: {  	p0 =	seq.s32 s5, $0x0;
	s5 =	sld [smem:$0x3FAB]  }
0x2b: {  	s6 =	sld [smem:$0x3FAC]  }
0x2c: {  	s7 =	sld [smem:$0x3FAD]  }
0x2d: {  	s3 =	simm.s32 $0x108;
	s8 =	sld [smem:$0x3FAE]  }
0x2e: {  	s3 =	simm.s32 @!p0 $0x1082;
	s9 =	sld [smem:$0x3FAF]  }
0x2f: {  	lr =	sadd.s32 s0, s3;
	s0 =	sld [smem:$0x3FA6]  }
0x30: {  	s3 =	sld [smem:$0x3FA9]  }
0x31: {  	[smem:$0x3FB2] =	sst s10  }
0x32: {  	s10 =	sld [smem:$0x3FB0];
	_ =	sdelay $0x3  }
0x33: {  	p0 =	seq.s32 s10, $0x1;
	s10 =	sld [smem:$0x3FB2];
	_ =	sdelay $0x3  }
0x34: {  	[smem:$0x3FB2] =	sst s10  }
0x35: {  	s10 =	sld [smem:$0x3FB1];
	_ =	sdelay $0x3  }
0x36: {  	p1 =	seq.s32 s10, $0x1;
	s10 =	sld [smem:$0x3FB2];
	_ =	sdelay $0x3  }
0x37: {  	[smem:$0x3FB2] =	sst s10  }
0x38: {  	s10 =	sld [smem:$0x3FB3]  }
0x39: {  	_ = 	snop;
	(pc) =	sbr.ind lr, $3  }
0x3a: {  	_ = 	snop  }
0x3b: {  	_ = 	snop  }
0x3c: {  	p2 =	seq.s32 s10, $0x1;
	s10 =	sld [smem:$0x3FB2]  }
0x3d: {  	_ =	shalt  }
0x3e: {  	_ =	shalt  }
0x3f: {  	_ =	shalt  }
0x40: {  	_ =	shalt  }
0x41: {  	_ =	shalt  }
0x42: {  	_ =	shalt  }
0x43: {  	_ =	shalt  }
0x44: {  	_ =	shalt  }
0x45: {  	_ =	shalt  }
0x46: {  	_ =	shalt  }
0x47: {  	_ =	shalt  }
0x48: {  	_ =	shalt  }
0x49: {  	_ =	shalt  }
0x4a: {  	_ =	shalt  }
0x4b: {  	_ =	shalt  }
0x4c: {  	_ =	shalt  }
0x4d: {  	_ =	shalt  }
0x4e: {  	_ =	shalt  }
0x4f: {  	_ =	shalt  }
0x50: {  	_ =	shalt  }
0x51: {  	_ =	shalt  }
0x52: {  	_ =	shalt  }
0x53: {  	_ =	shalt  }
0x54: {  	_ =	shalt  }
0x55: {  	_ =	shalt  }
0x56: {  	_ =	shalt  }
0x57: {  	_ =	shalt  }
0x58: {  	_ =	shalt  }
0x59: {  	_ =	shalt  }
0x5a: {  	_ =	shalt  }
0x5b: {  	_ =	shalt  }
0x5c: {  	_ =	shalt  }
0x5d: {  	_ =	shalt  }
0x5e: {  	_ =	shalt  }
0x5f: {  	_ =	shalt  }
0x60: {  	_ =	shalt  }
0x61: {  	_ =	shalt  }
0x62: {  	_ =	shalt  }
0x63: {  	_ =	shalt  }
0x64: {  	_ =	shalt  }
0x65: {  	_ =	shalt  }
0x66: {  	_ =	shalt  }
0x67: {  	_ =	shalt  }
0x68: {  	_ =	shalt  }
0x69: {  	_ =	shalt  }
0x6a: {  	_ =	shalt  }
0x6b: {  	_ =	shalt  }
0x6c: {  	_ =	shalt  }
0x6d: {  	_ =	shalt  }
0x6e: {  	_ =	shalt  }
0x6f: {  	_ =	shalt  }
0x70: {  	_ =	shalt  }
0x71: {  	_ =	shalt  }
0x72: {  	_ =	shalt  }
0x73: {  	_ =	shalt  }
0x74: {  	_ =	shalt  }
0x75: {  	_ =	shalt  }
0x76: {  	_ =	shalt  }
0x77: {  	_ =	shalt  }
0x78: {  	_ =	shalt  }
0x79: {  	_ =	shalt  }
0x7a: {  	_ =	shalt  }
0x7b: {  	_ =	shalt  }
0x7c: {  	_ =	shalt  }
0x7d: {  	_ =	shalt  }
0x7e: {  	_ =	shalt  }
0x7f: {  	_ =	shalt  }
0x80: {  	_ =	shalt  }
0x81: {  	_ =	shalt  }
0x82: {  	_ =	shalt  }
0x83: {  	_ =	shalt  }
0x84: {  	_ =	shalt  }
0x85: {  	_ =	shalt  }
0x86: {  	_ =	shalt  }
0x87: {  	_ =	shalt  }
.Lfunc_end0:
.L_simem_size_0:
called_computation_lowered:
.L_overlay_start_0:
0x88: {  	s2 =	sld [smem:$0x3FD9]  }
0x89: {  	s3 =	sld [smem:$0x3FFE];
	_ =	sdelay $0x1  }
0x8a: {  	s1 =	srdreg.scid  }
0x8b: {  	s0 =	sand.u32 $0x1, s1  }
0x8c: {  	s14 =	sshll.u32 s0, $0xA;
	s2 =	sadd.s32 s3, s2  }
0x8d: {  	s2 =	sadd.s32 s2, s14  }
0x8e: {  	[smem:$0x3FBE] =	sst s2  }
0x8f: {  	_ = 	snop  }
0x90: {  	s2 =	sld [smem:$0x3FD0];
	_ =	sdelay $0x2  }
0x91: {  	s4 =	simm.s32 $0xA;
	s5 =	simm.s32 $0x10;
	s15 =	sld [smem:$0x3FC8]  }
0x92: {  	[smem:s5], [sflag:s4] =	dma.local [hbm:s2], $0x1  }
0x93: {  	_ =	swait.eq [sflag:s4], $0x1  }
0x94: {  	[sflag:s4] =	ssyncset.done $0x0  }
0x95: {  	[sflag:s4] =	ssyncadd.s32 $0xFFFFFFFF  }
0x96: {  	s16 =	sld [smem:$0x11];
	(tm) =	ssettm $0x1  }
0x97: {  	s17 =	sld [smem:$0x3FFB];
	_ =	sdelay $0x3  }
0x98: {  	_ =	strace s17  }
0x99: {  	s4 =	sld [smem:$0x3FFC];
	_ =	sdelay $0x3  }
0x9a: {  	_ =	strace s4  }
0x9b: {  	s4 =	sld [smem:$0x3FFD];
	_ =	sdelay $0x3  }
0x9c: {  	_ =	strace s4  }
0x9d: {  	_ =	strace $0x8FFFFFFF  }
0x9e: {  	s18 =	sld [smem:$0x3FDB];
	_ =	sdelay $0x1  }
0x9f: {  	s19 =	simm.s32 $_scs_section_size  }
0xa0: {  	s6 =	simm.s32 $_size__tile_overlayer_lowered;
	s7 =	simm.s32 $_tile_overlayer_lowered  }
0xa1: {  	s22 =	simm.s32 $0x1BFF;
	s21 =	sshll.u32 s7, $0x1;
	s4 =	sadd.s32 s19, s18  }
0xa2: {  	s8 =	simm.s32 $0x0;
	s20 =	sshll.u32 s6, $0x1;
	s6 =	sadd.s32 s21, s4  }
0xa3: {  	[timem:s8], [sflag:s22] =	dma.local [hbm:s6], s20  }
0xa4: {  	_ =	swait.ge [sflag:s22], s20  }
0xa5: {  	s5 =	ssub.s32 $0x0, s20;
	[sflag:s22] =	ssyncset.done $0x0  }
0xa6: {  	[sflag:s22] =	ssyncadd.s32 s5;
	_ =	sdelay $0x1  }
0xa7: {  	s23 =	simm.s32 $0x1B8B  }
0xa8: {  	_ =	swait.ge [sflag:s23], $0x1  }
0xa9: {  	[sflag:s23] =	ssyncset.done $0x0  }
0xaa: {  	s25 =	simm.s32 $0x1B8E;
	s24 =	sld [smem:$0x3FFE];
	[sflag:s23] =	ssyncadd.s32 $0xFFFFFFFF  }
0xab: {  	s26 =	simm.s32 $execute0_lowered;
	[smem:$0x3FD2] =	sst s25  }
0xac: {  	s6 =	sshll.u32 s26, $0x1;
	_ =	strace $0x80000046;
	[dreg:$0x1] =	wrdreg $0xFFFFFFFF  }
0xad: {  	s28 =	simm.s32 $_size_execute0_lowered;
	s4 =	sadd.s32 s4, s6;
	[dreg:$0x0] =	wrdreg $0x0  }
0xae: {  	s6 =	sshll.u32 s28, $0x1;
	[dreg:$0x2] =	wrdreg s4  }
0xaf: {  	[dreg:$0x3] =	wrdreg s6  }
0xb0: {  	[dreg:$0x4] =	wrdreg $0xC0  }
0xb1: {  	_ =	task [dreg:s8], $0x5FFFF  }
0xb2: {  	[dreg:$0x1] =	wrdreg $0xFFFFFFFF  }
0xb3: {  	[dreg:$0x0] =	wrdreg $0x60  }
0xb4: {  	[dreg:$0x2] =	wrdreg s15  }
0xb5: {  	[dreg:$0x3] =	wrdreg s16  }
0xb6: {  	[dreg:$0x4] =	wrdreg s24  }
0xb7: {  	[dreg:$0x5] =	wrdreg $0x14800  }
0xb8: {  	[dreg:$0x6] =	wrdreg $0x9  }
0xb9: {  	_ =	task.clear_ibuf [dreg:s8], $0x7FFFF;
	_ =	strace $0x90000046  }
0xba: {  	s29 =	simm.s32 $0x9;
	_ =	strace $0x80000048  }
0xbb: {  	_ =	swait.ge [sflag:s29], $0x1  }
0xbc: {  	[sflag:s29] =	ssyncadd.s32 $0xFFFFFFFF  }
0xbd: {  	_ =	strace $0x90000048  }
0xbe: {  	_ =	sfence  }
0xbf: {  	s30 =	sld [smem:$0x0];
	_ =	sdelay $0x2  }
0xc0: {  	s31 =	sshll.u32 s1, $0xD;
	s1 =	sshrl.u32 s1, $0x2  }
0xc1: {  	s3 =	sand.u32 $0x4000, s31;
	s1 =	sadd.s32 s1, s30  }
0xc2: {  	s0 =	sor.u32 s3, s0;
	s1 =	sshll.u32 s1, $0x11  }
0xc3: {  	s0 =	sor.u32 s1, s0  }
0xc4: {  	s0 =	sadd.s32 $0x8F2B, s0  }
0xc5: {  	[sflag:s0] =	ssyncadd.remote.s32 $0x1  }
0xc6: {  	_ =	sfence.sel $0xFFFF  }
0xc7: {  	[dreg:$0x0] =	wrdreg $0xFFFFFFFF;
	(pc) =	sbr.abs _section_cstart, $3  }
0xc8: {  	[dreg:$0x1] =	wrdreg $0xFFFFFFFF  }
0xc9: {  	_ =	task.clear_ibuf [dreg:s8], $0x2FFFF;
	_ =	strace $0x9FFFFFFF  }
0xca: {  	(tm) =	ssettm $0x7FFFFFFF  }
0xcb: {  	_ =	shalt  }
tec
execute0_lowered:
.L_overlay_start_1:
0x0: {  	(tag) =	ssettag $0x1  }
0x1: {  	s0 =	rddreg [dreg:$0x0]  }
0x2: {  	s1 =	rddreg [dreg:$0x1]  }
0x3: {  	s4 =	rddreg [dreg:$0x2]  }
0x4: {  	s2 =	rddreg [dreg:$0x3]  }
0x5: {  	s5 =	srdreg.scid;
	s14 =	stileid.u32  }
0x6: {  	s3 =	simm.s32 $0x0;
	s29 =	simm.s32 $0xB;
	s31 =	simm.s32 $0x8  }
0x7: {  	s28 =	simm.s32 $0xC00;
	s5 =	sand.u32 $0x1, s5;
	s12 =	smul.u32 $0xA00, s14  }
0x8: {  	s6 =	sshll.u32 s14, $0x1;
	[smem:$0x7FF] =	sst s3;
	s23 =	smul.u32 $0x500, s14  }
0x9: {  	s7 =	sadd.s32 $0x3000, s4;
	s25 =	smul.u32 $0x26, s14;
	s6 =	sor.u32 s5, s6  }
0xa: {  	s9 =	ssub.s32 $0x2, s5;
	s26 =	sshll.u32 s5, $0x7;
	s5 =	smul.u32 $0x13, s5  }
0xb: {  	s4 =	sadd.s32 $0xCE00, s4;
	_ =	strace $0x80000047;
	s8 =	smul.u32 $0x13, s6  }
0xc: {  	s10 =	smin.u32 s6, $0x11;
	s11 =	sshrl.u32 s9, $0x1;
	s12 =	sshrl.u32 s12, $0x2  }
0xd: {  	p0 =	sgt.u32 s6, $0x10;
	s6 =	simm.s32 $0x80;
	s14 =	sadd.s32 s5, s25  }
0xe: {  	s9 =	ssub.s32 s9, s11;
	s8 =	sadd.s32 s10, s8;
	s16 =	sadd.s32 s10, s14  }
0xf: {  	s10 =	sadd.s32 s25, s10;
	s14 =	simm.s32 $0xC00;
	s17 =	sshll.u32 s8, $0x7  }
0x10: {  	s8 =	sshll.u32 s8, $0x9;
	s5 =	sadd.s32 s5, s10;
	s15 =	sadd.s32 s0, s17  }
0x11: {  	s18 =	sshrl.u32 s8, $0x3;
	s17 =	sadd.s32 s12, s2;
	[dreg:$0x5] =	wrdreg s15  }
0x12: {  	s19 =	sadd.s32 $0x80, s15;
	s20 =	sadd.s32 $0x400, s18;
	[dreg:$0x6] =	wrdreg s17  }
0x13: {  	s8 =	sadd.s32 $0x2600, s8;
	[dreg:$0x7] =	wrdreg s19;
	s13 =	sadd.s32 s7, s20  }
0x14: {  	s21 =	sadd.s32 $0x440, s18;
	s12 =	sadd.s32 s4, s20;
	[dreg:$0x8] =	wrdreg s13  }
0x15: {  	s11 =	sadd.s32 $0x480, s18;
	s22 =	sadd.s32 s7, s21;
	[dreg:$0x9] =	wrdreg s12  }
0x16: {  	s30 =	sshrl.u32 s8, $0x2;
	s24 =	sadd.s32 s7, s11;
	[dreg:$0xa] =	wrdreg s22  }
0x17: {  	s8 =	sshrl.u32 s8, $0x3;
	s11 =	sadd.s32 s4, s11;
	[dreg:$0xc] =	wrdreg s24  }
0x18: {  	s10 =	simm.s32 $0x3;
	s18 =	sadd.s32 s7, s8;
	[dreg:$0xd] =	wrdreg s11  }
0x19: {  	s5 =	sshll.u32 s5, $0x6;
	s8 =	sadd.s32 s4, s8;
	[dreg:$0x10] =	wrdreg s18  }
0x1a: {  	s19 =	sshll.u32 s16, $0x7;
	s20 =	smax.u32 s9, $0x1;
	[dreg:$0x11] =	wrdreg s8  }
0x1b: {  	s9 =	simm.s32 $0x800;
	s12 =	sadd.s32 s4, s21;
	[dreg:$0x12] =	wrdreg s20  }
0x1c: {  	s13 =	sor.u32 s26, s23;
	s11 =	sadd.s32 s0, s30;
	[dreg:$0xb] =	wrdreg s12  }
0x1d: {  	s0 =	sadd.s32 s19, s0;
	s22 =	sadd.s32 s5, s7;
	[dreg:$0xe] =	wrdreg s11  }
0x1e: {  	s5 =	sadd.s32 s5, s4;
	s26 =	sadd.s32 $0x100, s15;
	[dreg:$0x14] =	wrdreg s22  }
0x1f: {  	s30 =	sadd.s32 $0x180, s15;
	s8 =	simm.s32 $0x400;
	[dreg:$0x15] =	wrdreg s5  }
0x20: {  	s19 =	simm.s32 $0x9;
	s20 =	simm.s32 $0x6;
	[dreg:$0x1b] =	wrdreg s26  }
0x21: {  	s13 =	sshrl.u32 s13, $0x3;
	s21 =	sadd.s32 $0x380, s0;
	[dreg:$0x1c] =	wrdreg s30  }
0x22: {  	s24 =	sadd.s32 $0x300, s0;
	s25 =	sadd.s32 $0x280, s0;
	[dreg:$0x13] =	wrdreg s21  }
0x23: {  	s0 =	sadd.s32 $0x200, s0;
	s5 =	simm.s32 $0xD;
	[dreg:$0x18] =	wrdreg s24  }
0x24: {  	s22 =	simm.s32 $0x7;
	s1 =	sadd.s32 s1, s13;
	[dreg:$0x19] =	wrdreg s25  }
.Ltmp0:
0x25: {  	[dreg:$0x1a] =	wrdreg s0;
	s13 =	simm.s32 $0x1000;
	(pc) =	sbr.rel .LBB2_1-.Ltmp0, $4  }
0x26: {  	s24 =	simm.s32 $0x2;
	[dreg:$0xf] =	wrdreg s1;
	s1 =	sshll.u32 s16, $0x6  }
0x27: {  	s21 =	simm.s32 $0xA;
	s0 =	simm.s32 $0xC;
	s23 =	sadd.s32 s1, s7  }
0x28: {  	s1 =	sadd.s32 s1, s4;
	s7 =	simm.s32 $0x4;
	[dreg:$0x16] =	wrdreg s23  }
0x29: {  	v0 =	vimm.f32 $0.0e+00;
	v1 =	vimm.f32 $1.000000000e+00;
	[dreg:$0x17] =	wrdreg s1;
	s23 =	simm.s32 $0x5;
	s1 =	simm.s32 $0x0  }
.LBB2_4:
0x2a: {  	s15 =	simm.s32 $0x1  }
0x2b: {  	_ =	swait.ge [sflag:s15], $0x400  }
0x2c: {  	[sflag:s15] =	ssyncset.done $0x0  }
0x2d: {  	[sflag:s15] =	ssyncadd.s32 $0xFFFFFC00  }
0x2e: {  	[spmem:s2] =	stream.indirect.scatter.add.f32 [tilespmem:s13], [sflag:$0x5], $0x1, s6, s6, $0xb8;
	[tilespmem:$0x1700] =	vst v63  }
0x2f: {  	s8 =	simm.s32 $0x180  }
0x30: {  	[spmem:s2] =	stream.indirect.scatter.add.f32 [tilespmem:s13], [sflag:$0x5], $0x1, s8, s6, $0xb8;
	[tilespmem:$0x1700] =	vst v63  }
0x31: {  	s9 =	simm.s32 $0x280  }
0x32: {  	[spmem:s2] =	stream.indirect.scatter.add.f32 [tilespmem:s13], [sflag:$0x5], $0x1, s9, s6, $0xb8;
	[tilespmem:$0x1700] =	vst v63  }
0x33: {  	s11 =	simm.s32 $0x380  }
0x34: {  	[spmem:s2] =	stream.indirect.scatter.add.f32 [tilespmem:s13], [sflag:$0x5], $0x1, s11, s6, $0xb8;
	[tilespmem:$0x1700] =	vst v63  }
0x35: {  	s5 =	rddreg [dreg:$0x8]  }
0x36: {  	[hbm4b:s5+s3] =	stream.linear.scatter [tilespmem:s3], [sflag:$0x9], $0x80, $0x38;
	[tilespmem:$0x1700] =	vst v63  }
0x37: {  	s14 =	simm.s32 $0x100;
	s4 =	sadd.s32 $0x10, s5  }
0x38: {  	[hbm4b:s4+s3] =	stream.linear.scatter [tilespmem:s14], [sflag:$0x9], $0x80, $0x38;
	[tilespmem:$0x1700] =	vst v63  }
0x39: {  	s25 =	simm.s32 $0x200;
	s18 =	sadd.s32 $0x20, s5  }
0x3a: {  	[hbm4b:s18+s3] =	stream.linear.scatter [tilespmem:s25], [sflag:$0x9], $0x80, $0x38;
	[tilespmem:$0x1700] =	vst v63  }
0x3b: {  	s30 =	simm.s32 $0x300;
	s26 =	sadd.s32 $0x30, s5  }
0x3c: {  	[hbm4b:s26+s3] =	stream.linear.scatter [tilespmem:s30], [sflag:$0x9], $0x80, $0x38;
	[tilespmem:$0x1700] =	vst v63  }
0x3d: {  	s1 =	rddreg [dreg:$0x9]  }
0x3e: {  	[hbm4b:s1+s3] =	stream.linear.scatter [tilespmem:s6], [sflag:$0x9], $0x80, $0x38;
	[tilespmem:$0x1700] =	vst v63  }
0x3f: {  	s12 =	sadd.s32 $0x10, s1  }
0x40: {  	[hbm4b:s12+s3] =	stream.linear.scatter [tilespmem:s8], [sflag:$0x9], $0x80, $0x38;
	[tilespmem:$0x1700] =	vst v63  }
0x41: {  	s14 =	sadd.s32 $0x20, s1  }
0x42: {  	[hbm4b:s14+s3] =	stream.linear.scatter [tilespmem:s9], [sflag:$0x9], $0x80, $0x38;
	[tilespmem:$0x1700] =	vst v63  }
0x43: {  	s16 =	sadd.s32 $0x30, s1  }
0x44: {  	[hbm4b:s16+s3] =	stream.linear.scatter [tilespmem:s11], [sflag:$0x9], $0x80, $0x38;
	[tilespmem:$0x1700] =	vst v63  }
0x45: {  	_ =	swait.ge [sflag:s23], $0x80  }
0x46: {  	[sflag:s23] =	ssyncset.done $0x0  }
0x47: {  	[sflag:s23] =	ssyncadd.s32 $0xFFFFFF80  }
0x48: {  	_ =	swait.ge [sflag:s23], $0x80  }
0x49: {  	[sflag:s23] =	ssyncset.done $0x0  }
0x4a: {  	[sflag:s23] =	ssyncadd.s32 $0xFFFFFF80  }
0x4b: {  	_ =	swait.ge [sflag:s23], $0x80  }
0x4c: {  	[sflag:s23] =	ssyncset.done $0x0  }
0x4d: {  	[sflag:s23] =	ssyncadd.s32 $0xFFFFFF80  }
0x4e: {  	_ =	swait.ge [sflag:s23], $0x80  }
0x4f: {  	[sflag:s23] =	ssyncset.done $0x0  }
0x50: {  	[sflag:s23] =	ssyncadd.s32 $0xFFFFFF80  }
0x51: {  	_ =	swait.ge [sflag:s19], $0x200  }
0x52: {  	[sflag:s19] =	ssyncset.done $0x0  }
0x53: {  	[sflag:s19] =	ssyncadd.s32 $0xFFFFFE00  }
0x54: {  	_ =	swait.ge [sflag:s19], $0x200  }
0x55: {  	[sflag:s19] =	ssyncset.done $0x0  }
0x56: {  	[sflag:s19] =	ssyncadd.s32 $0xFFFFFE00  }
0x57: {  	_ =	swait.ge [sflag:s24], $0x400  }
0x58: {  	[sflag:s24] =	ssyncset.done $0x0  }
0x59: {  	s8 =	simm.s32 $0x480;
	[sflag:s24] =	ssyncadd.s32 $0xFFFFFC00  }
0x5a: {  	[spmem:s2] =	stream.indirect.scatter.add.f32 [tilespmem:s13], [sflag:$0x6], $0x1, s8, s6, $0xb8;
	[tilespmem:$0x1700] =	vst v63  }
0x5b: {  	s9 =	simm.s32 $0x580  }
0x5c: {  	[spmem:s2] =	stream.indirect.scatter.add.f32 [tilespmem:s13], [sflag:$0x6], $0x1, s9, s6, $0xb8;
	[tilespmem:$0x1700] =	vst v63  }
0x5d: {  	s11 =	simm.s32 $0x680  }
0x5e: {  	[spmem:s2] =	stream.indirect.scatter.add.f32 [tilespmem:s13], [sflag:$0x6], $0x1, s11, s6, $0xb8;
	[tilespmem:$0x1700] =	vst v63  }
0x5f: {  	s12 =	simm.s32 $0x780  }
0x60: {  	[spmem:s2] =	stream.indirect.scatter.add.f32 [tilespmem:s13], [sflag:$0x6], $0x1, s12, s6, $0xb8;
	[tilespmem:$0x1700] =	vst v63  }
0x61: {  	s18 =	simm.s32 $0x400;
	s17 =	rddreg [dreg:$0xa]  }
0x62: {  	[hbm4b:s17+s3] =	stream.linear.scatter [tilespmem:s18], [sflag:$0xA], $0x80, $0x38;
	[tilespmem:$0x1700] =	vst v63  }
0x63: {  	s26 =	simm.s32 $0x500;
	s25 =	sadd.s32 $0x10, s17  }
0x64: {  	[hbm4b:s25+s3] =	stream.linear.scatter [tilespmem:s26], [sflag:$0xA], $0x80, $0x38;
	[tilespmem:$0x1700] =	vst v63  }
0x65: {  	s1 =	simm.s32 $0x600;
	s30 =	sadd.s32 $0x20, s17  }
0x66: {  	[hbm4b:s30+s3] =	stream.linear.scatter [tilespmem:s1], [sflag:$0xA], $0x80, $0x38;
	[tilespmem:$0x1700] =	vst v63  }
0x67: {  	s16 =	simm.s32 $0x700;
	s14 =	sadd.s32 $0x30, s17  }
0x68: {  	[hbm4b:s14+s3] =	stream.linear.scatter [tilespmem:s16], [sflag:$0xA], $0x80, $0x38;
	[tilespmem:$0x1700] =	vst v63  }
0x69: {  	s17 =	rddreg [dreg:$0xb]  }
0x6a: {  	[hbm4b:s17+s3] =	stream.linear.scatter [tilespmem:s8], [sflag:$0xA], $0x80, $0x38;
	[tilespmem:$0x1700] =	vst v63  }
0x6b: {  	s18 =	sadd.s32 $0x10, s17  }
0x6c: {  	[hbm4b:s18+s3] =	stream.linear.scatter [tilespmem:s9], [sflag:$0xA], $0x80, $0x38;
	[tilespmem:$0x1700] =	vst v63  }
0x6d: {  	s25 =	sadd.s32 $0x20, s17  }
0x6e: {  	[hbm4b:s25+s3] =	stream.linear.scatter [tilespmem:s11], [sflag:$0xA], $0x80, $0x38;
	[tilespmem:$0x1700] =	vst v63  }
0x6f: {  	s26 =	sadd.s32 $0x30, s17  }
0x70: {  	[hbm4b:s26+s3] =	stream.linear.scatter [tilespmem:s12], [sflag:$0xA], $0x80, $0x38;
	[tilespmem:$0x1700] =	vst v63  }
0x71: {  	_ =	swait.ge [sflag:s20], $0x80  }
0x72: {  	[sflag:s20] =	ssyncset.done $0x0  }
0x73: {  	[sflag:s20] =	ssyncadd.s32 $0xFFFFFF80  }
0x74: {  	_ =	swait.ge [sflag:s20], $0x80  }
0x75: {  	[sflag:s20] =	ssyncset.done $0x0  }
0x76: {  	[sflag:s20] =	ssyncadd.s32 $0xFFFFFF80  }
0x77: {  	_ =	swait.ge [sflag:s20], $0x80  }
0x78: {  	[sflag:s20] =	ssyncset.done $0x0  }
0x79: {  	[sflag:s20] =	ssyncadd.s32 $0xFFFFFF80  }
0x7a: {  	_ =	swait.ge [sflag:s20], $0x80  }
0x7b: {  	[sflag:s20] =	ssyncset.done $0x0  }
0x7c: {  	[sflag:s20] =	ssyncadd.s32 $0xFFFFFF80  }
0x7d: {  	_ =	swait.ge [sflag:s21], $0x200  }
0x7e: {  	[sflag:s21] =	ssyncset.done $0x0  }
0x7f: {  	[sflag:s21] =	ssyncadd.s32 $0xFFFFFE00  }
0x80: {  	_ =	swait.ge [sflag:s21], $0x200  }
0x81: {  	[sflag:s21] =	ssyncset.done $0x0  }
0x82: {  	[sflag:s21] =	ssyncadd.s32 $0xFFFFFE00  }
0x83: {  	_ =	swait.ge [sflag:s10], $0x400  }
0x84: {  	[sflag:s10] =	ssyncset.done $0x0  }
0x85: {  	s8 =	simm.s32 $0x880;
	[sflag:s10] =	ssyncadd.s32 $0xFFFFFC00  }
0x86: {  	[spmem:s2] =	stream.indirect.scatter.add.f32 [tilespmem:s13], [sflag:$0x7], $0x1, s8, s6, $0xb8;
	[tilespmem:$0x1700] =	vst v63  }
0x87: {  	s9 =	simm.s32 $0x980  }
0x88: {  	[spmem:s2] =	stream.indirect.scatter.add.f32 [tilespmem:s13], [sflag:$0x7], $0x1, s9, s6, $0xb8;
	[tilespmem:$0x1700] =	vst v63  }
0x89: {  	s11 =	simm.s32 $0xA80  }
0x8a: {  	[spmem:s2] =	stream.indirect.scatter.add.f32 [tilespmem:s13], [sflag:$0x7], $0x1, s11, s6, $0xb8;
	[tilespmem:$0x1700] =	vst v63  }
0x8b: {  	s1 =	simm.s32 $0xB80  }
0x8c: {  	[spmem:s2] =	stream.indirect.scatter.add.f32 [tilespmem:s13], [sflag:$0x7], $0x1, s1, s6, $0xb8;
	[tilespmem:$0x1700] =	vst v63  }
0x8d: {  	s12 =	simm.s32 $0x800;
	s30 =	rddreg [dreg:$0xc]  }
0x8e: {  	[hbm4b:s30+s3] =	stream.linear.scatter [tilespmem:s12], [sflag:$0xB], $0x80, $0x38;
	[tilespmem:$0x1700] =	vst v63  }
0x8f: {  	s16 =	simm.s32 $0x900;
	s14 =	sadd.s32 $0x10, s30  }
0x90: {  	[hbm4b:s14+s3] =	stream.linear.scatter [tilespmem:s16], [sflag:$0xB], $0x80, $0x38;
	[tilespmem:$0x1700] =	vst v63  }
0x91: {  	s18 =	simm.s32 $0xA00;
	s17 =	sadd.s32 $0x20, s30  }
0x92: {  	[hbm4b:s17+s3] =	stream.linear.scatter [tilespmem:s18], [sflag:$0xB], $0x80, $0x38;
	[tilespmem:$0x1700] =	vst v63  }
0x93: {  	s26 =	simm.s32 $0xB00;
	s25 =	sadd.s32 $0x30, s30  }
0x94: {  	[hbm4b:s25+s3] =	stream.linear.scatter [tilespmem:s26], [sflag:$0xB], $0x80, $0x38;
	[tilespmem:$0x1700] =	vst v63  }
0x95: {  	s30 =	rddreg [dreg:$0xd]  }
0x96: {  	[hbm4b:s30+s3] =	stream.linear.scatter [tilespmem:s8], [sflag:$0xB], $0x80, $0x38;
	[tilespmem:$0x1700] =	vst v63  }
0x97: {  	s8 =	sadd.s32 $0x10, s30  }
0x98: {  	[hbm4b:s8+s3] =	stream.linear.scatter [tilespmem:s9], [sflag:$0xB], $0x80, $0x38;
	[tilespmem:$0x1700] =	vst v63  }
0x99: {  	s9 =	sadd.s32 $0x20, s30  }
0x9a: {  	[hbm4b:s9+s3] =	stream.linear.scatter [tilespmem:s11], [sflag:$0xB], $0x80, $0x38;
	[tilespmem:$0x1700] =	vst v63  }
0x9b: {  	s11 =	sadd.s32 $0x30, s30  }
0x9c: {  	[hbm4b:s11+s3] =	stream.linear.scatter [tilespmem:s1], [sflag:$0xB], $0x80, $0x38;
	[tilespmem:$0x1700] =	vst v63  }
0x9d: {  	_ =	swait.ge [sflag:s22], $0x80  }
0x9e: {  	[sflag:s22] =	ssyncset.done $0x0  }
0x9f: {  	[sflag:s22] =	ssyncadd.s32 $0xFFFFFF80  }
0xa0: {  	_ =	swait.ge [sflag:s22], $0x80  }
0xa1: {  	[sflag:s22] =	ssyncset.done $0x0  }
0xa2: {  	[sflag:s22] =	ssyncadd.s32 $0xFFFFFF80  }
0xa3: {  	_ =	swait.ge [sflag:s22], $0x80  }
0xa4: {  	[sflag:s22] =	ssyncset.done $0x0  }
0xa5: {  	[sflag:s22] =	ssyncadd.s32 $0xFFFFFF80  }
0xa6: {  	_ =	swait.ge [sflag:s22], $0x80  }
0xa7: {  	[sflag:s22] =	ssyncset.done $0x0  }
0xa8: {  	[sflag:s22] =	ssyncadd.s32 $0xFFFFFF80  }
0xa9: {  	_ =	swait.ge [sflag:s29], $0x200  }
0xaa: {  	[sflag:s29] =	ssyncset.done $0x0  }
0xab: {  	[sflag:s29] =	ssyncadd.s32 $0xFFFFFE00  }
0xac: {  	_ =	swait.ge [sflag:s29], $0x200  }
0xad: {  	[sflag:s29] =	ssyncset.done $0x0  }
0xae: {  	s4 =	simm.s32 @!p0 $0x0;
	s5 =	rddreg [dreg:$0xe];
	[sflag:s29] =	ssyncadd.s32 $0xFFFFFE00  }
0xaf: {  	[tilespmem:s4], [sflag:$0x1] =	stream.linear.gather @!p0 [hbm4b:s5+s4], $0x400, $0x38;
	[tilespmem:$0x1700] =	vst v63  }
0xb0: {  	s5 =	simm.s32 @!p0 $0x1  }
0xb1: {  	_ =	swait.ge @!p0 [sflag:s5], $0x400  }
0xb2: {  	[sflag:s5] =	ssyncset.done @!p0 $0x0  }
0xb3: {  	s8 =	simm.s32 @!p0 $0x1000;
	[sflag:s5] =	ssyncadd.s32 @!p0 $0xFFFFFC00;
	s5 =	simm.s32 @!p0 $0x80  }
0xb4: {  	[spmem:s2] =	stream.indirect.scatter.add.f32 @!p0 [tilespmem:s8], [sflag:$0x5], $0x1, s5, s5, $0xb8;
	[tilespmem:$0x1700] =	vst v63  }
0xb5: {  	s9 =	simm.s32 @!p0 $0x180  }
0xb6: {  	[spmem:s2] =	stream.indirect.scatter.add.f32 @!p0 [tilespmem:s8], [sflag:$0x5], $0x1, s9, s5, $0xb8;
	[tilespmem:$0x1700] =	vst v63  }
0xb7: {  	s14 =	simm.s32 @!p0 $0x280  }
0xb8: {  	[spmem:s2] =	stream.indirect.scatter.add.f32 @!p0 [tilespmem:s8], [sflag:$0x5], $0x1, s14, s5, $0xb8;
	[tilespmem:$0x1700] =	vst v63  }
0xb9: {  	s17 =	simm.s32 @!p0 $0x380  }
0xba: {  	[spmem:s2] =	stream.indirect.scatter.add.f32 @!p0 [tilespmem:s8], [sflag:$0x5], $0x1, s17, s5, $0xb8;
	[tilespmem:$0x1700] =	vst v63  }
0xbb: {  	s25 =	rddreg [dreg:$0x10]  }
0xbc: {  	[hbm4b:s25+s4] =	stream.linear.scatter @!p0 [tilespmem:s4], [sflag:$0x9], $0x80, $0x38;
	[tilespmem:$0x1700] =	vst v63  }
0xbd: {  	s18 =	simm.s32 @!p0 $0x100;
	s8 =	sadd.s32 @!p0 $0x10, s25  }
0xbe: {  	[hbm4b:s8+s4] =	stream.linear.scatter @!p0 [tilespmem:s18], [sflag:$0x9], $0x80, $0x38;
	[tilespmem:$0x1700] =	vst v63  }
0xbf: {  	s8 =	sadd.s32 @!p0 $0x20, s25;
	s18 =	simm.s32 @!p0 $0x200  }
0xc0: {  	[hbm4b:s8+s4] =	stream.linear.scatter @!p0 [tilespmem:s18], [sflag:$0x9], $0x80, $0x38;
	[tilespmem:$0x1700] =	vst v63  }
0xc1: {  	s8 =	sadd.s32 @!p0 $0x30, s25;
	s18 =	simm.s32 @!p0 $0x300  }
0xc2: {  	[hbm4b:s8+s4] =	stream.linear.scatter @!p0 [tilespmem:s18], [sflag:$0x9], $0x80, $0x38;
	[tilespmem:$0x1700] =	vst v63  }
0xc3: {  	s8 =	rddreg [dreg:$0x11]  }
0xc4: {  	[hbm4b:s8+s4] =	stream.linear.scatter @!p0 [tilespmem:s5], [sflag:$0x9], $0x80, $0x38;
	[tilespmem:$0x1700] =	vst v63  }
0xc5: {  	s5 =	sadd.s32 @!p0 $0x10, s8  }
0xc6: {  	[hbm4b:s5+s4] =	stream.linear.scatter @!p0 [tilespmem:s9], [sflag:$0x9], $0x80, $0x38;
	[tilespmem:$0x1700] =	vst v63  }
0xc7: {  	s5 =	sadd.s32 @!p0 $0x20, s8  }
0xc8: {  	[hbm4b:s5+s4] =	stream.linear.scatter @!p0 [tilespmem:s14], [sflag:$0x9], $0x80, $0x38;
	[tilespmem:$0x1700] =	vst v63  }
0xc9: {  	s5 =	sadd.s32 @!p0 $0x30, s8  }
0xca: {  	[hbm4b:s5+s4] =	stream.linear.scatter @!p0 [tilespmem:s17], [sflag:$0x9], $0x80, $0x38;
	[tilespmem:$0x1700] =	vst v63  }
0xcb: {  	s4 =	simm.s32 @!p0 $0x5  }
0xcc: {  	_ =	swait.ge @!p0 [sflag:s4], $0x80  }
0xcd: {  	[sflag:s4] =	ssyncset.done @!p0 $0x0  }
0xce: {  	[sflag:s4] =	ssyncadd.s32 @!p0 $0xFFFFFF80  }
0xcf: {  	_ =	swait.ge @!p0 [sflag:s4], $0x80  }
0xd0: {  	[sflag:s4] =	ssyncset.done @!p0 $0x0  }
0xd1: {  	[sflag:s4] =	ssyncadd.s32 @!p0 $0xFFFFFF80  }
0xd2: {  	_ =	swait.ge @!p0 [sflag:s4], $0x80  }
0xd3: {  	[sflag:s4] =	ssyncset.done @!p0 $0x0  }
0xd4: {  	[sflag:s4] =	ssyncadd.s32 @!p0 $0xFFFFFF80  }
0xd5: {  	_ =	swait.ge @!p0 [sflag:s4], $0x80  }
0xd6: {  	[sflag:s4] =	ssyncset.done @!p0 $0x0  }
0xd7: {  	[sflag:s4] =	ssyncadd.s32 @!p0 $0xFFFFFF80;
	s4 =	simm.s32 @!p0 $0x9  }
0xd8: {  	_ =	swait.ge @!p0 [sflag:s4], $0x200  }
0xd9: {  	[sflag:s4] =	ssyncset.done @!p0 $0x0  }
0xda: {  	[sflag:s4] =	ssyncadd.s32 @!p0 $0xFFFFFE00  }
0xdb: {  	_ =	swait.ge @!p0 [sflag:s4], $0x200  }
0xdc: {  	[sflag:s4] =	ssyncset.done @!p0 $0x0  }
0xdd: {  	s12 =	stileid.u32;
	[sflag:s4] =	ssyncadd.s32 @!p0 $0xFFFFFE00  }
0xde: {  	s25 =	simm.s32 $0x10;
	s18 =	simm.s32 $0x20;
	[bflag:$0x0] =	sbarrier.arrive $0xFFFF  }
0xdf: {  	s5 =	simm.s32 $0xD;
	s4 =	sshll.u32 s12, $0x6;
	s17 =	rddreg [dreg:$0x6]  }
0xe0: {  	s4 =	sor.u32 $0x1C0D, s4;
	s16 =	rddreg [dreg:$0xf];
	s14 =	sshrl.u32 s17, $0x3  }
0xe1: {  	[hbm:s16@s18], [sflag:s4] =	dma.strided [spmem:s14@s25], $0x50, s15, $0x10   }
0xe2: {  	_ =	swait.ge [sflag:s5], $0x50  }
0xe3: {  	s26 =	rddreg [dreg:$0x1d]  }
0xe4: {  	s30 =	rddreg [dreg:$0x12];
	s1 =	sadd.s32 $0x1, s26  }
0xe5: {  	p1 =	sne.s32 s1, s30  }
.Ltmp1:
0xe6: {  	_ = 	snop;
	(pc) =	sbr.rel @!p1 .LBB2_5-.Ltmp1, $3  }
0xe7: {  	_ =	sdelay $0x1  }
0xe8: {  	s9 =	simm.s32 $0x800;
	[sflag:s5] =	ssyncset.done $0x0  }
0xe9: {  	s8 =	simm.s32 $0x400;
	s14 =	simm.s32 $0xC00;
	[sflag:s5] =	ssyncadd.s32 $0xFFFFFFB0  }
.LBB2_1:
0xea: {  	[tilespmem:$0x1200] =	vst v0  }
0xeb: {  	[tilespmem:$0x1210] =	vst v0  }
0xec: {  	[tilespmem:$0x1220] =	vst v0  }
0xed: {  	[tilespmem:$0x1230] =	vst v0  }
0xee: {  	[tilespmem:$0x1240] =	vst v0  }
0xef: {  	[tilespmem:$0x1250] =	vst v0  }
0xf0: {  	[tilespmem:$0x1260] =	vst v0  }
0xf1: {  	[tilespmem:$0x1270] =	vst v0  }
0xf2: {  	[tilespmem:$0x1280] =	vst v0  }
0xf3: {  	[tilespmem:$0x1290] =	vst v0  }
0xf4: {  	[tilespmem:$0x12A0] =	vst v0  }
0xf5: {  	[tilespmem:$0x12B0] =	vst v0  }
0xf6: {  	[tilespmem:$0x12C0] =	vst v0  }
0xf7: {  	[tilespmem:$0x12D0] =	vst v0  }
0xf8: {  	[tilespmem:$0x12E0] =	vst v0  }
0xf9: {  	[tilespmem:$0x12F0] =	vst v0  }
0xfa: {  	[tilespmem:$0x1300] =	vst v0  }
0xfb: {  	[tilespmem:$0x1310] =	vst v0  }
0xfc: {  	[tilespmem:$0x1320] =	vst v0  }
0xfd: {  	[tilespmem:$0x1330] =	vst v0  }
0xfe: {  	[tilespmem:$0x1340] =	vst v0  }
0xff: {  	[tilespmem:$0x1350] =	vst v0  }
0x100: {  	[tilespmem:$0x1360] =	vst v0  }
0x101: {  	[tilespmem:$0x1370] =	vst v0  }
0x102: {  	[tilespmem:$0x1380] =	vst v0  }
0x103: {  	[tilespmem:$0x1390] =	vst v0  }
0x104: {  	[tilespmem:$0x13A0] =	vst v0  }
0x105: {  	[tilespmem:$0x13B0] =	vst v0  }
0x106: {  	[tilespmem:$0x13C0] =	vst v0  }
0x107: {  	[tilespmem:$0x13D0] =	vst v0  }
0x108: {  	[tilespmem:$0x13E0] =	vst v0  }
0x109: {  	[tilespmem:$0x13F0] =	vst v0  }
0x10a: {  	[tilespmem:$0x1400] =	vst v0  }
0x10b: {  	[tilespmem:$0x1410] =	vst v0  }
0x10c: {  	[tilespmem:$0x1420] =	vst v0  }
0x10d: {  	[tilespmem:$0x1430] =	vst v0  }
0x10e: {  	[tilespmem:$0x1440] =	vst v0  }
0x10f: {  	[tilespmem:$0x1450] =	vst v0  }
0x110: {  	[tilespmem:$0x1460] =	vst v0  }
0x111: {  	[tilespmem:$0x1470] =	vst v0  }
0x112: {  	[tilespmem:$0x1000] =	vst v1  }
0x113: {  	[tilespmem:$0x1010] =	vst v1  }
0x114: {  	[tilespmem:$0x1020] =	vst v1  }
0x115: {  	[tilespmem:$0x1030] =	vst v1  }
0x116: {  	[tilespmem:$0x1040] =	vst v1  }
0x117: {  	[tilespmem:$0x1050] =	vst v1  }
0x118: {  	[tilespmem:$0x1060] =	vst v1  }
0x119: {  	[tilespmem:$0x1070] =	vst v1  }
0x11a: {  	[tilespmem:$0x1080] =	vst v1  }
0x11b: {  	[tilespmem:$0x1090] =	vst v1  }
0x11c: {  	[tilespmem:$0x10A0] =	vst v1  }
0x11d: {  	[tilespmem:$0x10B0] =	vst v1  }
0x11e: {  	[tilespmem:$0x10C0] =	vst v1  }
0x11f: {  	[tilespmem:$0x10D0] =	vst v1  }
0x120: {  	[tilespmem:$0x10E0] =	vst v1  }
0x121: {  	[tilespmem:$0x10F0] =	vst v1  }
0x122: {  	[tilespmem:$0x1100] =	vst v1  }
0x123: {  	[tilespmem:$0x1110] =	vst v1  }
0x124: {  	[tilespmem:$0x1120] =	vst v1  }
0x125: {  	[tilespmem:$0x1130] =	vst v1  }
0x126: {  	[tilespmem:$0x1140] =	vst v1  }
0x127: {  	[tilespmem:$0x1150] =	vst v1  }
0x128: {  	[tilespmem:$0x1160] =	vst v1  }
0x129: {  	[tilespmem:$0x1170] =	vst v1  }
0x12a: {  	[tilespmem:$0x1180] =	vst v1  }
0x12b: {  	[tilespmem:$0x1190] =	vst v1  }
0x12c: {  	[tilespmem:$0x11A0] =	vst v1  }
0x12d: {  	[tilespmem:$0x11B0] =	vst v1  }
0x12e: {  	[tilespmem:$0x11C0] =	vst v1  }
0x12f: {  	[tilespmem:$0x11D0] =	vst v1  }
0x130: {  	[tilespmem:$0x11E0] =	vst v1  }
0x131: {  	[dreg:$0x1d] =	wrdreg s1;
	[tilespmem:$0x11F0] =	vst v1;
	s4 =	simm.s32 $0x1200  }
0x132: {  	[spmem:s17] =	stream.linear.scatter [tilespmem:s4], [sflag:$0xD], $0x280, $0x38;
	[tilespmem:$0x1700] =	vst v63  }
0x133: {  	_ =	swait.ge [sflag:s5], $0x280  }
0x134: {  	[sflag:s5] =	ssyncset.done $0x0  }
0x135: {  	[sflag:s5] =	ssyncadd.s32 $0xFFFFFD80  }
0x136: {  	[bflag:$0x0] =	sbarrier.arrive $0xFFFF  }
0x137: {  	s18 =	rddreg [dreg:$0x5]  }
0x138: {  	s25 =	rddreg [dreg:$0x7]  }
0x139: {  	s26 =	rddreg [dreg:$0x1b]  }
0x13a: {  	s30 =	rddreg [dreg:$0x1c]  }
0x13b: {  	[tilespmem:s3], [sflag:$0x1] =	stream.linear.gather [hbm4b:s18+s3], $0x400, $0x38;
	[tilespmem:$0x1700] =	vst v63  }
0x13c: {  	s17 =	rddreg [dreg:$0x1a]  }
0x13d: {  	[tilespmem:s8], [sflag:$0x2] =	stream.linear.gather [hbm4b:s25+s3], $0x400, $0x38;
	[tilespmem:$0x1700] =	vst v63  }
0x13e: {  	s4 =	rddreg [dreg:$0x18]  }
0x13f: {  	[tilespmem:s9], [sflag:$0x3] =	stream.linear.gather [hbm4b:s26+s3], $0x400, $0x38;
	[tilespmem:$0x1700] =	vst v63  }
0x140: {  	s18 =	rddreg [dreg:$0x19]  }
0x141: {  	[tilespmem:s14], [sflag:$0x4] =	stream.linear.gather [hbm4b:s30+s3], $0x400, $0x38;
	[tilespmem:$0x1700] =	vst v63  }
0x142: {  	s8 =	rddreg [dreg:$0x13];
	s14 =	simm.s32 $0x0  }
.LBB2_2:
0x143: {  	s1 =	simm.s32 $0x1  }
0x144: {  	_ =	swait.ge [sflag:s1], $0x400  }
0x145: {  	[sflag:s1] =	ssyncset.done $0x0  }
0x146: {  	[sflag:s1] =	ssyncadd.s32 $0xFFFFFC00  }
0x147: {  	[spmem:s2] =	stream.indirect.scatter.add.f32 [tilespmem:s13], [sflag:$0x5], $0x1, s6, s6, $0xb8;
	[tilespmem:$0x1700] =	vst v63  }
0x148: {  	s26 =	simm.s32 $0x180  }
0x149: {  	[spmem:s2] =	stream.indirect.scatter.add.f32 [tilespmem:s13], [sflag:$0x5], $0x1, s26, s6, $0xb8;
	[tilespmem:$0x1700] =	vst v63  }
0x14a: {  	s30 =	simm.s32 $0x280  }
0x14b: {  	[spmem:s2] =	stream.indirect.scatter.add.f32 [tilespmem:s13], [sflag:$0x5], $0x1, s30, s6, $0xb8;
	[tilespmem:$0x1700] =	vst v63  }
0x14c: {  	s11 =	simm.s32 $0x380;
	s5 =	rddreg [dreg:$0x16]  }
0x14d: {  	[spmem:s2] =	stream.indirect.scatter.add.f32 [tilespmem:s13], [sflag:$0x5], $0x1, s11, s6, $0xb8;
	[tilespmem:$0x1700] =	vst v63  }
0x14e: {  	s25 =	sadd.s32 s14, s5  }
0x14f: {  	[hbm4b:s25+s3] =	stream.linear.scatter [tilespmem:s3], [sflag:$0x9], $0x80, $0x38;
	[tilespmem:$0x1700] =	vst v63  }
0x150: {  	s12 =	simm.s32 $0x100;
	s9 =	sadd.s32 $0x10, s25  }
0x151: {  	[hbm4b:s9+s3] =	stream.linear.scatter [tilespmem:s12], [sflag:$0x9], $0x80, $0x38;
	[tilespmem:$0x1700] =	vst v63  }
0x152: {  	s16 =	simm.s32 $0x200;
	s15 =	sadd.s32 $0x20, s25  }
0x153: {  	[hbm4b:s15+s3] =	stream.linear.scatter [tilespmem:s16], [sflag:$0x9], $0x80, $0x38;
	[tilespmem:$0x1700] =	vst v63  }
0x154: {  	s1 =	simm.s32 $0x300;
	s25 =	sadd.s32 $0x30, s25;
	s12 =	rddreg [dreg:$0x17]  }
0x155: {  	[hbm4b:s25+s3] =	stream.linear.scatter [tilespmem:s1], [sflag:$0x9], $0x80, $0x38;
	[tilespmem:$0x1700] =	vst v63  }
0x156: {  	s15 =	sadd.s32 s14, s12  }
0x157: {  	[hbm4b:s15+s3] =	stream.linear.scatter [tilespmem:s6], [sflag:$0x9], $0x80, $0x38;
	[tilespmem:$0x1700] =	vst v63  }
0x158: {  	s16 =	sadd.s32 $0x10, s15  }
0x159: {  	[hbm4b:s16+s3] =	stream.linear.scatter [tilespmem:s26], [sflag:$0x9], $0x80, $0x38;
	[tilespmem:$0x1700] =	vst v63  }
0x15a: {  	s26 =	sadd.s32 $0x20, s15  }
0x15b: {  	[hbm4b:s26+s3] =	stream.linear.scatter [tilespmem:s30], [sflag:$0x9], $0x80, $0x38;
	[tilespmem:$0x1700] =	vst v63  }
0x15c: {  	s9 =	sadd.s32 $0x30, s15  }
0x15d: {  	[hbm4b:s9+s3] =	stream.linear.scatter [tilespmem:s11], [sflag:$0x9], $0x80, $0x38;
	[tilespmem:$0x1700] =	vst v63  }
0x15e: {  	_ =	swait.ge [sflag:s24], $0x400  }
0x15f: {  	[sflag:s24] =	ssyncset.done $0x0  }
0x160: {  	s11 =	simm.s32 $0x480;
	[sflag:s24] =	ssyncadd.s32 $0xFFFFFC00  }
0x161: {  	[spmem:s2] =	stream.indirect.scatter.add.f32 [tilespmem:s13], [sflag:$0x6], $0x1, s11, s6, $0xb8;
	[tilespmem:$0x1700] =	vst v63  }
0x162: {  	s30 =	simm.s32 $0x580  }
0x163: {  	[spmem:s2] =	stream.indirect.scatter.add.f32 [tilespmem:s13], [sflag:$0x6], $0x1, s30, s6, $0xb8;
	[tilespmem:$0x1700] =	vst v63  }
0x164: {  	s12 =	simm.s32 $0x680;
	s1 =	rddreg [dreg:$0x14]  }
0x165: {  	[spmem:s2] =	stream.indirect.scatter.add.f32 [tilespmem:s13], [sflag:$0x6], $0x1, s12, s6, $0xb8;
	[tilespmem:$0x1700] =	vst v63  }
0x166: {  	s15 =	simm.s32 $0x780;
	s9 =	sadd.s32 s14, s1  }
0x167: {  	[spmem:s2] =	stream.indirect.scatter.add.f32 [tilespmem:s13], [sflag:$0x6], $0x1, s15, s6, $0xb8;
	[tilespmem:$0x1700] =	vst v63  }
0x168: {  	s26 =	simm.s32 $0x400;
	s5 =	sadd.s32 $0x40, s9  }
0x169: {  	[hbm4b:s5+s3] =	stream.linear.scatter [tilespmem:s26], [sflag:$0xA], $0x80, $0x38;
	[tilespmem:$0x1700] =	vst v63  }
0x16a: {  	s1 =	simm.s32 $0x500;
	s16 =	sadd.s32 $0x50, s9  }
0x16b: {  	[hbm4b:s16+s3] =	stream.linear.scatter [tilespmem:s1], [sflag:$0xA], $0x80, $0x38;
	[tilespmem:$0x1700] =	vst v63  }
0x16c: {  	s25 =	rddreg [dreg:$0x15];
	s16 =	sadd.s32 $0x60, s9;
	s1 =	simm.s32 $0x600  }
0x16d: {  	[hbm4b:s16+s3] =	stream.linear.scatter [tilespmem:s1], [sflag:$0xA], $0x80, $0x38;
	[tilespmem:$0x1700] =	vst v63  }
0x16e: {  	s25 =	sadd.s32 s14, s25;
	s5 =	sadd.s32 $0x70, s9;
	s16 =	simm.s32 $0x700  }
0x16f: {  	[hbm4b:s5+s3] =	stream.linear.scatter [tilespmem:s16], [sflag:$0xA], $0x80, $0x38;
	[tilespmem:$0x1700] =	vst v63  }
0x170: {  	s5 =	sadd.s32 $0x40, s25  }
0x171: {  	[hbm4b:s5+s3] =	stream.linear.scatter [tilespmem:s11], [sflag:$0xA], $0x80, $0x38;
	[tilespmem:$0x1700] =	vst v63  }
0x172: {  	s1 =	sadd.s32 $0x50, s25  }
0x173: {  	[hbm4b:s1+s3] =	stream.linear.scatter [tilespmem:s30], [sflag:$0xA], $0x80, $0x38;
	[tilespmem:$0x1700] =	vst v63  }
0x174: {  	s11 =	sadd.s32 $0x60, s25  }
0x175: {  	[hbm4b:s11+s3] =	stream.linear.scatter [tilespmem:s12], [sflag:$0xA], $0x80, $0x38;
	[tilespmem:$0x1700] =	vst v63  }
0x176: {  	s12 =	sadd.s32 $0x70, s25  }
0x177: {  	[hbm4b:s12+s3] =	stream.linear.scatter [tilespmem:s15], [sflag:$0xA], $0x80, $0x38;
	[tilespmem:$0x1700] =	vst v63  }
0x178: {  	_ =	swait.ge [sflag:s10], $0x400  }
0x179: {  	[sflag:s10] =	ssyncset.done $0x0  }
0x17a: {  	s11 =	simm.s32 $0x880;
	[sflag:s10] =	ssyncadd.s32 $0xFFFFFC00  }
0x17b: {  	[spmem:s2] =	stream.indirect.scatter.add.f32 [tilespmem:s13], [sflag:$0x7], $0x1, s11, s6, $0xb8;
	[tilespmem:$0x1700] =	vst v63  }
0x17c: {  	s12 =	simm.s32 $0x980  }
0x17d: {  	[spmem:s2] =	stream.indirect.scatter.add.f32 [tilespmem:s13], [sflag:$0x7], $0x1, s12, s6, $0xb8;
	[tilespmem:$0x1700] =	vst v63  }
0x17e: {  	s15 =	simm.s32 $0xA80  }
0x17f: {  	[spmem:s2] =	stream.indirect.scatter.add.f32 [tilespmem:s13], [sflag:$0x7], $0x1, s15, s6, $0xb8;
	[tilespmem:$0x1700] =	vst v63  }
0x180: {  	s1 =	simm.s32 $0xB80  }
0x181: {  	[spmem:s2] =	stream.indirect.scatter.add.f32 [tilespmem:s13], [sflag:$0x7], $0x1, s1, s6, $0xb8;
	[tilespmem:$0x1700] =	vst v63  }
0x182: {  	s16 =	sadd.s32 $0x80, s9;
	s30 =	simm.s32 $0x800  }
0x183: {  	[hbm4b:s16+s3] =	stream.linear.scatter [tilespmem:s30], [sflag:$0xB], $0x80, $0x38;
	[tilespmem:$0x1700] =	vst v63  }
0x184: {  	s5 =	sadd.s32 $0x90, s9;
	s16 =	simm.s32 $0x900  }
0x185: {  	[hbm4b:s5+s3] =	stream.linear.scatter [tilespmem:s16], [sflag:$0xB], $0x80, $0x38;
	[tilespmem:$0x1700] =	vst v63  }
0x186: {  	s5 =	sadd.s32 $0xA0, s9;
	s16 =	simm.s32 $0xA00  }
0x187: {  	[hbm4b:s5+s3] =	stream.linear.scatter [tilespmem:s16], [sflag:$0xB], $0x80, $0x38;
	[tilespmem:$0x1700] =	vst v63  }
0x188: {  	s5 =	sadd.s32 $0xB0, s9;
	s16 =	simm.s32 $0xB00  }
0x189: {  	[hbm4b:s5+s3] =	stream.linear.scatter [tilespmem:s16], [sflag:$0xB], $0x80, $0x38;
	[tilespmem:$0x1700] =	vst v63  }
0x18a: {  	s16 =	sadd.s32 $0x80, s25  }
0x18b: {  	[hbm4b:s16+s3] =	stream.linear.scatter [tilespmem:s11], [sflag:$0xB], $0x80, $0x38;
	[tilespmem:$0x1700] =	vst v63  }
0x18c: {  	s11 =	sadd.s32 $0x90, s25  }
0x18d: {  	[hbm4b:s11+s3] =	stream.linear.scatter [tilespmem:s12], [sflag:$0xB], $0x80, $0x38;
	[tilespmem:$0x1700] =	vst v63  }
0x18e: {  	s12 =	sadd.s32 $0xA0, s25  }
0x18f: {  	[hbm4b:s12+s3] =	stream.linear.scatter [tilespmem:s15], [sflag:$0xB], $0x80, $0x38;
	[tilespmem:$0x1700] =	vst v63  }
0x190: {  	s15 =	sadd.s32 $0xB0, s25  }
0x191: {  	[hbm4b:s15+s3] =	stream.linear.scatter [tilespmem:s1], [sflag:$0xB], $0x80, $0x38;
	[tilespmem:$0x1700] =	vst v63  }
0x192: {  	_ =	swait.ge [sflag:s7], $0x400  }
0x193: {  	[sflag:s7] =	ssyncset.done $0x0  }
0x194: {  	s1 =	simm.s32 $0xC80;
	[sflag:s7] =	ssyncadd.s32 $0xFFFFFC00  }
0x195: {  	[spmem:s2] =	stream.indirect.scatter.add.f32 [tilespmem:s13], [sflag:$0x8], $0x1, s1, s6, $0xb8;
	[tilespmem:$0x1700] =	vst v63  }
0x196: {  	s11 =	simm.s32 $0xD80  }
0x197: {  	[spmem:s2] =	stream.indirect.scatter.add.f32 [tilespmem:s13], [sflag:$0x8], $0x1, s11, s6, $0xb8;
	[tilespmem:$0x1700] =	vst v63  }
0x198: {  	s12 =	simm.s32 $0xE80  }
0x199: {  	[spmem:s2] =	stream.indirect.scatter.add.f32 [tilespmem:s13], [sflag:$0x8], $0x1, s12, s6, $0xb8;
	[tilespmem:$0x1700] =	vst v63  }
0x19a: {  	s15 =	simm.s32 $0xF80  }
0x19b: {  	[spmem:s2] =	stream.indirect.scatter.add.f32 [tilespmem:s13], [sflag:$0x8], $0x1, s15, s6, $0xb8;
	[tilespmem:$0x1700] =	vst v63  }
0x19c: {  	s16 =	sadd.s32 $0xC0, s9  }
0x19d: {  	[hbm4b:s16+s3] =	stream.linear.scatter [tilespmem:s28], [sflag:$0xC], $0x80, $0x38;
	[tilespmem:$0x1700] =	vst v63  }
0x19e: {  	s5 =	sadd.s32 $0xD0, s9;
	s16 =	simm.s32 $0xD00  }
0x19f: {  	[hbm4b:s5+s3] =	stream.linear.scatter [tilespmem:s16], [sflag:$0xC], $0x80, $0x38;
	[tilespmem:$0x1700] =	vst v63  }
0x1a0: {  	s5 =	sadd.s32 $0xE0, s9;
	s16 =	simm.s32 $0xE00  }
0x1a1: {  	[hbm4b:s5+s3] =	stream.linear.scatter [tilespmem:s16], [sflag:$0xC], $0x80, $0x38;
	[tilespmem:$0x1700] =	vst v63  }
0x1a2: {  	s9 =	sadd.s32 $0xF0, s9;
	s16 =	simm.s32 $0xF00  }
0x1a3: {  	[hbm4b:s9+s3] =	stream.linear.scatter [tilespmem:s16], [sflag:$0xC], $0x80, $0x38;
	[tilespmem:$0x1700] =	vst v63  }
0x1a4: {  	s16 =	sadd.s32 $0xC0, s25  }
0x1a5: {  	[hbm4b:s16+s3] =	stream.linear.scatter [tilespmem:s1], [sflag:$0xC], $0x80, $0x38;
	[tilespmem:$0x1700] =	vst v63  }
0x1a6: {  	s9 =	sadd.s32 $0xD0, s25  }
0x1a7: {  	[hbm4b:s9+s3] =	stream.linear.scatter [tilespmem:s11], [sflag:$0xC], $0x80, $0x38;
	[tilespmem:$0x1700] =	vst v63  }
0x1a8: {  	s16 =	sadd.s32 $0xE0, s25  }
0x1a9: {  	[hbm4b:s16+s3] =	stream.linear.scatter [tilespmem:s12], [sflag:$0xC], $0x80, $0x38;
	[tilespmem:$0x1700] =	vst v63  }
0x1aa: {  	s25 =	sadd.s32 $0xF0, s25  }
0x1ab: {  	[hbm4b:s25+s3] =	stream.linear.scatter [tilespmem:s15], [sflag:$0xC], $0x80, $0x38;
	[tilespmem:$0x1700] =	vst v63  }
0x1ac: {  	_ =	swait.ge [sflag:s23], $0x80  }
0x1ad: {  	[sflag:s23] =	ssyncset.done $0x0  }
0x1ae: {  	[sflag:s23] =	ssyncadd.s32 $0xFFFFFF80  }
0x1af: {  	_ =	swait.ge [sflag:s23], $0x80  }
0x1b0: {  	[sflag:s23] =	ssyncset.done $0x0  }
0x1b1: {  	[sflag:s23] =	ssyncadd.s32 $0xFFFFFF80  }
0x1b2: {  	_ =	swait.ge [sflag:s23], $0x80  }
0x1b3: {  	[sflag:s23] =	ssyncset.done $0x0  }
0x1b4: {  	[sflag:s23] =	ssyncadd.s32 $0xFFFFFF80  }
0x1b5: {  	_ =	swait.ge [sflag:s23], $0x80  }
0x1b6: {  	[sflag:s23] =	ssyncset.done $0x0  }
0x1b7: {  	[sflag:s23] =	ssyncadd.s32 $0xFFFFFF80  }
0x1b8: {  	_ =	swait.ge [sflag:s19], $0x200  }
0x1b9: {  	[sflag:s19] =	ssyncset.done $0x0  }
0x1ba: {  	[sflag:s19] =	ssyncadd.s32 $0xFFFFFE00  }
0x1bb: {  	_ =	swait.ge [sflag:s19], $0x200  }
0x1bc: {  	[sflag:s19] =	ssyncset.done $0x0  }
0x1bd: {  	[sflag:s19] =	ssyncadd.s32 $0xFFFFFE00  }
0x1be: {  	[tilespmem:s3], [sflag:$0x1] =	stream.linear.gather [hbm4b:s17+s3], $0x400, $0x38;
	[tilespmem:$0x1700] =	vst v63  }
0x1bf: {  	_ =	swait.ge [sflag:s20], $0x80  }
0x1c0: {  	[sflag:s20] =	ssyncset.done $0x0  }
0x1c1: {  	[sflag:s20] =	ssyncadd.s32 $0xFFFFFF80  }
0x1c2: {  	_ =	swait.ge [sflag:s20], $0x80  }
0x1c3: {  	[sflag:s20] =	ssyncset.done $0x0  }
0x1c4: {  	[sflag:s20] =	ssyncadd.s32 $0xFFFFFF80  }
0x1c5: {  	_ =	swait.ge [sflag:s20], $0x80  }
0x1c6: {  	[sflag:s20] =	ssyncset.done $0x0  }
0x1c7: {  	[sflag:s20] =	ssyncadd.s32 $0xFFFFFF80  }
0x1c8: {  	_ =	swait.ge [sflag:s20], $0x80  }
0x1c9: {  	[sflag:s20] =	ssyncset.done $0x0  }
0x1ca: {  	[sflag:s20] =	ssyncadd.s32 $0xFFFFFF80  }
0x1cb: {  	_ =	swait.ge [sflag:s21], $0x200  }
0x1cc: {  	[sflag:s21] =	ssyncset.done $0x0  }
0x1cd: {  	[sflag:s21] =	ssyncadd.s32 $0xFFFFFE00  }
0x1ce: {  	_ =	swait.ge [sflag:s21], $0x200  }
0x1cf: {  	[sflag:s21] =	ssyncset.done $0x0  }
0x1d0: {  	[sflag:s21] =	ssyncadd.s32 $0xFFFFFE00  }
0x1d1: {  	[tilespmem:s26], [sflag:$0x2] =	stream.linear.gather [hbm4b:s18+s3], $0x400, $0x38;
	[tilespmem:$0x1700] =	vst v63  }
0x1d2: {  	_ =	swait.ge [sflag:s22], $0x80  }
0x1d3: {  	[sflag:s22] =	ssyncset.done $0x0  }
0x1d4: {  	[sflag:s22] =	ssyncadd.s32 $0xFFFFFF80  }
0x1d5: {  	_ =	swait.ge [sflag:s22], $0x80  }
0x1d6: {  	[sflag:s22] =	ssyncset.done $0x0  }
0x1d7: {  	[sflag:s22] =	ssyncadd.s32 $0xFFFFFF80  }
0x1d8: {  	_ =	swait.ge [sflag:s22], $0x80  }
0x1d9: {  	[sflag:s22] =	ssyncset.done $0x0  }
0x1da: {  	[sflag:s22] =	ssyncadd.s32 $0xFFFFFF80  }
0x1db: {  	_ =	swait.ge [sflag:s22], $0x80  }
0x1dc: {  	[sflag:s22] =	ssyncset.done $0x0  }
0x1dd: {  	[sflag:s22] =	ssyncadd.s32 $0xFFFFFF80  }
0x1de: {  	_ =	swait.ge [sflag:s29], $0x200  }
0x1df: {  	[sflag:s29] =	ssyncset.done $0x0  }
0x1e0: {  	[sflag:s29] =	ssyncadd.s32 $0xFFFFFE00  }
0x1e1: {  	_ =	swait.ge [sflag:s29], $0x200  }
0x1e2: {  	[sflag:s29] =	ssyncset.done $0x0  }
0x1e3: {  	[sflag:s29] =	ssyncadd.s32 $0xFFFFFE00  }
0x1e4: {  	[tilespmem:s30], [sflag:$0x3] =	stream.linear.gather [hbm4b:s4+s3], $0x400, $0x38;
	[tilespmem:$0x1700] =	vst v63  }
0x1e5: {  	_ =	swait.ge [sflag:s31], $0x80  }
0x1e6: {  	[sflag:s31] =	ssyncset.done $0x0  }
0x1e7: {  	[sflag:s31] =	ssyncadd.s32 $0xFFFFFF80  }
0x1e8: {  	_ =	swait.ge [sflag:s31], $0x80  }
0x1e9: {  	[sflag:s31] =	ssyncset.done $0x0  }
0x1ea: {  	[sflag:s31] =	ssyncadd.s32 $0xFFFFFF80  }
0x1eb: {  	_ =	swait.ge [sflag:s31], $0x80  }
0x1ec: {  	[sflag:s31] =	ssyncset.done $0x0  }
0x1ed: {  	[sflag:s31] =	ssyncadd.s32 $0xFFFFFF80  }
0x1ee: {  	_ =	swait.ge [sflag:s31], $0x80  }
0x1ef: {  	[sflag:s31] =	ssyncset.done $0x0  }
0x1f0: {  	[sflag:s31] =	ssyncadd.s32 $0xFFFFFF80  }
0x1f1: {  	p1 =	seq.s32 s14, $0x300;
	_ =	swait.ge [sflag:s0], $0x200  }
.Ltmp2:
0x1f2: {  	[sflag:s0] =	ssyncset.done $0x0;
	(pc) =	sbr.rel @p1 .LBB2_4-.Ltmp2, $4  }
0x1f3: {  	[sflag:s0] =	ssyncadd.s32 $0xFFFFFE00  }
0x1f4: {  	_ =	swait.ge [sflag:s0], $0x200  }
0x1f5: {  	[sflag:s0] =	ssyncset.done $0x0  }
0x1f6: {  	[sflag:s0] =	ssyncadd.s32 $0xFFFFFE00  }
.Ltmp3:
0x1f7: {  	(pc) =	sbr.rel .LBB2_2-.Ltmp3, $4  }
0x1f8: {  	_ = 	snop  }
0x1f9: {  	[tilespmem:s28], [sflag:$0x4] =	stream.linear.gather [hbm4b:s8+s3], $0x400, $0x38;
	[tilespmem:$0x1700] =	vst v63  }
0x1fa: {  	s8 =	sadd.s32 $0x200, s8;
	s4 =	sadd.s32 $0x200, s4  }
0x1fb: {  	s18 =	sadd.s32 $0x200, s18;
	s17 =	sadd.s32 $0x200, s17;
	s14 =	sadd.s32 $0x100, s14  }
.LBB2_5:
0x1fc: {  	_ =	sfence.sel $0x180000  }
0x1fd: {  	[bflag:$0x0] =	sbarrier.arrive $0xFFFF  }
0x1fe: {  	_ =	strace $0x90000047  }
0x1ff: {  	s0 =	stileid.u32;
	[bflag:$0x2] =	sbarrier.arrive $0xFFFF  }
0x200: {  	p0 =	sne.s32 s0, $0x0;
	s0 =	rddreg [dreg:$0x4]  }
0x201: {  	s0 =	sadd.s32 @!p0 $0x100000, s0  }
0x202: {  	[sflag:s0] =	ssyncadd.tile.s32 @!p0 $0x1;
	_ =	shalt  }
.Lfunc_end2:
_tile_overlayer_lowered:
.L_overlay_start_2:
0x203: {  	(tag) =	ssettag $0x2  }
0x204: {  	s0 =	rddreg [dreg:$0x0];
	s2 =	stileid.u32  }
0x205: {  	s1 =	rddreg [dreg:$0x1];
	p0 =	sne.s32 s2, $0x0  }
0x206: {  	s3 =	rddreg [dreg:$0x2];
	[bflag:$0x3] =	sbarrier.arrive $0xFFFF;
	s2 =	simm.s32 @!p0 $0x1C0D  }
0x207: {  	[timem:s3], [sflag:s2] =	dma.local @!p0 [hbm:s0], s1  }
0x208: {  	s0 =	simm.s32 @!p0 $0xD  }
0x209: {  	_ =	swait.ge @!p0 [sflag:s0], s1  }
0x20a: {  	s1 =	ssub.s32 @!p0 $0x0, s1;
	[sflag:s0] =	ssyncset.done @!p0 $0x0  }
0x20b: {  	[sflag:s0] =	ssyncadd.s32 @!p0 s1  }
0x20c: {  	[bflag:$0x3] =	sbarrier.arrive $0xFFFF  }
0x20d: {  	_ =	shalt  }

</sc_bundles>
